<compile_context>
chip_gen: v7x
topology: tpu7x:2x2x1
jax: 0.10.2.dev20260603
libtpu: 0.0.44.dev20260713+nightly
codegen_flags: <defaults>
</compile_context>

<pallas_src>
import functools

import jax
import jax.numpy as jnp
from jax import lax
from jax.experimental import pallas as pl
from jax.experimental.pallas import tpu as pltpu
from jax.experimental.pallas import tpu_sc as plsc

N = 10000
E = 320000
D_IN = 128
D_HID = 256

NTILE = 16
CHUNK = 128
GSPLIT = 2
EPT = E // NTILE
NCHUNK = 160
EPT_PAD = NCHUNK * CHUNK
IDXB = 16
NBUF = 2
NACC = 10240
STRIPE = NACC // NTILE
TRASH = N
BN = 1000


@functools.cache
def _sc_degree_kernel():
    mesh = plsc.VectorSubcoreMesh(core_axis_name="c", subcore_axis_name="s")

    @functools.partial(
        pl.kernel,
        mesh=mesh,
        out_type=jax.ShapeDtypeStruct((2, NACC, 128), jnp.float32),
        scratch_types=[
            pltpu.VMEM_SHARED((NACC, 128), jnp.float32),
            pltpu.VMEM((CHUNK, 128), jnp.float32),
            pltpu.VMEM((NCHUNK, CHUNK), jnp.int32),
        ],
    )
    def _sc_degree(dst4, ones_hbm, zeros_hbm, out, acc, ones_v, dst_v):
        c = lax.axis_index("c")
        s = lax.axis_index("s")
        pltpu.sync_copy(zeros_hbm, acc.at[pl.ds(s * STRIPE, STRIPE)])
        pltpu.sync_copy(ones_hbm, ones_v)
        pltpu.sync_copy(dst4.at[c, s], dst_v)
        plsc.subcore_barrier()

        def body(j, carry):
            pltpu.sync_copy(ones_v, acc.at[dst_v.at[j]], add=True)
            return carry

        lax.fori_loop(0, NCHUNK, body, 0)
        plsc.subcore_barrier()
        pltpu.sync_copy(acc.at[pl.ds(s * STRIPE, STRIPE)],
                        out.at[c, pl.ds(s * STRIPE, STRIPE)])

    return _sc_degree


@functools.cache
def _sc_segsum_kernel():
    mesh = plsc.VectorSubcoreMesh(core_axis_name="c", subcore_axis_name="s")

    HC = CHUNK // GSPLIT

    def _gather_start(table, src_v, jj, gbuf, gsem_pair):
        for h in range(GSPLIT):
            pltpu.async_copy(table.at[src_v.at[jj, pl.ds(h * HC, HC)]],
                             gbuf.at[pl.ds(h * HC, HC)], gsem_pair[h])

    def _gather_wait(table, src_v, jj, gbuf, gsem_pair):
        for h in range(GSPLIT):
            pltpu.make_async_copy(table.at[src_v.at[jj, pl.ds(h * HC, HC)]],
                                  gbuf.at[pl.ds(h * HC, HC)],
                                  gsem_pair[h]).wait()

    @functools.partial(
        pl.kernel,
        mesh=mesh,
        out_type=jax.ShapeDtypeStruct((2, NACC, 128), jnp.float32),
        scratch_types=[
            pltpu.VMEM_SHARED((NACC, 128), jnp.float32),
        ]
        + [pltpu.VMEM((CHUNK, 128), jnp.float32) for _ in range(NBUF)]
        + [
            pltpu.VMEM((IDXB, CHUNK), jnp.int32),
            pltpu.VMEM((IDXB, CHUNK), jnp.int32),
        ]
        + [pltpu.SemaphoreType.DMA for _ in range((GSPLIT + 1) * NBUF)],
    )
    def _sc_segsum(table, src4, dst4, zeros_hbm, out, acc, *bufs):
        gbufs = bufs[:NBUF]
        src_v, dst_v = bufs[NBUF], bufs[NBUF + 1]
        gsems = tuple(bufs[NBUF + 2 + GSPLIT * b:NBUF + 2 + GSPLIT * (b + 1)]
                      for b in range(NBUF))
        ssems = bufs[NBUF + 2 + GSPLIT * NBUF:]
        c = lax.axis_index("c")
        s = lax.axis_index("s")
        pltpu.sync_copy(zeros_hbm, acc.at[pl.ds(s * STRIPE, STRIPE)])
        plsc.subcore_barrier()

        def blk_body(blk, carry):
            pltpu.sync_copy(src4.at[c, s, pl.ds(blk * IDXB, IDXB)], src_v)
            pltpu.sync_copy(dst4.at[c, s, pl.ds(blk * IDXB, IDXB)], dst_v)
            _gather_start(table, src_v, 0, gbufs[0], gsems[0])

            def outer(i, carry2):
                for b in range(2):
                    jj = i * 2 + b
                    nb = 1 - b

                    @pl.when(jj + 1 < IDXB)
                    def _():
                        @pl.when(jj >= 1)
                        def _():
                            pltpu.make_async_copy(
                                gbufs[nb], acc.at[dst_v.at[jj - 1]],
                                ssems[nb]).wait()

                        _gather_start(table, src_v, jj + 1, gbufs[nb],
                                      gsems[nb])

                    _gather_wait(table, src_v, jj, gbufs[b], gsems[b])
                    pltpu.async_copy(gbufs[b], acc.at[dst_v.at[jj]],
                                     ssems[b], add=True)
                return carry2

            lax.fori_loop(0, IDXB // 2, outer, 0)
            pltpu.make_async_copy(gbufs[0], acc.at[dst_v.at[IDXB - 2]],
                                  ssems[0]).wait()
            pltpu.make_async_copy(gbufs[1], acc.at[dst_v.at[IDXB - 1]],
                                  ssems[1]).wait()
            return carry

        lax.fori_loop(0, NCHUNK // IDXB, blk_body, 0)
        plsc.subcore_barrier()
        pltpu.sync_copy(acc.at[pl.ds(s * STRIPE, STRIPE)],
                        out.at[c, pl.ds(s * STRIPE, STRIPE)])

    return _sc_segsum


def _pad_tiles(idx, fill):
    t = idx.reshape(NTILE, EPT)
    pad = jnp.full((NTILE, EPT_PAD - EPT), fill, jnp.int32)
    return jnp.concatenate([t, pad], axis=1).reshape(NTILE, NCHUNK, CHUNK)



def _norm_of(deg_blk):
    return lax.rsqrt(jnp.maximum(deg_blk[:, :1], 1.0))


def _tc_prescale_body(feat_ref, deg_ref, out_ref):
    n = _norm_of(deg_ref[0])
    out_ref[0] = feat_ref[0] * n


def _tc_prescale(feats, deg):
    grid = (2, N // BN)
    return pl.pallas_call(
        _tc_prescale_body,
        grid=grid,
        in_specs=[
            pl.BlockSpec((1, BN, D_IN), lambda v, i: (v, i, 0)),
            pl.BlockSpec((1, BN, 128), lambda v, i: (v, i, 0)),
        ],
        out_specs=pl.BlockSpec((1, BN, D_IN), lambda v, i: (v, i, 0)),
        out_shape=jax.ShapeDtypeStruct((2, N, D_IN), jnp.float32),
    )(feats, deg)


def _tc_layer1_body(s_ref, deg_ref, w_ref, out_ref):
    a = jnp.dot(s_ref[0], w_ref[...], preferred_element_type=jnp.float32,
                precision=lax.Precision.HIGHEST)
    n = _norm_of(deg_ref[0])
    y = jnp.maximum(a * n, 0.0) * n
    out_ref[0, 0] = y[:, :128]
    out_ref[0, 1] = y[:, 128:]


def _tc_layer1(agg1, deg, W1):
    grid = (2, N // BN)
    return pl.pallas_call(
        _tc_layer1_body,
        grid=grid,
        in_specs=[
            pl.BlockSpec((1, BN, 128), lambda v, i: (v, i, 0)),
            pl.BlockSpec((1, BN, 128), lambda v, i: (v, i, 0)),
            pl.BlockSpec((D_IN, D_HID), lambda v, i: (0, 0)),
        ],
        out_specs=pl.BlockSpec((1, 2, BN, 128), lambda v, i: (v, 0, i, 0)),
        out_shape=jax.ShapeDtypeStruct((2, 2, N, 128), jnp.float32),
    )(agg1, deg, W1)


def _tc_layer2_body(h0_ref, h1_ref, deg_ref, w_ref, h2_ref, sums_ref):
    i = pl.program_id(0)
    s = jnp.concatenate([h0_ref[0], h1_ref[0]], axis=1)
    a = jnp.dot(s, w_ref[...], preferred_element_type=jnp.float32,
                precision=lax.Precision.HIGHEST)
    n = _norm_of(deg_ref[...])
    h = jnp.maximum(a * n, 0.0)
    h2_ref[...] = h

    @pl.when(i == 0)
    def _():
        sums_ref[...] = jnp.zeros_like(sums_ref)

    ps = jnp.concatenate(
        [jnp.sum(h, axis=0, keepdims=True),
         jnp.zeros((7, D_HID), jnp.float32)], axis=0)
    sums_ref[...] += ps


def _tc_layer2(agg2, deg_v, W2):
    grid = (N // BN,)
    return pl.pallas_call(
        _tc_layer2_body,
        grid=grid,
        in_specs=[
            pl.BlockSpec((1, BN, 128), lambda i: (0, i, 0)),
            pl.BlockSpec((1, BN, 128), lambda i: (1, i, 0)),
            pl.BlockSpec((BN, 128), lambda i: (i, 0)),
            pl.BlockSpec((D_HID, D_HID), lambda i: (0, 0)),
        ],
        out_specs=[
            pl.BlockSpec((BN, D_HID), lambda i: (i, 0)),
            pl.BlockSpec((8, D_HID), lambda i: (0, 0)),
        ],
        out_shape=[
            jax.ShapeDtypeStruct((N, D_HID), jnp.float32),
            jax.ShapeDtypeStruct((8, D_HID), jnp.float32),
        ],
    )(agg2, agg2, deg_v, W2)


def _tc_standardize_body(h_ref, sums_ref, z_ref, acc_ref):
    p = pl.program_id(0)
    i = pl.program_id(1)
    mean = sums_ref[0:1] / N

    @pl.when(p == 0)
    def _():
        @pl.when(i == 0)
        def _():
            acc_ref[...] = jnp.zeros_like(acc_ref)

        d = h_ref[...] - mean
        acc_ref[...] += jnp.concatenate(
            [jnp.sum(d * d, axis=0, keepdims=True),
             jnp.zeros((7, D_HID), jnp.float32)], axis=0)

    @pl.when(p == 1)
    def _():
        var = acc_ref[0:1] / (N - 1)
        inv = 1.0 / (jnp.sqrt(var) + 1e-8)
        z_ref[...] = (h_ref[...] - mean) * inv


def _tc_standardize(h2, sums):
    grid = (2, N // BN)
    return pl.pallas_call(
        _tc_standardize_body,
        grid=grid,
        in_specs=[
            pl.BlockSpec((BN, D_HID), lambda p, i: (i, 0)),
            pl.BlockSpec((8, D_HID), lambda p, i: (0, 0)),
        ],
        out_specs=pl.BlockSpec((BN, D_HID), lambda p, i: (i, 0)),
        out_shape=jax.ShapeDtypeStruct((N, D_HID), jnp.float32),
        scratch_shapes=[pltpu.VMEM((8, D_HID), jnp.float32)],
    )(h2, sums)



def kernel(graph1, feat1, graph2, feat2, W1, b1, W2, b2):
    src1, dst1 = graph1[0], graph1[1]
    src2, dst2 = graph2[0], graph2[1]

    src1_t = _pad_tiles(src1, 0)
    dst1_t = _pad_tiles(dst1, TRASH)
    src2_t = _pad_tiles(src2, 0)
    dst2_t = _pad_tiles(dst2, TRASH)

    ones128 = jnp.ones((CHUNK, 128), jnp.float32)
    zeros128 = jnp.zeros((STRIPE, 128), jnp.float32)

    dst4_deg = jnp.stack([dst1_t, dst2_t])
    deg = _sc_degree_kernel()(dst4_deg, ones128, zeros128)

    feats = jnp.stack([feat1, feat2])
    xn = _tc_prescale(feats, deg)

    table1 = xn.reshape(2 * N, D_IN)
    agg1 = _sc_segsum_kernel()(table1, jnp.stack([src1_t, src2_t + N]),
                               jnp.stack([dst1_t, dst2_t]), zeros128)

    yn = _tc_layer1(agg1, deg, W1)

    zs = []
    for v, (src_t, dst_t) in enumerate(((src1_t, dst1_t), (src2_t, dst2_t))):
        table2 = yn[v].reshape(2 * N, 128)
        agg2 = _sc_segsum_kernel()(table2, jnp.stack([src_t, src_t + N]),
                                   jnp.stack([dst_t, dst_t]), zeros128)

        h2, sums = _tc_layer2(agg2, deg[v], W2)
        zs.append(_tc_standardize(h2, sums))

    return (zs[0], zs[1])

# --- scband reference (transcript-rebuilt; emitter-appended) ---
"""Pipeline reference for scband-cca-ssg-20624432956072 (READ-ONLY COPY).

The authoritative reference and input builder live on the scoring server;
editing this copy changes nothing except your own understanding.
"""

import jax, jax.numpy as jnp
import numpy as np

N = 10000
E = 320000
D_IN = 128
D_HID = 256


def gcn_layer(x, src, dst, W, b):
    n = x.shape[0]
    h = x @ W + b
    # symmetric-normalized aggregation (allow_zero_degree -> clamp deg to 1)
    deg = jnp.zeros((n,), dtype=h.dtype).at[dst].add(1.0)
    deg = jnp.maximum(deg, 1.0)
    norm = jax.lax.rsqrt(deg)
    msg = h[src] * norm[src][:, None]
    agg = jnp.zeros_like(h).at[dst].add(msg)
    return agg * norm[:, None]


def encoder(feat, src, dst, W1, b1, W2, b2):
    h = jax.nn.relu(gcn_layer(feat, src, dst, W1, b1))
    h = jax.nn.relu(gcn_layer(h, src, dst, W2, b2))
    return h


def standardize(h):
    return (h - h.mean(0)) / (h.std(0, ddof=1) + 1e-08)


def setup_inputs(seed: int = 0):
    key = jax.random.key(seed)
    k = jax.random.split(key, 8)
    feat1 = jax.random.normal(k[0], (N, D_IN), dtype=jnp.float32)
    feat2 = jax.random.normal(k[1], (N, D_IN), dtype=jnp.float32)
    graph1 = jax.random.randint(k[2], (2, E), 0, N, dtype=jnp.int32)
    graph2 = jax.random.randint(k[3], (2, E), 0, N, dtype=jnp.int32)
    W1 = jax.random.normal(k[4], (D_IN, D_HID), dtype=jnp.float32) * (1.0 / np.sqrt(D_IN))
    b1 = jnp.zeros((D_HID,), dtype=jnp.float32)
    W2 = jax.random.normal(k[5], (D_HID, D_HID), dtype=jnp.float32) * (1.0 / np.sqrt(D_HID))
    b2 = jnp.zeros((D_HID,), dtype=jnp.float32)
    return {"graph1": graph1, "feat1": feat1, "graph2": graph2, "feat2": feat2,
            "W1": W1, "b1": b1, "W2": W2, "b2": b2}


def reference(graph1, feat1, graph2, feat2, W1, b1, W2, b2):
    h1 = encoder(feat1, graph1[0], graph1[1], W1, b1, W2, b2)
    h2 = encoder(feat2, graph2[0], graph2[1], W1, b1, W2, b2)
    z1 = standardize(h1)
    z2 = standardize(h2)
    return (z1, z2)

if __name__ == "__main__":
    import jax
    _d = setup_inputs()
    print(jax.jit(kernel)(*tuple(_d.values())))

</pallas_src>

<mosaic_0001>
#map = affine_map<(d0, d1) -> (0, 0)>
#map1 = affine_map<(d0, d1) -> (0, 0, 0, 0)>
#map2 = affine_map<(d0, d1) -> (0, 0, 0)>
module attributes {stable_mosaic.version = 14 : i64} {
  func.func @_sc_segsum(%arg0: i32, %arg1: i32, %arg2: memref<20000x128xf32, #tpu.memory_space<hbm>>, %arg3: memref<2x16x160x128xi32, #tpu.memory_space<hbm>>, %arg4: memref<2x16x160x128xi32, #tpu.memory_space<hbm>>, %arg5: memref<640x128xf32, #tpu.memory_space<hbm>>, %arg6: memref<2x10240x128xf32, #tpu.memory_space<hbm>>, %arg7: memref<10240x128xf32, #tpu.memory_space<vmem_shared>>, %arg8: memref<128x128xf32, #tpu.memory_space<vmem>>, %arg9: memref<128x128xf32, #tpu.memory_space<vmem>>, %arg10: memref<16x128xi32, #tpu.memory_space<vmem>>, %arg11: memref<16x128xi32, #tpu.memory_space<vmem>>, %arg12: memref<!tpu.dma_semaphore, #tpu.memory_space<semaphore_mem>>, %arg13: memref<!tpu.dma_semaphore, #tpu.memory_space<semaphore_mem>>, %arg14: memref<!tpu.dma_semaphore, #tpu.memory_space<semaphore_mem>>, %arg15: memref<!tpu.dma_semaphore, #tpu.memory_space<semaphore_mem>>, %arg16: memref<!tpu.dma_semaphore, #tpu.memory_space<semaphore_mem>>, %arg17: memref<!tpu.dma_semaphore, #tpu.memory_space<semaphore_mem>>) attributes {dimension_semantics = [#tpu.dimension_semantics<core_parallel>, #tpu.dimension_semantics<subcore_parallel>], iteration_bounds = array<i64: 2, 16>, scalar_prefetch = 0 : i64, scratch_operands = 11 : i64, tpu.core_type = #tpu.core_type<sc_vector_subcore>, window_params = [{transform_indices = #map}, {transform_indices = #map1}, {transform_indices = #map1}, {transform_indices = #map}, {transform_indices = #map2}]} {
    %mul3A = arith.constant 640 : i32
    %mul3A_0 = arith.muli %arg1, %mul3A : i32
    "tpu.region"() ({
      %run_scoped3A = tpu.sem_alloc : memref<!tpu.dma_semaphore, #tpu.memory_space<semaphore_mem>>
      %dma_start3A = arith.constant 0 : i32
      %dma_start3A_11 = tpu.memref_slice %arg7[%mul3A_0, %dma_start3A] : memref<10240x128xf32, #tpu.memory_space<vmem_shared>> -> memref<640x128xf32, #tpu.memory_space<vmem_shared>>
      tpu.enqueue_dma source(%arg5 : memref<640x128xf32, #tpu.memory_space<hbm>>) target(%dma_start3A_11 : memref<640x128xf32, #tpu.memory_space<vmem_shared>>) target_semaphore(%run_scoped3A : memref<!tpu.dma_semaphore, #tpu.memory_space<semaphore_mem>>)
      %dma_wait3A = arith.constant 0 : i32
      %dma_wait3A_12 = tpu.memref_slice %arg7[%mul3A_0, %dma_wait3A] : memref<10240x128xf32, #tpu.memory_space<vmem_shared>> -> memref<640x128xf32, #tpu.memory_space<vmem_shared>>
      tpu.wait_dma2 semaphore(%run_scoped3A : memref<!tpu.dma_semaphore, #tpu.memory_space<semaphore_mem>>) src(%arg5 : memref<640x128xf32, #tpu.memory_space<hbm>>) dst(%dma_wait3A_12 : memref<640x128xf32, #tpu.memory_space<vmem_shared>>)
      tpu.yield
    }) : () -> ()
    %barrier3A = arith.constant 0 : index
    tpu.barrier barrier_id(%barrier3A)
    %scan3A = arith.constant 0 : i32
    %scan3A_1 = arith.constant 0 : i32
    %scan3A_2 = arith.constant 10 : i32
    %scan3A_3 = arith.addi %scan3A_1, %scan3A_2 : i32
    %scan3A_4 = arith.constant 1 : i32
    scf.for %scan3A_11 = %scan3A_1 to %scan3A_3 step %scan3A_4  : i32 {
      %mul3A_12 = arith.constant 16 : i32
      %mul3A_13 = arith.muli %scan3A_11, %mul3A_12 : i32
      "tpu.region"() ({
        %run_scoped3A = tpu.sem_alloc : memref<!tpu.dma_semaphore, #tpu.memory_space<semaphore_mem>>
        %dma_start3A_54 = arith.constant 0 : i32
        %dma_start3A_55 = tpu.memref_slice %arg3[%arg0, %arg1, %mul3A_13, %dma_start3A_54] : memref<2x16x160x128xi32, #tpu.memory_space<hbm>> -> memref<1x1x16x128xi32, #tpu.memory_space<hbm>>
        %dma_start3A_56 = tpu.memref_squeeze %dma_start3A_55 : memref<1x1x16x128xi32, #tpu.memory_space<hbm>> -> memref<16x128xi32, #tpu.memory_space<hbm>>
        %dma_start3A_57 = arith.constant 0 : i32
        %dma_start3A_58 = tpu.memref_slice %arg3[%arg0, %arg1, %mul3A_13, %dma_start3A_57] : memref<2x16x160x128xi32, #tpu.memory_space<hbm>> -> memref<1x1x16x128xi32, #tpu.memory_space<hbm>>
        %dma_start3A_59 = tpu.memref_squeeze %dma_start3A_58 : memref<1x1x16x128xi32, #tpu.memory_space<hbm>> -> memref<16x128xi32, #tpu.memory_space<hbm>>
        tpu.enqueue_dma source(%dma_start3A_59 : memref<16x128xi32, #tpu.memory_space<hbm>>) target(%arg10 : memref<16x128xi32, #tpu.memory_space<vmem>>) target_semaphore(%run_scoped3A : memref<!tpu.dma_semaphore, #tpu.memory_space<semaphore_mem>>)
        %dma_wait3A_60 = arith.constant 0 : i32
        %dma_wait3A_61 = tpu.memref_slice %arg3[%arg0, %arg1, %mul3A_13, %dma_wait3A_60] : memref<2x16x160x128xi32, #tpu.memory_space<hbm>> -> memref<1x1x16x128xi32, #tpu.memory_space<hbm>>
        %dma_wait3A_62 = tpu.memref_squeeze %dma_wait3A_61 : memref<1x1x16x128xi32, #tpu.memory_space<hbm>> -> memref<16x128xi32, #tpu.memory_space<hbm>>
        %dma_wait3A_63 = arith.constant 0 : i32
        %dma_wait3A_64 = tpu.memref_slice %arg3[%arg0, %arg1, %mul3A_13, %dma_wait3A_63] : memref<2x16x160x128xi32, #tpu.memory_space<hbm>> -> memref<1x1x16x128xi32, #tpu.memory_space<hbm>>
        %dma_wait3A_65 = tpu.memref_squeeze %dma_wait3A_64 : memref<1x1x16x128xi32, #tpu.memory_space<hbm>> -> memref<16x128xi32, #tpu.memory_space<hbm>>
        tpu.wait_dma2 semaphore(%run_scoped3A : memref<!tpu.dma_semaphore, #tpu.memory_space<semaphore_mem>>) src(%dma_wait3A_65 : memref<16x128xi32, #tpu.memory_space<hbm>>) dst(%arg10 : memref<16x128xi32, #tpu.memory_space<vmem>>)
        tpu.yield
      }) : () -> ()
      %mul3A_14 = arith.constant 16 : i32
      %mul3A_15 = arith.muli %scan3A_11, %mul3A_14 : i32
      "tpu.region"() ({
        %run_scoped3A = tpu.sem_alloc : memref<!tpu.dma_semaphore, #tpu.memory_space<semaphore_mem>>
        %dma_start3A_54 = arith.constant 0 : i32
        %dma_start3A_55 = tpu.memref_slice %arg4[%arg0, %arg1, %mul3A_15, %dma_start3A_54] : memref<2x16x160x128xi32, #tpu.memory_space<hbm>> -> memref<1x1x16x128xi32, #tpu.memory_space<hbm>>
        %dma_start3A_56 = tpu.memref_squeeze %dma_start3A_55 : memref<1x1x16x128xi32, #tpu.memory_space<hbm>> -> memref<16x128xi32, #tpu.memory_space<hbm>>
        %dma_start3A_57 = arith.constant 0 : i32
        %dma_start3A_58 = tpu.memref_slice %arg4[%arg0, %arg1, %mul3A_15, %dma_start3A_57] : memref<2x16x160x128xi32, #tpu.memory_space<hbm>> -> memref<1x1x16x128xi32, #tpu.memory_space<hbm>>
        %dma_start3A_59 = tpu.memref_squeeze %dma_start3A_58 : memref<1x1x16x128xi32, #tpu.memory_space<hbm>> -> memref<16x128xi32, #tpu.memory_space<hbm>>
        tpu.enqueue_dma source(%dma_start3A_59 : memref<16x128xi32, #tpu.memory_space<hbm>>) target(%arg11 : memref<16x128xi32, #tpu.memory_space<vmem>>) target_semaphore(%run_scoped3A : memref<!tpu.dma_semaphore, #tpu.memory_space<semaphore_mem>>)
        %dma_wait3A_60 = arith.constant 0 : i32
        %dma_wait3A_61 = tpu.memref_slice %arg4[%arg0, %arg1, %mul3A_15, %dma_wait3A_60] : memref<2x16x160x128xi32, #tpu.memory_space<hbm>> -> memref<1x1x16x128xi32, #tpu.memory_space<hbm>>
        %dma_wait3A_62 = tpu.memref_squeeze %dma_wait3A_61 : memref<1x1x16x128xi32, #tpu.memory_space<hbm>> -> memref<16x128xi32, #tpu.memory_space<hbm>>
        %dma_wait3A_63 = arith.constant 0 : i32
        %dma_wait3A_64 = tpu.memref_slice %arg4[%arg0, %arg1, %mul3A_15, %dma_wait3A_63] : memref<2x16x160x128xi32, #tpu.memory_space<hbm>> -> memref<1x1x16x128xi32, #tpu.memory_space<hbm>>
        %dma_wait3A_65 = tpu.memref_squeeze %dma_wait3A_64 : memref<1x1x16x128xi32, #tpu.memory_space<hbm>> -> memref<16x128xi32, #tpu.memory_space<hbm>>
        tpu.wait_dma2 semaphore(%run_scoped3A : memref<!tpu.dma_semaphore, #tpu.memory_space<semaphore_mem>>) src(%dma_wait3A_65 : memref<16x128xi32, #tpu.memory_space<hbm>>) dst(%arg11 : memref<16x128xi32, #tpu.memory_space<vmem>>)
        tpu.yield
      }) : () -> ()
      %dma_start3A = arith.constant 0 : i32
      %dma_start3A_16 = arith.constant 0 : i32
      %dma_start3A_17 = arith.constant 0 : i32
      %dma_start3A_18 = tpu.memref_slice %arg8[%dma_start3A_16, %dma_start3A_17] : memref<128x128xf32, #tpu.memory_space<vmem>> -> memref<64x128xf32, #tpu.memory_space<vmem>>
      %dma_start3A_19 = arith.constant 0 : i32
      %dma_start3A_20 = tpu.memref_slice %arg10[%dma_start3A, %dma_start3A_19] : memref<16x128xi32, #tpu.memory_space<vmem>> -> memref<1x64xi32, #tpu.memory_space<vmem>>
      %dma_start3A_21 = tpu.memref_squeeze %dma_start3A_20 : memref<1x64xi32, #tpu.memory_space<vmem>> -> memref<64xi32, #tpu.memory_space<vmem>>
      %dma_start3A_22 = arith.constant 0 : i32
      %dma_start3A_23 = arith.constant 0 : i32
      %dma_start3A_24 = tpu.memref_slice %arg2[%dma_start3A_22, %dma_start3A_23] : memref<20000x128xf32, #tpu.memory_space<hbm>> -> memref<20000x128xf32, #tpu.memory_space<hbm>>
      tpu.enqueue_indirect_dma source(%dma_start3A_24 : memref<20000x128xf32, #tpu.memory_space<hbm>>) target(%dma_start3A_18 : memref<64x128xf32, #tpu.memory_space<vmem>>) offsets(%dma_start3A_21 : memref<64xi32, #tpu.memory_space<vmem>>) semaphore(%arg12 : memref<!tpu.dma_semaphore, #tpu.memory_space<semaphore_mem>>)
      %dma_start3A_25 = arith.constant 0 : i32
      %dma_start3A_26 = arith.constant 64 : i32
      %dma_start3A_27 = arith.constant 0 : i32
      %dma_start3A_28 = tpu.memref_slice %arg8[%dma_start3A_26, %dma_start3A_27] : memref<128x128xf32, #tpu.memory_space<vmem>> -> memref<64x128xf32, #tpu.memory_space<vmem>>
      %dma_start3A_29 = arith.constant 64 : i32
      %dma_start3A_30 = tpu.memref_slice %arg10[%dma_start3A_25, %dma_start3A_29] : memref<16x128xi32, #tpu.memory_space<vmem>> -> memref<1x64xi32, #tpu.memory_space<vmem>>
      %dma_start3A_31 = tpu.memref_squeeze %dma_start3A_30 : memref<1x64xi32, #tpu.memory_space<vmem>> -> memref<64xi32, #tpu.memory_space<vmem>>
      %dma_start3A_32 = arith.constant 0 : i32
      %dma_start3A_33 = arith.constant 0 : i32
      %dma_start3A_34 = tpu.memref_slice %arg2[%dma_start3A_32, %dma_start3A_33] : memref<20000x128xf32, #tpu.memory_space<hbm>> -> memref<20000x128xf32, #tpu.memory_space<hbm>>
      tpu.enqueue_indirect_dma source(%dma_start3A_34 : memref<20000x128xf32, #tpu.memory_space<hbm>>) target(%dma_start3A_28 : memref<64x128xf32, #tpu.memory_space<vmem>>) offsets(%dma_start3A_31 : memref<64xi32, #tpu.memory_space<vmem>>) semaphore(%arg13 : memref<!tpu.dma_semaphore, #tpu.memory_space<semaphore_mem>>)
      %scan3A_35 = arith.constant 0 : i32
      %scan3A_36 = arith.constant 0 : i32
      %scan3A_37 = arith.constant 8 : i32
      %scan3A_38 = arith.addi %scan3A_36, %scan3A_37 : i32
      %scan3A_39 = arith.constant 1 : i32
      scf.for %scan3A_54 = %scan3A_36 to %scan3A_38 step %scan3A_39  : i32 {
        %mul3A_55 = arith.constant 2 : i32
        %mul3A_56 = arith.muli %scan3A_54, %mul3A_55 : i32
        %add3A = arith.constant 0 : i32
        %add3A_57 = arith.addi %mul3A_56, %add3A : i32
        %add3A_58 = arith.constant 1 : i32
        %add3A_59 = arith.addi %add3A_57, %add3A_58 : i32
        %lt3A = arith.constant 16 : i32
        %lt3A_60 = arith.cmpi slt, %add3A_59, %lt3A : i32
        %convert_element_type3A = arith.extui %lt3A_60 : i1 to i32
        %cond3A = arith.constant 0 : i32
        %cond3A_61 = arith.cmpi ne, %convert_element_type3A, %cond3A : i32
        scf.if %cond3A_61 {
          %ge3A = arith.constant 1 : i32
          %ge3A_121 = arith.cmpi sge, %add3A_57, %ge3A : i32
          %convert_element_type3A_122 = arith.extui %ge3A_121 : i1 to i32
          %cond3A_123 = arith.constant 0 : i32
          %cond3A_124 = arith.cmpi ne, %convert_element_type3A_122, %cond3A_123 : i32
          scf.if %cond3A_124 {
            %sub3A = arith.constant 1 : i32
            %sub3A_145 = arith.subi %add3A_57, %sub3A : i32
            %dma_wait3A_146 = arith.constant 0 : i32
            %dma_wait3A_147 = tpu.memref_slice %arg11[%sub3A_145, %dma_wait3A_146] : memref<16x128xi32, #tpu.memory_space<vmem>> -> memref<1x128xi32, #tpu.memory_space<vmem>>
            %dma_wait3A_148 = tpu.memref_squeeze %dma_wait3A_147 : memref<1x128xi32, #tpu.memory_space<vmem>> -> memref<128xi32, #tpu.memory_space<vmem>>
            %dma_wait3A_149 = arith.constant 0 : i32
            %dma_wait3A_150 = arith.constant 0 : i32
            %dma_wait3A_151 = tpu.memref_slice %arg7[%dma_wait3A_149, %dma_wait3A_150] : memref<10240x128xf32, #tpu.memory_space<vmem_shared>> -> memref<10240x128xf32, #tpu.memory_space<vmem_shared>>
            tpu.wait_indirect_dma semaphore(%arg17 : memref<!tpu.dma_semaphore, #tpu.memory_space<semaphore_mem>>) src(%arg9 : memref<128x128xf32, #tpu.memory_space<vmem>>) dst(%dma_wait3A_151 : memref<10240x128xf32, #tpu.memory_space<vmem_shared>>)
          } else {
          }
          %add3A_125 = arith.constant 1 : i32
          %add3A_126 = arith.addi %add3A_57, %add3A_125 : i32
          %dma_start3A_127 = arith.constant 0 : i32
          %dma_start3A_128 = arith.constant 0 : i32
          %dma_start3A_129 = tpu.memref_slice %arg9[%dma_start3A_127, %dma_start3A_128] : memref<128x128xf32, #tpu.memory_space<vmem>> -> memref<64x128xf32, #tpu.memory_space<vmem>>
          %dma_start3A_130 = arith.constant 0 : i32
          %dma_start3A_131 = tpu.memref_slice %arg10[%add3A_126, %dma_start3A_130] : memref<16x128xi32, #tpu.memory_space<vmem>> -> memref<1x64xi32, #tpu.memory_space<vmem>>
          %dma_start3A_132 = tpu.memref_squeeze %dma_start3A_131 : memref<1x64xi32, #tpu.memory_space<vmem>> -> memref<64xi32, #tpu.memory_space<vmem>>
          %dma_start3A_133 = arith.constant 0 : i32
          %dma_start3A_134 = arith.constant 0 : i32
          %dma_start3A_135 = tpu.memref_slice %arg2[%dma_start3A_133, %dma_start3A_134] : memref<20000x128xf32, #tpu.memory_space<hbm>> -> memref<20000x128xf32, #tpu.memory_space<hbm>>
          tpu.enqueue_indirect_dma source(%dma_start3A_135 : memref<20000x128xf32, #tpu.memory_space<hbm>>) target(%dma_start3A_129 : memref<64x128xf32, #tpu.memory_space<vmem>>) offsets(%dma_start3A_132 : memref<64xi32, #tpu.memory_space<vmem>>) semaphore(%arg14 : memref<!tpu.dma_semaphore, #tpu.memory_space<semaphore_mem>>)
          %dma_start3A_136 = arith.constant 64 : i32
          %dma_start3A_137 = arith.constant 0 : i32
          %dma_start3A_138 = tpu.memref_slice %arg9[%dma_start3A_136, %dma_start3A_137] : memref<128x128xf32, #tpu.memory_space<vmem>> -> memref<64x128xf32, #tpu.memory_space<vmem>>
          %dma_start3A_139 = arith.constant 64 : i32
          %dma_start3A_140 = tpu.memref_slice %arg10[%add3A_126, %dma_start3A_139] : memref<16x128xi32, #tpu.memory_space<vmem>> -> memref<1x64xi32, #tpu.memory_space<vmem>>
          %dma_start3A_141 = tpu.memref_squeeze %dma_start3A_140 : memref<1x64xi32, #tpu.memory_space<vmem>> -> memref<64xi32, #tpu.memory_space<vmem>>
          %dma_start3A_142 = arith.constant 0 : i32
          %dma_start3A_143 = arith.constant 0 : i32
          %dma_start3A_144 = tpu.memref_slice %arg2[%dma_start3A_142, %dma_start3A_143] : memref<20000x128xf32, #tpu.memory_space<hbm>> -> memref<20000x128xf32, #tpu.memory_space<hbm>>
          tpu.enqueue_indirect_dma source(%dma_start3A_144 : memref<20000x128xf32, #tpu.memory_space<hbm>>) target(%dma_start3A_138 : memref<64x128xf32, #tpu.memory_space<vmem>>) offsets(%dma_start3A_141 : memref<64xi32, #tpu.memory_space<vmem>>) semaphore(%arg15 : memref<!tpu.dma_semaphore, #tpu.memory_space<semaphore_mem>>)
        } else {
        }
        %dma_wait3A_62 = arith.constant 0 : i32
        %dma_wait3A_63 = arith.constant 0 : i32
        %dma_wait3A_64 = tpu.memref_slice %arg8[%dma_wait3A_62, %dma_wait3A_63] : memref<128x128xf32, #tpu.memory_space<vmem>> -> memref<64x128xf32, #tpu.memory_space<vmem>>
        %dma_wait3A_65 = arith.constant 0 : i32
        %dma_wait3A_66 = tpu.memref_slice %arg10[%add3A_57, %dma_wait3A_65] : memref<16x128xi32, #tpu.memory_space<vmem>> -> memref<1x64xi32, #tpu.memory_space<vmem>>
        %dma_wait3A_67 = tpu.memref_squeeze %dma_wait3A_66 : memref<1x64xi32, #tpu.memory_space<vmem>> -> memref<64xi32, #tpu.memory_space<vmem>>
        %dma_wait3A_68 = arith.constant 0 : i32
        %dma_wait3A_69 = arith.constant 0 : i32
        %dma_wait3A_70 = tpu.memref_slice %arg2[%dma_wait3A_68, %dma_wait3A_69] : memref<20000x128xf32, #tpu.memory_space<hbm>> -> memref<20000x128xf32, #tpu.memory_space<hbm>>
        tpu.wait_indirect_dma semaphore(%arg12 : memref<!tpu.dma_semaphore, #tpu.memory_space<semaphore_mem>>) src(%dma_wait3A_70 : memref<20000x128xf32, #tpu.memory_space<hbm>>) dst(%dma_wait3A_64 : memref<64x128xf32, #tpu.memory_space<vmem>>)
        %dma_wait3A_71 = arith.constant 64 : i32
        %dma_wait3A_72 = arith.constant 0 : i32
        %dma_wait3A_73 = tpu.memref_slice %arg8[%dma_wait3A_71, %dma_wait3A_72] : memref<128x128xf32, #tpu.memory_space<vmem>> -> memref<64x128xf32, #tpu.memory_space<vmem>>
        %dma_wait3A_74 = arith.constant 64 : i32
        %dma_wait3A_75 = tpu.memref_slice %arg10[%add3A_57, %dma_wait3A_74] : memref<16x128xi32, #tpu.memory_space<vmem>> -> memref<1x64xi32, #tpu.memory_space<vmem>>
        %dma_wait3A_76 = tpu.memref_squeeze %dma_wait3A_75 : memref<1x64xi32, #tpu.memory_space<vmem>> -> memref<64xi32, #tpu.memory_space<vmem>>
        %dma_wait3A_77 = arith.constant 0 : i32
        %dma_wait3A_78 = arith.constant 0 : i32
        %dma_wait3A_79 = tpu.memref_slice %arg2[%dma_wait3A_77, %dma_wait3A_78] : memref<20000x128xf32, #tpu.memory_space<hbm>> -> memref<20000x128xf32, #tpu.memory_space<hbm>>
        tpu.wait_indirect_dma semaphore(%arg13 : memref<!tpu.dma_semaphore, #tpu.memory_space<semaphore_mem>>) src(%dma_wait3A_79 : memref<20000x128xf32, #tpu.memory_space<hbm>>) dst(%dma_wait3A_73 : memref<64x128xf32, #tpu.memory_space<vmem>>)
        %dma_start3A_80 = arith.constant 0 : i32
        %dma_start3A_81 = tpu.memref_slice %arg11[%add3A_57, %dma_start3A_80] : memref<16x128xi32, #tpu.memory_space<vmem>> -> memref<1x128xi32, #tpu.memory_space<vmem>>
        %dma_start3A_82 = tpu.memref_squeeze %dma_start3A_81 : memref<1x128xi32, #tpu.memory_space<vmem>> -> memref<128xi32, #tpu.memory_space<vmem>>
        %dma_start3A_83 = arith.constant 0 : i32
        %dma_start3A_84 = arith.constant 0 : i32
        %dma_start3A_85 = tpu.memref_slice %arg7[%dma_start3A_83, %dma_start3A_84] : memref<10240x128xf32, #tpu.memory_space<vmem_shared>> -> memref<10240x128xf32, #tpu.memory_space<vmem_shared>>
        tpu.enqueue_indirect_dma source(%arg8 : memref<128x128xf32, #tpu.memory_space<vmem>>) target(%dma_start3A_85 : memref<10240x128xf32, #tpu.memory_space<vmem_shared>>) offsets(%dma_start3A_82 : memref<128xi32, #tpu.memory_space<vmem>>) semaphore(%arg16 : memref<!tpu.dma_semaphore, #tpu.memory_space<semaphore_mem>>) {add = true}
        %mul3A_86 = arith.constant 2 : i32
        %mul3A_87 = arith.muli %scan3A_54, %mul3A_86 : i32
        %add3A_88 = arith.constant 1 : i32
        %add3A_89 = arith.addi %mul3A_87, %add3A_88 : i32
        %add3A_90 = arith.constant 1 : i32
        %add3A_91 = arith.addi %add3A_89, %add3A_90 : i32
        %lt3A_92 = arith.constant 16 : i32
        %lt3A_93 = arith.cmpi slt, %add3A_91, %lt3A_92 : i32
        %convert_element_type3A_94 = arith.extui %lt3A_93 : i1 to i32
        %cond3A_95 = arith.constant 0 : i32
        %cond3A_96 = arith.cmpi ne, %convert_element_type3A_94, %cond3A_95 : i32
        scf.if %cond3A_96 {
          %ge3A = arith.constant 1 : i32
          %ge3A_121 = arith.cmpi sge, %add3A_89, %ge3A : i32
          %convert_element_type3A_122 = arith.extui %ge3A_121 : i1 to i32
          %cond3A_123 = arith.constant 0 : i32
          %cond3A_124 = arith.cmpi ne, %convert_element_type3A_122, %cond3A_123 : i32
          scf.if %cond3A_124 {
            %sub3A = arith.constant 1 : i32
            %sub3A_145 = arith.subi %add3A_89, %sub3A : i32
            %dma_wait3A_146 = arith.constant 0 : i32
            %dma_wait3A_147 = tpu.memref_slice %arg11[%sub3A_145, %dma_wait3A_146] : memref<16x128xi32, #tpu.memory_space<vmem>> -> memref<1x128xi32, #tpu.memory_space<vmem>>
            %dma_wait3A_148 = tpu.memref_squeeze %dma_wait3A_147 : memref<1x128xi32, #tpu.memory_space<vmem>> -> memref<128xi32, #tpu.memory_space<vmem>>
            %dma_wait3A_149 = arith.constant 0 : i32
            %dma_wait3A_150 = arith.constant 0 : i32
            %dma_wait3A_151 = tpu.memref_slice %arg7[%dma_wait3A_149, %dma_wait3A_150] : memref<10240x128xf32, #tpu.memory_space<vmem_shared>> -> memref<10240x128xf32, #tpu.memory_space<vmem_shared>>
            tpu.wait_indirect_dma semaphore(%arg16 : memref<!tpu.dma_semaphore, #tpu.memory_space<semaphore_mem>>) src(%arg8 : memref<128x128xf32, #tpu.memory_space<vmem>>) dst(%dma_wait3A_151 : memref<10240x128xf32, #tpu.memory_space<vmem_shared>>)
          } else {
          }
          %add3A_125 = arith.constant 1 : i32
          %add3A_126 = arith.addi %add3A_89, %add3A_125 : i32
          %dma_start3A_127 = arith.constant 0 : i32
          %dma_start3A_128 = arith.constant 0 : i32
          %dma_start3A_129 = tpu.memref_slice %arg8[%dma_start3A_127, %dma_start3A_128] : memref<128x128xf32, #tpu.memory_space<vmem>> -> memref<64x128xf32, #tpu.memory_space<vmem>>
          %dma_start3A_130 = arith.constant 0 : i32
          %dma_start3A_131 = tpu.memref_slice %arg10[%add3A_126, %dma_start3A_130] : memref<16x128xi32, #tpu.memory_space<vmem>> -> memref<1x64xi32, #tpu.memory_space<vmem>>
          %dma_start3A_132 = tpu.memref_squeeze %dma_start3A_131 : memref<1x64xi32, #tpu.memory_space<vmem>> -> memref<64xi32, #tpu.memory_space<vmem>>
          %dma_start3A_133 = arith.constant 0 : i32
          %dma_start3A_134 = arith.constant 0 : i32
          %dma_start3A_135 = tpu.memref_slice %arg2[%dma_start3A_133, %dma_start3A_134] : memref<20000x128xf32, #tpu.memory_space<hbm>> -> memref<20000x128xf32, #tpu.memory_space<hbm>>
          tpu.enqueue_indirect_dma source(%dma_start3A_135 : memref<20000x128xf32, #tpu.memory_space<hbm>>) target(%dma_start3A_129 : memref<64x128xf32, #tpu.memory_space<vmem>>) offsets(%dma_start3A_132 : memref<64xi32, #tpu.memory_space<vmem>>) semaphore(%arg12 : memref<!tpu.dma_semaphore, #tpu.memory_space<semaphore_mem>>)
          %dma_start3A_136 = arith.constant 64 : i32
          %dma_start3A_137 = arith.constant 0 : i32
          %dma_start3A_138 = tpu.memref_slice %arg8[%dma_start3A_136, %dma_start3A_137] : memref<128x128xf32, #tpu.memory_space<vmem>> -> memref<64x128xf32, #tpu.memory_space<vmem>>
          %dma_start3A_139 = arith.constant 64 : i32
          %dma_start3A_140 = tpu.memref_slice %arg10[%add3A_126, %dma_start3A_139] : memref<16x128xi32, #tpu.memory_space<vmem>> -> memref<1x64xi32, #tpu.memory_space<vmem>>
          %dma_start3A_141 = tpu.memref_squeeze %dma_start3A_140 : memref<1x64xi32, #tpu.memory_space<vmem>> -> memref<64xi32, #tpu.memory_space<vmem>>
          %dma_start3A_142 = arith.constant 0 : i32
          %dma_start3A_143 = arith.constant 0 : i32
          %dma_start3A_144 = tpu.memref_slice %arg2[%dma_start3A_142, %dma_start3A_143] : memref<20000x128xf32, #tpu.memory_space<hbm>> -> memref<20000x128xf32, #tpu.memory_space<hbm>>
          tpu.enqueue_indirect_dma source(%dma_start3A_144 : memref<20000x128xf32, #tpu.memory_space<hbm>>) target(%dma_start3A_138 : memref<64x128xf32, #tpu.memory_space<vmem>>) offsets(%dma_start3A_141 : memref<64xi32, #tpu.memory_space<vmem>>) semaphore(%arg13 : memref<!tpu.dma_semaphore, #tpu.memory_space<semaphore_mem>>)
        } else {
        }
        %dma_wait3A_97 = arith.constant 0 : i32
        %dma_wait3A_98 = arith.constant 0 : i32
        %dma_wait3A_99 = tpu.memref_slice %arg9[%dma_wait3A_97, %dma_wait3A_98] : memref<128x128xf32, #tpu.memory_space<vmem>> -> memref<64x128xf32, #tpu.memory_space<vmem>>
        %dma_wait3A_100 = arith.constant 0 : i32
        %dma_wait3A_101 = tpu.memref_slice %arg10[%add3A_89, %dma_wait3A_100] : memref<16x128xi32, #tpu.memory_space<vmem>> -> memref<1x64xi32, #tpu.memory_space<vmem>>
        %dma_wait3A_102 = tpu.memref_squeeze %dma_wait3A_101 : memref<1x64xi32, #tpu.memory_space<vmem>> -> memref<64xi32, #tpu.memory_space<vmem>>
        %dma_wait3A_103 = arith.constant 0 : i32
        %dma_wait3A_104 = arith.constant 0 : i32
        %dma_wait3A_105 = tpu.memref_slice %arg2[%dma_wait3A_103, %dma_wait3A_104] : memref<20000x128xf32, #tpu.memory_space<hbm>> -> memref<20000x128xf32, #tpu.memory_space<hbm>>
        tpu.wait_indirect_dma semaphore(%arg14 : memref<!tpu.dma_semaphore, #tpu.memory_space<semaphore_mem>>) src(%dma_wait3A_105 : memref<20000x128xf32, #tpu.memory_space<hbm>>) dst(%dma_wait3A_99 : memref<64x128xf32, #tpu.memory_space<vmem>>)
        %dma_wait3A_106 = arith.constant 64 : i32
        %dma_wait3A_107 = arith.constant 0 : i32
        %dma_wait3A_108 = tpu.memref_slice %arg9[%dma_wait3A_106, %dma_wait3A_107] : memref<128x128xf32, #tpu.memory_space<vmem>> -> memref<64x128xf32, #tpu.memory_space<vmem>>
        %dma_wait3A_109 = arith.constant 64 : i32
        %dma_wait3A_110 = tpu.memref_slice %arg10[%add3A_89, %dma_wait3A_109] : memref<16x128xi32, #tpu.memory_space<vmem>> -> memref<1x64xi32, #tpu.memory_space<vmem>>
        %dma_wait3A_111 = tpu.memref_squeeze %dma_wait3A_110 : memref<1x64xi32, #tpu.memory_space<vmem>> -> memref<64xi32, #tpu.memory_space<vmem>>
        %dma_wait3A_112 = arith.constant 0 : i32
        %dma_wait3A_113 = arith.constant 0 : i32
        %dma_wait3A_114 = tpu.memref_slice %arg2[%dma_wait3A_112, %dma_wait3A_113] : memref<20000x128xf32, #tpu.memory_space<hbm>> -> memref<20000x128xf32, #tpu.memory_space<hbm>>
        tpu.wait_indirect_dma semaphore(%arg15 : memref<!tpu.dma_semaphore, #tpu.memory_space<semaphore_mem>>) src(%dma_wait3A_114 : memref<20000x128xf32, #tpu.memory_space<hbm>>) dst(%dma_wait3A_108 : memref<64x128xf32, #tpu.memory_space<vmem>>)
        %dma_start3A_115 = arith.constant 0 : i32
        %dma_start3A_116 = tpu.memref_slice %arg11[%add3A_89, %dma_start3A_115] : memref<16x128xi32, #tpu.memory_space<vmem>> -> memref<1x128xi32, #tpu.memory_space<vmem>>
        %dma_start3A_117 = tpu.memref_squeeze %dma_start3A_116 : memref<1x128xi32, #tpu.memory_space<vmem>> -> memref<128xi32, #tpu.memory_space<vmem>>
        %dma_start3A_118 = arith.constant 0 : i32
        %dma_start3A_119 = arith.constant 0 : i32
        %dma_start3A_120 = tpu.memref_slice %arg7[%dma_start3A_118, %dma_start3A_119] : memref<10240x128xf32, #tpu.memory_space<vmem_shared>> -> memref<10240x128xf32, #tpu.memory_space<vmem_shared>>
        tpu.enqueue_indirect_dma source(%arg9 : memref<128x128xf32, #tpu.memory_space<vmem>>) target(%dma_start3A_120 : memref<10240x128xf32, #tpu.memory_space<vmem_shared>>) offsets(%dma_start3A_117 : memref<128xi32, #tpu.memory_space<vmem>>) semaphore(%arg17 : memref<!tpu.dma_semaphore, #tpu.memory_space<semaphore_mem>>) {add = true}
      }
      %scan3A_40 = arith.constant 8 : i32
      %dma_wait3A = arith.constant 14 : i32
      %dma_wait3A_41 = arith.constant 0 : i32
      %dma_wait3A_42 = tpu.memref_slice %arg11[%dma_wait3A, %dma_wait3A_41] : memref<16x128xi32, #tpu.memory_space<vmem>> -> memref<1x128xi32, #tpu.memory_space<vmem>>
      %dma_wait3A_43 = tpu.memref_squeeze %dma_wait3A_42 : memref<1x128xi32, #tpu.memory_space<vmem>> -> memref<128xi32, #tpu.memory_space<vmem>>
      %dma_wait3A_44 = arith.constant 0 : i32
      %dma_wait3A_45 = arith.constant 0 : i32
      %dma_wait3A_46 = tpu.memref_slice %arg7[%dma_wait3A_44, %dma_wait3A_45] : memref<10240x128xf32, #tpu.memory_space<vmem_shared>> -> memref<10240x128xf32, #tpu.memory_space<vmem_shared>>
      tpu.wait_indirect_dma semaphore(%arg16 : memref<!tpu.dma_semaphore, #tpu.memory_space<semaphore_mem>>) src(%arg8 : memref<128x128xf32, #tpu.memory_space<vmem>>) dst(%dma_wait3A_46 : memref<10240x128xf32, #tpu.memory_space<vmem_shared>>)
      %dma_wait3A_47 = arith.constant 15 : i32
      %dma_wait3A_48 = arith.constant 0 : i32
      %dma_wait3A_49 = tpu.memref_slice %arg11[%dma_wait3A_47, %dma_wait3A_48] : memref<16x128xi32, #tpu.memory_space<vmem>> -> memref<1x128xi32, #tpu.memory_space<vmem>>
      %dma_wait3A_50 = tpu.memref_squeeze %dma_wait3A_49 : memref<1x128xi32, #tpu.memory_space<vmem>> -> memref<128xi32, #tpu.memory_space<vmem>>
      %dma_wait3A_51 = arith.constant 0 : i32
      %dma_wait3A_52 = arith.constant 0 : i32
      %dma_wait3A_53 = tpu.memref_slice %arg7[%dma_wait3A_51, %dma_wait3A_52] : memref<10240x128xf32, #tpu.memory_space<vmem_shared>> -> memref<10240x128xf32, #tpu.memory_space<vmem_shared>>
      tpu.wait_indirect_dma semaphore(%arg17 : memref<!tpu.dma_semaphore, #tpu.memory_space<semaphore_mem>>) src(%arg9 : memref<128x128xf32, #tpu.memory_space<vmem>>) dst(%dma_wait3A_53 : memref<10240x128xf32, #tpu.memory_space<vmem_shared>>)
    }
    %scan3A_5 = arith.constant 10 : i32
    %barrier3A_6 = arith.constant 0 : index
    tpu.barrier barrier_id(%barrier3A_6)
    %mul3A_7 = arith.constant 640 : i32
    %mul3A_8 = arith.muli %arg1, %mul3A_7 : i32
    %mul3A_9 = arith.constant 640 : i32
    %mul3A_10 = arith.muli %arg1, %mul3A_9 : i32
    "tpu.region"() ({
      %run_scoped3A = tpu.sem_alloc : memref<!tpu.dma_semaphore, #tpu.memory_space<semaphore_mem>>
      %dma_start3A = arith.constant 0 : i32
      %dma_start3A_11 = tpu.memref_slice %arg6[%arg0, %mul3A_10, %dma_start3A] : memref<2x10240x128xf32, #tpu.memory_space<hbm>> -> memref<1x640x128xf32, #tpu.memory_space<hbm>>
      %dma_start3A_12 = tpu.memref_squeeze %dma_start3A_11 : memref<1x640x128xf32, #tpu.memory_space<hbm>> -> memref<640x128xf32, #tpu.memory_space<hbm>>
      %dma_start3A_13 = arith.constant 0 : i32
      %dma_start3A_14 = tpu.memref_slice %arg7[%mul3A_8, %dma_start3A_13] : memref<10240x128xf32, #tpu.memory_space<vmem_shared>> -> memref<640x128xf32, #tpu.memory_space<vmem_shared>>
      tpu.enqueue_dma source(%dma_start3A_14 : memref<640x128xf32, #tpu.memory_space<vmem_shared>>) target(%dma_start3A_12 : memref<640x128xf32, #tpu.memory_space<hbm>>) target_semaphore(%run_scoped3A : memref<!tpu.dma_semaphore, #tpu.memory_space<semaphore_mem>>)
      %dma_wait3A = arith.constant 0 : i32
      %dma_wait3A_15 = tpu.memref_slice %arg6[%arg0, %mul3A_10, %dma_wait3A] : memref<2x10240x128xf32, #tpu.memory_space<hbm>> -> memref<1x640x128xf32, #tpu.memory_space<hbm>>
      %dma_wait3A_16 = tpu.memref_squeeze %dma_wait3A_15 : memref<1x640x128xf32, #tpu.memory_space<hbm>> -> memref<640x128xf32, #tpu.memory_space<hbm>>
      %dma_wait3A_17 = arith.constant 0 : i32
      %dma_wait3A_18 = tpu.memref_slice %arg7[%mul3A_8, %dma_wait3A_17] : memref<10240x128xf32, #tpu.memory_space<vmem_shared>> -> memref<640x128xf32, #tpu.memory_space<vmem_shared>>
      tpu.wait_dma2 semaphore(%run_scoped3A : memref<!tpu.dma_semaphore, #tpu.memory_space<semaphore_mem>>) src(%dma_wait3A_18 : memref<640x128xf32, #tpu.memory_space<vmem_shared>>) dst(%dma_wait3A_16 : memref<640x128xf32, #tpu.memory_space<hbm>>)
      tpu.yield
    }) : () -> ()
    return
  }
}

#map = affine_map<(d0, d1) -> (0, 0)>
#map1 = affine_map<(d0, d1) -> (0, 0, 0, 0)>
#map2 = affine_map<(d0, d1) -> (0, 0, 0)>
module attributes {stable_mosaic.version = 14 : i64} {
  func.func @_sc_segsum(%arg0: i32, %arg1: i32, %arg2: memref<20000x128xf32, #tpu.memory_space<hbm>>, %arg3: memref<2x16x160x128xi32, #tpu.memory_space<hbm>>, %arg4: memref<2x16x160x128xi32, #tpu.memory_space<hbm>>, %arg5: memref<640x128xf32, #tpu.memory_space<hbm>>, %arg6: memref<2x10240x128xf32, #tpu.memory_space<hbm>>, %arg7: memref<10240x128xf32, #tpu.memory_space<vmem_shared>>, %arg8: memref<128x128xf32, #tpu.memory_space<vmem>>, %arg9: memref<128x128xf32, #tpu.memory_space<vmem>>, %arg10: memref<16x128xi32, #tpu.memory_space<vmem>>, %arg11: memref<16x128xi32, #tpu.memory_space<vmem>>, %arg12: memref<!tpu.dma_semaphore, #tpu.memory_space<semaphore_mem>>, %arg13: memref<!tpu.dma_semaphore, #tpu.memory_space<semaphore_mem>>, %arg14: memref<!tpu.dma_semaphore, #tpu.memory_space<semaphore_mem>>, %arg15: memref<!tpu.dma_semaphore, #tpu.memory_space<semaphore_mem>>, %arg16: memref<!tpu.dma_semaphore, #tpu.memory_space<semaphore_mem>>, %arg17: memref<!tpu.dma_semaphore, #tpu.memory_space<semaphore_mem>>) attributes {dimension_semantics = [#tpu.dimension_semantics<core_parallel>, #tpu.dimension_semantics<subcore_parallel>], iteration_bounds = array<i64: 2, 16>, scalar_prefetch = 0 : i64, scratch_operands = 11 : i64, tpu.core_type = #tpu.core_type<sc_vector_subcore>, window_params = [{transform_indices = #map}, {transform_indices = #map1}, {transform_indices = #map1}, {transform_indices = #map}, {transform_indices = #map2}]} {
    %mul3A = arith.constant 640 : i32
    %mul3A_0 = arith.muli %arg1, %mul3A : i32
    "tpu.region"() ({
      %run_scoped3A = tpu.sem_alloc : memref<!tpu.dma_semaphore, #tpu.memory_space<semaphore_mem>>
      %dma_start3A = arith.constant 0 : i32
      %dma_start3A_11 = tpu.memref_slice %arg7[%mul3A_0, %dma_start3A] : memref<10240x128xf32, #tpu.memory_space<vmem_shared>> -> memref<640x128xf32, #tpu.memory_space<vmem_shared>>
      tpu.enqueue_dma source(%arg5 : memref<640x128xf32, #tpu.memory_space<hbm>>) target(%dma_start3A_11 : memref<640x128xf32, #tpu.memory_space<vmem_shared>>) target_semaphore(%run_scoped3A : memref<!tpu.dma_semaphore, #tpu.memory_space<semaphore_mem>>)
      %dma_wait3A = arith.constant 0 : i32
      %dma_wait3A_12 = tpu.memref_slice %arg7[%mul3A_0, %dma_wait3A] : memref<10240x128xf32, #tpu.memory_space<vmem_shared>> -> memref<640x128xf32, #tpu.memory_space<vmem_shared>>
      tpu.wait_dma2 semaphore(%run_scoped3A : memref<!tpu.dma_semaphore, #tpu.memory_space<semaphore_mem>>) src(%arg5 : memref<640x128xf32, #tpu.memory_space<hbm>>) dst(%dma_wait3A_12 : memref<640x128xf32, #tpu.memory_space<vmem_shared>>)
      tpu.yield
    }) : () -> ()
    %barrier3A = arith.constant 0 : index
    tpu.barrier barrier_id(%barrier3A)
    %scan3A = arith.constant 0 : i32
    %scan3A_1 = arith.constant 0 : i32
    %scan3A_2 = arith.constant 10 : i32
    %scan3A_3 = arith.addi %scan3A_1, %scan3A_2 : i32
    %scan3A_4 = arith.constant 1 : i32
    scf.for %scan3A_11 = %scan3A_1 to %scan3A_3 step %scan3A_4  : i32 {
      %mul3A_12 = arith.constant 16 : i32
      %mul3A_13 = arith.muli %scan3A_11, %mul3A_12 : i32
      "tpu.region"() ({
        %run_scoped3A = tpu.sem_alloc : memref<!tpu.dma_semaphore, #tpu.memory_space<semaphore_mem>>
        %dma_start3A_54 = arith.constant 0 : i32
        %dma_start3A_55 = tpu.memref_slice %arg3[%arg0, %arg1, %mul3A_13, %dma_start3A_54] : memref<2x16x160x128xi32, #tpu.memory_space<hbm>> -> memref<1x1x16x128xi32, #tpu.memory_space<hbm>>
        %dma_start3A_56 = tpu.memref_squeeze %dma_start3A_55 : memref<1x1x16x128xi32, #tpu.memory_space<hbm>> -> memref<16x128xi32, #tpu.memory_space<hbm>>
        %dma_start3A_57 = arith.constant 0 : i32
        %dma_start3A_58 = tpu.memref_slice %arg3[%arg0, %arg1, %mul3A_13, %dma_start3A_57] : memref<2x16x160x128xi32, #tpu.memory_space<hbm>> -> memref<1x1x16x128xi32, #tpu.memory_space<hbm>>
        %dma_start3A_59 = tpu.memref_squeeze %dma_start3A_58 : memref<1x1x16x128xi32, #tpu.memory_space<hbm>> -> memref<16x128xi32, #tpu.memory_space<hbm>>
        tpu.enqueue_dma source(%dma_start3A_59 : memref<16x128xi32, #tpu.memory_space<hbm>>) target(%arg10 : memref<16x128xi32, #tpu.memory_space<vmem>>) target_semaphore(%run_scoped3A : memref<!tpu.dma_semaphore, #tpu.memory_space<semaphore_mem>>)
        %dma_wait3A_60 = arith.constant 0 : i32
        %dma_wait3A_61 = tpu.memref_slice %arg3[%arg0, %arg1, %mul3A_13, %dma_wait3A_60] : memref<2x16x160x128xi32, #tpu.memory_space<hbm>> -> memref<1x1x16x128xi32, #tpu.memory_space<hbm>>
        %dma_wait3A_62 = tpu.memref_squeeze %dma_wait3A_61 : memref<1x1x16x128xi32, #tpu.memory_space<hbm>> -> memref<16x128xi32, #tpu.memory_space<hbm>>
        %dma_wait3A_63 = arith.constant 0 : i32
        %dma_wait3A_64 = tpu.memref_slice %arg3[%arg0, %arg1, %mul3A_13, %dma_wait3A_63] : memref<2x16x160x128xi32, #tpu.memory_space<hbm>> -> memref<1x1x16x128xi32, #tpu.memory_space<hbm>>
        %dma_wait3A_65 = tpu.memref_squeeze %dma_wait3A_64 : memref<1x1x16x128xi32, #tpu.memory_space<hbm>> -> memref<16x128xi32, #tpu.memory_space<hbm>>
        tpu.wait_dma2 semaphore(%run_scoped3A : memref<!tpu.dma_semaphore, #tpu.memory_space<semaphore_mem>>) src(%dma_wait3A_65 : memref<16x128xi32, #tpu.memory_space<hbm>>) dst(%arg10 : memref<16x128xi32, #tpu.memory_space<vmem>>)
        tpu.yield
      }) : () -> ()
      %mul3A_14 = arith.constant 16 : i32
      %mul3A_15 = arith.muli %scan3A_11, %mul3A_14 : i32
      "tpu.region"() ({
        %run_scoped3A = tpu.sem_alloc : memref<!tpu.dma_semaphore, #tpu.memory_space<semaphore_mem>>
        %dma_start3A_54 = arith.constant 0 : i32
        %dma_start3A_55 = tpu.memref_slice %arg4[%arg0, %arg1, %mul3A_15, %dma_start3A_54] : memref<2x16x160x128xi32, #tpu.memory_space<hbm>> -> memref<1x1x16x128xi32, #tpu.memory_space<hbm>>
        %dma_start3A_56 = tpu.memref_squeeze %dma_start3A_55 : memref<1x1x16x128xi32, #tpu.memory_space<hbm>> -> memref<16x128xi32, #tpu.memory_space<hbm>>
        %dma_start3A_57 = arith.constant 0 : i32
        %dma_start3A_58 = tpu.memref_slice %arg4[%arg0, %arg1, %mul3A_15, %dma_start3A_57] : memref<2x16x160x128xi32, #tpu.memory_space<hbm>> -> memref<1x1x16x128xi32, #tpu.memory_space<hbm>>
        %dma_start3A_59 = tpu.memref_squeeze %dma_start3A_58 : memref<1x1x16x128xi32, #tpu.memory_space<hbm>> -> memref<16x128xi32, #tpu.memory_space<hbm>>
        tpu.enqueue_dma source(%dma_start3A_59 : memref<16x128xi32, #tpu.memory_space<hbm>>) target(%arg11 : memref<16x128xi32, #tpu.memory_space<vmem>>) target_semaphore(%run_scoped3A : memref<!tpu.dma_semaphore, #tpu.memory_space<semaphore_mem>>)
        %dma_wait3A_60 = arith.constant 0 : i32
        %dma_wait3A_61 = tpu.memref_slice %arg4[%arg0, %arg1, %mul3A_15, %dma_wait3A_60] : memref<2x16x160x128xi32, #tpu.memory_space<hbm>> -> memref<1x1x16x128xi32, #tpu.memory_space<hbm>>
        %dma_wait3A_62 = tpu.memref_squeeze %dma_wait3A_61 : memref<1x1x16x128xi32, #tpu.memory_space<hbm>> -> memref<16x128xi32, #tpu.memory_space<hbm>>
        %dma_wait3A_63 = arith.constant 0 : i32
        %dma_wait3A_64 = tpu.memref_slice %arg4[%arg0, %arg1, %mul3A_15, %dma_wait3A_63] : memref<2x16x160x128xi32, #tpu.memory_space<hbm>> -> memref<1x1x16x128xi32, #tpu.memory_space<hbm>>
        %dma_wait3A_65 = tpu.memref_squeeze %dma_wait3A_64 : memref<1x1x16x128xi32, #tpu.memory_space<hbm>> -> memref<16x128xi32, #tpu.memory_space<hbm>>
        tpu.wait_dma2 semaphore(%run_scoped3A : memref<!tpu.dma_semaphore, #tpu.memory_space<semaphore_mem>>) src(%dma_wait3A_65 : memref<16x128xi32, #tpu.memory_space<hbm>>) dst(%arg11 : memref<16x128xi32, #tpu.memory_space<vmem>>)
        tpu.yield
      }) : () -> ()
      %dma_start3A = arith.constant 0 : i32
      %dma_start3A_16 = arith.constant 0 : i32
      %dma_start3A_17 = arith.constant 0 : i32
      %dma_start3A_18 = tpu.memref_slice %arg8[%dma_start3A_16, %dma_start3A_17] : memref<128x128xf32, #tpu.memory_space<vmem>> -> memref<64x128xf32, #tpu.memory_space<vmem>>
      %dma_start3A_19 = arith.constant 0 : i32
      %dma_start3A_20 = tpu.memref_slice %arg10[%dma_start3A, %dma_start3A_19] : memref<16x128xi32, #tpu.memory_space<vmem>> -> memref<1x64xi32, #tpu.memory_space<vmem>>
      %dma_start3A_21 = tpu.memref_squeeze %dma_start3A_20 : memref<1x64xi32, #tpu.memory_space<vmem>> -> memref<64xi32, #tpu.memory_space<vmem>>
      %dma_start3A_22 = arith.constant 0 : i32
      %dma_start3A_23 = arith.constant 0 : i32
      %dma_start3A_24 = tpu.memref_slice %arg2[%dma_start3A_22, %dma_start3A_23] : memref<20000x128xf32, #tpu.memory_space<hbm>> -> memref<20000x128xf32, #tpu.memory_space<hbm>>
      tpu.enqueue_indirect_dma source(%dma_start3A_24 : memref<20000x128xf32, #tpu.memory_space<hbm>>) target(%dma_start3A_18 : memref<64x128xf32, #tpu.memory_space<vmem>>) offsets(%dma_start3A_21 : memref<64xi32, #tpu.memory_space<vmem>>) semaphore(%arg12 : memref<!tpu.dma_semaphore, #tpu.memory_space<semaphore_mem>>)
      %dma_start3A_25 = arith.constant 0 : i32
      %dma_start3A_26 = arith.constant 64 : i32
      %dma_start3A_27 = arith.constant 0 : i32
      %dma_start3A_28 = tpu.memref_slice %arg8[%dma_start3A_26, %dma_start3A_27] : memref<128x128xf32, #tpu.memory_space<vmem>> -> memref<64x128xf32, #tpu.memory_space<vmem>>
      %dma_start3A_29 = arith.constant 64 : i32
      %dma_start3A_30 = tpu.memref_slice %arg10[%dma_start3A_25, %dma_start3A_29] : memref<16x128xi32, #tpu.memory_space<vmem>> -> memref<1x64xi32, #tpu.memory_space<vmem>>
      %dma_start3A_31 = tpu.memref_squeeze %dma_start3A_30 : memref<1x64xi32, #tpu.memory_space<vmem>> -> memref<64xi32, #tpu.memory_space<vmem>>
      %dma_start3A_32 = arith.constant 0 : i32
      %dma_start3A_33 = arith.constant 0 : i32
      %dma_start3A_34 = tpu.memref_slice %arg2[%dma_start3A_32, %dma_start3A_33] : memref<20000x128xf32, #tpu.memory_space<hbm>> -> memref<20000x128xf32, #tpu.memory_space<hbm>>
      tpu.enqueue_indirect_dma source(%dma_start3A_34 : memref<20000x128xf32, #tpu.memory_space<hbm>>) target(%dma_start3A_28 : memref<64x128xf32, #tpu.memory_space<vmem>>) offsets(%dma_start3A_31 : memref<64xi32, #tpu.memory_space<vmem>>) semaphore(%arg13 : memref<!tpu.dma_semaphore, #tpu.memory_space<semaphore_mem>>)
      %scan3A_35 = arith.constant 0 : i32
      %scan3A_36 = arith.constant 0 : i32
      %scan3A_37 = arith.constant 8 : i32
      %scan3A_38 = arith.addi %scan3A_36, %scan3A_37 : i32
      %scan3A_39 = arith.constant 1 : i32
      scf.for %scan3A_54 = %scan3A_36 to %scan3A_38 step %scan3A_39  : i32 {
        %mul3A_55 = arith.constant 2 : i32
        %mul3A_56 = arith.muli %scan3A_54, %mul3A_55 : i32
        %add3A = arith.constant 0 : i32
        %add3A_57 = arith.addi %mul3A_56, %add3A : i32
        %add3A_58 = arith.constant 1 : i32
        %add3A_59 = arith.addi %add3A_57, %add3A_58 : i32
        %lt3A = arith.constant 16 : i32
        %lt3A_60 = arith.cmpi slt, %add3A_59, %lt3A : i32
        %convert_element_type3A = arith.extui %lt3A_60 : i1 to i32
        %cond3A = arith.constant 0 : i32
        %cond3A_61 = arith.cmpi ne, %convert_element_type3A, %cond3A : i32
        scf.if %cond3A_61 {
          %ge3A = arith.constant 1 : i32
          %ge3A_121 = arith.cmpi sge, %add3A_57, %ge3A : i32
          %convert_element_type3A_122 = arith.extui %ge3A_121 : i1 to i32
          %cond3A_123 = arith.constant 0 : i32
          %cond3A_124 = arith.cmpi ne, %convert_element_type3A_122, %cond3A_123 : i32
          scf.if %cond3A_124 {
            %sub3A = arith.constant 1 : i32
            %sub3A_145 = arith.subi %add3A_57, %sub3A : i32
            %dma_wait3A_146 = arith.constant 0 : i32
            %dma_wait3A_147 = tpu.memref_slice %arg11[%sub3A_145, %dma_wait3A_146] : memref<16x128xi32, #tpu.memory_space<vmem>> -> memref<1x128xi32, #tpu.memory_space<vmem>>
            %dma_wait3A_148 = tpu.memref_squeeze %dma_wait3A_147 : memref<1x128xi32, #tpu.memory_space<vmem>> -> memref<128xi32, #tpu.memory_space<vmem>>
            %dma_wait3A_149 = arith.constant 0 : i32
            %dma_wait3A_150 = arith.constant 0 : i32
            %dma_wait3A_151 = tpu.memref_slice %arg7[%dma_wait3A_149, %dma_wait3A_150] : memref<10240x128xf32, #tpu.memory_space<vmem_shared>> -> memref<10240x128xf32, #tpu.memory_space<vmem_shared>>
            tpu.wait_indirect_dma semaphore(%arg17 : memref<!tpu.dma_semaphore, #tpu.memory_space<semaphore_mem>>) src(%arg9 : memref<128x128xf32, #tpu.memory_space<vmem>>) dst(%dma_wait3A_151 : memref<10240x128xf32, #tpu.memory_space<vmem_shared>>)
          } else {
          }
          %add3A_125 = arith.constant 1 : i32
          %add3A_126 = arith.addi %add3A_57, %add3A_125 : i32
          %dma_start3A_127 = arith.constant 0 : i32
          %dma_start3A_128 = arith.constant 0 : i32
          %dma_start3A_129 = tpu.memref_slice %arg9[%dma_start3A_127, %dma_start3A_128] : memref<128x128xf32, #tpu.memory_space<vmem>> -> memref<64x128xf32, #tpu.memory_space<vmem>>
          %dma_start3A_130 = arith.constant 0 : i32
          %dma_start3A_131 = tpu.memref_slice %arg10[%add3A_126, %dma_start3A_130] : memref<16x128xi32, #tpu.memory_space<vmem>> -> memref<1x64xi32, #tpu.memory_space<vmem>>
          %dma_start3A_132 = tpu.memref_squeeze %dma_start3A_131 : memref<1x64xi32, #tpu.memory_space<vmem>> -> memref<64xi32, #tpu.memory_space<vmem>>
          %dma_start3A_133 = arith.constant 0 : i32
          %dma_start3A_134 = arith.constant 0 : i32
          %dma_start3A_135 = tpu.memref_slice %arg2[%dma_start3A_133, %dma_start3A_134] : memref<20000x128xf32, #tpu.memory_space<hbm>> -> memref<20000x128xf32, #tpu.memory_space<hbm>>
          tpu.enqueue_indirect_dma source(%dma_start3A_135 : memref<20000x128xf32, #tpu.memory_space<hbm>>) target(%dma_start3A_129 : memref<64x128xf32, #tpu.memory_space<vmem>>) offsets(%dma_start3A_132 : memref<64xi32, #tpu.memory_space<vmem>>) semaphore(%arg14 : memref<!tpu.dma_semaphore, #tpu.memory_space<semaphore_mem>>)
          %dma_start3A_136 = arith.constant 64 : i32
          %dma_start3A_137 = arith.constant 0 : i32
          %dma_start3A_138 = tpu.memref_slice %arg9[%dma_start3A_136, %dma_start3A_137] : memref<128x128xf32, #tpu.memory_space<vmem>> -> memref<64x128xf32, #tpu.memory_space<vmem>>
          %dma_start3A_139 = arith.constant 64 : i32
          %dma_start3A_140 = tpu.memref_slice %arg10[%add3A_126, %dma_start3A_139] : memref<16x128xi32, #tpu.memory_space<vmem>> -> memref<1x64xi32, #tpu.memory_space<vmem>>
          %dma_start3A_141 = tpu.memref_squeeze %dma_start3A_140 : memref<1x64xi32, #tpu.memory_space<vmem>> -> memref<64xi32, #tpu.memory_space<vmem>>
          %dma_start3A_142 = arith.constant 0 : i32
          %dma_start3A_143 = arith.constant 0 : i32
          %dma_start3A_144 = tpu.memref_slice %arg2[%dma_start3A_142, %dma_start3A_143] : memref<20000x128xf32, #tpu.memory_space<hbm>> -> memref<20000x128xf32, #tpu.memory_space<hbm>>
          tpu.enqueue_indirect_dma source(%dma_start3A_144 : memref<20000x128xf32, #tpu.memory_space<hbm>>) target(%dma_start3A_138 : memref<64x128xf32, #tpu.memory_space<vmem>>) offsets(%dma_start3A_141 : memref<64xi32, #tpu.memory_space<vmem>>) semaphore(%arg15 : memref<!tpu.dma_semaphore, #tpu.memory_space<semaphore_mem>>)
        } else {
        }
        %dma_wait3A_62 = arith.constant 0 : i32
        %dma_wait3A_63 = arith.constant 0 : i32
        %dma_wait3A_64 = tpu.memref_slice %arg8[%dma_wait3A_62, %dma_wait3A_63] : memref<128x128xf32, #tpu.memory_space<vmem>> -> memref<64x128xf32, #tpu.memory_space<vmem>>
        %dma_wait3A_65 = arith.constant 0 : i32
        %dma_wait3A_66 = tpu.memref_slice %arg10[%add3A_57, %dma_wait3A_65] : memref<16x128xi32, #tpu.memory_space<vmem>> -> memref<1x64xi32, #tpu.memory_space<vmem>>
        %dma_wait3A_67 = tpu.memref_squeeze %dma_wait3A_66 : memref<1x64xi32, #tpu.memory_space<vmem>> -> memref<64xi32, #tpu.memory_space<vmem>>
        %dma_wait3A_68 = arith.constant 0 : i32
        %dma_wait3A_69 = arith.constant 0 : i32
        %dma_wait3A_70 = tpu.memref_slice %arg2[%dma_wait3A_68, %dma_wait3A_69] : memref<20000x128xf32, #tpu.memory_space<hbm>> -> memref<20000x128xf32, #tpu.memory_space<hbm>>
        tpu.wait_indirect_dma semaphore(%arg12 : memref<!tpu.dma_semaphore, #tpu.memory_space<semaphore_mem>>) src(%dma_wait3A_70 : memref<20000x128xf32, #tpu.memory_space<hbm>>) dst(%dma_wait3A_64 : memref<64x128xf32, #tpu.memory_space<vmem>>)
        %dma_wait3A_71 = arith.constant 64 : i32
        %dma_wait3A_72 = arith.constant 0 : i32
        %dma_wait3A_73 = tpu.memref_slice %arg8[%dma_wait3A_71, %dma_wait3A_72] : memref<128x128xf32, #tpu.memory_space<vmem>> -> memref<64x128xf32, #tpu.memory_space<vmem>>
        %dma_wait3A_74 = arith.constant 64 : i32
        %dma_wait3A_75 = tpu.memref_slice %arg10[%add3A_57, %dma_wait3A_74] : memref<16x128xi32, #tpu.memory_space<vmem>> -> memref<1x64xi32, #tpu.memory_space<vmem>>
        %dma_wait3A_76 = tpu.memref_squeeze %dma_wait3A_75 : memref<1x64xi32, #tpu.memory_space<vmem>> -> memref<64xi32, #tpu.memory_space<vmem>>
        %dma_wait3A_77 = arith.constant 0 : i32
        %dma_wait3A_78 = arith.constant 0 : i32
        %dma_wait3A_79 = tpu.memref_slice %arg2[%dma_wait3A_77, %dma_wait3A_78] : memref<20000x128xf32, #tpu.memory_space<hbm>> -> memref<20000x128xf32, #tpu.memory_space<hbm>>
        tpu.wait_indirect_dma semaphore(%arg13 : memref<!tpu.dma_semaphore, #tpu.memory_space<semaphore_mem>>) src(%dma_wait3A_79 : memref<20000x128xf32, #tpu.memory_space<hbm>>) dst(%dma_wait3A_73 : memref<64x128xf32, #tpu.memory_space<vmem>>)
        %dma_start3A_80 = arith.constant 0 : i32
        %dma_start3A_81 = tpu.memref_slice %arg11[%add3A_57, %dma_start3A_80] : memref<16x128xi32, #tpu.memory_space<vmem>> -> memref<1x128xi32, #tpu.memory_space<vmem>>
        %dma_start3A_82 = tpu.memref_squeeze %dma_start3A_81 : memref<1x128xi32, #tpu.memory_space<vmem>> -> memref<128xi32, #tpu.memory_space<vmem>>
        %dma_start3A_83 = arith.constant 0 : i32
        %dma_start3A_84 = arith.constant 0 : i32
        %dma_start3A_85 = tpu.memref_slice %arg7[%dma_start3A_83, %dma_start3A_84] : memref<10240x128xf32, #tpu.memory_space<vmem_shared>> -> memref<10240x128xf32, #tpu.memory_space<vmem_shared>>
        tpu.enqueue_indirect_dma source(%arg8 : memref<128x128xf32, #tpu.memory_space<vmem>>) target(%dma_start3A_85 : memref<10240x128xf32, #tpu.memory_space<vmem_shared>>) offsets(%dma_start3A_82 : memref<128xi32, #tpu.memory_space<vmem>>) semaphore(%arg16 : memref<!tpu.dma_semaphore, #tpu.memory_space<semaphore_mem>>) {add = true}
        %mul3A_86 = arith.constant 2 : i32
        %mul3A_87 = arith.muli %scan3A_54, %mul3A_86 : i32
        %add3A_88 = arith.constant 1 : i32
        %add3A_89 = arith.addi %mul3A_87, %add3A_88 : i32
        %add3A_90 = arith.constant 1 : i32
        %add3A_91 = arith.addi %add3A_89, %add3A_90 : i32
        %lt3A_92 = arith.constant 16 : i32
        %lt3A_93 = arith.cmpi slt, %add3A_91, %lt3A_92 : i32
        %convert_element_type3A_94 = arith.extui %lt3A_93 : i1 to i32
        %cond3A_95 = arith.constant 0 : i32
        %cond3A_96 = arith.cmpi ne, %convert_element_type3A_94, %cond3A_95 : i32
        scf.if %cond3A_96 {
          %ge3A = arith.constant 1 : i32
          %ge3A_121 = arith.cmpi sge, %add3A_89, %ge3A : i32
          %convert_element_type3A_122 = arith.extui %ge3A_121 : i1 to i32
          %cond3A_123 = arith.constant 0 : i32
          %cond3A_124 = arith.cmpi ne, %convert_element_type3A_122, %cond3A_123 : i32
          scf.if %cond3A_124 {
            %sub3A = arith.constant 1 : i32
            %sub3A_145 = arith.subi %add3A_89, %sub3A : i32
            %dma_wait3A_146 = arith.constant 0 : i32
            %dma_wait3A_147 = tpu.memref_slice %arg11[%sub3A_145, %dma_wait3A_146] : memref<16x128xi32, #tpu.memory_space<vmem>> -> memref<1x128xi32, #tpu.memory_space<vmem>>
            %dma_wait3A_148 = tpu.memref_squeeze %dma_wait3A_147 : memref<1x128xi32, #tpu.memory_space<vmem>> -> memref<128xi32, #tpu.memory_space<vmem>>
            %dma_wait3A_149 = arith.constant 0 : i32
            %dma_wait3A_150 = arith.constant 0 : i32
            %dma_wait3A_151 = tpu.memref_slice %arg7[%dma_wait3A_149, %dma_wait3A_150] : memref<10240x128xf32, #tpu.memory_space<vmem_shared>> -> memref<10240x128xf32, #tpu.memory_space<vmem_shared>>
            tpu.wait_indirect_dma semaphore(%arg16 : memref<!tpu.dma_semaphore, #tpu.memory_space<semaphore_mem>>) src(%arg8 : memref<128x128xf32, #tpu.memory_space<vmem>>) dst(%dma_wait3A_151 : memref<10240x128xf32, #tpu.memory_space<vmem_shared>>)
          } else {
          }
          %add3A_125 = arith.constant 1 : i32
          %add3A_126 = arith.addi %add3A_89, %add3A_125 : i32
          %dma_start3A_127 = arith.constant 0 : i32
          %dma_start3A_128 = arith.constant 0 : i32
          %dma_start3A_129 = tpu.memref_slice %arg8[%dma_start3A_127, %dma_start3A_128] : memref<128x128xf32, #tpu.memory_space<vmem>> -> memref<64x128xf32, #tpu.memory_space<vmem>>
          %dma_start3A_130 = arith.constant 0 : i32
          %dma_start3A_131 = tpu.memref_slice %arg10[%add3A_126, %dma_start3A_130] : memref<16x128xi32, #tpu.memory_space<vmem>> -> memref<1x64xi32, #tpu.memory_space<vmem>>
          %dma_start3A_132 = tpu.memref_squeeze %dma_start3A_131 : memref<1x64xi32, #tpu.memory_space<vmem>> -> memref<64xi32, #tpu.memory_space<vmem>>
          %dma_start3A_133 = arith.constant 0 : i32
          %dma_start3A_134 = arith.constant 0 : i32
          %dma_start3A_135 = tpu.memref_slice %arg2[%dma_start3A_133, %dma_start3A_134] : memref<20000x128xf32, #tpu.memory_space<hbm>> -> memref<20000x128xf32, #tpu.memory_space<hbm>>
          tpu.enqueue_indirect_dma source(%dma_start3A_135 : memref<20000x128xf32, #tpu.memory_space<hbm>>) target(%dma_start3A_129 : memref<64x128xf32, #tpu.memory_space<vmem>>) offsets(%dma_start3A_132 : memref<64xi32, #tpu.memory_space<vmem>>) semaphore(%arg12 : memref<!tpu.dma_semaphore, #tpu.memory_space<semaphore_mem>>)
          %dma_start3A_136 = arith.constant 64 : i32
          %dma_start3A_137 = arith.constant 0 : i32
          %dma_start3A_138 = tpu.memref_slice %arg8[%dma_start3A_136, %dma_start3A_137] : memref<128x128xf32, #tpu.memory_space<vmem>> -> memref<64x128xf32, #tpu.memory_space<vmem>>
          %dma_start3A_139 = arith.constant 64 : i32
          %dma_start3A_140 = tpu.memref_slice %arg10[%add3A_126, %dma_start3A_139] : memref<16x128xi32, #tpu.memory_space<vmem>> -> memref<1x64xi32, #tpu.memory_space<vmem>>
          %dma_start3A_141 = tpu.memref_squeeze %dma_start3A_140 : memref<1x64xi32, #tpu.memory_space<vmem>> -> memref<64xi32, #tpu.memory_space<vmem>>
          %dma_start3A_142 = arith.constant 0 : i32
          %dma_start3A_143 = arith.constant 0 : i32
          %dma_start3A_144 = tpu.memref_slice %arg2[%dma_start3A_142, %dma_start3A_143] : memref<20000x128xf32, #tpu.memory_space<hbm>> -> memref<20000x128xf32, #tpu.memory_space<hbm>>
          tpu.enqueue_indirect_dma source(%dma_start3A_144 : memref<20000x128xf32, #tpu.memory_space<hbm>>) target(%dma_start3A_138 : memref<64x128xf32, #tpu.memory_space<vmem>>) offsets(%dma_start3A_141 : memref<64xi32, #tpu.memory_space<vmem>>) semaphore(%arg13 : memref<!tpu.dma_semaphore, #tpu.memory_space<semaphore_mem>>)
        } else {
        }
        %dma_wait3A_97 = arith.constant 0 : i32
        %dma_wait3A_98 = arith.constant 0 : i32
        %dma_wait3A_99 = tpu.memref_slice %arg9[%dma_wait3A_97, %dma_wait3A_98] : memref<128x128xf32, #tpu.memory_space<vmem>> -> memref<64x128xf32, #tpu.memory_space<vmem>>
        %dma_wait3A_100 = arith.constant 0 : i32
        %dma_wait3A_101 = tpu.memref_slice %arg10[%add3A_89, %dma_wait3A_100] : memref<16x128xi32, #tpu.memory_space<vmem>> -> memref<1x64xi32, #tpu.memory_space<vmem>>
        %dma_wait3A_102 = tpu.memref_squeeze %dma_wait3A_101 : memref<1x64xi32, #tpu.memory_space<vmem>> -> memref<64xi32, #tpu.memory_space<vmem>>
        %dma_wait3A_103 = arith.constant 0 : i32
        %dma_wait3A_104 = arith.constant 0 : i32
        %dma_wait3A_105 = tpu.memref_slice %arg2[%dma_wait3A_103, %dma_wait3A_104] : memref<20000x128xf32, #tpu.memory_space<hbm>> -> memref<20000x128xf32, #tpu.memory_space<hbm>>
        tpu.wait_indirect_dma semaphore(%arg14 : memref<!tpu.dma_semaphore, #tpu.memory_space<semaphore_mem>>) src(%dma_wait3A_105 : memref<20000x128xf32, #tpu.memory_space<hbm>>) dst(%dma_wait3A_99 : memref<64x128xf32, #tpu.memory_space<vmem>>)
        %dma_wait3A_106 = arith.constant 64 : i32
        %dma_wait3A_107 = arith.constant 0 : i32
        %dma_wait3A_108 = tpu.memref_slice %arg9[%dma_wait3A_106, %dma_wait3A_107] : memref<128x128xf32, #tpu.memory_space<vmem>> -> memref<64x128xf32, #tpu.memory_space<vmem>>
        %dma_wait3A_109 = arith.constant 64 : i32
        %dma_wait3A_110 = tpu.memref_slice %arg10[%add3A_89, %dma_wait3A_109] : memref<16x128xi32, #tpu.memory_space<vmem>> -> memref<1x64xi32, #tpu.memory_space<vmem>>
        %dma_wait3A_111 = tpu.memref_squeeze %dma_wait3A_110 : memref<1x64xi32, #tpu.memory_space<vmem>> -> memref<64xi32, #tpu.memory_space<vmem>>
        %dma_wait3A_112 = arith.constant 0 : i32
        %dma_wait3A_113 = arith.constant 0 : i32
        %dma_wait3A_114 = tpu.memref_slice %arg2[%dma_wait3A_112, %dma_wait3A_113] : memref<20000x128xf32, #tpu.memory_space<hbm>> -> memref<20000x128xf32, #tpu.memory_space<hbm>>
        tpu.wait_indirect_dma semaphore(%arg15 : memref<!tpu.dma_semaphore, #tpu.memory_space<semaphore_mem>>) src(%dma_wait3A_114 : memref<20000x128xf32, #tpu.memory_space<hbm>>) dst(%dma_wait3A_108 : memref<64x128xf32, #tpu.memory_space<vmem>>)
        %dma_start3A_115 = arith.constant 0 : i32
        %dma_start3A_116 = tpu.memref_slice %arg11[%add3A_89, %dma_start3A_115] : memref<16x128xi32, #tpu.memory_space<vmem>> -> memref<1x128xi32, #tpu.memory_space<vmem>>
        %dma_start3A_117 = tpu.memref_squeeze %dma_start3A_116 : memref<1x128xi32, #tpu.memory_space<vmem>> -> memref<128xi32, #tpu.memory_space<vmem>>
        %dma_start3A_118 = arith.constant 0 : i32
        %dma_start3A_119 = arith.constant 0 : i32
        %dma_start3A_120 = tpu.memref_slice %arg7[%dma_start3A_118, %dma_start3A_119] : memref<10240x128xf32, #tpu.memory_space<vmem_shared>> -> memref<10240x128xf32, #tpu.memory_space<vmem_shared>>
        tpu.enqueue_indirect_dma source(%arg9 : memref<128x128xf32, #tpu.memory_space<vmem>>) target(%dma_start3A_120 : memref<10240x128xf32, #tpu.memory_space<vmem_shared>>) offsets(%dma_start3A_117 : memref<128xi32, #tpu.memory_space<vmem>>) semaphore(%arg17 : memref<!tpu.dma_semaphore, #tpu.memory_space<semaphore_mem>>) {add = true}
      }
      %scan3A_40 = arith.constant 8 : i32
      %dma_wait3A = arith.constant 14 : i32
      %dma_wait3A_41 = arith.constant 0 : i32
      %dma_wait3A_42 = tpu.memref_slice %arg11[%dma_wait3A, %dma_wait3A_41] : memref<16x128xi32, #tpu.memory_space<vmem>> -> memref<1x128xi32, #tpu.memory_space<vmem>>
      %dma_wait3A_43 = tpu.memref_squeeze %dma_wait3A_42 : memref<1x128xi32, #tpu.memory_space<vmem>> -> memref<128xi32, #tpu.memory_space<vmem>>
      %dma_wait3A_44 = arith.constant 0 : i32
      %dma_wait3A_45 = arith.constant 0 : i32
      %dma_wait3A_46 = tpu.memref_slice %arg7[%dma_wait3A_44, %dma_wait3A_45] : memref<10240x128xf32, #tpu.memory_space<vmem_shared>> -> memref<10240x128xf32, #tpu.memory_space<vmem_shared>>
      tpu.wait_indirect_dma semaphore(%arg16 : memref<!tpu.dma_semaphore, #tpu.memory_space<semaphore_mem>>) src(%arg8 : memref<128x128xf32, #tpu.memory_space<vmem>>) dst(%dma_wait3A_46 : memref<10240x128xf32, #tpu.memory_space<vmem_shared>>)
      %dma_wait3A_47 = arith.constant 15 : i32
      %dma_wait3A_48 = arith.constant 0 : i32
      %dma_wait3A_49 = tpu.memref_slice %arg11[%dma_wait3A_47, %dma_wait3A_48] : memref<16x128xi32, #tpu.memory_space<vmem>> -> memref<1x128xi32, #tpu.memory_space<vmem>>
      %dma_wait3A_50 = tpu.memref_squeeze %dma_wait3A_49 : memref<1x128xi32, #tpu.memory_space<vmem>> -> memref<128xi32, #tpu.memory_space<vmem>>
      %dma_wait3A_51 = arith.constant 0 : i32
      %dma_wait3A_52 = arith.constant 0 : i32
      %dma_wait3A_53 = tpu.memref_slice %arg7[%dma_wait3A_51, %dma_wait3A_52] : memref<10240x128xf32, #tpu.memory_space<vmem_shared>> -> memref<10240x128xf32, #tpu.memory_space<vmem_shared>>
      tpu.wait_indirect_dma semaphore(%arg17 : memref<!tpu.dma_semaphore, #tpu.memory_space<semaphore_mem>>) src(%arg9 : memref<128x128xf32, #tpu.memory_space<vmem>>) dst(%dma_wait3A_53 : memref<10240x128xf32, #tpu.memory_space<vmem_shared>>)
    }
    %scan3A_5 = arith.constant 10 : i32
    %barrier3A_6 = arith.constant 0 : index
    tpu.barrier barrier_id(%barrier3A_6)
    %mul3A_7 = arith.constant 640 : i32
    %mul3A_8 = arith.muli %arg1, %mul3A_7 : i32
    %mul3A_9 = arith.constant 640 : i32
    %mul3A_10 = arith.muli %arg1, %mul3A_9 : i32
    "tpu.region"() ({
      %run_scoped3A = tpu.sem_alloc : memref<!tpu.dma_semaphore, #tpu.memory_space<semaphore_mem>>
      %dma_start3A = arith.constant 0 : i32
      %dma_start3A_11 = tpu.memref_slice %arg6[%arg0, %mul3A_10, %dma_start3A] : memref<2x10240x128xf32, #tpu.memory_space<hbm>> -> memref<1x640x128xf32, #tpu.memory_space<hbm>>
      %dma_start3A_12 = tpu.memref_squeeze %dma_start3A_11 : memref<1x640x128xf32, #tpu.memory_space<hbm>> -> memref<640x128xf32, #tpu.memory_space<hbm>>
      %dma_start3A_13 = arith.constant 0 : i32
      %dma_start3A_14 = tpu.memref_slice %arg7[%mul3A_8, %dma_start3A_13] : memref<10240x128xf32, #tpu.memory_space<vmem_shared>> -> memref<640x128xf32, #tpu.memory_space<vmem_shared>>
      tpu.enqueue_dma source(%dma_start3A_14 : memref<640x128xf32, #tpu.memory_space<vmem_shared>>) target(%dma_start3A_12 : memref<640x128xf32, #tpu.memory_space<hbm>>) target_semaphore(%run_scoped3A : memref<!tpu.dma_semaphore, #tpu.memory_space<semaphore_mem>>)
      %dma_wait3A = arith.constant 0 : i32
      %dma_wait3A_15 = tpu.memref_slice %arg6[%arg0, %mul3A_10, %dma_wait3A] : memref<2x10240x128xf32, #tpu.memory_space<hbm>> -> memref<1x640x128xf32, #tpu.memory_space<hbm>>
      %dma_wait3A_16 = tpu.memref_squeeze %dma_wait3A_15 : memref<1x640x128xf32, #tpu.memory_space<hbm>> -> memref<640x128xf32, #tpu.memory_space<hbm>>
      %dma_wait3A_17 = arith.constant 0 : i32
      %dma_wait3A_18 = tpu.memref_slice %arg7[%mul3A_8, %dma_wait3A_17] : memref<10240x128xf32, #tpu.memory_space<vmem_shared>> -> memref<640x128xf32, #tpu.memory_space<vmem_shared>>
      tpu.wait_dma2 semaphore(%run_scoped3A : memref<!tpu.dma_semaphore, #tpu.memory_space<semaphore_mem>>) src(%dma_wait3A_18 : memref<640x128xf32, #tpu.memory_space<vmem_shared>>) dst(%dma_wait3A_16 : memref<640x128xf32, #tpu.memory_space<hbm>>)
      tpu.yield
    }) : () -> ()
    return
  }
}

#map = affine_map<(d0, d1) -> (0, 0, 0, 0)>
#map1 = affine_map<(d0, d1) -> (0, 0)>
#map2 = affine_map<(d0, d1) -> (0, 0, 0)>
module attributes {stable_mosaic.version = 14 : i64} {
  func.func @_sc_degree(%arg0: i32, %arg1: i32, %arg2: memref<2x16x160x128xi32, #tpu.memory_space<hbm>>, %arg3: memref<128x128xf32, #tpu.memory_space<hbm>>, %arg4: memref<640x128xf32, #tpu.memory_space<hbm>>, %arg5: memref<2x10240x128xf32, #tpu.memory_space<hbm>>, %arg6: memref<10240x128xf32, #tpu.memory_space<vmem_shared>>, %arg7: memref<128x128xf32, #tpu.memory_space<vmem>>, %arg8: memref<160x128xi32, #tpu.memory_space<vmem>>) attributes {dimension_semantics = [#tpu.dimension_semantics<core_parallel>, #tpu.dimension_semantics<subcore_parallel>], iteration_bounds = array<i64: 2, 16>, scalar_prefetch = 0 : i64, scratch_operands = 3 : i64, tpu.core_type = #tpu.core_type<sc_vector_subcore>, window_params = [{transform_indices = #map}, {transform_indices = #map1}, {transform_indices = #map1}, {transform_indices = #map2}]} {
    %mul3A = arith.constant 640 : i32
    %mul3A_0 = arith.muli %arg1, %mul3A : i32
    "tpu.region"() ({
      %run_scoped3A = tpu.sem_alloc : memref<!tpu.dma_semaphore, #tpu.memory_space<semaphore_mem>>
      %dma_start3A = arith.constant 0 : i32
      %dma_start3A_11 = tpu.memref_slice %arg6[%mul3A_0, %dma_start3A] : memref<10240x128xf32, #tpu.memory_space<vmem_shared>> -> memref<640x128xf32, #tpu.memory_space<vmem_shared>>
      tpu.enqueue_dma source(%arg4 : memref<640x128xf32, #tpu.memory_space<hbm>>) target(%dma_start3A_11 : memref<640x128xf32, #tpu.memory_space<vmem_shared>>) target_semaphore(%run_scoped3A : memref<!tpu.dma_semaphore, #tpu.memory_space<semaphore_mem>>)
      %dma_wait3A = arith.constant 0 : i32
      %dma_wait3A_12 = tpu.memref_slice %arg6[%mul3A_0, %dma_wait3A] : memref<10240x128xf32, #tpu.memory_space<vmem_shared>> -> memref<640x128xf32, #tpu.memory_space<vmem_shared>>
      tpu.wait_dma2 semaphore(%run_scoped3A : memref<!tpu.dma_semaphore, #tpu.memory_space<semaphore_mem>>) src(%arg4 : memref<640x128xf32, #tpu.memory_space<hbm>>) dst(%dma_wait3A_12 : memref<640x128xf32, #tpu.memory_space<vmem_shared>>)
      tpu.yield
    }) : () -> ()
    "tpu.region"() ({
      %run_scoped3A = tpu.sem_alloc : memref<!tpu.dma_semaphore, #tpu.memory_space<semaphore_mem>>
      tpu.enqueue_dma source(%arg3 : memref<128x128xf32, #tpu.memory_space<hbm>>) target(%arg7 : memref<128x128xf32, #tpu.memory_space<vmem>>) target_semaphore(%run_scoped3A : memref<!tpu.dma_semaphore, #tpu.memory_space<semaphore_mem>>)
      tpu.wait_dma2 semaphore(%run_scoped3A : memref<!tpu.dma_semaphore, #tpu.memory_space<semaphore_mem>>) src(%arg3 : memref<128x128xf32, #tpu.memory_space<hbm>>) dst(%arg7 : memref<128x128xf32, #tpu.memory_space<vmem>>)
      tpu.yield
    }) : () -> ()
    "tpu.region"() ({
      %run_scoped3A = tpu.sem_alloc : memref<!tpu.dma_semaphore, #tpu.memory_space<semaphore_mem>>
      %dma_start3A = arith.constant 0 : i32
      %dma_start3A_11 = arith.constant 0 : i32
      %dma_start3A_12 = tpu.memref_slice %arg2[%arg0, %arg1, %dma_start3A, %dma_start3A_11] : memref<2x16x160x128xi32, #tpu.memory_space<hbm>> -> memref<1x1x160x128xi32, #tpu.memory_space<hbm>>
      %dma_start3A_13 = tpu.memref_squeeze %dma_start3A_12 : memref<1x1x160x128xi32, #tpu.memory_space<hbm>> -> memref<160x128xi32, #tpu.memory_space<hbm>>
      %dma_start3A_14 = arith.constant 0 : i32
      %dma_start3A_15 = arith.constant 0 : i32
      %dma_start3A_16 = tpu.memref_slice %arg2[%arg0, %arg1, %dma_start3A_14, %dma_start3A_15] : memref<2x16x160x128xi32, #tpu.memory_space<hbm>> -> memref<1x1x160x128xi32, #tpu.memory_space<hbm>>
      %dma_start3A_17 = tpu.memref_squeeze %dma_start3A_16 : memref<1x1x160x128xi32, #tpu.memory_space<hbm>> -> memref<160x128xi32, #tpu.memory_space<hbm>>
      tpu.enqueue_dma source(%dma_start3A_17 : memref<160x128xi32, #tpu.memory_space<hbm>>) target(%arg8 : memref<160x128xi32, #tpu.memory_space<vmem>>) target_semaphore(%run_scoped3A : memref<!tpu.dma_semaphore, #tpu.memory_space<semaphore_mem>>)
      %dma_wait3A = arith.constant 0 : i32
      %dma_wait3A_18 = arith.constant 0 : i32
      %dma_wait3A_19 = tpu.memref_slice %arg2[%arg0, %arg1, %dma_wait3A, %dma_wait3A_18] : memref<2x16x160x128xi32, #tpu.memory_space<hbm>> -> memref<1x1x160x128xi32, #tpu.memory_space<hbm>>
      %dma_wait3A_20 = tpu.memref_squeeze %dma_wait3A_19 : memref<1x1x160x128xi32, #tpu.memory_space<hbm>> -> memref<160x128xi32, #tpu.memory_space<hbm>>
      %dma_wait3A_21 = arith.constant 0 : i32
      %dma_wait3A_22 = arith.constant 0 : i32
      %dma_wait3A_23 = tpu.memref_slice %arg2[%arg0, %arg1, %dma_wait3A_21, %dma_wait3A_22] : memref<2x16x160x128xi32, #tpu.memory_space<hbm>> -> memref<1x1x160x128xi32, #tpu.memory_space<hbm>>
      %dma_wait3A_24 = tpu.memref_squeeze %dma_wait3A_23 : memref<1x1x160x128xi32, #tpu.memory_space<hbm>> -> memref<160x128xi32, #tpu.memory_space<hbm>>
      tpu.wait_dma2 semaphore(%run_scoped3A : memref<!tpu.dma_semaphore, #tpu.memory_space<semaphore_mem>>) src(%dma_wait3A_24 : memref<160x128xi32, #tpu.memory_space<hbm>>) dst(%arg8 : memref<160x128xi32, #tpu.memory_space<vmem>>)
      tpu.yield
    }) : () -> ()
    %barrier3A = arith.constant 0 : index
    tpu.barrier barrier_id(%barrier3A)
    %scan3A = arith.constant 0 : i32
    %scan3A_1 = arith.constant 0 : i32
    %scan3A_2 = arith.constant 160 : i32
    %scan3A_3 = arith.addi %scan3A_1, %scan3A_2 : i32
    %scan3A_4 = arith.constant 1 : i32
    scf.for %scan3A_11 = %scan3A_1 to %scan3A_3 step %scan3A_4  : i32 {
      "tpu.region"() ({
        %run_scoped3A = tpu.sem_alloc : memref<!tpu.dma_semaphore, #tpu.memory_space<semaphore_mem>>
        %dma_start3A = arith.constant 0 : i32
        %dma_start3A_12 = tpu.memref_slice %arg8[%scan3A_11, %dma_start3A] : memref<160x128xi32, #tpu.memory_space<vmem>> -> memref<1x128xi32, #tpu.memory_space<vmem>>
        %dma_start3A_13 = tpu.memref_squeeze %dma_start3A_12 : memref<1x128xi32, #tpu.memory_space<vmem>> -> memref<128xi32, #tpu.memory_space<vmem>>
        %dma_start3A_14 = arith.constant 0 : i32
        %dma_start3A_15 = arith.constant 0 : i32
        %dma_start3A_16 = tpu.memref_slice %arg6[%dma_start3A_14, %dma_start3A_15] : memref<10240x128xf32, #tpu.memory_space<vmem_shared>> -> memref<10240x128xf32, #tpu.memory_space<vmem_shared>>
        tpu.enqueue_indirect_dma source(%arg7 : memref<128x128xf32, #tpu.memory_space<vmem>>) target(%dma_start3A_16 : memref<10240x128xf32, #tpu.memory_space<vmem_shared>>) offsets(%dma_start3A_13 : memref<128xi32, #tpu.memory_space<vmem>>) semaphore(%run_scoped3A : memref<!tpu.dma_semaphore, #tpu.memory_space<semaphore_mem>>) {add = true}
        %dma_wait3A = arith.constant 0 : i32
        %dma_wait3A_17 = tpu.memref_slice %arg8[%scan3A_11, %dma_wait3A] : memref<160x128xi32, #tpu.memory_space<vmem>> -> memref<1x128xi32, #tpu.memory_space<vmem>>
        %dma_wait3A_18 = tpu.memref_squeeze %dma_wait3A_17 : memref<1x128xi32, #tpu.memory_space<vmem>> -> memref<128xi32, #tpu.memory_space<vmem>>
        %dma_wait3A_19 = arith.constant 0 : i32
        %dma_wait3A_20 = arith.constant 0 : i32
        %dma_wait3A_21 = tpu.memref_slice %arg6[%dma_wait3A_19, %dma_wait3A_20] : memref<10240x128xf32, #tpu.memory_space<vmem_shared>> -> memref<10240x128xf32, #tpu.memory_space<vmem_shared>>
        tpu.wait_indirect_dma semaphore(%run_scoped3A : memref<!tpu.dma_semaphore, #tpu.memory_space<semaphore_mem>>) src(%arg7 : memref<128x128xf32, #tpu.memory_space<vmem>>) dst(%dma_wait3A_21 : memref<10240x128xf32, #tpu.memory_space<vmem_shared>>)
        tpu.yield
      }) : () -> ()
    }
    %scan3A_5 = arith.constant 160 : i32
    %barrier3A_6 = arith.constant 0 : index
    tpu.barrier barrier_id(%barrier3A_6)
    %mul3A_7 = arith.constant 640 : i32
    %mul3A_8 = arith.muli %arg1, %mul3A_7 : i32
    %mul3A_9 = arith.constant 640 : i32
    %mul3A_10 = arith.muli %arg1, %mul3A_9 : i32
    "tpu.region"() ({
      %run_scoped3A = tpu.sem_alloc : memref<!tpu.dma_semaphore, #tpu.memory_space<semaphore_mem>>
      %dma_start3A = arith.constant 0 : i32
      %dma_start3A_11 = tpu.memref_slice %arg5[%arg0, %mul3A_10, %dma_start3A] : memref<2x10240x128xf32, #tpu.memory_space<hbm>> -> memref<1x640x128xf32, #tpu.memory_space<hbm>>
      %dma_start3A_12 = tpu.memref_squeeze %dma_start3A_11 : memref<1x640x128xf32, #tpu.memory_space<hbm>> -> memref<640x128xf32, #tpu.memory_space<hbm>>
      %dma_start3A_13 = arith.constant 0 : i32
      %dma_start3A_14 = tpu.memref_slice %arg6[%mul3A_8, %dma_start3A_13] : memref<10240x128xf32, #tpu.memory_space<vmem_shared>> -> memref<640x128xf32, #tpu.memory_space<vmem_shared>>
      tpu.enqueue_dma source(%dma_start3A_14 : memref<640x128xf32, #tpu.memory_space<vmem_shared>>) target(%dma_start3A_12 : memref<640x128xf32, #tpu.memory_space<hbm>>) target_semaphore(%run_scoped3A : memref<!tpu.dma_semaphore, #tpu.memory_space<semaphore_mem>>)
      %dma_wait3A = arith.constant 0 : i32
      %dma_wait3A_15 = tpu.memref_slice %arg5[%arg0, %mul3A_10, %dma_wait3A] : memref<2x10240x128xf32, #tpu.memory_space<hbm>> -> memref<1x640x128xf32, #tpu.memory_space<hbm>>
      %dma_wait3A_16 = tpu.memref_squeeze %dma_wait3A_15 : memref<1x640x128xf32, #tpu.memory_space<hbm>> -> memref<640x128xf32, #tpu.memory_space<hbm>>
      %dma_wait3A_17 = arith.constant 0 : i32
      %dma_wait3A_18 = tpu.memref_slice %arg6[%mul3A_8, %dma_wait3A_17] : memref<10240x128xf32, #tpu.memory_space<vmem_shared>> -> memref<640x128xf32, #tpu.memory_space<vmem_shared>>
      tpu.wait_dma2 semaphore(%run_scoped3A : memref<!tpu.dma_semaphore, #tpu.memory_space<semaphore_mem>>) src(%dma_wait3A_18 : memref<640x128xf32, #tpu.memory_space<vmem_shared>>) dst(%dma_wait3A_16 : memref<640x128xf32, #tpu.memory_space<hbm>>)
      tpu.yield
    }) : () -> ()
    return
  }
}

#map = affine_map<(d0, d1) -> (0, 0)>
#map1 = affine_map<(d0, d1) -> (0, 0, 0, 0)>
#map2 = affine_map<(d0, d1) -> (0, 0, 0)>
module attributes {stable_mosaic.version = 14 : i64} {
  func.func @_sc_segsum(%arg0: i32, %arg1: i32, %arg2: memref<20000x128xf32, #tpu.memory_space<hbm>>, %arg3: memref<2x16x160x128xi32, #tpu.memory_space<hbm>>, %arg4: memref<2x16x160x128xi32, #tpu.memory_space<hbm>>, %arg5: memref<640x128xf32, #tpu.memory_space<hbm>>, %arg6: memref<2x10240x128xf32, #tpu.memory_space<hbm>>, %arg7: memref<10240x128xf32, #tpu.memory_space<vmem_shared>>, %arg8: memref<128x128xf32, #tpu.memory_space<vmem>>, %arg9: memref<128x128xf32, #tpu.memory_space<vmem>>, %arg10: memref<16x128xi32, #tpu.memory_space<vmem>>, %arg11: memref<16x128xi32, #tpu.memory_space<vmem>>, %arg12: memref<!tpu.dma_semaphore, #tpu.memory_space<semaphore_mem>>, %arg13: memref<!tpu.dma_semaphore, #tpu.memory_space<semaphore_mem>>, %arg14: memref<!tpu.dma_semaphore, #tpu.memory_space<semaphore_mem>>, %arg15: memref<!tpu.dma_semaphore, #tpu.memory_space<semaphore_mem>>, %arg16: memref<!tpu.dma_semaphore, #tpu.memory_space<semaphore_mem>>, %arg17: memref<!tpu.dma_semaphore, #tpu.memory_space<semaphore_mem>>) attributes {dimension_semantics = [#tpu.dimension_semantics<core_parallel>, #tpu.dimension_semantics<subcore_parallel>], iteration_bounds = array<i64: 2, 16>, scalar_prefetch = 0 : i64, scratch_operands = 11 : i64, tpu.core_type = #tpu.core_type<sc_vector_subcore>, window_params = [{transform_indices = #map}, {transform_indices = #map1}, {transform_indices = #map1}, {transform_indices = #map}, {transform_indices = #map2}]} {
    %mul3A = arith.constant 640 : i32
    %mul3A_0 = arith.muli %arg1, %mul3A : i32
    "tpu.region"() ({
      %run_scoped3A = tpu.sem_alloc : memref<!tpu.dma_semaphore, #tpu.memory_space<semaphore_mem>>
      %dma_start3A = arith.constant 0 : i32
      %dma_start3A_11 = tpu.memref_slice %arg7[%mul3A_0, %dma_start3A] : memref<10240x128xf32, #tpu.memory_space<vmem_shared>> -> memref<640x128xf32, #tpu.memory_space<vmem_shared>>
      tpu.enqueue_dma source(%arg5 : memref<640x128xf32, #tpu.memory_space<hbm>>) target(%dma_start3A_11 : memref<640x128xf32, #tpu.memory_space<vmem_shared>>) target_semaphore(%run_scoped3A : memref<!tpu.dma_semaphore, #tpu.memory_space<semaphore_mem>>)
      %dma_wait3A = arith.constant 0 : i32
      %dma_wait3A_12 = tpu.memref_slice %arg7[%mul3A_0, %dma_wait3A] : memref<10240x128xf32, #tpu.memory_space<vmem_shared>> -> memref<640x128xf32, #tpu.memory_space<vmem_shared>>
      tpu.wait_dma2 semaphore(%run_scoped3A : memref<!tpu.dma_semaphore, #tpu.memory_space<semaphore_mem>>) src(%arg5 : memref<640x128xf32, #tpu.memory_space<hbm>>) dst(%dma_wait3A_12 : memref<640x128xf32, #tpu.memory_space<vmem_shared>>)
      tpu.yield
    }) : () -> ()
    %barrier3A = arith.constant 0 : index
    tpu.barrier barrier_id(%barrier3A)
    %scan3A = arith.constant 0 : i32
    %scan3A_1 = arith.constant 0 : i32
    %scan3A_2 = arith.constant 10 : i32
    %scan3A_3 = arith.addi %scan3A_1, %scan3A_2 : i32
    %scan3A_4 = arith.constant 1 : i32
    scf.for %scan3A_11 = %scan3A_1 to %scan3A_3 step %scan3A_4  : i32 {
      %mul3A_12 = arith.constant 16 : i32
      %mul3A_13 = arith.muli %scan3A_11, %mul3A_12 : i32
      "tpu.region"() ({
        %run_scoped3A = tpu.sem_alloc : memref<!tpu.dma_semaphore, #tpu.memory_space<semaphore_mem>>
        %dma_start3A_54 = arith.constant 0 : i32
        %dma_start3A_55 = tpu.memref_slice %arg3[%arg0, %arg1, %mul3A_13, %dma_start3A_54] : memref<2x16x160x128xi32, #tpu.memory_space<hbm>> -> memref<1x1x16x128xi32, #tpu.memory_space<hbm>>
        %dma_start3A_56 = tpu.memref_squeeze %dma_start3A_55 : memref<1x1x16x128xi32, #tpu.memory_space<hbm>> -> memref<16x128xi32, #tpu.memory_space<hbm>>
        %dma_start3A_57 = arith.constant 0 : i32
        %dma_start3A_58 = tpu.memref_slice %arg3[%arg0, %arg1, %mul3A_13, %dma_start3A_57] : memref<2x16x160x128xi32, #tpu.memory_space<hbm>> -> memref<1x1x16x128xi32, #tpu.memory_space<hbm>>
        %dma_start3A_59 = tpu.memref_squeeze %dma_start3A_58 : memref<1x1x16x128xi32, #tpu.memory_space<hbm>> -> memref<16x128xi32, #tpu.memory_space<hbm>>
        tpu.enqueue_dma source(%dma_start3A_59 : memref<16x128xi32, #tpu.memory_space<hbm>>) target(%arg10 : memref<16x128xi32, #tpu.memory_space<vmem>>) target_semaphore(%run_scoped3A : memref<!tpu.dma_semaphore, #tpu.memory_space<semaphore_mem>>)
        %dma_wait3A_60 = arith.constant 0 : i32
        %dma_wait3A_61 = tpu.memref_slice %arg3[%arg0, %arg1, %mul3A_13, %dma_wait3A_60] : memref<2x16x160x128xi32, #tpu.memory_space<hbm>> -> memref<1x1x16x128xi32, #tpu.memory_space<hbm>>
        %dma_wait3A_62 = tpu.memref_squeeze %dma_wait3A_61 : memref<1x1x16x128xi32, #tpu.memory_space<hbm>> -> memref<16x128xi32, #tpu.memory_space<hbm>>
        %dma_wait3A_63 = arith.constant 0 : i32
        %dma_wait3A_64 = tpu.memref_slice %arg3[%arg0, %arg1, %mul3A_13, %dma_wait3A_63] : memref<2x16x160x128xi32, #tpu.memory_space<hbm>> -> memref<1x1x16x128xi32, #tpu.memory_space<hbm>>
        %dma_wait3A_65 = tpu.memref_squeeze %dma_wait3A_64 : memref<1x1x16x128xi32, #tpu.memory_space<hbm>> -> memref<16x128xi32, #tpu.memory_space<hbm>>
        tpu.wait_dma2 semaphore(%run_scoped3A : memref<!tpu.dma_semaphore, #tpu.memory_space<semaphore_mem>>) src(%dma_wait3A_65 : memref<16x128xi32, #tpu.memory_space<hbm>>) dst(%arg10 : memref<16x128xi32, #tpu.memory_space<vmem>>)
        tpu.yield
      }) : () -> ()
      %mul3A_14 = arith.constant 16 : i32
      %mul3A_15 = arith.muli %scan3A_11, %mul3A_14 : i32
      "tpu.region"() ({
        %run_scoped3A = tpu.sem_alloc : memref<!tpu.dma_semaphore, #tpu.memory_space<semaphore_mem>>
        %dma_start3A_54 = arith.constant 0 : i32
        %dma_start3A_55 = tpu.memref_slice %arg4[%arg0, %arg1, %mul3A_15, %dma_start3A_54] : memref<2x16x160x128xi32, #tpu.memory_space<hbm>> -> memref<1x1x16x128xi32, #tpu.memory_space<hbm>>
        %dma_start3A_56 = tpu.memref_squeeze %dma_start3A_55 : memref<1x1x16x128xi32, #tpu.memory_space<hbm>> -> memref<16x128xi32, #tpu.memory_space<hbm>>
        %dma_start3A_57 = arith.constant 0 : i32
        %dma_start3A_58 = tpu.memref_slice %arg4[%arg0, %arg1, %mul3A_15, %dma_start3A_57] : memref<2x16x160x128xi32, #tpu.memory_space<hbm>> -> memref<1x1x16x128xi32, #tpu.memory_space<hbm>>
        %dma_start3A_59 = tpu.memref_squeeze %dma_start3A_58 : memref<1x1x16x128xi32, #tpu.memory_space<hbm>> -> memref<16x128xi32, #tpu.memory_space<hbm>>
        tpu.enqueue_dma source(%dma_start3A_59 : memref<16x128xi32, #tpu.memory_space<hbm>>) target(%arg11 : memref<16x128xi32, #tpu.memory_space<vmem>>) target_semaphore(%run_scoped3A : memref<!tpu.dma_semaphore, #tpu.memory_space<semaphore_mem>>)
        %dma_wait3A_60 = arith.constant 0 : i32
        %dma_wait3A_61 = tpu.memref_slice %arg4[%arg0, %arg1, %mul3A_15, %dma_wait3A_60] : memref<2x16x160x128xi32, #tpu.memory_space<hbm>> -> memref<1x1x16x128xi32, #tpu.memory_space<hbm>>
        %dma_wait3A_62 = tpu.memref_squeeze %dma_wait3A_61 : memref<1x1x16x128xi32, #tpu.memory_space<hbm>> -> memref<16x128xi32, #tpu.memory_space<hbm>>
        %dma_wait3A_63 = arith.constant 0 : i32
        %dma_wait3A_64 = tpu.memref_slice %arg4[%arg0, %arg1, %mul3A_15, %dma_wait3A_63] : memref<2x16x160x128xi32, #tpu.memory_space<hbm>> -> memref<1x1x16x128xi32, #tpu.memory_space<hbm>>
        %dma_wait3A_65 = tpu.memref_squeeze %dma_wait3A_64 : memref<1x1x16x128xi32, #tpu.memory_space<hbm>> -> memref<16x128xi32, #tpu.memory_space<hbm>>
        tpu.wait_dma2 semaphore(%run_scoped3A : memref<!tpu.dma_semaphore, #tpu.memory_space<semaphore_mem>>) src(%dma_wait3A_65 : memref<16x128xi32, #tpu.memory_space<hbm>>) dst(%arg11 : memref<16x128xi32, #tpu.memory_space<vmem>>)
        tpu.yield
      }) : () -> ()
      %dma_start3A = arith.constant 0 : i32
      %dma_start3A_16 = arith.constant 0 : i32
      %dma_start3A_17 = arith.constant 0 : i32
      %dma_start3A_18 = tpu.memref_slice %arg8[%dma_start3A_16, %dma_start3A_17] : memref<128x128xf32, #tpu.memory_space<vmem>> -> memref<64x128xf32, #tpu.memory_space<vmem>>
      %dma_start3A_19 = arith.constant 0 : i32
      %dma_start3A_20 = tpu.memref_slice %arg10[%dma_start3A, %dma_start3A_19] : memref<16x128xi32, #tpu.memory_space<vmem>> -> memref<1x64xi32, #tpu.memory_space<vmem>>
      %dma_start3A_21 = tpu.memref_squeeze %dma_start3A_20 : memref<1x64xi32, #tpu.memory_space<vmem>> -> memref<64xi32, #tpu.memory_space<vmem>>
      %dma_start3A_22 = arith.constant 0 : i32
      %dma_start3A_23 = arith.constant 0 : i32
      %dma_start3A_24 = tpu.memref_slice %arg2[%dma_start3A_22, %dma_start3A_23] : memref<20000x128xf32, #tpu.memory_space<hbm>> -> memref<20000x128xf32, #tpu.memory_space<hbm>>
      tpu.enqueue_indirect_dma source(%dma_start3A_24 : memref<20000x128xf32, #tpu.memory_space<hbm>>) target(%dma_start3A_18 : memref<64x128xf32, #tpu.memory_space<vmem>>) offsets(%dma_start3A_21 : memref<64xi32, #tpu.memory_space<vmem>>) semaphore(%arg12 : memref<!tpu.dma_semaphore, #tpu.memory_space<semaphore_mem>>)
      %dma_start3A_25 = arith.constant 0 : i32
      %dma_start3A_26 = arith.constant 64 : i32
      %dma_start3A_27 = arith.constant 0 : i32
      %dma_start3A_28 = tpu.memref_slice %arg8[%dma_start3A_26, %dma_start3A_27] : memref<128x128xf32, #tpu.memory_space<vmem>> -> memref<64x128xf32, #tpu.memory_space<vmem>>
      %dma_start3A_29 = arith.constant 64 : i32
      %dma_start3A_30 = tpu.memref_slice %arg10[%dma_start3A_25, %dma_start3A_29] : memref<16x128xi32, #tpu.memory_space<vmem>> -> memref<1x64xi32, #tpu.memory_space<vmem>>
      %dma_start3A_31 = tpu.memref_squeeze %dma_start3A_30 : memref<1x64xi32, #tpu.memory_space<vmem>> -> memref<64xi32, #tpu.memory_space<vmem>>
      %dma_start3A_32 = arith.constant 0 : i32
      %dma_start3A_33 = arith.constant 0 : i32
      %dma_start3A_34 = tpu.memref_slice %arg2[%dma_start3A_32, %dma_start3A_33] : memref<20000x128xf32, #tpu.memory_space<hbm>> -> memref<20000x128xf32, #tpu.memory_space<hbm>>
      tpu.enqueue_indirect_dma source(%dma_start3A_34 : memref<20000x128xf32, #tpu.memory_space<hbm>>) target(%dma_start3A_28 : memref<64x128xf32, #tpu.memory_space<vmem>>) offsets(%dma_start3A_31 : memref<64xi32, #tpu.memory_space<vmem>>) semaphore(%arg13 : memref<!tpu.dma_semaphore, #tpu.memory_space<semaphore_mem>>)
      %scan3A_35 = arith.constant 0 : i32
      %scan3A_36 = arith.constant 0 : i32
      %scan3A_37 = arith.constant 8 : i32
      %scan3A_38 = arith.addi %scan3A_36, %scan3A_37 : i32
      %scan3A_39 = arith.constant 1 : i32
      scf.for %scan3A_54 = %scan3A_36 to %scan3A_38 step %scan3A_39  : i32 {
        %mul3A_55 = arith.constant 2 : i32
        %mul3A_56 = arith.muli %scan3A_54, %mul3A_55 : i32
        %add3A = arith.constant 0 : i32
        %add3A_57 = arith.addi %mul3A_56, %add3A : i32
        %add3A_58 = arith.constant 1 : i32
        %add3A_59 = arith.addi %add3A_57, %add3A_58 : i32
        %lt3A = arith.constant 16 : i32
        %lt3A_60 = arith.cmpi slt, %add3A_59, %lt3A : i32
        %convert_element_type3A = arith.extui %lt3A_60 : i1 to i32
        %cond3A = arith.constant 0 : i32
        %cond3A_61 = arith.cmpi ne, %convert_element_type3A, %cond3A : i32
        scf.if %cond3A_61 {
          %ge3A = arith.constant 1 : i32
          %ge3A_121 = arith.cmpi sge, %add3A_57, %ge3A : i32
          %convert_element_type3A_122 = arith.extui %ge3A_121 : i1 to i32
          %cond3A_123 = arith.constant 0 : i32
          %cond3A_124 = arith.cmpi ne, %convert_element_type3A_122, %cond3A_123 : i32
          scf.if %cond3A_124 {
            %sub3A = arith.constant 1 : i32
            %sub3A_145 = arith.subi %add3A_57, %sub3A : i32
            %dma_wait3A_146 = arith.constant 0 : i32
            %dma_wait3A_147 = tpu.memref_slice %arg11[%sub3A_145, %dma_wait3A_146] : memref<16x128xi32, #tpu.memory_space<vmem>> -> memref<1x128xi32, #tpu.memory_space<vmem>>
            %dma_wait3A_148 = tpu.memref_squeeze %dma_wait3A_147 : memref<1x128xi32, #tpu.memory_space<vmem>> -> memref<128xi32, #tpu.memory_space<vmem>>
            %dma_wait3A_149 = arith.constant 0 : i32
            %dma_wait3A_150 = arith.constant 0 : i32
            %dma_wait3A_151 = tpu.memref_slice %arg7[%dma_wait3A_149, %dma_wait3A_150] : memref<10240x128xf32, #tpu.memory_space<vmem_shared>> -> memref<10240x128xf32, #tpu.memory_space<vmem_shared>>
            tpu.wait_indirect_dma semaphore(%arg17 : memref<!tpu.dma_semaphore, #tpu.memory_space<semaphore_mem>>) src(%arg9 : memref<128x128xf32, #tpu.memory_space<vmem>>) dst(%dma_wait3A_151 : memref<10240x128xf32, #tpu.memory_space<vmem_shared>>)
          } else {
          }
          %add3A_125 = arith.constant 1 : i32
          %add3A_126 = arith.addi %add3A_57, %add3A_125 : i32
          %dma_start3A_127 = arith.constant 0 : i32
          %dma_start3A_128 = arith.constant 0 : i32
          %dma_start3A_129 = tpu.memref_slice %arg9[%dma_start3A_127, %dma_start3A_128] : memref<128x128xf32, #tpu.memory_space<vmem>> -> memref<64x128xf32, #tpu.memory_space<vmem>>
          %dma_start3A_130 = arith.constant 0 : i32
          %dma_start3A_131 = tpu.memref_slice %arg10[%add3A_126, %dma_start3A_130] : memref<16x128xi32, #tpu.memory_space<vmem>> -> memref<1x64xi32, #tpu.memory_space<vmem>>
          %dma_start3A_132 = tpu.memref_squeeze %dma_start3A_131 : memref<1x64xi32, #tpu.memory_space<vmem>> -> memref<64xi32, #tpu.memory_space<vmem>>
          %dma_start3A_133 = arith.constant 0 : i32
          %dma_start3A_134 = arith.constant 0 : i32
          %dma_start3A_135 = tpu.memref_slice %arg2[%dma_start3A_133, %dma_start3A_134] : memref<20000x128xf32, #tpu.memory_space<hbm>> -> memref<20000x128xf32, #tpu.memory_space<hbm>>
          tpu.enqueue_indirect_dma source(%dma_start3A_135 : memref<20000x128xf32, #tpu.memory_space<hbm>>) target(%dma_start3A_129 : memref<64x128xf32, #tpu.memory_space<vmem>>) offsets(%dma_start3A_132 : memref<64xi32, #tpu.memory_space<vmem>>) semaphore(%arg14 : memref<!tpu.dma_semaphore, #tpu.memory_space<semaphore_mem>>)
          %dma_start3A_136 = arith.constant 64 : i32
          %dma_start3A_137 = arith.constant 0 : i32
          %dma_start3A_138 = tpu.memref_slice %arg9[%dma_start3A_136, %dma_start3A_137] : memref<128x128xf32, #tpu.memory_space<vmem>> -> memref<64x128xf32, #tpu.memory_space<vmem>>
          %dma_start3A_139 = arith.constant 64 : i32
          %dma_start3A_140 = tpu.memref_slice %arg10[%add3A_126, %dma_start3A_139] : memref<16x128xi32, #tpu.memory_space<vmem>> -> memref<1x64xi32, #tpu.memory_space<vmem>>
          %dma_start3A_141 = tpu.memref_squeeze %dma_start3A_140 : memref<1x64xi32, #tpu.memory_space<vmem>> -> memref<64xi32, #tpu.memory_space<vmem>>
          %dma_start3A_142 = arith.constant 0 : i32
          %dma_start3A_143 = arith.constant 0 : i32
          %dma_start3A_144 = tpu.memref_slice %arg2[%dma_start3A_142, %dma_start3A_143] : memref<20000x128xf32, #tpu.memory_space<hbm>> -> memref<20000x128xf32, #tpu.memory_space<hbm>>
          tpu.enqueue_indirect_dma source(%dma_start3A_144 : memref<20000x128xf32, #tpu.memory_space<hbm>>) target(%dma_start3A_138 : memref<64x128xf32, #tpu.memory_space<vmem>>) offsets(%dma_start3A_141 : memref<64xi32, #tpu.memory_space<vmem>>) semaphore(%arg15 : memref<!tpu.dma_semaphore, #tpu.memory_space<semaphore_mem>>)
        } else {
        }
        %dma_wait3A_62 = arith.constant 0 : i32
        %dma_wait3A_63 = arith.constant 0 : i32
        %dma_wait3A_64 = tpu.memref_slice %arg8[%dma_wait3A_62, %dma_wait3A_63] : memref<128x128xf32, #tpu.memory_space<vmem>> -> memref<64x128xf32, #tpu.memory_space<vmem>>
        %dma_wait3A_65 = arith.constant 0 : i32
        %dma_wait3A_66 = tpu.memref_slice %arg10[%add3A_57, %dma_wait3A_65] : memref<16x128xi32, #tpu.memory_space<vmem>> -> memref<1x64xi32, #tpu.memory_space<vmem>>
        %dma_wait3A_67 = tpu.memref_squeeze %dma_wait3A_66 : memref<1x64xi32, #tpu.memory_space<vmem>> -> memref<64xi32, #tpu.memory_space<vmem>>
        %dma_wait3A_68 = arith.constant 0 : i32
        %dma_wait3A_69 = arith.constant 0 : i32
        %dma_wait3A_70 = tpu.memref_slice %arg2[%dma_wait3A_68, %dma_wait3A_69] : memref<20000x128xf32, #tpu.memory_space<hbm>> -> memref<20000x128xf32, #tpu.memory_space<hbm>>
        tpu.wait_indirect_dma semaphore(%arg12 : memref<!tpu.dma_semaphore, #tpu.memory_space<semaphore_mem>>) src(%dma_wait3A_70 : memref<20000x128xf32, #tpu.memory_space<hbm>>) dst(%dma_wait3A_64 : memref<64x128xf32, #tpu.memory_space<vmem>>)
        %dma_wait3A_71 = arith.constant 64 : i32
        %dma_wait3A_72 = arith.constant 0 : i32
        %dma_wait3A_73 = tpu.memref_slice %arg8[%dma_wait3A_71, %dma_wait3A_72] : memref<128x128xf32, #tpu.memory_space<vmem>> -> memref<64x128xf32, #tpu.memory_space<vmem>>
        %dma_wait3A_74 = arith.constant 64 : i32
        %dma_wait3A_75 = tpu.memref_slice %arg10[%add3A_57, %dma_wait3A_74] : memref<16x128xi32, #tpu.memory_space<vmem>> -> memref<1x64xi32, #tpu.memory_space<vmem>>
        %dma_wait3A_76 = tpu.memref_squeeze %dma_wait3A_75 : memref<1x64xi32, #tpu.memory_space<vmem>> -> memref<64xi32, #tpu.memory_space<vmem>>
        %dma_wait3A_77 = arith.constant 0 : i32
        %dma_wait3A_78 = arith.constant 0 : i32
        %dma_wait3A_79 = tpu.memref_slice %arg2[%dma_wait3A_77, %dma_wait3A_78] : memref<20000x128xf32, #tpu.memory_space<hbm>> -> memref<20000x128xf32, #tpu.memory_space<hbm>>
        tpu.wait_indirect_dma semaphore(%arg13 : memref<!tpu.dma_semaphore, #tpu.memory_space<semaphore_mem>>) src(%dma_wait3A_79 : memref<20000x128xf32, #tpu.memory_space<hbm>>) dst(%dma_wait3A_73 : memref<64x128xf32, #tpu.memory_space<vmem>>)
        %dma_start3A_80 = arith.constant 0 : i32
        %dma_start3A_81 = tpu.memref_slice %arg11[%add3A_57, %dma_start3A_80] : memref<16x128xi32, #tpu.memory_space<vmem>> -> memref<1x128xi32, #tpu.memory_space<vmem>>
        %dma_start3A_82 = tpu.memref_squeeze %dma_start3A_81 : memref<1x128xi32, #tpu.memory_space<vmem>> -> memref<128xi32, #tpu.memory_space<vmem>>
        %dma_start3A_83 = arith.constant 0 : i32
        %dma_start3A_84 = arith.constant 0 : i32
        %dma_start3A_85 = tpu.memref_slice %arg7[%dma_start3A_83, %dma_start3A_84] : memref<10240x128xf32, #tpu.memory_space<vmem_shared>> -> memref<10240x128xf32, #tpu.memory_space<vmem_shared>>
        tpu.enqueue_indirect_dma source(%arg8 : memref<128x128xf32, #tpu.memory_space<vmem>>) target(%dma_start3A_85 : memref<10240x128xf32, #tpu.memory_space<vmem_shared>>) offsets(%dma_start3A_82 : memref<128xi32, #tpu.memory_space<vmem>>) semaphore(%arg16 : memref<!tpu.dma_semaphore, #tpu.memory_space<semaphore_mem>>) {add = true}
        %mul3A_86 = arith.constant 2 : i32
        %mul3A_87 = arith.muli %scan3A_54, %mul3A_86 : i32
        %add3A_88 = arith.constant 1 : i32
        %add3A_89 = arith.addi %mul3A_87, %add3A_88 : i32
        %add3A_90 = arith.constant 1 : i32
        %add3A_91 = arith.addi %add3A_89, %add3A_90 : i32
        %lt3A_92 = arith.constant 16 : i32
        %lt3A_93 = arith.cmpi slt, %add3A_91, %lt3A_92 : i32
        %convert_element_type3A_94 = arith.extui %lt3A_93 : i1 to i32
        %cond3A_95 = arith.constant 0 : i32
        %cond3A_96 = arith.cmpi ne, %convert_element_type3A_94, %cond3A_95 : i32
        scf.if %cond3A_96 {
          %ge3A = arith.constant 1 : i32
          %ge3A_121 = arith.cmpi sge, %add3A_89, %ge3A : i32
          %convert_element_type3A_122 = arith.extui %ge3A_121 : i1 to i32
          %cond3A_123 = arith.constant 0 : i32
          %cond3A_124 = arith.cmpi ne, %convert_element_type3A_122, %cond3A_123 : i32
          scf.if %cond3A_124 {
            %sub3A = arith.constant 1 : i32
            %sub3A_145 = arith.subi %add3A_89, %sub3A : i32
            %dma_wait3A_146 = arith.constant 0 : i32
            %dma_wait3A_147 = tpu.memref_slice %arg11[%sub3A_145, %dma_wait3A_146] : memref<16x128xi32, #tpu.memory_space<vmem>> -> memref<1x128xi32, #tpu.memory_space<vmem>>
            %dma_wait3A_148 = tpu.memref_squeeze %dma_wait3A_147 : memref<1x128xi32, #tpu.memory_space<vmem>> -> memref<128xi32, #tpu.memory_space<vmem>>
            %dma_wait3A_149 = arith.constant 0 : i32
            %dma_wait3A_150 = arith.constant 0 : i32
            %dma_wait3A_151 = tpu.memref_slice %arg7[%dma_wait3A_149, %dma_wait3A_150] : memref<10240x128xf32, #tpu.memory_space<vmem_shared>> -> memref<10240x128xf32, #tpu.memory_space<vmem_shared>>
            tpu.wait_indirect_dma semaphore(%arg16 : memref<!tpu.dma_semaphore, #tpu.memory_space<semaphore_mem>>) src(%arg8 : memref<128x128xf32, #tpu.memory_space<vmem>>) dst(%dma_wait3A_151 : memref<10240x128xf32, #tpu.memory_space<vmem_shared>>)
          } else {
          }
          %add3A_125 = arith.constant 1 : i32
          %add3A_126 = arith.addi %add3A_89, %add3A_125 : i32
          %dma_start3A_127 = arith.constant 0 : i32
          %dma_start3A_128 = arith.constant 0 : i32
          %dma_start3A_129 = tpu.memref_slice %arg8[%dma_start3A_127, %dma_start3A_128] : memref<128x128xf32, #tpu.memory_space<vmem>> -> memref<64x128xf32, #tpu.memory_space<vmem>>
          %dma_start3A_130 = arith.constant 0 : i32
          %dma_start3A_131 = tpu.memref_slice %arg10[%add3A_126, %dma_start3A_130] : memref<16x128xi32, #tpu.memory_space<vmem>> -> memref<1x64xi32, #tpu.memory_space<vmem>>
          %dma_start3A_132 = tpu.memref_squeeze %dma_start3A_131 : memref<1x64xi32, #tpu.memory_space<vmem>> -> memref<64xi32, #tpu.memory_space<vmem>>
          %dma_start3A_133 = arith.constant 0 : i32
          %dma_start3A_134 = arith.constant 0 : i32
          %dma_start3A_135 = tpu.memref_slice %arg2[%dma_start3A_133, %dma_start3A_134] : memref<20000x128xf32, #tpu.memory_space<hbm>> -> memref<20000x128xf32, #tpu.memory_space<hbm>>
          tpu.enqueue_indirect_dma source(%dma_start3A_135 : memref<20000x128xf32, #tpu.memory_space<hbm>>) target(%dma_start3A_129 : memref<64x128xf32, #tpu.memory_space<vmem>>) offsets(%dma_start3A_132 : memref<64xi32, #tpu.memory_space<vmem>>) semaphore(%arg12 : memref<!tpu.dma_semaphore, #tpu.memory_space<semaphore_mem>>)
          %dma_start3A_136 = arith.constant 64 : i32
          %dma_start3A_137 = arith.constant 0 : i32
          %dma_start3A_138 = tpu.memref_slice %arg8[%dma_start3A_136, %dma_start3A_137] : memref<128x128xf32, #tpu.memory_space<vmem>> -> memref<64x128xf32, #tpu.memory_space<vmem>>
          %dma_start3A_139 = arith.constant 64 : i32
          %dma_start3A_140 = tpu.memref_slice %arg10[%add3A_126, %dma_start3A_139] : memref<16x128xi32, #tpu.memory_space<vmem>> -> memref<1x64xi32, #tpu.memory_space<vmem>>
          %dma_start3A_141 = tpu.memref_squeeze %dma_start3A_140 : memref<1x64xi32, #tpu.memory_space<vmem>> -> memref<64xi32, #tpu.memory_space<vmem>>
          %dma_start3A_142 = arith.constant 0 : i32
          %dma_start3A_143 = arith.constant 0 : i32
          %dma_start3A_144 = tpu.memref_slice %arg2[%dma_start3A_142, %dma_start3A_143] : memref<20000x128xf32, #tpu.memory_space<hbm>> -> memref<20000x128xf32, #tpu.memory_space<hbm>>
          tpu.enqueue_indirect_dma source(%dma_start3A_144 : memref<20000x128xf32, #tpu.memory_space<hbm>>) target(%dma_start3A_138 : memref<64x128xf32, #tpu.memory_space<vmem>>) offsets(%dma_start3A_141 : memref<64xi32, #tpu.memory_space<vmem>>) semaphore(%arg13 : memref<!tpu.dma_semaphore, #tpu.memory_space<semaphore_mem>>)
        } else {
        }
        %dma_wait3A_97 = arith.constant 0 : i32
        %dma_wait3A_98 = arith.constant 0 : i32
        %dma_wait3A_99 = tpu.memref_slice %arg9[%dma_wait3A_97, %dma_wait3A_98] : memref<128x128xf32, #tpu.memory_space<vmem>> -> memref<64x128xf32, #tpu.memory_space<vmem>>
        %dma_wait3A_100 = arith.constant 0 : i32
        %dma_wait3A_101 = tpu.memref_slice %arg10[%add3A_89, %dma_wait3A_100] : memref<16x128xi32, #tpu.memory_space<vmem>> -> memref<1x64xi32, #tpu.memory_space<vmem>>
        %dma_wait3A_102 = tpu.memref_squeeze %dma_wait3A_101 : memref<1x64xi32, #tpu.memory_space<vmem>> -> memref<64xi32, #tpu.memory_space<vmem>>
        %dma_wait3A_103 = arith.constant 0 : i32
        %dma_wait3A_104 = arith.constant 0 : i32
        %dma_wait3A_105 = tpu.memref_slice %arg2[%dma_wait3A_103, %dma_wait3A_104] : memref<20000x128xf32, #tpu.memory_space<hbm>> -> memref<20000x128xf32, #tpu.memory_space<hbm>>
        tpu.wait_indirect_dma semaphore(%arg14 : memref<!tpu.dma_semaphore, #tpu.memory_space<semaphore_mem>>) src(%dma_wait3A_105 : memref<20000x128xf32, #tpu.memory_space<hbm>>) dst(%dma_wait3A_99 : memref<64x128xf32, #tpu.memory_space<vmem>>)
        %dma_wait3A_106 = arith.constant 64 : i32
        %dma_wait3A_107 = arith.constant 0 : i32
        %dma_wait3A_108 = tpu.memref_slice %arg9[%dma_wait3A_106, %dma_wait3A_107] : memref<128x128xf32, #tpu.memory_space<vmem>> -> memref<64x128xf32, #tpu.memory_space<vmem>>
        %dma_wait3A_109 = arith.constant 64 : i32
        %dma_wait3A_110 = tpu.memref_slice %arg10[%add3A_89, %dma_wait3A_109] : memref<16x128xi32, #tpu.memory_space<vmem>> -> memref<1x64xi32, #tpu.memory_space<vmem>>
        %dma_wait3A_111 = tpu.memref_squeeze %dma_wait3A_110 : memref<1x64xi32, #tpu.memory_space<vmem>> -> memref<64xi32, #tpu.memory_space<vmem>>
        %dma_wait3A_112 = arith.constant 0 : i32
        %dma_wait3A_113 = arith.constant 0 : i32
        %dma_wait3A_114 = tpu.memref_slice %arg2[%dma_wait3A_112, %dma_wait3A_113] : memref<20000x128xf32, #tpu.memory_space<hbm>> -> memref<20000x128xf32, #tpu.memory_space<hbm>>
        tpu.wait_indirect_dma semaphore(%arg15 : memref<!tpu.dma_semaphore, #tpu.memory_space<semaphore_mem>>) src(%dma_wait3A_114 : memref<20000x128xf32, #tpu.memory_space<hbm>>) dst(%dma_wait3A_108 : memref<64x128xf32, #tpu.memory_space<vmem>>)
        %dma_start3A_115 = arith.constant 0 : i32
        %dma_start3A_116 = tpu.memref_slice %arg11[%add3A_89, %dma_start3A_115] : memref<16x128xi32, #tpu.memory_space<vmem>> -> memref<1x128xi32, #tpu.memory_space<vmem>>
        %dma_start3A_117 = tpu.memref_squeeze %dma_start3A_116 : memref<1x128xi32, #tpu.memory_space<vmem>> -> memref<128xi32, #tpu.memory_space<vmem>>
        %dma_start3A_118 = arith.constant 0 : i32
        %dma_start3A_119 = arith.constant 0 : i32
        %dma_start3A_120 = tpu.memref_slice %arg7[%dma_start3A_118, %dma_start3A_119] : memref<10240x128xf32, #tpu.memory_space<vmem_shared>> -> memref<10240x128xf32, #tpu.memory_space<vmem_shared>>
        tpu.enqueue_indirect_dma source(%arg9 : memref<128x128xf32, #tpu.memory_space<vmem>>) target(%dma_start3A_120 : memref<10240x128xf32, #tpu.memory_space<vmem_shared>>) offsets(%dma_start3A_117 : memref<128xi32, #tpu.memory_space<vmem>>) semaphore(%arg17 : memref<!tpu.dma_semaphore, #tpu.memory_space<semaphore_mem>>) {add = true}
      }
      %scan3A_40 = arith.constant 8 : i32
      %dma_wait3A = arith.constant 14 : i32
      %dma_wait3A_41 = arith.constant 0 : i32
      %dma_wait3A_42 = tpu.memref_slice %arg11[%dma_wait3A, %dma_wait3A_41] : memref<16x128xi32, #tpu.memory_space<vmem>> -> memref<1x128xi32, #tpu.memory_space<vmem>>
      %dma_wait3A_43 = tpu.memref_squeeze %dma_wait3A_42 : memref<1x128xi32, #tpu.memory_space<vmem>> -> memref<128xi32, #tpu.memory_space<vmem>>
      %dma_wait3A_44 = arith.constant 0 : i32
      %dma_wait3A_45 = arith.constant 0 : i32
      %dma_wait3A_46 = tpu.memref_slice %arg7[%dma_wait3A_44, %dma_wait3A_45] : memref<10240x128xf32, #tpu.memory_space<vmem_shared>> -> memref<10240x128xf32, #tpu.memory_space<vmem_shared>>
      tpu.wait_indirect_dma semaphore(%arg16 : memref<!tpu.dma_semaphore, #tpu.memory_space<semaphore_mem>>) src(%arg8 : memref<128x128xf32, #tpu.memory_space<vmem>>) dst(%dma_wait3A_46 : memref<10240x128xf32, #tpu.memory_space<vmem_shared>>)
      %dma_wait3A_47 = arith.constant 15 : i32
      %dma_wait3A_48 = arith.constant 0 : i32
      %dma_wait3A_49 = tpu.memref_slice %arg11[%dma_wait3A_47, %dma_wait3A_48] : memref<16x128xi32, #tpu.memory_space<vmem>> -> memref<1x128xi32, #tpu.memory_space<vmem>>
      %dma_wait3A_50 = tpu.memref_squeeze %dma_wait3A_49 : memref<1x128xi32, #tpu.memory_space<vmem>> -> memref<128xi32, #tpu.memory_space<vmem>>
      %dma_wait3A_51 = arith.constant 0 : i32
      %dma_wait3A_52 = arith.constant 0 : i32
      %dma_wait3A_53 = tpu.memref_slice %arg7[%dma_wait3A_51, %dma_wait3A_52] : memref<10240x128xf32, #tpu.memory_space<vmem_shared>> -> memref<10240x128xf32, #tpu.memory_space<vmem_shared>>
      tpu.wait_indirect_dma semaphore(%arg17 : memref<!tpu.dma_semaphore, #tpu.memory_space<semaphore_mem>>) src(%arg9 : memref<128x128xf32, #tpu.memory_space<vmem>>) dst(%dma_wait3A_53 : memref<10240x128xf32, #tpu.memory_space<vmem_shared>>)
    }
    %scan3A_5 = arith.constant 10 : i32
    %barrier3A_6 = arith.constant 0 : index
    tpu.barrier barrier_id(%barrier3A_6)
    %mul3A_7 = arith.constant 640 : i32
    %mul3A_8 = arith.muli %arg1, %mul3A_7 : i32
    %mul3A_9 = arith.constant 640 : i32
    %mul3A_10 = arith.muli %arg1, %mul3A_9 : i32
    "tpu.region"() ({
      %run_scoped3A = tpu.sem_alloc : memref<!tpu.dma_semaphore, #tpu.memory_space<semaphore_mem>>
      %dma_start3A = arith.constant 0 : i32
      %dma_start3A_11 = tpu.memref_slice %arg6[%arg0, %mul3A_10, %dma_start3A] : memref<2x10240x128xf32, #tpu.memory_space<hbm>> -> memref<1x640x128xf32, #tpu.memory_space<hbm>>
      %dma_start3A_12 = tpu.memref_squeeze %dma_start3A_11 : memref<1x640x128xf32, #tpu.memory_space<hbm>> -> memref<640x128xf32, #tpu.memory_space<hbm>>
      %dma_start3A_13 = arith.constant 0 : i32
      %dma_start3A_14 = tpu.memref_slice %arg7[%mul3A_8, %dma_start3A_13] : memref<10240x128xf32, #tpu.memory_space<vmem_shared>> -> memref<640x128xf32, #tpu.memory_space<vmem_shared>>
      tpu.enqueue_dma source(%dma_start3A_14 : memref<640x128xf32, #tpu.memory_space<vmem_shared>>) target(%dma_start3A_12 : memref<640x128xf32, #tpu.memory_space<hbm>>) target_semaphore(%run_scoped3A : memref<!tpu.dma_semaphore, #tpu.memory_space<semaphore_mem>>)
      %dma_wait3A = arith.constant 0 : i32
      %dma_wait3A_15 = tpu.memref_slice %arg6[%arg0, %mul3A_10, %dma_wait3A] : memref<2x10240x128xf32, #tpu.memory_space<hbm>> -> memref<1x640x128xf32, #tpu.memory_space<hbm>>
      %dma_wait3A_16 = tpu.memref_squeeze %dma_wait3A_15 : memref<1x640x128xf32, #tpu.memory_space<hbm>> -> memref<640x128xf32, #tpu.memory_space<hbm>>
      %dma_wait3A_17 = arith.constant 0 : i32
      %dma_wait3A_18 = tpu.memref_slice %arg7[%mul3A_8, %dma_wait3A_17] : memref<10240x128xf32, #tpu.memory_space<vmem_shared>> -> memref<640x128xf32, #tpu.memory_space<vmem_shared>>
      tpu.wait_dma2 semaphore(%run_scoped3A : memref<!tpu.dma_semaphore, #tpu.memory_space<semaphore_mem>>) src(%dma_wait3A_18 : memref<640x128xf32, #tpu.memory_space<vmem_shared>>) dst(%dma_wait3A_16 : memref<640x128xf32, #tpu.memory_space<hbm>>)
      tpu.yield
    }) : () -> ()
    return
  }
}

module attributes {stable_mosaic.version = 14 : i64} {
  func.func @_tc_prescale_body(%arg0: i32, %arg1: i32, %arg2: memref<1x1000x128xf32, #tpu.memory_space<vmem>>, %arg3: memref<1x1000x128xf32, #tpu.memory_space<vmem>>, %arg4: memref<1x1000x128xf32, #tpu.memory_space<vmem>>) attributes {dimension_semantics = [#tpu.dimension_semantics<arbitrary>, #tpu.dimension_semantics<arbitrary>], iteration_bounds = array<i64: 2, 10>, scalar_prefetch = 0 : i64, scratch_operands = 0 : i64, tpu.core_type = #tpu.core_type<tc>, window_params = [{transform_indices = @transform_0, window_bounds = array<i64: 1, 1000, 128>}, {transform_indices = @transform_1, window_bounds = array<i64: 1, 1000, 128>}, {transform_indices = @transform_2, window_bounds = array<i64: 1, 1000, 128>}]} {
    %get3A = arith.constant 0 : index
    %get3A_0 = arith.constant 0 : index
    %get3A_1 = arith.constant 0 : index
    %get3A_2 = vector.load %arg3[%get3A, %get3A_0, %get3A_1] : memref<1x1000x128xf32, #tpu.memory_space<vmem>>, vector<1x1000x128xf32>
    %get3A_3 = vector.shape_cast %get3A_2 : vector<1x1000x128xf32> to vector<1000x128xf32>
    %slice3A = vector.extract_strided_slice %get3A_3 {offsets = [0, 0], sizes = [1000, 1], strides = [1, 1]} : vector<1000x128xf32> to vector<1000x1xf32>
    %max3A = arith.constant 1.000000e+00 : f32
    %max3A_4 = vector.broadcast %max3A : f32 to vector<1000x1xf32>
    %max3A_5 = arith.maximumf %slice3A, %max3A_4 : vector<1000x1xf32>
    %rsqrt3A = math.rsqrt %max3A_5 : vector<1000x1xf32>
    %get3A_6 = arith.constant 0 : index
    %get3A_7 = arith.constant 0 : index
    %get3A_8 = arith.constant 0 : index
    %get3A_9 = vector.load %arg2[%get3A_6, %get3A_7, %get3A_8] : memref<1x1000x128xf32, #tpu.memory_space<vmem>>, vector<1x1000x128xf32>
    %get3A_10 = vector.shape_cast %get3A_9 : vector<1x1000x128xf32> to vector<1000x128xf32>
    %mul3A = vector.broadcast %rsqrt3A : vector<1000x1xf32> to vector<1000x128xf32>
    %mul3A_11 = arith.mulf %get3A_10, %mul3A : vector<1000x128xf32>
    %swap3A = arith.constant 0 : index
    %swap3A_12 = arith.constant 0 : index
    %swap3A_13 = arith.constant 0 : index
    %swap3A_14 = vector.load %arg4[%swap3A, %swap3A_12, %swap3A_13] : memref<1x1000x128xf32, #tpu.memory_space<vmem>>, vector<1x1000x128xf32>
    %swap3A_15 = vector.shape_cast %swap3A_14 : vector<1x1000x128xf32> to vector<1000x128xf32>
    %swap3A_16 = vector.shape_cast %mul3A_11 : vector<1000x128xf32> to vector<1x1000x128xf32>
    tpu.vector_store %arg4[%swap3A, %swap3A_12, %swap3A_13], %swap3A_16 {strides = array<i32>} : memref<1x1000x128xf32, #tpu.memory_space<vmem>>, vector<1x1000x128xf32>,
    return
  }
  func.func @transform_0(%arg0: i32, %arg1: i32) -> (i32, i32, i32) {
    %c0_i32 = arith.constant 0 : i32
    %c0_i32_0 = arith.constant 0 : i32
    return %arg0, %arg1, %c0_i32 : i32, i32, i32
  }
  func.func @transform_1(%arg0: i32, %arg1: i32) -> (i32, i32, i32) {
    %c0_i32 = arith.constant 0 : i32
    %c0_i32_0 = arith.constant 0 : i32
    return %arg0, %arg1, %c0_i32 : i32, i32, i32
  }
  func.func @transform_2(%arg0: i32, %arg1: i32) -> (i32, i32, i32) {
    %c0_i32 = arith.constant 0 : i32
    %c0_i32_0 = arith.constant 0 : i32
    return %arg0, %arg1, %c0_i32 : i32, i32, i32
  }
}

module attributes {stable_mosaic.version = 14 : i64} {
  func.func @_tc_layer1_body(%arg0: i32, %arg1: i32, %arg2: memref<1x1000x128xf32, #tpu.memory_space<vmem>>, %arg3: memref<1x1000x128xf32, #tpu.memory_space<vmem>>, %arg4: memref<128x256xf32, #tpu.memory_space<vmem>>, %arg5: memref<1x2x1000x128xf32, #tpu.memory_space<vmem>>) attributes {dimension_semantics = [#tpu.dimension_semantics<arbitrary>, #tpu.dimension_semantics<arbitrary>], iteration_bounds = array<i64: 2, 10>, scalar_prefetch = 0 : i64, scratch_operands = 0 : i64, tpu.core_type = #tpu.core_type<tc>, window_params = [{transform_indices = @transform_0, window_bounds = array<i64: 1, 1000, 128>}, {transform_indices = @transform_1, window_bounds = array<i64: 1, 1000, 128>}, {pipeline_mode = #tpu.pipeline_mode<synchronous>, transform_indices = @transform_2, window_bounds = array<i64: 128, 256>}, {transform_indices = @transform_3, window_bounds = array<i64: 1, 2, 1000, 128>}]} {
    %get3A = arith.constant 0 : index
    %get3A_0 = arith.constant 0 : index
    %get3A_1 = arith.constant 0 : index
    %get3A_2 = vector.load %arg2[%get3A, %get3A_0, %get3A_1] : memref<1x1000x128xf32, #tpu.memory_space<vmem>>, vector<1x1000x128xf32>
    %get3A_3 = vector.shape_cast %get3A_2 : vector<1x1000x128xf32> to vector<1000x128xf32>
    %get3A_4 = arith.constant 0 : index
    %get3A_5 = arith.constant 0 : index
    %get3A_6 = vector.load %arg4[%get3A_4, %get3A_5] : memref<128x256xf32, #tpu.memory_space<vmem>>, vector<128x256xf32>
    %dot_general3A = arith.constant dense<0.000000e+00> : vector<1000x256xf32>
    %dot_general3A_7 = tpu.matmul %get3A_3, %get3A_6, %dot_general3A {dimension_numbers = #tpu.dot_dimension_numbers<[1], [0], [0], [1], [0, 0, 1, 1], [], []>, precision = #tpu.contract_precision<fp32>, transpose_lhs_hint = false} : vector<1000x128xf32>, vector<128x256xf32>, vector<1000x256xf32> -> vector<1000x256xf32>
    %get3A_8 = arith.constant 0 : index
    %get3A_9 = arith.constant 0 : index
    %get3A_10 = arith.constant 0 : index
    %get3A_11 = vector.load %arg3[%get3A_8, %get3A_9, %get3A_10] : memref<1x1000x128xf32, #tpu.memory_space<vmem>>, vector<1x1000x128xf32>
    %get3A_12 = vector.shape_cast %get3A_11 : vector<1x1000x128xf32> to vector<1000x128xf32>
    %slice3A = vector.extract_strided_slice %get3A_12 {offsets = [0, 0], sizes = [1000, 1], strides = [1, 1]} : vector<1000x128xf32> to vector<1000x1xf32>
    %max3A = arith.constant 1.000000e+00 : f32
    %max3A_13 = vector.broadcast %max3A : f32 to vector<1000x1xf32>
    %max3A_14 = arith.maximumf %slice3A, %max3A_13 : vector<1000x1xf32>
    %rsqrt3A = math.rsqrt %max3A_14 : vector<1000x1xf32>
    %mul3A = vector.broadcast %rsqrt3A : vector<1000x1xf32> to vector<1000x256xf32>
    %mul3A_15 = arith.mulf %dot_general3A_7, %mul3A : vector<1000x256xf32>
    %max3A_16 = arith.constant 0.000000e+00 : f32
    %max3A_17 = vector.broadcast %max3A_16 : f32 to vector<1000x256xf32>
    %max3A_18 = arith.maximumf %mul3A_15, %max3A_17 : vector<1000x256xf32>
    %mul3A_19 = vector.broadcast %rsqrt3A : vector<1000x1xf32> to vector<1000x256xf32>
    %mul3A_20 = arith.mulf %max3A_18, %mul3A_19 : vector<1000x256xf32>
    %slice3A_21 = vector.extract_strided_slice %mul3A_20 {offsets = [0, 0], sizes = [1000, 128], strides = [1, 1]} : vector<1000x256xf32> to vector<1000x128xf32>
    %swap3A = arith.constant 0 : index
    %swap3A_22 = arith.constant 0 : index
    %swap3A_23 = arith.constant 0 : index
    %swap3A_24 = arith.constant 0 : index
    %swap3A_25 = vector.load %arg5[%swap3A, %swap3A_22, %swap3A_23, %swap3A_24] : memref<1x2x1000x128xf32, #tpu.memory_space<vmem>>, vector<1x1x1000x128xf32>
    %swap3A_26 = vector.shape_cast %swap3A_25 : vector<1x1x1000x128xf32> to vector<1000x128xf32>
    %swap3A_27 = vector.shape_cast %slice3A_21 : vector<1000x128xf32> to vector<1x1x1000x128xf32>
    tpu.vector_store %arg5[%swap3A, %swap3A_22, %swap3A_23, %swap3A_24], %swap3A_27 {strides = array<i32>} : memref<1x2x1000x128xf32, #tpu.memory_space<vmem>>, vector<1x1x1000x128xf32>,
    %slice3A_28 = vector.extract_strided_slice %mul3A_20 {offsets = [0, 128], sizes = [1000, 128], strides = [1, 1]} : vector<1000x256xf32> to vector<1000x128xf32>
    %swap3A_29 = arith.constant 0 : index
    %swap3A_30 = arith.constant 1 : index
    %swap3A_31 = arith.constant 0 : index
    %swap3A_32 = arith.constant 0 : index
    %swap3A_33 = vector.load %arg5[%swap3A_29, %swap3A_30, %swap3A_31, %swap3A_32] : memref<1x2x1000x128xf32, #tpu.memory_space<vmem>>, vector<1x1x1000x128xf32>
    %swap3A_34 = vector.shape_cast %swap3A_33 : vector<1x1x1000x128xf32> to vector<1000x128xf32>
    %swap3A_35 = vector.shape_cast %slice3A_28 : vector<1000x128xf32> to vector<1x1x1000x128xf32>
    tpu.vector_store %arg5[%swap3A_29, %swap3A_30, %swap3A_31, %swap3A_32], %swap3A_35 {strides = array<i32>} : memref<1x2x1000x128xf32, #tpu.memory_space<vmem>>, vector<1x1x1000x128xf32>,
    return
  }
  func.func @transform_0(%arg0: i32, %arg1: i32) -> (i32, i32, i32) {
    %c0_i32 = arith.constant 0 : i32
    %c0_i32_0 = arith.constant 0 : i32
    return %arg0, %arg1, %c0_i32 : i32, i32, i32
  }
  func.func @transform_1(%arg0: i32, %arg1: i32) -> (i32, i32, i32) {
    %c0_i32 = arith.constant 0 : i32
    %c0_i32_0 = arith.constant 0 : i32
    return %arg0, %arg1, %c0_i32 : i32, i32, i32
  }
  func.func @transform_2(%arg0: i32, %arg1: i32) -> (i32, i32) {
    %c0_i32 = arith.constant 0 : i32
    %c0_i32_0 = arith.constant 0 : i32
    %c0_i32_1 = arith.constant 0 : i32
    return %c0_i32, %c0_i32_0 : i32, i32
  }
  func.func @transform_3(%arg0: i32, %arg1: i32) -> (i32, i32, i32, i32) {
    %c0_i32 = arith.constant 0 : i32
    %c0_i32_0 = arith.constant 0 : i32
    %c0_i32_1 = arith.constant 0 : i32
    return %arg0, %c0_i32, %arg1, %c0_i32_0 : i32, i32, i32, i32
  }
}

module attributes {stable_mosaic.version = 14 : i64} {
  func.func @_tc_layer2_body(%arg0: i32, %arg1: memref<1x1000x128xf32, #tpu.memory_space<vmem>>, %arg2: memref<1x1000x128xf32, #tpu.memory_space<vmem>>, %arg3: memref<1000x128xf32, #tpu.memory_space<vmem>>, %arg4: memref<256x256xf32, #tpu.memory_space<vmem>>, %arg5: memref<1000x256xf32, #tpu.memory_space<vmem>>, %arg6: memref<8x256xf32, #tpu.memory_space<vmem>>) attributes {dimension_semantics = [#tpu.dimension_semantics<arbitrary>], iteration_bounds = array<i64: 10>, scalar_prefetch = 0 : i64, scratch_operands = 0 : i64, tpu.core_type = #tpu.core_type<tc>, window_params = [{transform_indices = @transform_0, window_bounds = array<i64: 1, 1000, 128>}, {transform_indices = @transform_1, window_bounds = array<i64: 1, 1000, 128>}, {transform_indices = @transform_2, window_bounds = array<i64: 1000, 128>}, {pipeline_mode = #tpu.pipeline_mode<synchronous>, transform_indices = @transform_3, window_bounds = array<i64: 256, 256>}, {transform_indices = @transform_4, window_bounds = array<i64: 1000, 256>}, {pipeline_mode = #tpu.pipeline_mode<synchronous>, transform_indices = @transform_5, window_bounds = array<i64: 8, 256>}]} {
    %get3A = arith.constant 0 : index
    %get3A_0 = arith.constant 0 : index
    %get3A_1 = arith.constant 0 : index
    %get3A_2 = vector.load %arg1[%get3A, %get3A_0, %get3A_1] : memref<1x1000x128xf32, #tpu.memory_space<vmem>>, vector<1x1000x128xf32>
    %get3A_3 = vector.shape_cast %get3A_2 : vector<1x1000x128xf32> to vector<1000x128xf32>
    %get3A_4 = arith.constant 0 : index
    %get3A_5 = arith.constant 0 : index
    %get3A_6 = arith.constant 0 : index
    %get3A_7 = vector.load %arg2[%get3A_4, %get3A_5, %get3A_6] : memref<1x1000x128xf32, #tpu.memory_space<vmem>>, vector<1x1000x128xf32>
    %get3A_8 = vector.shape_cast %get3A_7 : vector<1x1000x128xf32> to vector<1000x128xf32>
    %concatenate3A = tpu.concatenate %get3A_3, %get3A_8 in 1 : vector<1000x128xf32>, vector<1000x128xf32> -> vector<1000x256xf32>
    %get3A_9 = arith.constant 0 : index
    %get3A_10 = arith.constant 0 : index
    %get3A_11 = vector.load %arg4[%get3A_9, %get3A_10] : memref<256x256xf32, #tpu.memory_space<vmem>>, vector<256x256xf32>
    %dot_general3A = arith.constant dense<0.000000e+00> : vector<1000x256xf32>
    %dot_general3A_12 = tpu.matmul %concatenate3A, %get3A_11, %dot_general3A {dimension_numbers = #tpu.dot_dimension_numbers<[1], [0], [0], [1], [0, 0, 1, 1], [], []>, precision = #tpu.contract_precision<fp32>, transpose_lhs_hint = false} : vector<1000x256xf32>, vector<256x256xf32>, vector<1000x256xf32> -> vector<1000x256xf32>
    %get3A_13 = arith.constant 0 : index
    %get3A_14 = arith.constant 0 : index
    %get3A_15 = vector.load %arg3[%get3A_13, %get3A_14] : memref<1000x128xf32, #tpu.memory_space<vmem>>, vector<1000x128xf32>
    %slice3A = vector.extract_strided_slice %get3A_15 {offsets = [0, 0], sizes = [1000, 1], strides = [1, 1]} : vector<1000x128xf32> to vector<1000x1xf32>
    %max3A = arith.constant 1.000000e+00 : f32
    %max3A_16 = vector.broadcast %max3A : f32 to vector<1000x1xf32>
    %max3A_17 = arith.maximumf %slice3A, %max3A_16 : vector<1000x1xf32>
    %rsqrt3A = math.rsqrt %max3A_17 : vector<1000x1xf32>
    %mul3A = vector.broadcast %rsqrt3A : vector<1000x1xf32> to vector<1000x256xf32>
    %mul3A_18 = arith.mulf %dot_general3A_12, %mul3A : vector<1000x256xf32>
    %max3A_19 = arith.constant 0.000000e+00 : f32
    %max3A_20 = vector.broadcast %max3A_19 : f32 to vector<1000x256xf32>
    %max3A_21 = arith.maximumf %mul3A_18, %max3A_20 : vector<1000x256xf32>
    %swap3A = arith.constant 0 : index
    %swap3A_22 = arith.constant 0 : index
    %swap3A_23 = vector.load %arg5[%swap3A, %swap3A_22] : memref<1000x256xf32, #tpu.memory_space<vmem>>, vector<1000x256xf32>
    tpu.vector_store %arg5[%swap3A, %swap3A_22], %max3A_21 {strides = array<i32>} : memref<1000x256xf32, #tpu.memory_space<vmem>>, vector<1000x256xf32>,
    %eq3A = arith.constant 0 : i32
    %eq3A_24 = arith.cmpi eq, %arg0, %eq3A : i32
    %convert_element_type3A = arith.extui %eq3A_24 : i1 to i32
    %cond3A = arith.constant 0 : i32
    %cond3A_25 = arith.cmpi ne, %convert_element_type3A, %cond3A : i32
    scf.if %cond3A_25 {
      %broadcast_in_dim3A_36 = arith.constant 0.000000e+00 : f32
      %broadcast_in_dim3A_37 = vector.broadcast %broadcast_in_dim3A_36 : f32 to vector<8x256xf32>
      %swap3A_38 = arith.constant 0 : index
      %swap3A_39 = arith.constant 0 : index
      %swap3A_40 = vector.load %arg6[%swap3A_38, %swap3A_39] : memref<8x256xf32, #tpu.memory_space<vmem>>, vector<8x256xf32>
      tpu.vector_store %arg6[%swap3A_38, %swap3A_39], %broadcast_in_dim3A_37 {strides = array<i32>} : memref<8x256xf32, #tpu.memory_space<vmem>>, vector<8x256xf32>,
    } else {
    }
    %reduce_sum3A = arith.constant dense<0.000000e+00> : vector<256xf32>
    %reduce_sum3A_26 = vector.multi_reduction <add>, %max3A_21, %reduce_sum3A [0] : vector<1000x256xf32> to vector<256xf32>
    %broadcast_in_dim3A = vector.shape_cast %reduce_sum3A_26 : vector<256xf32> to vector<1x256xf32>
    %broadcast_in_dim3A_27 = arith.constant 0.000000e+00 : f32
    %broadcast_in_dim3A_28 = vector.broadcast %broadcast_in_dim3A_27 : f32 to vector<7x256xf32>
    %concatenate3A_29 = tpu.concatenate %broadcast_in_dim3A, %broadcast_in_dim3A_28 in 0 : vector<1x256xf32>, vector<7x256xf32> -> vector<8x256xf32>
    %get3A_30 = arith.constant 0 : index
    %get3A_31 = arith.constant 0 : index
    %get3A_32 = vector.load %arg6[%get3A_30, %get3A_31] : memref<8x256xf32, #tpu.memory_space<vmem>>, vector<8x256xf32>
    %add3A = arith.addf %get3A_32, %concatenate3A_29 : vector<8x256xf32>
    %swap3A_33 = arith.constant 0 : index
    %swap3A_34 = arith.constant 0 : index
    %swap3A_35 = vector.load %arg6[%swap3A_33, %swap3A_34] : memref<8x256xf32, #tpu.memory_space<vmem>>, vector<8x256xf32>
    tpu.vector_store %arg6[%swap3A_33, %swap3A_34], %add3A {strides = array<i32>} : memref<8x256xf32, #tpu.memory_space<vmem>>, vector<8x256xf32>,
    return
  }
  func.func @transform_0(%arg0: i32) -> (i32, i32, i32) {
    %c0_i32 = arith.constant 0 : i32
    %c0_i32_0 = arith.constant 0 : i32
    %c0_i32_1 = arith.constant 0 : i32
    return %c0_i32, %arg0, %c0_i32_0 : i32, i32, i32
  }
  func.func @transform_1(%arg0: i32) -> (i32, i32, i32) {
    %c1_i32 = arith.constant 1 : i32
    %c0_i32 = arith.constant 0 : i32
    %c0_i32_0 = arith.constant 0 : i32
    return %c1_i32, %arg0, %c0_i32 : i32, i32, i32
  }
  func.func @transform_2(%arg0: i32) -> (i32, i32) {
    %c0_i32 = arith.constant 0 : i32
    %c0_i32_0 = arith.constant 0 : i32
    return %arg0, %c0_i32 : i32, i32
  }
  func.func @transform_3(%arg0: i32) -> (i32, i32) {
    %c0_i32 = arith.constant 0 : i32
    %c0_i32_0 = arith.constant 0 : i32
    %c0_i32_1 = arith.constant 0 : i32
    return %c0_i32, %c0_i32_0 : i32, i32
  }
  func.func @transform_4(%arg0: i32) -> (i32, i32) {
    %c0_i32 = arith.constant 0 : i32
    %c0_i32_0 = arith.constant 0 : i32
    return %arg0, %c0_i32 : i32, i32
  }
  func.func @transform_5(%arg0: i32) -> (i32, i32) {
    %c0_i32 = arith.constant 0 : i32
    %c0_i32_0 = arith.constant 0 : i32
    %c0_i32_1 = arith.constant 0 : i32
    return %c0_i32, %c0_i32_0 : i32, i32
  }
}

module attributes {stable_mosaic.version = 14 : i64} {
  func.func @_tc_standardize_body(%arg0: i32, %arg1: i32, %arg2: memref<1000x256xf32, #tpu.memory_space<vmem>>, %arg3: memref<8x256xf32, #tpu.memory_space<vmem>>, %arg4: memref<1000x256xf32, #tpu.memory_space<vmem>>, %arg5: memref<8x256xf32, #tpu.memory_space<vmem>>) attributes {dimension_semantics = [#tpu.dimension_semantics<arbitrary>, #tpu.dimension_semantics<arbitrary>], iteration_bounds = array<i64: 2, 10>, scalar_prefetch = 0 : i64, scratch_operands = 1 : i64, tpu.core_type = #tpu.core_type<tc>, window_params = [{transform_indices = @transform_0, window_bounds = array<i64: 1000, 256>}, {pipeline_mode = #tpu.pipeline_mode<synchronous>, transform_indices = @transform_1, window_bounds = array<i64: 8, 256>}, {transform_indices = @transform_2, window_bounds = array<i64: 1000, 256>}]} {
    %get3A = arith.constant 0 : index
    %get3A_0 = arith.constant 0 : index
    %get3A_1 = vector.load %arg3[%get3A, %get3A_0] : memref<8x256xf32, #tpu.memory_space<vmem>>, vector<1x256xf32>
    %div3A = arith.constant 1.000000e+04 : f32
    %div3A_2 = vector.broadcast %div3A : f32 to vector<1x256xf32>
    %div3A_3 = arith.divf %get3A_1, %div3A_2 : vector<1x256xf32>
    %eq3A = arith.constant 0 : i32
    %eq3A_4 = arith.cmpi eq, %arg0, %eq3A : i32
    %convert_element_type3A = arith.extui %eq3A_4 : i1 to i32
    %cond3A = arith.constant 0 : i32
    %cond3A_5 = arith.cmpi ne, %convert_element_type3A, %cond3A : i32
    scf.if %cond3A_5 {
      %eq3A_11 = arith.constant 0 : i32
      %eq3A_12 = arith.cmpi eq, %arg1, %eq3A_11 : i32
      %convert_element_type3A_13 = arith.extui %eq3A_12 : i1 to i32
      %cond3A_14 = arith.constant 0 : i32
      %cond3A_15 = arith.cmpi ne, %convert_element_type3A_13, %cond3A_14 : i32
      scf.if %cond3A_15 {
        %broadcast_in_dim3A_28 = arith.constant 0.000000e+00 : f32
        %broadcast_in_dim3A_29 = vector.broadcast %broadcast_in_dim3A_28 : f32 to vector<8x256xf32>
        %swap3A_30 = arith.constant 0 : index
        %swap3A_31 = arith.constant 0 : index
        %swap3A_32 = vector.load %arg5[%swap3A_30, %swap3A_31] : memref<8x256xf32, #tpu.memory_space<vmem>>, vector<8x256xf32>
        tpu.vector_store %arg5[%swap3A_30, %swap3A_31], %broadcast_in_dim3A_29 {strides = array<i32>} : memref<8x256xf32, #tpu.memory_space<vmem>>, vector<8x256xf32>,
      } else {
      }
      %get3A_16 = arith.constant 0 : index
      %get3A_17 = arith.constant 0 : index
      %get3A_18 = vector.load %arg2[%get3A_16, %get3A_17] : memref<1000x256xf32, #tpu.memory_space<vmem>>, vector<1000x256xf32>
      %sub3A = vector.broadcast %div3A_3 : vector<1x256xf32> to vector<1000x256xf32>
      %sub3A_19 = arith.subf %get3A_18, %sub3A : vector<1000x256xf32>
      %get3A_20 = arith.constant 0 : index
      %get3A_21 = arith.constant 0 : index
      %get3A_22 = vector.load %arg5[%get3A_20, %get3A_21] : memref<8x256xf32, #tpu.memory_space<vmem>>, vector<8x256xf32>
      %mul3A = arith.mulf %sub3A_19, %sub3A_19 : vector<1000x256xf32>
      %reduce_sum3A = arith.constant dense<0.000000e+00> : vector<256xf32>
      %reduce_sum3A_23 = vector.multi_reduction <add>, %mul3A, %reduce_sum3A [0] : vector<1000x256xf32> to vector<256xf32>
      %broadcast_in_dim3A = vector.shape_cast %reduce_sum3A_23 : vector<256xf32> to vector<1x256xf32>
      %broadcast_in_dim3A_24 = arith.constant 0.000000e+00 : f32
      %broadcast_in_dim3A_25 = vector.broadcast %broadcast_in_dim3A_24 : f32 to vector<7x256xf32>
      %concatenate3A = tpu.concatenate %broadcast_in_dim3A, %broadcast_in_dim3A_25 in 0 : vector<1x256xf32>, vector<7x256xf32> -> vector<8x256xf32>
      %add3A = arith.addf %get3A_22, %concatenate3A : vector<8x256xf32>
      %swap3A = arith.constant 0 : index
      %swap3A_26 = arith.constant 0 : index
      %swap3A_27 = vector.load %arg5[%swap3A, %swap3A_26] : memref<8x256xf32, #tpu.memory_space<vmem>>, vector<8x256xf32>
      tpu.vector_store %arg5[%swap3A, %swap3A_26], %add3A {strides = array<i32>} : memref<8x256xf32, #tpu.memory_space<vmem>>, vector<8x256xf32>,
    } else {
    }
    %eq3A_6 = arith.constant 1 : i32
    %eq3A_7 = arith.cmpi eq, %arg0, %eq3A_6 : i32
    %convert_element_type3A_8 = arith.extui %eq3A_7 : i1 to i32
    %cond3A_9 = arith.constant 0 : i32
    %cond3A_10 = arith.cmpi ne, %convert_element_type3A_8, %cond3A_9 : i32
    scf.if %cond3A_10 {
      %get3A_11 = arith.constant 0 : index
      %get3A_12 = arith.constant 0 : index
      %get3A_13 = vector.load %arg5[%get3A_11, %get3A_12] : memref<8x256xf32, #tpu.memory_space<vmem>>, vector<1x256xf32>
      %div3A_14 = arith.constant 9.999000e+03 : f32
      %div3A_15 = vector.broadcast %div3A_14 : f32 to vector<1x256xf32>
      %div3A_16 = arith.divf %get3A_13, %div3A_15 : vector<1x256xf32>
      %sqrt3A = math.sqrt %div3A_16 : vector<1x256xf32>
      %add3A = arith.constant 9.99999993E-9 : f32
      %add3A_17 = vector.broadcast %add3A : f32 to vector<1x256xf32>
      %add3A_18 = arith.addf %sqrt3A, %add3A_17 : vector<1x256xf32>
      %div3A_19 = arith.constant 1.000000e+00 : f32
      %div3A_20 = vector.broadcast %div3A_19 : f32 to vector<1x256xf32>
      %div3A_21 = arith.divf %div3A_20, %add3A_18 : vector<1x256xf32>
      %get3A_22 = arith.constant 0 : index
      %get3A_23 = arith.constant 0 : index
      %get3A_24 = vector.load %arg2[%get3A_22, %get3A_23] : memref<1000x256xf32, #tpu.memory_space<vmem>>, vector<1000x256xf32>
      %sub3A = vector.broadcast %div3A_3 : vector<1x256xf32> to vector<1000x256xf32>
      %sub3A_25 = arith.subf %get3A_24, %sub3A : vector<1000x256xf32>
      %mul3A = vector.broadcast %div3A_21 : vector<1x256xf32> to vector<1000x256xf32>
      %mul3A_26 = arith.mulf %sub3A_25, %mul3A : vector<1000x256xf32>
      %swap3A = arith.constant 0 : index
      %swap3A_27 = arith.constant 0 : index
      %swap3A_28 = vector.load %arg4[%swap3A, %swap3A_27] : memref<1000x256xf32, #tpu.memory_space<vmem>>, vector<1000x256xf32>
      tpu.vector_store %arg4[%swap3A, %swap3A_27], %mul3A_26 {strides = array<i32>} : memref<1000x256xf32, #tpu.memory_space<vmem>>, vector<1000x256xf32>,
    } else {
    }
    return
  }
  func.func @transform_0(%arg0: i32, %arg1: i32) -> (i32, i32) {
    %c0_i32 = arith.constant 0 : i32
    %c0_i32_0 = arith.constant 0 : i32
    return %arg1, %c0_i32 : i32, i32
  }
  func.func @transform_1(%arg0: i32, %arg1: i32) -> (i32, i32) {
    %c0_i32 = arith.constant 0 : i32
    %c0_i32_0 = arith.constant 0 : i32
    %c0_i32_1 = arith.constant 0 : i32
    return %c0_i32, %c0_i32_0 : i32, i32
  }
  func.func @transform_2(%arg0: i32, %arg1: i32) -> (i32, i32) {
    %c0_i32 = arith.constant 0 : i32
    %c0_i32_0 = arith.constant 0 : i32
    return %arg1, %c0_i32 : i32, i32
  }
}

</mosaic_0001>

<sc_bundles>
// kernel: kernel.12.cloned.1.call-start
scs
__scs_entry_jumppad:
0x0: {  	(pc) =	sbr.rel $0x88, $3  }
0x1: {  	(tag) =	ssettag $0x0;
	lr =	simm.s32 $0x1  }
0x2: {  	[smem:$0x3F9B] =	sst lr;
	_ =	strace $0xD0000000  }
0x3: {  	_ = 	snop  }
0x4: {  	_ = 	snop  }
0x5: {  	_ = 	snop  }
0x6: {  	_ = 	snop  }
0x7: {  	_ = 	snop  }
__scs_overlays_trampoline_lowered:
0x8: {  	[smem:$0x3FAA] =	sst s0  }
0x9: {  	[smem:$0x3FAB] =	sst s1  }
0xa: {  	[smem:$0x3FAC] =	sst s2  }
0xb: {  	[smem:$0x3FAD] =	sst s3  }
0xc: {  	[smem:$0x3FAE] =	sst s4  }
0xd: {  	[smem:$0x3FAF] =	sst s5  }
0xe: {  	[smem:$0x3FB0] =	sst s6  }
0xf: {  	[smem:$0x3FB1] =	sst s7  }
0x10: {  	[smem:$0x3FB2] =	sst s8  }
0x11: {  	[smem:$0x3FB3] =	sst s9;
	s0 =	simm.s32 @!p0 $0x0  }
0x12: {  	s1 =	sld [smem:$0x3F99];
	s0 =	simm.s32 @p0 $0x1  }
0x13: {  	[smem:$0x3FB4] =	sst s0;
	s0 =	simm.s32 @!p1 $0x0  }
0x14: {  	s2 =	sld [smem:$0x3F98];
	s0 =	simm.s32 @p1 $0x1  }
0x15: {  	[smem:$0x3FB5] =	sst s0;
	s0 =	simm.s32 @!p2 $0x0  }
0x16: {  	s3 =	sld [smem:$0x3FDB];
	s0 =	simm.s32 @p2 $0x1  }
0x17: {  	s4 =	simm.s32 $0x1BF5;
	[smem:$0x3FB7] =	sst s0  }
0x18: {  	s0 =	sld [smem:$0x3F9A];
	_ =	swait.ge [sflag:s4], $0x0  }
0x19: {  	s7 =	sld [smem:$0x3F9B]  }
0x1a: {  	s8 =	sadd.s32 $0xFFFFE003, lr  }
0x1b: {  	s9 =	sadd.s32 $0xFFFFFEF7, lr;
	s5 =	simm.s32 $0xFFFFFFFF;
	p2 =	slt.u32 s8, $0xFFFFF086  }
0x1c: {  	p1 =	slt.u32 s9, $0xF7A;
	s5 =	simm.s32 @!p2 $0x0  }
0x1d: {  	s5 =	simm.s32 @p1 $0x1;
	p0 =	seq.s32 s7, s2  }
0x1e: {  	s7 =	smul.u32 @!p0 $0xF7A, s2;
	p2 =	seq.s32 @!p0 s5, $0x0  }
0x1f: {  	s9 =	smul.u32 $0xF7A, s1;
	s8 =	simm.s32 @!p0 $0x1BF5;
	p2 =	por !p2, p0  }
0x20: {  	[sflag:s8] =	ssyncset.s32 @!p0 $0xFFFFF086;
	s6 =	sadd.s32 @!p0 s3, s7;
	s7 =	simm.s32 @!p0 $0x108  }
0x21: {  	s3 =	sadd.s32 s3, s9;
	s6 =	sadd.s32 @!p0 $0x88, s6;
	s7 =	simm.s32 @p2 $0x1082  }
0x22: {  	[simem:s7], [sflag:s8] =	dma.local @!p0 [hbm:s6], $0xF7A  }
0x23: {  	s9 =	sor.u32 $0xD0000000, s2;
	s6 =	simm.s32 $0x108;
	_ =	swait.ge @!p0 [sflag:s8], $0x0  }
0x24: {  	s3 =	sadd.s32 $0x88, s3;
	s6 =	simm.s32 @!p1 $0x1082;
	[sflag:s4] =	ssyncset.s32 $0xFFFFF086  }
0x25: {  	[simem:s6], [sflag:s4] =	dma.local [hbm:s3], $0xF7A  }
0x26: {  	[smem:$0x3F9B] =	sst s1;
	(tag) =	ssettag s2;
	_ =	strace s9  }
0x27: {  	s1 =	sld [smem:$0x3FAB]  }
0x28: {  	s2 =	sld [smem:$0x3FAC]  }
0x29: {  	s4 =	sld [smem:$0x3FAE]  }
0x2a: {  	p0 =	seq.s32 s5, $0x0;
	s5 =	sld [smem:$0x3FAF]  }
0x2b: {  	s6 =	sld [smem:$0x3FB0]  }
0x2c: {  	s7 =	sld [smem:$0x3FB1]  }
0x2d: {  	s3 =	simm.s32 $0x108;
	s8 =	sld [smem:$0x3FB2]  }
0x2e: {  	s3 =	simm.s32 @!p0 $0x1082;
	s9 =	sld [smem:$0x3FB3]  }
0x2f: {  	lr =	sadd.s32 s0, s3;
	s0 =	sld [smem:$0x3FAA]  }
0x30: {  	s3 =	sld [smem:$0x3FAD]  }
0x31: {  	[smem:$0x3FB6] =	sst s10  }
0x32: {  	s10 =	sld [smem:$0x3FB4];
	_ =	sdelay $0x3  }
0x33: {  	p0 =	seq.s32 s10, $0x1;
	s10 =	sld [smem:$0x3FB6];
	_ =	sdelay $0x3  }
0x34: {  	[smem:$0x3FB6] =	sst s10  }
0x35: {  	s10 =	sld [smem:$0x3FB5];
	_ =	sdelay $0x3  }
0x36: {  	p1 =	seq.s32 s10, $0x1;
	s10 =	sld [smem:$0x3FB6];
	_ =	sdelay $0x3  }
0x37: {  	[smem:$0x3FB6] =	sst s10  }
0x38: {  	s10 =	sld [smem:$0x3FB7]  }
0x39: {  	_ = 	snop;
	(pc) =	sbr.ind lr, $3  }
0x3a: {  	_ = 	snop  }
0x3b: {  	_ = 	snop  }
0x3c: {  	p2 =	seq.s32 s10, $0x1;
	s10 =	sld [smem:$0x3FB6]  }
0x3d: {  	_ =	shalt  }
0x3e: {  	_ =	shalt  }
0x3f: {  	_ =	shalt  }
0x40: {  	_ =	shalt  }
0x41: {  	_ =	shalt  }
0x42: {  	_ =	shalt  }
0x43: {  	_ =	shalt  }
0x44: {  	_ =	shalt  }
0x45: {  	_ =	shalt  }
0x46: {  	_ =	shalt  }
0x47: {  	_ =	shalt  }
0x48: {  	_ =	shalt  }
0x49: {  	_ =	shalt  }
0x4a: {  	_ =	shalt  }
0x4b: {  	_ =	shalt  }
0x4c: {  	_ =	shalt  }
0x4d: {  	_ =	shalt  }
0x4e: {  	_ =	shalt  }
0x4f: {  	_ =	shalt  }
0x50: {  	_ =	shalt  }
0x51: {  	_ =	shalt  }
0x52: {  	_ =	shalt  }
0x53: {  	_ =	shalt  }
0x54: {  	_ =	shalt  }
0x55: {  	_ =	shalt  }
0x56: {  	_ =	shalt  }
0x57: {  	_ =	shalt  }
0x58: {  	_ =	shalt  }
0x59: {  	_ =	shalt  }
0x5a: {  	_ =	shalt  }
0x5b: {  	_ =	shalt  }
0x5c: {  	_ =	shalt  }
0x5d: {  	_ =	shalt  }
0x5e: {  	_ =	shalt  }
0x5f: {  	_ =	shalt  }
0x60: {  	_ =	shalt  }
0x61: {  	_ =	shalt  }
0x62: {  	_ =	shalt  }
0x63: {  	_ =	shalt  }
0x64: {  	_ =	shalt  }
0x65: {  	_ =	shalt  }
0x66: {  	_ =	shalt  }
0x67: {  	_ =	shalt  }
0x68: {  	_ =	shalt  }
0x69: {  	_ =	shalt  }
0x6a: {  	_ =	shalt  }
0x6b: {  	_ =	shalt  }
0x6c: {  	_ =	shalt  }
0x6d: {  	_ =	shalt  }
0x6e: {  	_ =	shalt  }
0x6f: {  	_ =	shalt  }
0x70: {  	_ =	shalt  }
0x71: {  	_ =	shalt  }
0x72: {  	_ =	shalt  }
0x73: {  	_ =	shalt  }
0x74: {  	_ =	shalt  }
0x75: {  	_ =	shalt  }
0x76: {  	_ =	shalt  }
0x77: {  	_ =	shalt  }
0x78: {  	_ =	shalt  }
0x79: {  	_ =	shalt  }
0x7a: {  	_ =	shalt  }
0x7b: {  	_ =	shalt  }
0x7c: {  	_ =	shalt  }
0x7d: {  	_ =	shalt  }
0x7e: {  	_ =	shalt  }
0x7f: {  	_ =	shalt  }
0x80: {  	_ =	shalt  }
0x81: {  	_ =	shalt  }
0x82: {  	_ =	shalt  }
0x83: {  	_ =	shalt  }
0x84: {  	_ =	shalt  }
0x85: {  	_ =	shalt  }
0x86: {  	_ =	shalt  }
0x87: {  	_ =	shalt  }
.Lfunc_end0:
.L_simem_size_0:
called_computation_lowered:
.L_overlay_start_0:
0x88: {  	s2 =	sld [smem:$0x3FD9]  }
0x89: {  	s3 =	sld [smem:$0x3FFE];
	_ =	sdelay $0x1  }
0x8a: {  	s1 =	srdreg.scid  }
0x8b: {  	s0 =	sand.u32 $0x1, s1  }
0x8c: {  	s14 =	sshll.u32 s0, $0xA;
	s2 =	sadd.s32 s3, s2  }
0x8d: {  	s2 =	sadd.s32 s2, s14  }
0x8e: {  	[smem:$0x3FC2] =	sst s2  }
0x8f: {  	_ = 	snop  }
0x90: {  	s2 =	sld [smem:$0x3FD0];
	_ =	sdelay $0x2  }
0x91: {  	s15 =	simm.s32 $0xB;
	s4 =	simm.s32 $0x10  }
0x92: {  	[smem:s4], [sflag:s15] =	dma.local [hbm:s2], $0x1  }
0x93: {  	_ =	swait.eq [sflag:s15], $0x1  }
0x94: {  	[sflag:s15] =	ssyncset.done $0x0  }
0x95: {  	s16 =	sld [smem:$0x10];
	[sflag:s15] =	ssyncadd.s32 $0xFFFFFFFF  }
0x96: {  	s17 =	sld [smem:$0x11];
	(tm) =	ssettm $0x1  }
0x97: {  	s18 =	sld [smem:$0x3FFB];
	_ =	sdelay $0x3  }
0x98: {  	_ =	strace s18  }
0x99: {  	s4 =	sld [smem:$0x3FFC];
	_ =	sdelay $0x3  }
0x9a: {  	_ =	strace s4  }
0x9b: {  	s4 =	sld [smem:$0x3FFD];
	_ =	sdelay $0x3  }
0x9c: {  	_ =	strace s4  }
0x9d: {  	_ =	strace $0x8FFFFFFF  }
0x9e: {  	s19 =	sld [smem:$0x3FDB];
	_ =	sdelay $0x1  }
0x9f: {  	s5 =	simm.s32 $_scs_section_size  }
0xa0: {  	s6 =	simm.s32 $_size__tile_overlayer_lowered;
	s7 =	simm.s32 $_tile_overlayer_lowered  }
0xa1: {  	s22 =	simm.s32 $0x1BFF;
	s21 =	sshll.u32 s7, $0x1;
	s4 =	sadd.s32 s5, s19  }
0xa2: {  	s8 =	simm.s32 $0x0;
	s20 =	sshll.u32 s6, $0x1;
	s6 =	sadd.s32 s21, s4  }
0xa3: {  	[timem:s8], [sflag:s22] =	dma.local [hbm:s6], s20  }
0xa4: {  	_ =	swait.ge [sflag:s22], s20  }
0xa5: {  	s5 =	ssub.s32 $0x0, s20;
	[sflag:s22] =	ssyncset.done $0x0  }
0xa6: {  	[sflag:s22] =	ssyncadd.s32 s5;
	_ =	sdelay $0x1  }
0xa7: {  	s23 =	simm.s32 $0x1B8B  }
0xa8: {  	_ =	swait.ge [sflag:s23], $0x1  }
0xa9: {  	[sflag:s23] =	ssyncset.done $0x0  }
0xaa: {  	s25 =	simm.s32 $0x1B8E;
	s24 =	sld [smem:$0x3FFE];
	[sflag:s23] =	ssyncadd.s32 $0xFFFFFFFF  }
0xab: {  	s26 =	simm.s32 $execute0_lowered;
	[smem:$0x3FD2] =	sst s25  }
0xac: {  	s6 =	sshll.u32 s26, $0x1;
	_ =	strace $0x80000046;
	[dreg:$0x1] =	wrdreg $0xFFFFFFFF  }
0xad: {  	s28 =	simm.s32 $_size_execute0_lowered;
	s4 =	sadd.s32 s4, s6;
	[dreg:$0x0] =	wrdreg $0x0  }
0xae: {  	s6 =	sshll.u32 s28, $0x1;
	[dreg:$0x2] =	wrdreg s4  }
0xaf: {  	[dreg:$0x3] =	wrdreg s6  }
0xb0: {  	[dreg:$0x4] =	wrdreg $0xC0  }
0xb1: {  	_ =	task [dreg:s8], $0x5FFFF  }
0xb2: {  	[dreg:$0x1] =	wrdreg $0xFFFFFFFF  }
0xb3: {  	[dreg:$0x0] =	wrdreg $0x60  }
0xb4: {  	[dreg:$0x2] =	wrdreg s16  }
0xb5: {  	[dreg:$0x3] =	wrdreg s17  }
0xb6: {  	[dreg:$0x4] =	wrdreg s24  }
0xb7: {  	[dreg:$0x5] =	wrdreg $0x0  }
0xb8: {  	[dreg:$0x6] =	wrdreg $0x9  }
0xb9: {  	_ =	task.clear_ibuf [dreg:s8], $0x7FFFF;
	_ =	strace $0x90000046  }
0xba: {  	s29 =	simm.s32 $0x9;
	_ =	strace $0x80000048  }
0xbb: {  	_ =	swait.ge [sflag:s29], $0x1  }
0xbc: {  	[sflag:s29] =	ssyncadd.s32 $0xFFFFFFFF  }
0xbd: {  	_ =	strace $0x90000048  }
0xbe: {  	_ =	sfence  }
0xbf: {  	s30 =	sld [smem:$0x0];
	_ =	sdelay $0x2  }
0xc0: {  	s31 =	sshll.u32 s1, $0xD;
	s1 =	sshrl.u32 s1, $0x2  }
0xc1: {  	s3 =	sand.u32 $0x4000, s31;
	s1 =	sadd.s32 s1, s30  }
0xc2: {  	s0 =	sor.u32 s3, s0;
	s1 =	sshll.u32 s1, $0x11  }
0xc3: {  	s0 =	sor.u32 s1, s0  }
0xc4: {  	s0 =	sadd.s32 $0x8F2B, s0  }
0xc5: {  	[sflag:s0] =	ssyncadd.remote.s32 $0x1  }
0xc6: {  	_ =	sfence.sel $0xFFFF  }
0xc7: {  	[dreg:$0x0] =	wrdreg $0xFFFFFFFF;
	(pc) =	sbr.abs _section_cstart, $3  }
0xc8: {  	[dreg:$0x1] =	wrdreg $0xFFFFFFFF  }
0xc9: {  	_ =	task.clear_ibuf [dreg:s8], $0x2FFFF;
	_ =	strace $0x9FFFFFFF  }
0xca: {  	(tm) =	ssettm $0x7FFFFFFF  }
0xcb: {  	_ =	shalt  }
tec
execute0_lowered:
.L_overlay_start_1:
0x0: {  	(tag) =	ssettag $0x1  }
0x1: {  	s7 =	rddreg [dreg:$0x0]  }
0x2: {  	s1 =	rddreg [dreg:$0x1]  }
0x3: {  	s6 =	rddreg [dreg:$0x2];
	s3 =	srdreg.scid  }
0x4: {  	s2 =	rddreg [dreg:$0x3];
	s5 =	sand.u32 $0x1, s3  }
0x5: {  	s3 =	stileid.u32;
	s8 =	smul.u32 $0x140000, s5  }
0x6: {  	s0 =	rddreg [dreg:$0x4];
	s4 =	simm.s32 $0x0;
	s9 =	smul.u32 $0x14000, s3  }
0x7: {  	s14 =	simm.s32 $0x80;
	[smem:$0x7FF] =	sst s4;
	s10 =	smul.u32 $0x50000, s3  }
0x8: {  	s15 =	simm.s32 $0x0;
	_ =	strace $0x80000047;
	s11 =	smul.u32 $0x50000, s5  }
0x9: {  	s26 =	ssub.s32 $0x2, s5;
	s13 =	smul.u32 $0x5000, s3;
	s5 =	sadd.s32 $0x3600, s6  }
0xa: {  	s29 =	sshll.u32 s3, $0x6;
	s12 =	sshrl.u32 s26, $0x1;
	s8 =	sadd.s32 s9, s8  }
0xb: {  	s9 =	ssub.s32 s26, s12;
	s28 =	sshrl.u32 s10, $0x2;
	s11 =	sadd.s32 s13, s11  }
0xc: {  	s12 =	simm.s32 $0x14000;
	s13 =	simm.s32 $0x18000;
	s8 =	sshrl.u32 s8, $0x3  }
0xd: {  	s30 =	sadd.s32 s28, s2;
	s31 =	sshrl.u32 s11, $0x3;
	s9 =	smax.u32 s9, $0x1  }
0xe: {  	s11 =	simm.s32 $0x1;
	s8 =	sadd.s32 s8, s6;
	s6 =	sor.u32 $0x1C01, s29  }
0xf: {  	s7 =	sadd.s32 s7, s31;
	s10 =	sshrl.u32 s30, $0x3;
	s8 =	sadd.s32 $0x5E00, s8  }
.LBB2_1:
0x10: {  	[spmem:s10], [sflag:s6] =	dma.local [hbm:s5], $0x2800  }
0x11: {  	_ =	swait.ge [sflag:s11], $0x2800  }
0x12: {  	[sflag:s11] =	ssyncset.done $0x0  }
0x13: {  	[sflag:s11] =	ssyncadd.s32 $0xFFFFD800  }
0x14: {  	[tilespmem:s12], [sflag:$0x1] =	stream.linear.gather [hbm4b:s1+s4], $0x4000, $0x38;
	[tilespmem:$0x1D000] =	vst v63  }
0x15: {  	_ =	swait.ge [sflag:s11], $0x4000  }
0x16: {  	[sflag:s11] =	ssyncset.done $0x0  }
0x17: {  	[sflag:s11] =	ssyncadd.s32 $0xFFFFC000  }
0x18: {  	[tilespmem:s13], [sflag:$0x1] =	stream.linear.gather [hbm4b:s7+s4], $0x5000, $0x38;
	[tilespmem:$0x1D000] =	vst v63  }
0x19: {  	_ =	swait.ge [sflag:s11], $0x5000  }
0x1a: {  	[sflag:s11] =	ssyncset.done $0x0  }
0x1b: {  	[sflag:s11] =	ssyncadd.s32 $0xFFFFB000  }
0x1c: {  	s16 =	simm.s32 $0x18000;
	[bflag:$0x0] =	sbarrier.arrive $0xFFFF  }
0x1d: {  	[spmem:s2] =	stream.indirect.scatter.add.f32 [tilespmem:s12], [sflag:$0x1], $0x80, s16, s14, $0xb8;
	[tilespmem:$0x1D000] =	vst v63  }
0x1e: {  	s16 =	simm.s32 $0x200;
	_ =	swait.ge [sflag:s11], $0x4000  }
.LBB2_2:
0x1f: {  	s17 =	sshra.s32 s16, $0x2;
	[sflag:s11] =	ssyncset.done $0x0;
	p0 =	sne.s32 s16, $0x13E00  }
.Ltmp0:
0x20: {  	s17 =	sadd.s32 $0x18000, s17;
	[sflag:s11] =	ssyncadd.s32 $0xFFFFC000;
	(pc) =	sbr.rel @p0 .LBB2_2-.Ltmp0, $3  }
0x21: {  	[spmem:s2] =	stream.indirect.scatter.add.f32 [tilespmem:s12], [sflag:$0x1], $0x80, s17, s14, $0xb8;
	[tilespmem:$0x1D000] =	vst v63  }
0x22: {  	s16 =	sadd.s32 $0x200, s16;
	_ =	sdelay $0x1  }
0x23: {  	_ =	swait.ge [sflag:s11], $0x4000  }
0x24: {  	[sflag:s11] =	ssyncset.done $0x0;
	s15 =	sadd.s32 $0x1, s15  }
0x25: {  	[sflag:s11] =	ssyncadd.s32 $0xFFFFC000;
	p0 =	sne.s32 s15, s9  }
.Ltmp1:
0x26: {  	[bflag:$0x0] =	sbarrier.arrive $0xFFFF;
	(pc) =	sbr.rel @p0 .LBB2_1-.Ltmp1, $4  }
0x27: {  	[hbm:s8], [sflag:s6] =	dma.local [spmem:s10], $0x2800  }
0x28: {  	_ =	swait.ge [sflag:s11], $0x2800  }
0x29: {  	[sflag:s11] =	ssyncset.done $0x0  }
0x2a: {  	[sflag:s11] =	ssyncadd.s32 $0xFFFFD800  }
0x2b: {  	_ =	sfence.sel $0x180000  }
0x2c: {  	[bflag:$0x0] =	sbarrier.arrive $0xFFFF  }
0x2d: {  	p0 =	sne.s32 s3, $0x0;
	_ =	strace $0x90000047  }
0x2e: {  	s0 =	sadd.s32 @!p0 $0x100000, s0;
	[bflag:$0x2] =	sbarrier.arrive $0xFFFF  }
0x2f: {  	[sflag:s0] =	ssyncadd.tile.s32 @!p0 $0x1;
	_ =	shalt  }
.Lfunc_end2:
_tile_overlayer_lowered:
.L_overlay_start_2:
0x30: {  	(tag) =	ssettag $0x2  }
0x31: {  	s0 =	rddreg [dreg:$0x0];
	s2 =	stileid.u32  }
0x32: {  	s1 =	rddreg [dreg:$0x1];
	p0 =	sne.s32 s2, $0x0  }
0x33: {  	s3 =	rddreg [dreg:$0x2];
	[bflag:$0x3] =	sbarrier.arrive $0xFFFF;
	s2 =	simm.s32 @!p0 $0x1C01  }
0x34: {  	[timem:s3], [sflag:s2] =	dma.local @!p0 [hbm:s0], s1  }
0x35: {  	s0 =	simm.s32 @!p0 $0x1  }
0x36: {  	_ =	swait.ge @!p0 [sflag:s0], s1  }
0x37: {  	s1 =	ssub.s32 @!p0 $0x0, s1;
	[sflag:s0] =	ssyncset.done @!p0 $0x0  }
0x38: {  	[sflag:s0] =	ssyncadd.s32 @!p0 s1  }
0x39: {  	[bflag:$0x3] =	sbarrier.arrive $0xFFFF  }
0x3a: {  	_ =	shalt  }

// kernel: kernel.15.cloned.1.call-start
scs
__scs_entry_jumppad:
0x0: {  	(pc) =	sbr.rel $0x88, $3  }
0x1: {  	(tag) =	ssettag $0x0;
	lr =	simm.s32 $0x1  }
0x2: {  	[smem:$0x3F9B] =	sst lr;
	_ =	strace $0xD0000000  }
0x3: {  	_ = 	snop  }
0x4: {  	_ = 	snop  }
0x5: {  	_ = 	snop  }
0x6: {  	_ = 	snop  }
0x7: {  	_ = 	snop  }
__scs_overlays_trampoline_lowered:
0x8: {  	[smem:$0x3FAA] =	sst s0  }
0x9: {  	[smem:$0x3FAB] =	sst s1  }
0xa: {  	[smem:$0x3FAC] =	sst s2  }
0xb: {  	[smem:$0x3FAD] =	sst s3  }
0xc: {  	[smem:$0x3FAE] =	sst s4  }
0xd: {  	[smem:$0x3FAF] =	sst s5  }
0xe: {  	[smem:$0x3FB0] =	sst s6  }
0xf: {  	[smem:$0x3FB1] =	sst s7  }
0x10: {  	[smem:$0x3FB2] =	sst s8  }
0x11: {  	[smem:$0x3FB3] =	sst s9;
	s0 =	simm.s32 @!p0 $0x0  }
0x12: {  	s1 =	sld [smem:$0x3F99];
	s0 =	simm.s32 @p0 $0x1  }
0x13: {  	[smem:$0x3FB4] =	sst s0;
	s0 =	simm.s32 @!p1 $0x0  }
0x14: {  	s2 =	sld [smem:$0x3F98];
	s0 =	simm.s32 @p1 $0x1  }
0x15: {  	[smem:$0x3FB5] =	sst s0;
	s0 =	simm.s32 @!p2 $0x0  }
0x16: {  	s3 =	sld [smem:$0x3FDB];
	s0 =	simm.s32 @p2 $0x1  }
0x17: {  	s4 =	simm.s32 $0x1BF5;
	[smem:$0x3FB7] =	sst s0  }
0x18: {  	s0 =	sld [smem:$0x3F9A];
	_ =	swait.ge [sflag:s4], $0x0  }
0x19: {  	s7 =	sld [smem:$0x3F9B]  }
0x1a: {  	s8 =	sadd.s32 $0xFFFFE003, lr  }
0x1b: {  	s9 =	sadd.s32 $0xFFFFFEF7, lr;
	s5 =	simm.s32 $0xFFFFFFFF;
	p2 =	slt.u32 s8, $0xFFFFF086  }
0x1c: {  	p1 =	slt.u32 s9, $0xF7A;
	s5 =	simm.s32 @!p2 $0x0  }
0x1d: {  	s5 =	simm.s32 @p1 $0x1;
	p0 =	seq.s32 s7, s2  }
0x1e: {  	s7 =	smul.u32 @!p0 $0xF7A, s2;
	p2 =	seq.s32 @!p0 s5, $0x0  }
0x1f: {  	s9 =	smul.u32 $0xF7A, s1;
	s8 =	simm.s32 @!p0 $0x1BF5;
	p2 =	por !p2, p0  }
0x20: {  	[sflag:s8] =	ssyncset.s32 @!p0 $0xFFFFF086;
	s6 =	sadd.s32 @!p0 s3, s7;
	s7 =	simm.s32 @!p0 $0x108  }
0x21: {  	s3 =	sadd.s32 s3, s9;
	s6 =	sadd.s32 @!p0 $0x88, s6;
	s7 =	simm.s32 @p2 $0x1082  }
0x22: {  	[simem:s7], [sflag:s8] =	dma.local @!p0 [hbm:s6], $0xF7A  }
0x23: {  	s9 =	sor.u32 $0xD0000000, s2;
	s6 =	simm.s32 $0x108;
	_ =	swait.ge @!p0 [sflag:s8], $0x0  }
0x24: {  	s3 =	sadd.s32 $0x88, s3;
	s6 =	simm.s32 @!p1 $0x1082;
	[sflag:s4] =	ssyncset.s32 $0xFFFFF086  }
0x25: {  	[simem:s6], [sflag:s4] =	dma.local [hbm:s3], $0xF7A  }
0x26: {  	[smem:$0x3F9B] =	sst s1;
	(tag) =	ssettag s2;
	_ =	strace s9  }
0x27: {  	s1 =	sld [smem:$0x3FAB]  }
0x28: {  	s2 =	sld [smem:$0x3FAC]  }
0x29: {  	s4 =	sld [smem:$0x3FAE]  }
0x2a: {  	p0 =	seq.s32 s5, $0x0;
	s5 =	sld [smem:$0x3FAF]  }
0x2b: {  	s6 =	sld [smem:$0x3FB0]  }
0x2c: {  	s7 =	sld [smem:$0x3FB1]  }
0x2d: {  	s3 =	simm.s32 $0x108;
	s8 =	sld [smem:$0x3FB2]  }
0x2e: {  	s3 =	simm.s32 @!p0 $0x1082;
	s9 =	sld [smem:$0x3FB3]  }
0x2f: {  	lr =	sadd.s32 s0, s3;
	s0 =	sld [smem:$0x3FAA]  }
0x30: {  	s3 =	sld [smem:$0x3FAD]  }
0x31: {  	[smem:$0x3FB6] =	sst s10  }
0x32: {  	s10 =	sld [smem:$0x3FB4];
	_ =	sdelay $0x3  }
0x33: {  	p0 =	seq.s32 s10, $0x1;
	s10 =	sld [smem:$0x3FB6];
	_ =	sdelay $0x3  }
0x34: {  	[smem:$0x3FB6] =	sst s10  }
0x35: {  	s10 =	sld [smem:$0x3FB5];
	_ =	sdelay $0x3  }
0x36: {  	p1 =	seq.s32 s10, $0x1;
	s10 =	sld [smem:$0x3FB6];
	_ =	sdelay $0x3  }
0x37: {  	[smem:$0x3FB6] =	sst s10  }
0x38: {  	s10 =	sld [smem:$0x3FB7]  }
0x39: {  	_ = 	snop;
	(pc) =	sbr.ind lr, $3  }
0x3a: {  	_ = 	snop  }
0x3b: {  	_ = 	snop  }
0x3c: {  	p2 =	seq.s32 s10, $0x1;
	s10 =	sld [smem:$0x3FB6]  }
0x3d: {  	_ =	shalt  }
0x3e: {  	_ =	shalt  }
0x3f: {  	_ =	shalt  }
0x40: {  	_ =	shalt  }
0x41: {  	_ =	shalt  }
0x42: {  	_ =	shalt  }
0x43: {  	_ =	shalt  }
0x44: {  	_ =	shalt  }
0x45: {  	_ =	shalt  }
0x46: {  	_ =	shalt  }
0x47: {  	_ =	shalt  }
0x48: {  	_ =	shalt  }
0x49: {  	_ =	shalt  }
0x4a: {  	_ =	shalt  }
0x4b: {  	_ =	shalt  }
0x4c: {  	_ =	shalt  }
0x4d: {  	_ =	shalt  }
0x4e: {  	_ =	shalt  }
0x4f: {  	_ =	shalt  }
0x50: {  	_ =	shalt  }
0x51: {  	_ =	shalt  }
0x52: {  	_ =	shalt  }
0x53: {  	_ =	shalt  }
0x54: {  	_ =	shalt  }
0x55: {  	_ =	shalt  }
0x56: {  	_ =	shalt  }
0x57: {  	_ =	shalt  }
0x58: {  	_ =	shalt  }
0x59: {  	_ =	shalt  }
0x5a: {  	_ =	shalt  }
0x5b: {  	_ =	shalt  }
0x5c: {  	_ =	shalt  }
0x5d: {  	_ =	shalt  }
0x5e: {  	_ =	shalt  }
0x5f: {  	_ =	shalt  }
0x60: {  	_ =	shalt  }
0x61: {  	_ =	shalt  }
0x62: {  	_ =	shalt  }
0x63: {  	_ =	shalt  }
0x64: {  	_ =	shalt  }
0x65: {  	_ =	shalt  }
0x66: {  	_ =	shalt  }
0x67: {  	_ =	shalt  }
0x68: {  	_ =	shalt  }
0x69: {  	_ =	shalt  }
0x6a: {  	_ =	shalt  }
0x6b: {  	_ =	shalt  }
0x6c: {  	_ =	shalt  }
0x6d: {  	_ =	shalt  }
0x6e: {  	_ =	shalt  }
0x6f: {  	_ =	shalt  }
0x70: {  	_ =	shalt  }
0x71: {  	_ =	shalt  }
0x72: {  	_ =	shalt  }
0x73: {  	_ =	shalt  }
0x74: {  	_ =	shalt  }
0x75: {  	_ =	shalt  }
0x76: {  	_ =	shalt  }
0x77: {  	_ =	shalt  }
0x78: {  	_ =	shalt  }
0x79: {  	_ =	shalt  }
0x7a: {  	_ =	shalt  }
0x7b: {  	_ =	shalt  }
0x7c: {  	_ =	shalt  }
0x7d: {  	_ =	shalt  }
0x7e: {  	_ =	shalt  }
0x7f: {  	_ =	shalt  }
0x80: {  	_ =	shalt  }
0x81: {  	_ =	shalt  }
0x82: {  	_ =	shalt  }
0x83: {  	_ =	shalt  }
0x84: {  	_ =	shalt  }
0x85: {  	_ =	shalt  }
0x86: {  	_ =	shalt  }
0x87: {  	_ =	shalt  }
.Lfunc_end0:
.L_simem_size_0:
called_computation.1_lowered:
.L_overlay_start_0:
0x88: {  	s2 =	sld [smem:$0x3FD9]  }
0x89: {  	s3 =	sld [smem:$0x3FFE];
	_ =	sdelay $0x1  }
0x8a: {  	s1 =	srdreg.scid  }
0x8b: {  	s0 =	sand.u32 $0x1, s1  }
0x8c: {  	s14 =	sshll.u32 s0, $0xA;
	s2 =	sadd.s32 s3, s2  }
0x8d: {  	s2 =	sadd.s32 s2, s14  }
0x8e: {  	[smem:$0x3FC2] =	sst s2  }
0x8f: {  	_ = 	snop  }
0x90: {  	s2 =	sld [smem:$0x3FD0];
	_ =	sdelay $0x2  }
0x91: {  	s15 =	simm.s32 $0xB;
	s4 =	simm.s32 $0x10  }
0x92: {  	[smem:s4], [sflag:s15] =	dma.local [hbm:s2], $0x1  }
0x93: {  	_ =	swait.eq [sflag:s15], $0x1  }
0x94: {  	[sflag:s15] =	ssyncset.done $0x0  }
0x95: {  	s16 =	sld [smem:$0x10];
	[sflag:s15] =	ssyncadd.s32 $0xFFFFFFFF  }
0x96: {  	s17 =	sld [smem:$0x11];
	(tm) =	ssettm $0x1  }
0x97: {  	s18 =	sld [smem:$0x3FFB];
	_ =	sdelay $0x3  }
0x98: {  	_ =	strace s18  }
0x99: {  	s4 =	sld [smem:$0x3FFC];
	_ =	sdelay $0x3  }
0x9a: {  	_ =	strace s4  }
0x9b: {  	s4 =	sld [smem:$0x3FFD];
	_ =	sdelay $0x3  }
0x9c: {  	_ =	strace s4  }
0x9d: {  	_ =	strace $0x8FFFFFFF  }
0x9e: {  	s19 =	sld [smem:$0x3FDB];
	_ =	sdelay $0x1  }
0x9f: {  	s5 =	simm.s32 $_scs_section_size  }
0xa0: {  	s6 =	simm.s32 $_size__tile_overlayer_lowered;
	s7 =	simm.s32 $_tile_overlayer_lowered  }
0xa1: {  	s22 =	simm.s32 $0x1BFF;
	s21 =	sshll.u32 s7, $0x1;
	s4 =	sadd.s32 s5, s19  }
0xa2: {  	s8 =	simm.s32 $0x0;
	s20 =	sshll.u32 s6, $0x1;
	s6 =	sadd.s32 s21, s4  }
0xa3: {  	[timem:s8], [sflag:s22] =	dma.local [hbm:s6], s20  }
0xa4: {  	_ =	swait.ge [sflag:s22], s20  }
0xa5: {  	s5 =	ssub.s32 $0x0, s20;
	[sflag:s22] =	ssyncset.done $0x0  }
0xa6: {  	[sflag:s22] =	ssyncadd.s32 s5;
	_ =	sdelay $0x1  }
0xa7: {  	s23 =	simm.s32 $0x1B8B  }
0xa8: {  	_ =	swait.ge [sflag:s23], $0x1  }
0xa9: {  	[sflag:s23] =	ssyncset.done $0x0  }
0xaa: {  	s25 =	simm.s32 $0x1B8E;
	s24 =	sld [smem:$0x3FFE];
	[sflag:s23] =	ssyncadd.s32 $0xFFFFFFFF  }
0xab: {  	s26 =	simm.s32 $execute0_lowered;
	[smem:$0x3FD2] =	sst s25  }
0xac: {  	s6 =	sshll.u32 s26, $0x1;
	_ =	strace $0x80000049;
	[dreg:$0x1] =	wrdreg $0xFFFFFFFF  }
0xad: {  	s28 =	simm.s32 $_size_execute0_lowered;
	s4 =	sadd.s32 s4, s6;
	[dreg:$0x0] =	wrdreg $0x0  }
0xae: {  	s6 =	sshll.u32 s28, $0x1;
	[dreg:$0x2] =	wrdreg s4  }
0xaf: {  	[dreg:$0x3] =	wrdreg s6  }
0xb0: {  	[dreg:$0x4] =	wrdreg $0xC0  }
0xb1: {  	_ =	task [dreg:s8], $0x5FFFF  }
0xb2: {  	[dreg:$0x1] =	wrdreg $0xFFFFFFFF  }
0xb3: {  	[dreg:$0x0] =	wrdreg $0x60  }
0xb4: {  	[dreg:$0x2] =	wrdreg s17  }
0xb5: {  	[dreg:$0x3] =	wrdreg s24  }
0xb6: {  	[dreg:$0x4] =	wrdreg s16  }
0xb7: {  	[dreg:$0x5] =	wrdreg $0x0  }
0xb8: {  	[dreg:$0x6] =	wrdreg $0x9  }
0xb9: {  	_ =	task.clear_ibuf [dreg:s8], $0x7FFFF;
	_ =	strace $0x90000049  }
0xba: {  	s29 =	simm.s32 $0x9;
	_ =	strace $0x8000004B  }
0xbb: {  	_ =	swait.ge [sflag:s29], $0x1  }
0xbc: {  	[sflag:s29] =	ssyncadd.s32 $0xFFFFFFFF  }
0xbd: {  	_ =	strace $0x9000004B  }
0xbe: {  	_ =	sfence  }
0xbf: {  	s30 =	sld [smem:$0x0];
	_ =	sdelay $0x2  }
0xc0: {  	s31 =	sshll.u32 s1, $0xD;
	s1 =	sshrl.u32 s1, $0x2  }
0xc1: {  	s3 =	sand.u32 $0x4000, s31;
	s1 =	sadd.s32 s1, s30  }
0xc2: {  	s0 =	sor.u32 s3, s0;
	s1 =	sshll.u32 s1, $0x11  }
0xc3: {  	s0 =	sor.u32 s1, s0  }
0xc4: {  	s0 =	sadd.s32 $0x8F2B, s0  }
0xc5: {  	[sflag:s0] =	ssyncadd.remote.s32 $0x1  }
0xc6: {  	_ =	sfence.sel $0xFFFF  }
0xc7: {  	[dreg:$0x0] =	wrdreg $0xFFFFFFFF;
	(pc) =	sbr.abs _section_cstart, $3  }
0xc8: {  	[dreg:$0x1] =	wrdreg $0xFFFFFFFF  }
0xc9: {  	_ =	task.clear_ibuf [dreg:s8], $0x2FFFF;
	_ =	strace $0x9FFFFFFF  }
0xca: {  	(tm) =	ssettm $0x7FFFFFFF  }
0xcb: {  	_ =	shalt  }
tec
execute0_lowered:
.L_overlay_start_1:
0x0: {  	(tag) =	ssettag $0x1  }
0x1: {  	s1 =	rddreg [dreg:$0x0]  }
0x2: {  	s2 =	rddreg [dreg:$0x1]  }
0x3: {  	s6 =	rddreg [dreg:$0x2]  }
0x4: {  	s3 =	rddreg [dreg:$0x3];
	s4 =	simm.s32 $0x0  }
0x5: {  	s22 =	simm.s32 $0x1C040;
	[smem:$0x7FF] =	sst s4  }
0x6: {  	s23 =	simm.s32 $0x1C080;
	_ =	strace $0x8000004A;
	[dreg:$0x7] =	wrdreg s22  }
0x7: {  	s24 =	simm.s32 $0x1C0C0;
	[dreg:$0x8] =	wrdreg s23  }
0x8: {  	s25 =	simm.s32 $0x1C100;
	[dreg:$0x9] =	wrdreg s24  }
0x9: {  	s26 =	simm.s32 $0x1C140;
	[dreg:$0xa] =	wrdreg s25  }
0xa: {  	s10 =	simm.s32 $0x1C180;
	[dreg:$0xb] =	wrdreg s26  }
0xb: {  	s9 =	sadd.s32 $0x3600, s2;
	[dreg:$0xd] =	wrdreg s10  }
0xc: {  	s12 =	simm.s32 $0x1C1C0;
	[smem:$0x7ED] =	sst s9  }
0xd: {  	s13 =	simm.s32 $0x1C900;
	[dreg:$0xe] =	wrdreg s12  }
0xe: {  	s14 =	simm.s32 $0x1C200;
	[dreg:$0xf] =	wrdreg s13  }
0xf: {  	s0 =	srdreg.scid;
	s15 =	simm.s32 $0x1C240;
	[dreg:$0x10] =	wrdreg s14  }
0x10: {  	s8 =	stileid.u32;
	s16 =	simm.s32 $0x1C980;
	[dreg:$0x11] =	wrdreg s15  }
0x11: {  	s17 =	simm.s32 $0x1C280;
	s19 =	simm.s32 $0x1C2C0;
	[dreg:$0x12] =	wrdreg s16  }
0x12: {  	s28 =	simm.s32 $0x1C700;
	s29 =	simm.s32 $0x1C740;
	[dreg:$0x13] =	wrdreg s17  }
0x13: {  	s30 =	simm.s32 $0x1CE80;
	[dreg:$0x14] =	wrdreg s19;
	s22 =	simm.s32 $0x1C300  }
0x14: {  	s31 =	simm.s32 $0x1C780;
	s24 =	simm.s32 $0x1C340;
	[dreg:$0x16] =	wrdreg s22  }
0x15: {  	s0 =	sand.u32 $0x1, s0;
	s25 =	simm.s32 $0x1CA80;
	[dreg:$0x17] =	wrdreg s24  }
0x16: {  	s7 =	smul.u32 $0x5000, s8;
	s9 =	simm.s32 $0x1C3C0;
	[dreg:$0x18] =	wrdreg s25  }
0x17: {  	s11 =	smul.u32 $0x14000, s8;
	s10 =	simm.s32 $0x1CB00;
	[dreg:$0x1a] =	wrdreg s9  }
0x18: {  	s5 =	smul.u32 $0x50000, s0;
	s12 =	simm.s32 $0x1C440;
	[dreg:$0x1b] =	wrdreg s10  }
0x19: {  	s26 =	sshll.u32 s8, $0x6;
	s13 =	simm.s32 $0x1CB80;
	[dreg:$0x1d] =	wrdreg s12  }
0x1a: {  	s14 =	simm.s32 $0x1C480;
	s15 =	simm.s32 $0x1C4C0;
	[dreg:$0x1e] =	wrdreg s13  }
0x1b: {  	s16 =	simm.s32 $0x1CC00;
	s17 =	simm.s32 $0x1C500;
	[dreg:$0x1f] =	wrdreg s14  }
0x1c: {  	s19 =	simm.s32 $0x1CC80;
	s10 =	simm.s32 $0x7;
	[smem:$0x7F0] =	sst s15  }
0x1d: {  	s12 =	simm.s32 $0x1C800;
	s13 =	simm.s32 $0x40;
	[smem:$0x7F1] =	sst s16  }
0x1e: {  	s14 =	simm.s32 $0x14000;
	s15 =	simm.s32 $0x16000;
	[smem:$0x7F2] =	sst s17  }
0x1f: {  	s16 =	simm.s32 $0x18000;
	s17 =	simm.s32 $0x1A000;
	[smem:$0x7F4] =	sst s19  }
0x20: {  	s19 =	simm.s32 $0x2;
	s22 =	simm.s32 $0x1CD00;
	s24 =	simm.s32 $0x1C640  }
0x21: {  	s25 =	simm.s32 $0x1CD80;
	s9 =	simm.s32 $0x0;
	[smem:$0x7F7] =	sst s22  }
0x22: {  	s5 =	sadd.s32 s7, s5;
	s7 =	smul.u32 $0x140000, s0;
	[smem:$0x7F9] =	sst s24  }
0x23: {  	s0 =	ssub.s32 $0x2, s0;
	s22 =	simm.s32 $0x3;
	[smem:$0x7FA] =	sst s25  }
0x24: {  	s24 =	simm.s32 $0x6;
	s25 =	simm.s32 $0x1C6C0;
	s5 =	sshrl.u32 s5, $0x3  }
0x25: {  	s18 =	sshrl.u32 s0, $0x1;
	s20 =	sadd.s32 s5, s2;
	s5 =	sadd.s32 s5, s6  }
0x26: {  	s6 =	simm.s32 $0x1C880;
	s0 =	ssub.s32 s0, s18;
	[dreg:$0x5] =	wrdreg s5  }
0x27: {  	s18 =	simm.s32 $0x1C540;
	s21 =	sadd.s32 $0x55E00, s20;
	[dreg:$0xc] =	wrdreg s6  }
0x28: {  	s6 =	sadd.s32 s11, s7;
	s20 =	smul.u32 $0x50000, s8;
	[smem:$0x7F3] =	sst s18  }
0x29: {  	s8 =	simm.s32 $0x1C380;
	s7 =	sor.u32 $0x1C07, s26;
	[dreg:$0x6] =	wrdreg s21  }
0x2a: {  	s0 =	smax.u32 s0, $0x1;
	s11 =	simm.s32 $0x1C400;
	[dreg:$0x19] =	wrdreg s8  }
0x2b: {  	s18 =	simm.s32 $0x1;
	s26 =	simm.s32 $0x1C680;
	[smem:$0x7EF] =	sst s0  }
0x2c: {  	s5 =	simm.s32 $0x1CF80;
	s6 =	sshrl.u32 s6, $0x3;
	[dreg:$0x1c] =	wrdreg s11  }
0x2d: {  	s21 =	simm.s32 $0x1CA00;
	s11 =	simm.s32 $0x1C000;
	[smem:$0x7FB] =	sst s26  }
0x2e: {  	s26 =	simm.s32 $0x1CE00;
	s0 =	simm.s32 $0x1CF00;
	[smem:$0x7FC] =	sst s7  }
0x2f: {  	[dreg:$0x15] =	wrdreg s21;
	s23 =	sshrl.u32 s20, $0x2;
	s20 =	simm.s32 $0x1C580  }
0x30: {  	s2 =	sadd.s32 s6, s2;
	s21 =	simm.s32 $0x1C5C0;
	[smem:$0x7F5] =	sst s20  }
0x31: {  	s6 =	sadd.s32 s23, s3;
	s2 =	sadd.s32 $0x91E00, s2;
	[smem:$0x7F6] =	sst s21  }
0x32: {  	s20 =	simm.s32 $0x80;
	s23 =	simm.s32 $0x1C600;
	[smem:$0x7EE] =	sst s2  }
0x33: {  	s21 =	simm.s32 $0x5;
	s8 =	sshrl.u32 s6, $0x3;
	[smem:$0x7F8] =	sst s23  }
0x34: {  	s23 =	simm.s32 $0x4;
	s2 =	simm.s32 $0x1C7C0;
	[smem:$0x7FD] =	sst s8  }
.LBB2_1:
0x35: {  	s6 =	sld [smem:$0x7ED];
	_ =	sdelay $0x1  }
0x36: {  	[smem:$0x7EC] =	sst s9  }
0x37: {  	[spmem:s8], [sflag:s7] =	dma.local [hbm:s6], $0x2800  }
0x38: {  	_ =	swait.ge [sflag:s10], $0x2800  }
0x39: {  	[sflag:s10] =	ssyncset.done $0x0  }
0x3a: {  	[sflag:s10] =	ssyncadd.s32 $0xFFFFD800  }
0x3b: {  	[bflag:$0x0] =	sbarrier.arrive $0xFFFF  }
0x3c: {  	s9 =	rddreg [dreg:$0x6]  }
0x3d: {  	s6 =	sadd.s32 $0x0, s9  }
0x3e: {  	[tilespmem:s11], [sflag:$0x7] =	stream.linear.gather [hbm4b:s6+s4], $0x800, $0x38;
	[tilespmem:$0x1D000] =	vst v63  }
0x3f: {  	_ =	swait.ge [sflag:s10], $0x800  }
0x40: {  	s7 =	rddreg [dreg:$0x5];
	[sflag:s10] =	ssyncset.done $0x0  }
0x41: {  	[sflag:s10] =	ssyncadd.s32 $0xFFFFF800;
	s6 =	sadd.s32 $0x0, s7  }
0x42: {  	[tilespmem:s12], [sflag:$0x7] =	stream.linear.gather [hbm4b:s6+s4], $0x800, $0x38;
	[tilespmem:$0x1D000] =	vst v63  }
0x43: {  	_ =	swait.ge [sflag:s10], $0x800  }
0x44: {  	[sflag:s10] =	ssyncset.done $0x0  }
0x45: {  	[sflag:s10] =	ssyncadd.s32 $0xFFFFF800  }
0x46: {  	[tilespmem:s14], [sflag:$0x1] =	stream.indirect.gather [hbm4b:s1+s13], $0x80, s11, s13, $0xb8;
	[tilespmem:$0x1D000] =	vst v63  }
0x47: {  	s8 =	rddreg [dreg:$0x7]  }
0x48: {  	[tilespmem:s15], [sflag:$0x2] =	stream.indirect.gather [hbm4b:s1+s13], $0x80, s8, s13, $0xb8;
	[tilespmem:$0x1D000] =	vst v63  }
0x49: {  	s9 =	rddreg [dreg:$0x8]  }
0x4a: {  	[tilespmem:s16], [sflag:$0x3] =	stream.indirect.gather [hbm4b:s1+s13], $0x80, s9, s13, $0xb8;
	[tilespmem:$0x1D000] =	vst v63  }
0x4b: {  	s7 =	rddreg [dreg:$0x9]  }
0x4c: {  	[tilespmem:s17], [sflag:$0x4] =	stream.indirect.gather [hbm4b:s1+s13], $0x80, s7, s13, $0xb8;
	[tilespmem:$0x1D000] =	vst v63  }
0x4d: {  	_ =	swait.ge [sflag:s18], $0x2000  }
0x4e: {  	[sflag:s18] =	ssyncset.done $0x0  }
0x4f: {  	[sflag:s18] =	ssyncadd.s32 $0xFFFFE000  }
0x50: {  	_ =	swait.ge [sflag:s19], $0x2000  }
0x51: {  	[sflag:s19] =	ssyncset.done $0x0  }
0x52: {  	[sflag:s19] =	ssyncadd.s32 $0xFFFFE000  }
0x53: {  	[spmem:s3] =	stream.indirect.scatter.add.f32 [tilespmem:s14], [sflag:$0x5], $0x80, s12, s20, $0xb8;
	[tilespmem:$0x1D000] =	vst v63  }
0x54: {  	_ =	swait.ge [sflag:s21], $0x4000  }
0x55: {  	[sflag:s21] =	ssyncset.done $0x0  }
0x56: {  	s9 =	rddreg [dreg:$0xa];
	[sflag:s21] =	ssyncadd.s32 $0xFFFFC000  }
0x57: {  	[tilespmem:s14], [sflag:$0x1] =	stream.indirect.gather [hbm4b:s1+s13], $0x80, s9, s13, $0xb8;
	[tilespmem:$0x1D000] =	vst v63  }
0x58: {  	s7 =	rddreg [dreg:$0xb]  }
0x59: {  	[tilespmem:s15], [sflag:$0x2] =	stream.indirect.gather [hbm4b:s1+s13], $0x80, s7, s13, $0xb8;
	[tilespmem:$0x1D000] =	vst v63  }
0x5a: {  	_ =	swait.ge [sflag:s22], $0x2000  }
0x5b: {  	[sflag:s22] =	ssyncset.done $0x0  }
0x5c: {  	[sflag:s22] =	ssyncadd.s32 $0xFFFFE000  }
0x5d: {  	_ =	swait.ge [sflag:s23], $0x2000  }
0x5e: {  	[sflag:s23] =	ssyncset.done $0x0  }
0x5f: {  	s8 =	rddreg [dreg:$0xc];
	[sflag:s23] =	ssyncadd.s32 $0xFFFFE000  }
0x60: {  	[spmem:s3] =	stream.indirect.scatter.add.f32 [tilespmem:s16], [sflag:$0x6], $0x80, s8, s20, $0xb8;
	[tilespmem:$0x1D000] =	vst v63  }
0x61: {  	_ =	swait.ge [sflag:s24], $0x4000  }
0x62: {  	[sflag:s24] =	ssyncset.done $0x0  }
0x63: {  	s9 =	rddreg [dreg:$0xd];
	[sflag:s24] =	ssyncadd.s32 $0xFFFFC000  }
0x64: {  	[tilespmem:s16], [sflag:$0x3] =	stream.indirect.gather [hbm4b:s1+s13], $0x80, s9, s13, $0xb8;
	[tilespmem:$0x1D000] =	vst v63  }
0x65: {  	s7 =	rddreg [dreg:$0xe]  }
0x66: {  	[tilespmem:s17], [sflag:$0x4] =	stream.indirect.gather [hbm4b:s1+s13], $0x80, s7, s13, $0xb8;
	[tilespmem:$0x1D000] =	vst v63  }
0x67: {  	_ =	swait.ge [sflag:s18], $0x2000  }
0x68: {  	[sflag:s18] =	ssyncset.done $0x0  }
0x69: {  	[sflag:s18] =	ssyncadd.s32 $0xFFFFE000  }
0x6a: {  	_ =	swait.ge [sflag:s19], $0x2000  }
0x6b: {  	[sflag:s19] =	ssyncset.done $0x0  }
0x6c: {  	s8 =	rddreg [dreg:$0xf];
	[sflag:s19] =	ssyncadd.s32 $0xFFFFE000  }
0x6d: {  	[spmem:s3] =	stream.indirect.scatter.add.f32 [tilespmem:s14], [sflag:$0x5], $0x80, s8, s20, $0xb8;
	[tilespmem:$0x1D000] =	vst v63  }
0x6e: {  	_ =	swait.ge [sflag:s21], $0x4000  }
0x6f: {  	[sflag:s21] =	ssyncset.done $0x0  }
0x70: {  	s9 =	rddreg [dreg:$0x10];
	[sflag:s21] =	ssyncadd.s32 $0xFFFFC000  }
0x71: {  	[tilespmem:s14], [sflag:$0x1] =	stream.indirect.gather [hbm4b:s1+s13], $0x80, s9, s13, $0xb8;
	[tilespmem:$0x1D000] =	vst v63  }
0x72: {  	s7 =	rddreg [dreg:$0x11]  }
0x73: {  	[tilespmem:s15], [sflag:$0x2] =	stream.indirect.gather [hbm4b:s1+s13], $0x80, s7, s13, $0xb8;
	[tilespmem:$0x1D000] =	vst v63  }
0x74: {  	_ =	swait.ge [sflag:s22], $0x2000  }
0x75: {  	[sflag:s22] =	ssyncset.done $0x0  }
0x76: {  	[sflag:s22] =	ssyncadd.s32 $0xFFFFE000  }
0x77: {  	_ =	swait.ge [sflag:s23], $0x2000  }
0x78: {  	[sflag:s23] =	ssyncset.done $0x0  }
0x79: {  	s8 =	rddreg [dreg:$0x12];
	[sflag:s23] =	ssyncadd.s32 $0xFFFFE000  }
0x7a: {  	[spmem:s3] =	stream.indirect.scatter.add.f32 [tilespmem:s16], [sflag:$0x6], $0x80, s8, s20, $0xb8;
	[tilespmem:$0x1D000] =	vst v63  }
0x7b: {  	_ =	swait.ge [sflag:s24], $0x4000  }
0x7c: {  	[sflag:s24] =	ssyncset.done $0x0  }
0x7d: {  	s9 =	rddreg [dreg:$0x13];
	[sflag:s24] =	ssyncadd.s32 $0xFFFFC000  }
0x7e: {  	[tilespmem:s16], [sflag:$0x3] =	stream.indirect.gather [hbm4b:s1+s13], $0x80, s9, s13, $0xb8;
	[tilespmem:$0x1D000] =	vst v63  }
0x7f: {  	s7 =	rddreg [dreg:$0x14]  }
0x80: {  	[tilespmem:s17], [sflag:$0x4] =	stream.indirect.gather [hbm4b:s1+s13], $0x80, s7, s13, $0xb8;
	[tilespmem:$0x1D000] =	vst v63  }
0x81: {  	_ =	swait.ge [sflag:s18], $0x2000  }
0x82: {  	[sflag:s18] =	ssyncset.done $0x0  }
0x83: {  	[sflag:s18] =	ssyncadd.s32 $0xFFFFE000  }
0x84: {  	_ =	swait.ge [sflag:s19], $0x2000  }
0x85: {  	[sflag:s19] =	ssyncset.done $0x0  }
0x86: {  	s8 =	rddreg [dreg:$0x15];
	[sflag:s19] =	ssyncadd.s32 $0xFFFFE000  }
0x87: {  	[spmem:s3] =	stream.indirect.scatter.add.f32 [tilespmem:s14], [sflag:$0x5], $0x80, s8, s20, $0xb8;
	[tilespmem:$0x1D000] =	vst v63  }
0x88: {  	_ =	swait.ge [sflag:s21], $0x4000  }
0x89: {  	[sflag:s21] =	ssyncset.done $0x0  }
0x8a: {  	s9 =	rddreg [dreg:$0x16];
	[sflag:s21] =	ssyncadd.s32 $0xFFFFC000  }
0x8b: {  	[tilespmem:s14], [sflag:$0x1] =	stream.indirect.gather [hbm4b:s1+s13], $0x80, s9, s13, $0xb8;
	[tilespmem:$0x1D000] =	vst v63  }
0x8c: {  	s7 =	rddreg [dreg:$0x17]  }
0x8d: {  	[tilespmem:s15], [sflag:$0x2] =	stream.indirect.gather [hbm4b:s1+s13], $0x80, s7, s13, $0xb8;
	[tilespmem:$0x1D000] =	vst v63  }
0x8e: {  	_ =	swait.ge [sflag:s22], $0x2000  }
0x8f: {  	[sflag:s22] =	ssyncset.done $0x0  }
0x90: {  	[sflag:s22] =	ssyncadd.s32 $0xFFFFE000  }
0x91: {  	_ =	swait.ge [sflag:s23], $0x2000  }
0x92: {  	[sflag:s23] =	ssyncset.done $0x0  }
0x93: {  	s8 =	rddreg [dreg:$0x18];
	[sflag:s23] =	ssyncadd.s32 $0xFFFFE000  }
0x94: {  	[spmem:s3] =	stream.indirect.scatter.add.f32 [tilespmem:s16], [sflag:$0x6], $0x80, s8, s20, $0xb8;
	[tilespmem:$0x1D000] =	vst v63  }
0x95: {  	_ =	swait.ge [sflag:s24], $0x4000  }
0x96: {  	[sflag:s24] =	ssyncset.done $0x0  }
0x97: {  	s9 =	rddreg [dreg:$0x19];
	[sflag:s24] =	ssyncadd.s32 $0xFFFFC000  }
0x98: {  	[tilespmem:s16], [sflag:$0x3] =	stream.indirect.gather [hbm4b:s1+s13], $0x80, s9, s13, $0xb8;
	[tilespmem:$0x1D000] =	vst v63  }
0x99: {  	s7 =	rddreg [dreg:$0x1a]  }
0x9a: {  	[tilespmem:s17], [sflag:$0x4] =	stream.indirect.gather [hbm4b:s1+s13], $0x80, s7, s13, $0xb8;
	[tilespmem:$0x1D000] =	vst v63  }
0x9b: {  	_ =	swait.ge [sflag:s18], $0x2000  }
0x9c: {  	[sflag:s18] =	ssyncset.done $0x0  }
0x9d: {  	[sflag:s18] =	ssyncadd.s32 $0xFFFFE000  }
0x9e: {  	_ =	swait.ge [sflag:s19], $0x2000  }
0x9f: {  	[sflag:s19] =	ssyncset.done $0x0  }
0xa0: {  	s8 =	rddreg [dreg:$0x1b];
	[sflag:s19] =	ssyncadd.s32 $0xFFFFE000  }
0xa1: {  	[spmem:s3] =	stream.indirect.scatter.add.f32 [tilespmem:s14], [sflag:$0x5], $0x80, s8, s20, $0xb8;
	[tilespmem:$0x1D000] =	vst v63  }
0xa2: {  	_ =	swait.ge [sflag:s21], $0x4000  }
0xa3: {  	[sflag:s21] =	ssyncset.done $0x0  }
0xa4: {  	s9 =	rddreg [dreg:$0x1c];
	[sflag:s21] =	ssyncadd.s32 $0xFFFFC000  }
0xa5: {  	[tilespmem:s14], [sflag:$0x1] =	stream.indirect.gather [hbm4b:s1+s13], $0x80, s9, s13, $0xb8;
	[tilespmem:$0x1D000] =	vst v63  }
0xa6: {  	s7 =	rddreg [dreg:$0x1d]  }
0xa7: {  	[tilespmem:s15], [sflag:$0x2] =	stream.indirect.gather [hbm4b:s1+s13], $0x80, s7, s13, $0xb8;
	[tilespmem:$0x1D000] =	vst v63  }
0xa8: {  	_ =	swait.ge [sflag:s22], $0x2000  }
0xa9: {  	[sflag:s22] =	ssyncset.done $0x0  }
0xaa: {  	[sflag:s22] =	ssyncadd.s32 $0xFFFFE000  }
0xab: {  	_ =	swait.ge [sflag:s23], $0x2000  }
0xac: {  	[sflag:s23] =	ssyncset.done $0x0  }
0xad: {  	s8 =	rddreg [dreg:$0x1e];
	[sflag:s23] =	ssyncadd.s32 $0xFFFFE000  }
0xae: {  	[spmem:s3] =	stream.indirect.scatter.add.f32 [tilespmem:s16], [sflag:$0x6], $0x80, s8, s20, $0xb8;
	[tilespmem:$0x1D000] =	vst v63  }
0xaf: {  	_ =	swait.ge [sflag:s24], $0x4000  }
0xb0: {  	s9 =	rddreg [dreg:$0x1f];
	[sflag:s24] =	ssyncset.done $0x0  }
0xb1: {  	s7 =	sld [smem:$0x7F0];
	[sflag:s24] =	ssyncadd.s32 $0xFFFFC000  }
0xb2: {  	[tilespmem:s16], [sflag:$0x3] =	stream.indirect.gather [hbm4b:s1+s13], $0x80, s9, s13, $0xb8;
	[tilespmem:$0x1D000] =	vst v63  }
0xb3: {  	_ = 	snop  }
0xb4: {  	[tilespmem:s17], [sflag:$0x4] =	stream.indirect.gather [hbm4b:s1+s13], $0x80, s7, s13, $0xb8;
	[tilespmem:$0x1D000] =	vst v63  }
0xb5: {  	_ =	swait.ge [sflag:s18], $0x2000  }
0xb6: {  	[sflag:s18] =	ssyncset.done $0x0  }
0xb7: {  	[sflag:s18] =	ssyncadd.s32 $0xFFFFE000  }
0xb8: {  	_ =	swait.ge [sflag:s19], $0x2000  }
0xb9: {  	s8 =	sld [smem:$0x7F1]  }
0xba: {  	[sflag:s19] =	ssyncset.done $0x0  }
0xbb: {  	[sflag:s19] =	ssyncadd.s32 $0xFFFFE000  }
0xbc: {  	[spmem:s3] =	stream.indirect.scatter.add.f32 [tilespmem:s14], [sflag:$0x5], $0x80, s8, s20, $0xb8;
	[tilespmem:$0x1D000] =	vst v63  }
0xbd: {  	_ =	swait.ge [sflag:s21], $0x4000  }
0xbe: {  	s9 =	sld [smem:$0x7F2]  }
0xbf: {  	[sflag:s21] =	ssyncset.done $0x0  }
0xc0: {  	s7 =	sld [smem:$0x7F3];
	[sflag:s21] =	ssyncadd.s32 $0xFFFFC000  }
0xc1: {  	[tilespmem:s14], [sflag:$0x1] =	stream.indirect.gather [hbm4b:s1+s13], $0x80, s9, s13, $0xb8;
	[tilespmem:$0x1D000] =	vst v63  }
0xc2: {  	_ = 	snop  }
0xc3: {  	[tilespmem:s15], [sflag:$0x2] =	stream.indirect.gather [hbm4b:s1+s13], $0x80, s7, s13, $0xb8;
	[tilespmem:$0x1D000] =	vst v63  }
0xc4: {  	_ =	swait.ge [sflag:s22], $0x2000  }
0xc5: {  	[sflag:s22] =	ssyncset.done $0x0  }
0xc6: {  	[sflag:s22] =	ssyncadd.s32 $0xFFFFE000  }
0xc7: {  	_ =	swait.ge [sflag:s23], $0x2000  }
0xc8: {  	s8 =	sld [smem:$0x7F4]  }
0xc9: {  	[sflag:s23] =	ssyncset.done $0x0  }
0xca: {  	[sflag:s23] =	ssyncadd.s32 $0xFFFFE000  }
0xcb: {  	[spmem:s3] =	stream.indirect.scatter.add.f32 [tilespmem:s16], [sflag:$0x6], $0x80, s8, s20, $0xb8;
	[tilespmem:$0x1D000] =	vst v63  }
0xcc: {  	_ =	swait.ge [sflag:s24], $0x4000  }
0xcd: {  	s9 =	sld [smem:$0x7F5]  }
0xce: {  	[sflag:s24] =	ssyncset.done $0x0  }
0xcf: {  	s7 =	sld [smem:$0x7F6];
	[sflag:s24] =	ssyncadd.s32 $0xFFFFC000  }
0xd0: {  	[tilespmem:s16], [sflag:$0x3] =	stream.indirect.gather [hbm4b:s1+s13], $0x80, s9, s13, $0xb8;
	[tilespmem:$0x1D000] =	vst v63  }
0xd1: {  	_ = 	snop  }
0xd2: {  	[tilespmem:s17], [sflag:$0x4] =	stream.indirect.gather [hbm4b:s1+s13], $0x80, s7, s13, $0xb8;
	[tilespmem:$0x1D000] =	vst v63  }
0xd3: {  	_ =	swait.ge [sflag:s18], $0x2000  }
0xd4: {  	[sflag:s18] =	ssyncset.done $0x0  }
0xd5: {  	[sflag:s18] =	ssyncadd.s32 $0xFFFFE000  }
0xd6: {  	_ =	swait.ge [sflag:s19], $0x2000  }
0xd7: {  	s8 =	sld [smem:$0x7F7]  }
0xd8: {  	[sflag:s19] =	ssyncset.done $0x0  }
0xd9: {  	[sflag:s19] =	ssyncadd.s32 $0xFFFFE000  }
0xda: {  	[spmem:s3] =	stream.indirect.scatter.add.f32 [tilespmem:s14], [sflag:$0x5], $0x80, s8, s20, $0xb8;
	[tilespmem:$0x1D000] =	vst v63  }
0xdb: {  	_ =	swait.ge [sflag:s21], $0x4000  }
0xdc: {  	s9 =	sld [smem:$0x7F8]  }
0xdd: {  	[sflag:s21] =	ssyncset.done $0x0  }
0xde: {  	s7 =	sld [smem:$0x7F9];
	[sflag:s21] =	ssyncadd.s32 $0xFFFFC000  }
0xdf: {  	[tilespmem:s14], [sflag:$0x1] =	stream.indirect.gather [hbm4b:s1+s13], $0x80, s9, s13, $0xb8;
	[tilespmem:$0x1D000] =	vst v63  }
0xe0: {  	_ = 	snop  }
0xe1: {  	[tilespmem:s15], [sflag:$0x2] =	stream.indirect.gather [hbm4b:s1+s13], $0x80, s7, s13, $0xb8;
	[tilespmem:$0x1D000] =	vst v63  }
0xe2: {  	_ =	swait.ge [sflag:s22], $0x2000  }
0xe3: {  	[sflag:s22] =	ssyncset.done $0x0  }
0xe4: {  	[sflag:s22] =	ssyncadd.s32 $0xFFFFE000  }
0xe5: {  	_ =	swait.ge [sflag:s23], $0x2000  }
0xe6: {  	s8 =	sld [smem:$0x7FA]  }
0xe7: {  	[sflag:s23] =	ssyncset.done $0x0  }
0xe8: {  	[sflag:s23] =	ssyncadd.s32 $0xFFFFE000  }
0xe9: {  	[spmem:s3] =	stream.indirect.scatter.add.f32 [tilespmem:s16], [sflag:$0x6], $0x80, s8, s20, $0xb8;
	[tilespmem:$0x1D000] =	vst v63  }
0xea: {  	_ =	swait.ge [sflag:s24], $0x4000  }
0xeb: {  	s9 =	sld [smem:$0x7FB]  }
0xec: {  	[sflag:s24] =	ssyncset.done $0x0  }
0xed: {  	[sflag:s24] =	ssyncadd.s32 $0xFFFFC000  }
0xee: {  	[tilespmem:s16], [sflag:$0x3] =	stream.indirect.gather [hbm4b:s1+s13], $0x80, s9, s13, $0xb8;
	[tilespmem:$0x1D000] =	vst v63  }
0xef: {  	_ = 	snop  }
0xf0: {  	[tilespmem:s17], [sflag:$0x4] =	stream.indirect.gather [hbm4b:s1+s13], $0x80, s25, s13, $0xb8;
	[tilespmem:$0x1D000] =	vst v63  }
0xf1: {  	_ =	swait.ge [sflag:s18], $0x2000  }
0xf2: {  	[sflag:s18] =	ssyncset.done $0x0  }
0xf3: {  	[sflag:s18] =	ssyncadd.s32 $0xFFFFE000  }
0xf4: {  	_ =	swait.ge [sflag:s19], $0x2000  }
0xf5: {  	[sflag:s19] =	ssyncset.done $0x0  }
0xf6: {  	[sflag:s19] =	ssyncadd.s32 $0xFFFFE000  }
0xf7: {  	[spmem:s3] =	stream.indirect.scatter.add.f32 [tilespmem:s14], [sflag:$0x5], $0x80, s26, s20, $0xb8;
	[tilespmem:$0x1D000] =	vst v63  }
0xf8: {  	_ =	swait.ge [sflag:s21], $0x4000  }
0xf9: {  	[sflag:s21] =	ssyncset.done $0x0  }
0xfa: {  	[sflag:s21] =	ssyncadd.s32 $0xFFFFC000  }
0xfb: {  	[tilespmem:s14], [sflag:$0x1] =	stream.indirect.gather [hbm4b:s1+s13], $0x80, s28, s13, $0xb8;
	[tilespmem:$0x1D000] =	vst v63  }
0xfc: {  	_ = 	snop  }
0xfd: {  	[tilespmem:s15], [sflag:$0x2] =	stream.indirect.gather [hbm4b:s1+s13], $0x80, s29, s13, $0xb8;
	[tilespmem:$0x1D000] =	vst v63  }
0xfe: {  	_ =	swait.ge [sflag:s22], $0x2000  }
0xff: {  	[sflag:s22] =	ssyncset.done $0x0  }
0x100: {  	[sflag:s22] =	ssyncadd.s32 $0xFFFFE000  }
0x101: {  	_ =	swait.ge [sflag:s23], $0x2000  }
0x102: {  	[sflag:s23] =	ssyncset.done $0x0  }
0x103: {  	[sflag:s23] =	ssyncadd.s32 $0xFFFFE000  }
0x104: {  	[spmem:s3] =	stream.indirect.scatter.add.f32 [tilespmem:s16], [sflag:$0x6], $0x80, s30, s20, $0xb8;
	[tilespmem:$0x1D000] =	vst v63  }
0x105: {  	_ =	swait.ge [sflag:s24], $0x4000  }
0x106: {  	[sflag:s24] =	ssyncset.done $0x0  }
0x107: {  	[sflag:s24] =	ssyncadd.s32 $0xFFFFC000  }
0x108: {  	[tilespmem:s16], [sflag:$0x3] =	stream.indirect.gather [hbm4b:s1+s13], $0x80, s31, s13, $0xb8;
	[tilespmem:$0x1D000] =	vst v63  }
0x109: {  	_ = 	snop  }
0x10a: {  	[tilespmem:s17], [sflag:$0x4] =	stream.indirect.gather [hbm4b:s1+s13], $0x80, s2, s13, $0xb8;
	[tilespmem:$0x1D000] =	vst v63  }
0x10b: {  	_ =	swait.ge [sflag:s18], $0x2000  }
0x10c: {  	[sflag:s18] =	ssyncset.done $0x0  }
0x10d: {  	[sflag:s18] =	ssyncadd.s32 $0xFFFFE000  }
0x10e: {  	_ =	swait.ge [sflag:s19], $0x2000  }
0x10f: {  	[sflag:s19] =	ssyncset.done $0x0  }
0x110: {  	[sflag:s19] =	ssyncadd.s32 $0xFFFFE000  }
0x111: {  	[spmem:s3] =	stream.indirect.scatter.add.f32 [tilespmem:s14], [sflag:$0x5], $0x80, s0, s20, $0xb8;
	[tilespmem:$0x1D000] =	vst v63  }
0x112: {  	_ =	swait.ge [sflag:s22], $0x2000  }
0x113: {  	[sflag:s22] =	ssyncset.done $0x0  }
0x114: {  	[sflag:s22] =	ssyncadd.s32 $0xFFFFE000  }
0x115: {  	_ =	swait.ge [sflag:s23], $0x2000  }
0x116: {  	[sflag:s23] =	ssyncset.done $0x0  }
0x117: {  	[sflag:s23] =	ssyncadd.s32 $0xFFFFE000  }
0x118: {  	[spmem:s3] =	stream.indirect.scatter.add.f32 [tilespmem:s16], [sflag:$0x6], $0x80, s5, s20, $0xb8;
	[tilespmem:$0x1D000] =	vst v63  }
0x119: {  	_ =	swait.ge [sflag:s21], $0x4000  }
0x11a: {  	[sflag:s21] =	ssyncset.done $0x0  }
0x11b: {  	[sflag:s21] =	ssyncadd.s32 $0xFFFFC000  }
0x11c: {  	s6 =	simm.s32 $0x200;
	_ =	swait.ge [sflag:s24], $0x4000  }
0x11d: {  	s8 =	simm.s32 $0x100;
	s9 =	rddreg [dreg:$0x6];
	[sflag:s24] =	ssyncset.done $0x0  }
.LBB2_2:
0x11e: {  	[sflag:s24] =	ssyncadd.s32 $0xFFFFC000;
	s9 =	sadd.s32 s8, s9  }
0x11f: {  	[tilespmem:s11], [sflag:$0x7] =	stream.linear.gather [hbm4b:s9+s4], $0x800, $0x38;
	[tilespmem:$0x1D000] =	vst v63  }
0x120: {  	_ =	swait.ge [sflag:s10], $0x800  }
0x121: {  	s9 =	rddreg [dreg:$0x5];
	[sflag:s10] =	ssyncset.done $0x0  }
0x122: {  	[sflag:s10] =	ssyncadd.s32 $0xFFFFF800;
	s9 =	sadd.s32 s8, s9  }
0x123: {  	[tilespmem:s12], [sflag:$0x7] =	stream.linear.gather [hbm4b:s9+s4], $0x800, $0x38;
	[tilespmem:$0x1D000] =	vst v63  }
0x124: {  	_ =	swait.ge [sflag:s10], $0x800  }
0x125: {  	[sflag:s10] =	ssyncset.done $0x0  }
0x126: {  	s7 =	smov.u32 s6;
	[sflag:s10] =	ssyncadd.s32 $0xFFFFF800  }
0x127: {  	[tilespmem:s14], [sflag:$0x1] =	stream.indirect.gather [hbm4b:s1+s13], $0x80, s11, s13, $0xb8;
	[tilespmem:$0x1D000] =	vst v63  }
0x128: {  	s8 =	smov.u32 s7;
	s7 =	rddreg [dreg:$0x7]  }
0x129: {  	[tilespmem:s15], [sflag:$0x2] =	stream.indirect.gather [hbm4b:s1+s13], $0x80, s7, s13, $0xb8;
	[tilespmem:$0x1D000] =	vst v63  }
0x12a: {  	s9 =	rddreg [dreg:$0x8]  }
0x12b: {  	[tilespmem:s16], [sflag:$0x3] =	stream.indirect.gather [hbm4b:s1+s13], $0x80, s9, s13, $0xb8;
	[tilespmem:$0x1D000] =	vst v63  }
0x12c: {  	s7 =	rddreg [dreg:$0x9]  }
0x12d: {  	[tilespmem:s17], [sflag:$0x4] =	stream.indirect.gather [hbm4b:s1+s13], $0x80, s7, s13, $0xb8;
	[tilespmem:$0x1D000] =	vst v63  }
0x12e: {  	_ =	swait.ge [sflag:s18], $0x2000  }
0x12f: {  	[sflag:s18] =	ssyncset.done $0x0  }
0x130: {  	[sflag:s18] =	ssyncadd.s32 $0xFFFFE000  }
0x131: {  	_ =	swait.ge [sflag:s19], $0x2000  }
0x132: {  	[sflag:s19] =	ssyncset.done $0x0  }
0x133: {  	[sflag:s19] =	ssyncadd.s32 $0xFFFFE000  }
0x134: {  	[spmem:s3] =	stream.indirect.scatter.add.f32 [tilespmem:s14], [sflag:$0x5], $0x80, s12, s20, $0xb8;
	[tilespmem:$0x1D000] =	vst v63  }
0x135: {  	_ =	swait.ge [sflag:s21], $0x4000  }
0x136: {  	[sflag:s21] =	ssyncset.done $0x0  }
0x137: {  	s7 =	rddreg [dreg:$0xa];
	[sflag:s21] =	ssyncadd.s32 $0xFFFFC000  }
0x138: {  	[tilespmem:s14], [sflag:$0x1] =	stream.indirect.gather [hbm4b:s1+s13], $0x80, s7, s13, $0xb8;
	[tilespmem:$0x1D000] =	vst v63  }
0x139: {  	s9 =	rddreg [dreg:$0xb]  }
0x13a: {  	[tilespmem:s15], [sflag:$0x2] =	stream.indirect.gather [hbm4b:s1+s13], $0x80, s9, s13, $0xb8;
	[tilespmem:$0x1D000] =	vst v63  }
0x13b: {  	_ =	swait.ge [sflag:s22], $0x2000  }
0x13c: {  	[sflag:s22] =	ssyncset.done $0x0  }
0x13d: {  	[sflag:s22] =	ssyncadd.s32 $0xFFFFE000  }
0x13e: {  	_ =	swait.ge [sflag:s23], $0x2000  }
0x13f: {  	[sflag:s23] =	ssyncset.done $0x0  }
0x140: {  	s9 =	rddreg [dreg:$0xc];
	[sflag:s23] =	ssyncadd.s32 $0xFFFFE000  }
0x141: {  	[spmem:s3] =	stream.indirect.scatter.add.f32 [tilespmem:s16], [sflag:$0x6], $0x80, s9, s20, $0xb8;
	[tilespmem:$0x1D000] =	vst v63  }
0x142: {  	_ =	swait.ge [sflag:s24], $0x4000  }
0x143: {  	[sflag:s24] =	ssyncset.done $0x0  }
0x144: {  	s7 =	rddreg [dreg:$0xd];
	[sflag:s24] =	ssyncadd.s32 $0xFFFFC000  }
0x145: {  	[tilespmem:s16], [sflag:$0x3] =	stream.indirect.gather [hbm4b:s1+s13], $0x80, s7, s13, $0xb8;
	[tilespmem:$0x1D000] =	vst v63  }
0x146: {  	s9 =	rddreg [dreg:$0xe]  }
0x147: {  	[tilespmem:s17], [sflag:$0x4] =	stream.indirect.gather [hbm4b:s1+s13], $0x80, s9, s13, $0xb8;
	[tilespmem:$0x1D000] =	vst v63  }
0x148: {  	_ =	swait.ge [sflag:s18], $0x2000  }
0x149: {  	[sflag:s18] =	ssyncset.done $0x0  }
0x14a: {  	[sflag:s18] =	ssyncadd.s32 $0xFFFFE000  }
0x14b: {  	_ =	swait.ge [sflag:s19], $0x2000  }
0x14c: {  	[sflag:s19] =	ssyncset.done $0x0  }
0x14d: {  	s9 =	rddreg [dreg:$0xf];
	[sflag:s19] =	ssyncadd.s32 $0xFFFFE000  }
0x14e: {  	[spmem:s3] =	stream.indirect.scatter.add.f32 [tilespmem:s14], [sflag:$0x5], $0x80, s9, s20, $0xb8;
	[tilespmem:$0x1D000] =	vst v63  }
0x14f: {  	_ =	swait.ge [sflag:s21], $0x4000  }
0x150: {  	[sflag:s21] =	ssyncset.done $0x0  }
0x151: {  	s7 =	rddreg [dreg:$0x10];
	[sflag:s21] =	ssyncadd.s32 $0xFFFFC000  }
0x152: {  	[tilespmem:s14], [sflag:$0x1] =	stream.indirect.gather [hbm4b:s1+s13], $0x80, s7, s13, $0xb8;
	[tilespmem:$0x1D000] =	vst v63  }
0x153: {  	s9 =	rddreg [dreg:$0x11]  }
0x154: {  	[tilespmem:s15], [sflag:$0x2] =	stream.indirect.gather [hbm4b:s1+s13], $0x80, s9, s13, $0xb8;
	[tilespmem:$0x1D000] =	vst v63  }
0x155: {  	_ =	swait.ge [sflag:s22], $0x2000  }
0x156: {  	[sflag:s22] =	ssyncset.done $0x0  }
0x157: {  	[sflag:s22] =	ssyncadd.s32 $0xFFFFE000  }
0x158: {  	_ =	swait.ge [sflag:s23], $0x2000  }
0x159: {  	[sflag:s23] =	ssyncset.done $0x0  }
0x15a: {  	s9 =	rddreg [dreg:$0x12];
	[sflag:s23] =	ssyncadd.s32 $0xFFFFE000  }
0x15b: {  	[spmem:s3] =	stream.indirect.scatter.add.f32 [tilespmem:s16], [sflag:$0x6], $0x80, s9, s20, $0xb8;
	[tilespmem:$0x1D000] =	vst v63  }
0x15c: {  	_ =	swait.ge [sflag:s24], $0x4000  }
0x15d: {  	[sflag:s24] =	ssyncset.done $0x0  }
0x15e: {  	s7 =	rddreg [dreg:$0x13];
	[sflag:s24] =	ssyncadd.s32 $0xFFFFC000  }
0x15f: {  	[tilespmem:s16], [sflag:$0x3] =	stream.indirect.gather [hbm4b:s1+s13], $0x80, s7, s13, $0xb8;
	[tilespmem:$0x1D000] =	vst v63  }
0x160: {  	s9 =	rddreg [dreg:$0x14]  }
0x161: {  	[tilespmem:s17], [sflag:$0x4] =	stream.indirect.gather [hbm4b:s1+s13], $0x80, s9, s13, $0xb8;
	[tilespmem:$0x1D000] =	vst v63  }
0x162: {  	_ =	swait.ge [sflag:s18], $0x2000  }
0x163: {  	[sflag:s18] =	ssyncset.done $0x0  }
0x164: {  	[sflag:s18] =	ssyncadd.s32 $0xFFFFE000  }
0x165: {  	_ =	swait.ge [sflag:s19], $0x2000  }
0x166: {  	[sflag:s19] =	ssyncset.done $0x0  }
0x167: {  	s9 =	rddreg [dreg:$0x15];
	[sflag:s19] =	ssyncadd.s32 $0xFFFFE000  }
0x168: {  	[spmem:s3] =	stream.indirect.scatter.add.f32 [tilespmem:s14], [sflag:$0x5], $0x80, s9, s20, $0xb8;
	[tilespmem:$0x1D000] =	vst v63  }
0x169: {  	_ =	swait.ge [sflag:s21], $0x4000  }
0x16a: {  	[sflag:s21] =	ssyncset.done $0x0  }
0x16b: {  	s7 =	rddreg [dreg:$0x16];
	[sflag:s21] =	ssyncadd.s32 $0xFFFFC000  }
0x16c: {  	[tilespmem:s14], [sflag:$0x1] =	stream.indirect.gather [hbm4b:s1+s13], $0x80, s7, s13, $0xb8;
	[tilespmem:$0x1D000] =	vst v63  }
0x16d: {  	s9 =	rddreg [dreg:$0x17]  }
0x16e: {  	[tilespmem:s15], [sflag:$0x2] =	stream.indirect.gather [hbm4b:s1+s13], $0x80, s9, s13, $0xb8;
	[tilespmem:$0x1D000] =	vst v63  }
0x16f: {  	_ =	swait.ge [sflag:s22], $0x2000  }
0x170: {  	[sflag:s22] =	ssyncset.done $0x0  }
0x171: {  	[sflag:s22] =	ssyncadd.s32 $0xFFFFE000  }
0x172: {  	_ =	swait.ge [sflag:s23], $0x2000  }
0x173: {  	[sflag:s23] =	ssyncset.done $0x0  }
0x174: {  	s9 =	rddreg [dreg:$0x18];
	[sflag:s23] =	ssyncadd.s32 $0xFFFFE000  }
0x175: {  	[spmem:s3] =	stream.indirect.scatter.add.f32 [tilespmem:s16], [sflag:$0x6], $0x80, s9, s20, $0xb8;
	[tilespmem:$0x1D000] =	vst v63  }
0x176: {  	_ =	swait.ge [sflag:s24], $0x4000  }
0x177: {  	[sflag:s24] =	ssyncset.done $0x0  }
0x178: {  	s7 =	rddreg [dreg:$0x19];
	[sflag:s24] =	ssyncadd.s32 $0xFFFFC000  }
0x179: {  	[tilespmem:s16], [sflag:$0x3] =	stream.indirect.gather [hbm4b:s1+s13], $0x80, s7, s13, $0xb8;
	[tilespmem:$0x1D000] =	vst v63  }
0x17a: {  	s9 =	rddreg [dreg:$0x1a]  }
0x17b: {  	[tilespmem:s17], [sflag:$0x4] =	stream.indirect.gather [hbm4b:s1+s13], $0x80, s9, s13, $0xb8;
	[tilespmem:$0x1D000] =	vst v63  }
0x17c: {  	_ =	swait.ge [sflag:s18], $0x2000  }
0x17d: {  	[sflag:s18] =	ssyncset.done $0x0  }
0x17e: {  	[sflag:s18] =	ssyncadd.s32 $0xFFFFE000  }
0x17f: {  	_ =	swait.ge [sflag:s19], $0x2000  }
0x180: {  	[sflag:s19] =	ssyncset.done $0x0  }
0x181: {  	s9 =	rddreg [dreg:$0x1b];
	[sflag:s19] =	ssyncadd.s32 $0xFFFFE000  }
0x182: {  	[spmem:s3] =	stream.indirect.scatter.add.f32 [tilespmem:s14], [sflag:$0x5], $0x80, s9, s20, $0xb8;
	[tilespmem:$0x1D000] =	vst v63  }
0x183: {  	_ =	swait.ge [sflag:s21], $0x4000  }
0x184: {  	[sflag:s21] =	ssyncset.done $0x0  }
0x185: {  	s7 =	rddreg [dreg:$0x1c];
	[sflag:s21] =	ssyncadd.s32 $0xFFFFC000  }
0x186: {  	[tilespmem:s14], [sflag:$0x1] =	stream.indirect.gather [hbm4b:s1+s13], $0x80, s7, s13, $0xb8;
	[tilespmem:$0x1D000] =	vst v63  }
0x187: {  	s9 =	rddreg [dreg:$0x1d]  }
0x188: {  	[tilespmem:s15], [sflag:$0x2] =	stream.indirect.gather [hbm4b:s1+s13], $0x80, s9, s13, $0xb8;
	[tilespmem:$0x1D000] =	vst v63  }
0x189: {  	_ =	swait.ge [sflag:s22], $0x2000  }
0x18a: {  	[sflag:s22] =	ssyncset.done $0x0  }
0x18b: {  	[sflag:s22] =	ssyncadd.s32 $0xFFFFE000  }
0x18c: {  	_ =	swait.ge [sflag:s23], $0x2000  }
0x18d: {  	[sflag:s23] =	ssyncset.done $0x0  }
0x18e: {  	s9 =	rddreg [dreg:$0x1e];
	[sflag:s23] =	ssyncadd.s32 $0xFFFFE000  }
0x18f: {  	[spmem:s3] =	stream.indirect.scatter.add.f32 [tilespmem:s16], [sflag:$0x6], $0x80, s9, s20, $0xb8;
	[tilespmem:$0x1D000] =	vst v63  }
0x190: {  	_ =	swait.ge [sflag:s24], $0x4000  }
0x191: {  	s7 =	rddreg [dreg:$0x1f];
	[sflag:s24] =	ssyncset.done $0x0  }
0x192: {  	s9 =	sld [smem:$0x7F0];
	[sflag:s24] =	ssyncadd.s32 $0xFFFFC000  }
0x193: {  	[tilespmem:s16], [sflag:$0x3] =	stream.indirect.gather [hbm4b:s1+s13], $0x80, s7, s13, $0xb8;
	[tilespmem:$0x1D000] =	vst v63  }
0x194: {  	_ = 	snop  }
0x195: {  	[tilespmem:s17], [sflag:$0x4] =	stream.indirect.gather [hbm4b:s1+s13], $0x80, s9, s13, $0xb8;
	[tilespmem:$0x1D000] =	vst v63  }
0x196: {  	_ =	swait.ge [sflag:s18], $0x2000  }
0x197: {  	[sflag:s18] =	ssyncset.done $0x0  }
0x198: {  	[sflag:s18] =	ssyncadd.s32 $0xFFFFE000  }
0x199: {  	_ =	swait.ge [sflag:s19], $0x2000  }
0x19a: {  	s9 =	sld [smem:$0x7F1]  }
0x19b: {  	[sflag:s19] =	ssyncset.done $0x0  }
0x19c: {  	[sflag:s19] =	ssyncadd.s32 $0xFFFFE000  }
0x19d: {  	[spmem:s3] =	stream.indirect.scatter.add.f32 [tilespmem:s14], [sflag:$0x5], $0x80, s9, s20, $0xb8;
	[tilespmem:$0x1D000] =	vst v63  }
0x19e: {  	_ =	swait.ge [sflag:s21], $0x4000  }
0x19f: {  	s7 =	sld [smem:$0x7F2]  }
0x1a0: {  	[sflag:s21] =	ssyncset.done $0x0  }
0x1a1: {  	s9 =	sld [smem:$0x7F3];
	[sflag:s21] =	ssyncadd.s32 $0xFFFFC000  }
0x1a2: {  	[tilespmem:s14], [sflag:$0x1] =	stream.indirect.gather [hbm4b:s1+s13], $0x80, s7, s13, $0xb8;
	[tilespmem:$0x1D000] =	vst v63  }
0x1a3: {  	_ = 	snop  }
0x1a4: {  	[tilespmem:s15], [sflag:$0x2] =	stream.indirect.gather [hbm4b:s1+s13], $0x80, s9, s13, $0xb8;
	[tilespmem:$0x1D000] =	vst v63  }
0x1a5: {  	_ =	swait.ge [sflag:s22], $0x2000  }
0x1a6: {  	[sflag:s22] =	ssyncset.done $0x0  }
0x1a7: {  	[sflag:s22] =	ssyncadd.s32 $0xFFFFE000  }
0x1a8: {  	_ =	swait.ge [sflag:s23], $0x2000  }
0x1a9: {  	s9 =	sld [smem:$0x7F4]  }
0x1aa: {  	[sflag:s23] =	ssyncset.done $0x0  }
0x1ab: {  	[sflag:s23] =	ssyncadd.s32 $0xFFFFE000  }
0x1ac: {  	[spmem:s3] =	stream.indirect.scatter.add.f32 [tilespmem:s16], [sflag:$0x6], $0x80, s9, s20, $0xb8;
	[tilespmem:$0x1D000] =	vst v63  }
0x1ad: {  	_ =	swait.ge [sflag:s24], $0x4000  }
0x1ae: {  	s7 =	sld [smem:$0x7F5]  }
0x1af: {  	[sflag:s24] =	ssyncset.done $0x0  }
0x1b0: {  	s9 =	sld [smem:$0x7F6];
	[sflag:s24] =	ssyncadd.s32 $0xFFFFC000  }
0x1b1: {  	[tilespmem:s16], [sflag:$0x3] =	stream.indirect.gather [hbm4b:s1+s13], $0x80, s7, s13, $0xb8;
	[tilespmem:$0x1D000] =	vst v63  }
0x1b2: {  	_ = 	snop  }
0x1b3: {  	[tilespmem:s17], [sflag:$0x4] =	stream.indirect.gather [hbm4b:s1+s13], $0x80, s9, s13, $0xb8;
	[tilespmem:$0x1D000] =	vst v63  }
0x1b4: {  	_ =	swait.ge [sflag:s18], $0x2000  }
0x1b5: {  	[sflag:s18] =	ssyncset.done $0x0  }
0x1b6: {  	[sflag:s18] =	ssyncadd.s32 $0xFFFFE000  }
0x1b7: {  	_ =	swait.ge [sflag:s19], $0x2000  }
0x1b8: {  	s9 =	sld [smem:$0x7F7]  }
0x1b9: {  	[sflag:s19] =	ssyncset.done $0x0  }
0x1ba: {  	[sflag:s19] =	ssyncadd.s32 $0xFFFFE000  }
0x1bb: {  	[spmem:s3] =	stream.indirect.scatter.add.f32 [tilespmem:s14], [sflag:$0x5], $0x80, s9, s20, $0xb8;
	[tilespmem:$0x1D000] =	vst v63  }
0x1bc: {  	_ =	swait.ge [sflag:s21], $0x4000  }
0x1bd: {  	s7 =	sld [smem:$0x7F8]  }
0x1be: {  	[sflag:s21] =	ssyncset.done $0x0  }
0x1bf: {  	s9 =	sld [smem:$0x7F9];
	[sflag:s21] =	ssyncadd.s32 $0xFFFFC000  }
0x1c0: {  	[tilespmem:s14], [sflag:$0x1] =	stream.indirect.gather [hbm4b:s1+s13], $0x80, s7, s13, $0xb8;
	[tilespmem:$0x1D000] =	vst v63  }
0x1c1: {  	_ = 	snop  }
0x1c2: {  	[tilespmem:s15], [sflag:$0x2] =	stream.indirect.gather [hbm4b:s1+s13], $0x80, s9, s13, $0xb8;
	[tilespmem:$0x1D000] =	vst v63  }
0x1c3: {  	_ =	swait.ge [sflag:s22], $0x2000  }
0x1c4: {  	[sflag:s22] =	ssyncset.done $0x0  }
0x1c5: {  	[sflag:s22] =	ssyncadd.s32 $0xFFFFE000  }
0x1c6: {  	_ =	swait.ge [sflag:s23], $0x2000  }
0x1c7: {  	s9 =	sld [smem:$0x7FA]  }
0x1c8: {  	[sflag:s23] =	ssyncset.done $0x0  }
0x1c9: {  	[sflag:s23] =	ssyncadd.s32 $0xFFFFE000  }
0x1ca: {  	[spmem:s3] =	stream.indirect.scatter.add.f32 [tilespmem:s16], [sflag:$0x6], $0x80, s9, s20, $0xb8;
	[tilespmem:$0x1D000] =	vst v63  }
0x1cb: {  	_ =	swait.ge [sflag:s24], $0x4000  }
0x1cc: {  	s9 =	sld [smem:$0x7FB]  }
0x1cd: {  	[sflag:s24] =	ssyncset.done $0x0  }
0x1ce: {  	[sflag:s24] =	ssyncadd.s32 $0xFFFFC000  }
0x1cf: {  	[tilespmem:s16], [sflag:$0x3] =	stream.indirect.gather [hbm4b:s1+s13], $0x80, s9, s13, $0xb8;
	[tilespmem:$0x1D000] =	vst v63  }
0x1d0: {  	_ = 	snop  }
0x1d1: {  	[tilespmem:s17], [sflag:$0x4] =	stream.indirect.gather [hbm4b:s1+s13], $0x80, s25, s13, $0xb8;
	[tilespmem:$0x1D000] =	vst v63  }
0x1d2: {  	_ =	swait.ge [sflag:s18], $0x2000  }
0x1d3: {  	[sflag:s18] =	ssyncset.done $0x0  }
0x1d4: {  	[sflag:s18] =	ssyncadd.s32 $0xFFFFE000  }
0x1d5: {  	_ =	swait.ge [sflag:s19], $0x2000  }
0x1d6: {  	[sflag:s19] =	ssyncset.done $0x0  }
0x1d7: {  	[sflag:s19] =	ssyncadd.s32 $0xFFFFE000  }
0x1d8: {  	[spmem:s3] =	stream.indirect.scatter.add.f32 [tilespmem:s14], [sflag:$0x5], $0x80, s26, s20, $0xb8;
	[tilespmem:$0x1D000] =	vst v63  }
0x1d9: {  	_ =	swait.ge [sflag:s21], $0x4000  }
0x1da: {  	[sflag:s21] =	ssyncset.done $0x0  }
0x1db: {  	[sflag:s21] =	ssyncadd.s32 $0xFFFFC000  }
0x1dc: {  	[tilespmem:s14], [sflag:$0x1] =	stream.indirect.gather [hbm4b:s1+s13], $0x80, s28, s13, $0xb8;
	[tilespmem:$0x1D000] =	vst v63  }
0x1dd: {  	_ = 	snop  }
0x1de: {  	[tilespmem:s15], [sflag:$0x2] =	stream.indirect.gather [hbm4b:s1+s13], $0x80, s29, s13, $0xb8;
	[tilespmem:$0x1D000] =	vst v63  }
0x1df: {  	_ =	swait.ge [sflag:s22], $0x2000  }
0x1e0: {  	[sflag:s22] =	ssyncset.done $0x0  }
0x1e1: {  	[sflag:s22] =	ssyncadd.s32 $0xFFFFE000  }
0x1e2: {  	_ =	swait.ge [sflag:s23], $0x2000  }
0x1e3: {  	[sflag:s23] =	ssyncset.done $0x0  }
0x1e4: {  	[sflag:s23] =	ssyncadd.s32 $0xFFFFE000  }
0x1e5: {  	[spmem:s3] =	stream.indirect.scatter.add.f32 [tilespmem:s16], [sflag:$0x6], $0x80, s30, s20, $0xb8;
	[tilespmem:$0x1D000] =	vst v63  }
0x1e6: {  	_ =	swait.ge [sflag:s24], $0x4000  }
0x1e7: {  	[sflag:s24] =	ssyncset.done $0x0  }
0x1e8: {  	[sflag:s24] =	ssyncadd.s32 $0xFFFFC000  }
0x1e9: {  	[tilespmem:s16], [sflag:$0x3] =	stream.indirect.gather [hbm4b:s1+s13], $0x80, s31, s13, $0xb8;
	[tilespmem:$0x1D000] =	vst v63  }
0x1ea: {  	_ = 	snop  }
0x1eb: {  	[tilespmem:s17], [sflag:$0x4] =	stream.indirect.gather [hbm4b:s1+s13], $0x80, s2, s13, $0xb8;
	[tilespmem:$0x1D000] =	vst v63  }
0x1ec: {  	_ =	swait.ge [sflag:s18], $0x2000  }
0x1ed: {  	[sflag:s18] =	ssyncset.done $0x0  }
0x1ee: {  	[sflag:s18] =	ssyncadd.s32 $0xFFFFE000  }
0x1ef: {  	_ =	swait.ge [sflag:s19], $0x2000  }
0x1f0: {  	[sflag:s19] =	ssyncset.done $0x0  }
0x1f1: {  	[sflag:s19] =	ssyncadd.s32 $0xFFFFE000  }
0x1f2: {  	[spmem:s3] =	stream.indirect.scatter.add.f32 [tilespmem:s14], [sflag:$0x5], $0x80, s0, s20, $0xb8;
	[tilespmem:$0x1D000] =	vst v63  }
0x1f3: {  	_ =	swait.ge [sflag:s22], $0x2000  }
0x1f4: {  	[sflag:s22] =	ssyncset.done $0x0  }
0x1f5: {  	[sflag:s22] =	ssyncadd.s32 $0xFFFFE000  }
0x1f6: {  	_ =	swait.ge [sflag:s23], $0x2000  }
0x1f7: {  	[sflag:s23] =	ssyncset.done $0x0  }
0x1f8: {  	p0 =	sne.s32 s6, $0x900;
	[sflag:s23] =	ssyncadd.s32 $0xFFFFE000  }
0x1f9: {  	[spmem:s3] =	stream.indirect.scatter.add.f32 [tilespmem:s16], [sflag:$0x6], $0x80, s5, s20, $0xb8;
	[tilespmem:$0x1D000] =	vst v63  }
.Ltmp0:
0x1fa: {  	_ =	swait.ge [sflag:s21], $0x4000;
	(pc) =	sbr.rel @p0 .LBB2_2-.Ltmp0, $4  }
0x1fb: {  	[sflag:s21] =	ssyncset.done $0x0  }
0x1fc: {  	[sflag:s21] =	ssyncadd.s32 $0xFFFFC000  }
0x1fd: {  	_ =	swait.ge [sflag:s24], $0x4000  }
0x1fe: {  	s6 =	sadd.s32 $0x100, s6;
	s9 =	rddreg [dreg:$0x6];
	[sflag:s24] =	ssyncset.done $0x0  }
0x1ff: {  	[sflag:s24] =	ssyncadd.s32 $0xFFFFC000;
	s6 =	sadd.s32 s8, s9  }
0x200: {  	[tilespmem:s11], [sflag:$0x7] =	stream.linear.gather [hbm4b:s6+s4], $0x800, $0x38;
	[tilespmem:$0x1D000] =	vst v63  }
0x201: {  	_ =	swait.ge [sflag:s10], $0x800  }
0x202: {  	s7 =	rddreg [dreg:$0x5];
	[sflag:s10] =	ssyncset.done $0x0  }
0x203: {  	[sflag:s10] =	ssyncadd.s32 $0xFFFFF800;
	s6 =	sadd.s32 s8, s7  }
0x204: {  	[tilespmem:s12], [sflag:$0x7] =	stream.linear.gather [hbm4b:s6+s4], $0x800, $0x38;
	[tilespmem:$0x1D000] =	vst v63  }
0x205: {  	_ =	swait.ge [sflag:s10], $0x800  }
0x206: {  	[sflag:s10] =	ssyncset.done $0x0  }
0x207: {  	[sflag:s10] =	ssyncadd.s32 $0xFFFFF800  }
0x208: {  	[tilespmem:s14], [sflag:$0x1] =	stream.indirect.gather [hbm4b:s1+s13], $0x80, s11, s13, $0xb8;
	[tilespmem:$0x1D000] =	vst v63  }
0x209: {  	s8 =	rddreg [dreg:$0x7]  }
0x20a: {  	[tilespmem:s15], [sflag:$0x2] =	stream.indirect.gather [hbm4b:s1+s13], $0x80, s8, s13, $0xb8;
	[tilespmem:$0x1D000] =	vst v63  }
0x20b: {  	s7 =	rddreg [dreg:$0x8]  }
0x20c: {  	[tilespmem:s16], [sflag:$0x3] =	stream.indirect.gather [hbm4b:s1+s13], $0x80, s7, s13, $0xb8;
	[tilespmem:$0x1D000] =	vst v63  }
0x20d: {  	s9 =	rddreg [dreg:$0x9]  }
0x20e: {  	[tilespmem:s17], [sflag:$0x4] =	stream.indirect.gather [hbm4b:s1+s13], $0x80, s9, s13, $0xb8;
	[tilespmem:$0x1D000] =	vst v63  }
0x20f: {  	_ =	swait.ge [sflag:s18], $0x2000  }
0x210: {  	[sflag:s18] =	ssyncset.done $0x0  }
0x211: {  	[sflag:s18] =	ssyncadd.s32 $0xFFFFE000  }
0x212: {  	_ =	swait.ge [sflag:s19], $0x2000  }
0x213: {  	[sflag:s19] =	ssyncset.done $0x0  }
0x214: {  	[sflag:s19] =	ssyncadd.s32 $0xFFFFE000  }
0x215: {  	[spmem:s3] =	stream.indirect.scatter.add.f32 [tilespmem:s14], [sflag:$0x5], $0x80, s12, s20, $0xb8;
	[tilespmem:$0x1D000] =	vst v63  }
0x216: {  	_ =	swait.ge [sflag:s21], $0x4000  }
0x217: {  	[sflag:s21] =	ssyncset.done $0x0  }
0x218: {  	s8 =	rddreg [dreg:$0xa];
	[sflag:s21] =	ssyncadd.s32 $0xFFFFC000  }
0x219: {  	[tilespmem:s14], [sflag:$0x1] =	stream.indirect.gather [hbm4b:s1+s13], $0x80, s8, s13, $0xb8;
	[tilespmem:$0x1D000] =	vst v63  }
0x21a: {  	s9 =	rddreg [dreg:$0xb]  }
0x21b: {  	[tilespmem:s15], [sflag:$0x2] =	stream.indirect.gather [hbm4b:s1+s13], $0x80, s9, s13, $0xb8;
	[tilespmem:$0x1D000] =	vst v63  }
0x21c: {  	_ =	swait.ge [sflag:s22], $0x2000  }
0x21d: {  	[sflag:s22] =	ssyncset.done $0x0  }
0x21e: {  	[sflag:s22] =	ssyncadd.s32 $0xFFFFE000  }
0x21f: {  	_ =	swait.ge [sflag:s23], $0x2000  }
0x220: {  	[sflag:s23] =	ssyncset.done $0x0  }
0x221: {  	s7 =	rddreg [dreg:$0xc];
	[sflag:s23] =	ssyncadd.s32 $0xFFFFE000  }
0x222: {  	[spmem:s3] =	stream.indirect.scatter.add.f32 [tilespmem:s16], [sflag:$0x6], $0x80, s7, s20, $0xb8;
	[tilespmem:$0x1D000] =	vst v63  }
0x223: {  	_ =	swait.ge [sflag:s24], $0x4000  }
0x224: {  	[sflag:s24] =	ssyncset.done $0x0  }
0x225: {  	s8 =	rddreg [dreg:$0xd];
	[sflag:s24] =	ssyncadd.s32 $0xFFFFC000  }
0x226: {  	[tilespmem:s16], [sflag:$0x3] =	stream.indirect.gather [hbm4b:s1+s13], $0x80, s8, s13, $0xb8;
	[tilespmem:$0x1D000] =	vst v63  }
0x227: {  	s9 =	rddreg [dreg:$0xe]  }
0x228: {  	[tilespmem:s17], [sflag:$0x4] =	stream.indirect.gather [hbm4b:s1+s13], $0x80, s9, s13, $0xb8;
	[tilespmem:$0x1D000] =	vst v63  }
0x229: {  	_ =	swait.ge [sflag:s18], $0x2000  }
0x22a: {  	[sflag:s18] =	ssyncset.done $0x0  }
0x22b: {  	[sflag:s18] =	ssyncadd.s32 $0xFFFFE000  }
0x22c: {  	_ =	swait.ge [sflag:s19], $0x2000  }
0x22d: {  	[sflag:s19] =	ssyncset.done $0x0  }
0x22e: {  	s7 =	rddreg [dreg:$0xf];
	[sflag:s19] =	ssyncadd.s32 $0xFFFFE000  }
0x22f: {  	[spmem:s3] =	stream.indirect.scatter.add.f32 [tilespmem:s14], [sflag:$0x5], $0x80, s7, s20, $0xb8;
	[tilespmem:$0x1D000] =	vst v63  }
0x230: {  	_ =	swait.ge [sflag:s21], $0x4000  }
0x231: {  	[sflag:s21] =	ssyncset.done $0x0  }
0x232: {  	s8 =	rddreg [dreg:$0x10];
	[sflag:s21] =	ssyncadd.s32 $0xFFFFC000  }
0x233: {  	[tilespmem:s14], [sflag:$0x1] =	stream.indirect.gather [hbm4b:s1+s13], $0x80, s8, s13, $0xb8;
	[tilespmem:$0x1D000] =	vst v63  }
0x234: {  	s9 =	rddreg [dreg:$0x11]  }
0x235: {  	[tilespmem:s15], [sflag:$0x2] =	stream.indirect.gather [hbm4b:s1+s13], $0x80, s9, s13, $0xb8;
	[tilespmem:$0x1D000] =	vst v63  }
0x236: {  	_ =	swait.ge [sflag:s22], $0x2000  }
0x237: {  	[sflag:s22] =	ssyncset.done $0x0  }
0x238: {  	[sflag:s22] =	ssyncadd.s32 $0xFFFFE000  }
0x239: {  	_ =	swait.ge [sflag:s23], $0x2000  }
0x23a: {  	[sflag:s23] =	ssyncset.done $0x0  }
0x23b: {  	s7 =	rddreg [dreg:$0x12];
	[sflag:s23] =	ssyncadd.s32 $0xFFFFE000  }
0x23c: {  	[spmem:s3] =	stream.indirect.scatter.add.f32 [tilespmem:s16], [sflag:$0x6], $0x80, s7, s20, $0xb8;
	[tilespmem:$0x1D000] =	vst v63  }
0x23d: {  	_ =	swait.ge [sflag:s24], $0x4000  }
0x23e: {  	[sflag:s24] =	ssyncset.done $0x0  }
0x23f: {  	s8 =	rddreg [dreg:$0x13];
	[sflag:s24] =	ssyncadd.s32 $0xFFFFC000  }
0x240: {  	[tilespmem:s16], [sflag:$0x3] =	stream.indirect.gather [hbm4b:s1+s13], $0x80, s8, s13, $0xb8;
	[tilespmem:$0x1D000] =	vst v63  }
0x241: {  	s9 =	rddreg [dreg:$0x14]  }
0x242: {  	[tilespmem:s17], [sflag:$0x4] =	stream.indirect.gather [hbm4b:s1+s13], $0x80, s9, s13, $0xb8;
	[tilespmem:$0x1D000] =	vst v63  }
0x243: {  	_ =	swait.ge [sflag:s18], $0x2000  }
0x244: {  	[sflag:s18] =	ssyncset.done $0x0  }
0x245: {  	[sflag:s18] =	ssyncadd.s32 $0xFFFFE000  }
0x246: {  	_ =	swait.ge [sflag:s19], $0x2000  }
0x247: {  	[sflag:s19] =	ssyncset.done $0x0  }
0x248: {  	s7 =	rddreg [dreg:$0x15];
	[sflag:s19] =	ssyncadd.s32 $0xFFFFE000  }
0x249: {  	[spmem:s3] =	stream.indirect.scatter.add.f32 [tilespmem:s14], [sflag:$0x5], $0x80, s7, s20, $0xb8;
	[tilespmem:$0x1D000] =	vst v63  }
0x24a: {  	_ =	swait.ge [sflag:s21], $0x4000  }
0x24b: {  	[sflag:s21] =	ssyncset.done $0x0  }
0x24c: {  	s8 =	rddreg [dreg:$0x16];
	[sflag:s21] =	ssyncadd.s32 $0xFFFFC000  }
0x24d: {  	[tilespmem:s14], [sflag:$0x1] =	stream.indirect.gather [hbm4b:s1+s13], $0x80, s8, s13, $0xb8;
	[tilespmem:$0x1D000] =	vst v63  }
0x24e: {  	s9 =	rddreg [dreg:$0x17]  }
0x24f: {  	[tilespmem:s15], [sflag:$0x2] =	stream.indirect.gather [hbm4b:s1+s13], $0x80, s9, s13, $0xb8;
	[tilespmem:$0x1D000] =	vst v63  }
0x250: {  	_ =	swait.ge [sflag:s22], $0x2000  }
0x251: {  	[sflag:s22] =	ssyncset.done $0x0  }
0x252: {  	[sflag:s22] =	ssyncadd.s32 $0xFFFFE000  }
0x253: {  	_ =	swait.ge [sflag:s23], $0x2000  }
0x254: {  	[sflag:s23] =	ssyncset.done $0x0  }
0x255: {  	s7 =	rddreg [dreg:$0x18];
	[sflag:s23] =	ssyncadd.s32 $0xFFFFE000  }
0x256: {  	[spmem:s3] =	stream.indirect.scatter.add.f32 [tilespmem:s16], [sflag:$0x6], $0x80, s7, s20, $0xb8;
	[tilespmem:$0x1D000] =	vst v63  }
0x257: {  	_ =	swait.ge [sflag:s24], $0x4000  }
0x258: {  	[sflag:s24] =	ssyncset.done $0x0  }
0x259: {  	s8 =	rddreg [dreg:$0x19];
	[sflag:s24] =	ssyncadd.s32 $0xFFFFC000  }
0x25a: {  	[tilespmem:s16], [sflag:$0x3] =	stream.indirect.gather [hbm4b:s1+s13], $0x80, s8, s13, $0xb8;
	[tilespmem:$0x1D000] =	vst v63  }
0x25b: {  	s9 =	rddreg [dreg:$0x1a]  }
0x25c: {  	[tilespmem:s17], [sflag:$0x4] =	stream.indirect.gather [hbm4b:s1+s13], $0x80, s9, s13, $0xb8;
	[tilespmem:$0x1D000] =	vst v63  }
0x25d: {  	_ =	swait.ge [sflag:s18], $0x2000  }
0x25e: {  	[sflag:s18] =	ssyncset.done $0x0  }
0x25f: {  	[sflag:s18] =	ssyncadd.s32 $0xFFFFE000  }
0x260: {  	_ =	swait.ge [sflag:s19], $0x2000  }
0x261: {  	[sflag:s19] =	ssyncset.done $0x0  }
0x262: {  	s7 =	rddreg [dreg:$0x1b];
	[sflag:s19] =	ssyncadd.s32 $0xFFFFE000  }
0x263: {  	[spmem:s3] =	stream.indirect.scatter.add.f32 [tilespmem:s14], [sflag:$0x5], $0x80, s7, s20, $0xb8;
	[tilespmem:$0x1D000] =	vst v63  }
0x264: {  	_ =	swait.ge [sflag:s21], $0x4000  }
0x265: {  	[sflag:s21] =	ssyncset.done $0x0  }
0x266: {  	s8 =	rddreg [dreg:$0x1c];
	[sflag:s21] =	ssyncadd.s32 $0xFFFFC000  }
0x267: {  	[tilespmem:s14], [sflag:$0x1] =	stream.indirect.gather [hbm4b:s1+s13], $0x80, s8, s13, $0xb8;
	[tilespmem:$0x1D000] =	vst v63  }
0x268: {  	s9 =	rddreg [dreg:$0x1d]  }
0x269: {  	[tilespmem:s15], [sflag:$0x2] =	stream.indirect.gather [hbm4b:s1+s13], $0x80, s9, s13, $0xb8;
	[tilespmem:$0x1D000] =	vst v63  }
0x26a: {  	_ =	swait.ge [sflag:s22], $0x2000  }
0x26b: {  	[sflag:s22] =	ssyncset.done $0x0  }
0x26c: {  	[sflag:s22] =	ssyncadd.s32 $0xFFFFE000  }
0x26d: {  	_ =	swait.ge [sflag:s23], $0x2000  }
0x26e: {  	[sflag:s23] =	ssyncset.done $0x0  }
0x26f: {  	s7 =	rddreg [dreg:$0x1e];
	[sflag:s23] =	ssyncadd.s32 $0xFFFFE000  }
0x270: {  	[spmem:s3] =	stream.indirect.scatter.add.f32 [tilespmem:s16], [sflag:$0x6], $0x80, s7, s20, $0xb8;
	[tilespmem:$0x1D000] =	vst v63  }
0x271: {  	_ =	swait.ge [sflag:s24], $0x4000  }
0x272: {  	s8 =	rddreg [dreg:$0x1f];
	[sflag:s24] =	ssyncset.done $0x0  }
0x273: {  	s9 =	sld [smem:$0x7F0];
	[sflag:s24] =	ssyncadd.s32 $0xFFFFC000  }
0x274: {  	[tilespmem:s16], [sflag:$0x3] =	stream.indirect.gather [hbm4b:s1+s13], $0x80, s8, s13, $0xb8;
	[tilespmem:$0x1D000] =	vst v63  }
0x275: {  	_ = 	snop  }
0x276: {  	[tilespmem:s17], [sflag:$0x4] =	stream.indirect.gather [hbm4b:s1+s13], $0x80, s9, s13, $0xb8;
	[tilespmem:$0x1D000] =	vst v63  }
0x277: {  	_ =	swait.ge [sflag:s18], $0x2000  }
0x278: {  	[sflag:s18] =	ssyncset.done $0x0  }
0x279: {  	[sflag:s18] =	ssyncadd.s32 $0xFFFFE000  }
0x27a: {  	_ =	swait.ge [sflag:s19], $0x2000  }
0x27b: {  	s7 =	sld [smem:$0x7F1]  }
0x27c: {  	[sflag:s19] =	ssyncset.done $0x0  }
0x27d: {  	[sflag:s19] =	ssyncadd.s32 $0xFFFFE000  }
0x27e: {  	[spmem:s3] =	stream.indirect.scatter.add.f32 [tilespmem:s14], [sflag:$0x5], $0x80, s7, s20, $0xb8;
	[tilespmem:$0x1D000] =	vst v63  }
0x27f: {  	_ =	swait.ge [sflag:s21], $0x4000  }
0x280: {  	s8 =	sld [smem:$0x7F2]  }
0x281: {  	[sflag:s21] =	ssyncset.done $0x0  }
0x282: {  	s9 =	sld [smem:$0x7F3];
	[sflag:s21] =	ssyncadd.s32 $0xFFFFC000  }
0x283: {  	[tilespmem:s14], [sflag:$0x1] =	stream.indirect.gather [hbm4b:s1+s13], $0x80, s8, s13, $0xb8;
	[tilespmem:$0x1D000] =	vst v63  }
0x284: {  	_ = 	snop  }
0x285: {  	[tilespmem:s15], [sflag:$0x2] =	stream.indirect.gather [hbm4b:s1+s13], $0x80, s9, s13, $0xb8;
	[tilespmem:$0x1D000] =	vst v63  }
0x286: {  	_ =	swait.ge [sflag:s22], $0x2000  }
0x287: {  	[sflag:s22] =	ssyncset.done $0x0  }
0x288: {  	[sflag:s22] =	ssyncadd.s32 $0xFFFFE000  }
0x289: {  	_ =	swait.ge [sflag:s23], $0x2000  }
0x28a: {  	s7 =	sld [smem:$0x7F4]  }
0x28b: {  	[sflag:s23] =	ssyncset.done $0x0  }
0x28c: {  	[sflag:s23] =	ssyncadd.s32 $0xFFFFE000  }
0x28d: {  	[spmem:s3] =	stream.indirect.scatter.add.f32 [tilespmem:s16], [sflag:$0x6], $0x80, s7, s20, $0xb8;
	[tilespmem:$0x1D000] =	vst v63  }
0x28e: {  	_ =	swait.ge [sflag:s24], $0x4000  }
0x28f: {  	s8 =	sld [smem:$0x7F5]  }
0x290: {  	[sflag:s24] =	ssyncset.done $0x0  }
0x291: {  	s9 =	sld [smem:$0x7F6];
	[sflag:s24] =	ssyncadd.s32 $0xFFFFC000  }
0x292: {  	[tilespmem:s16], [sflag:$0x3] =	stream.indirect.gather [hbm4b:s1+s13], $0x80, s8, s13, $0xb8;
	[tilespmem:$0x1D000] =	vst v63  }
0x293: {  	_ = 	snop  }
0x294: {  	[tilespmem:s17], [sflag:$0x4] =	stream.indirect.gather [hbm4b:s1+s13], $0x80, s9, s13, $0xb8;
	[tilespmem:$0x1D000] =	vst v63  }
0x295: {  	_ =	swait.ge [sflag:s18], $0x2000  }
0x296: {  	[sflag:s18] =	ssyncset.done $0x0  }
0x297: {  	[sflag:s18] =	ssyncadd.s32 $0xFFFFE000  }
0x298: {  	_ =	swait.ge [sflag:s19], $0x2000  }
0x299: {  	s7 =	sld [smem:$0x7F7]  }
0x29a: {  	[sflag:s19] =	ssyncset.done $0x0  }
0x29b: {  	[sflag:s19] =	ssyncadd.s32 $0xFFFFE000  }
0x29c: {  	[spmem:s3] =	stream.indirect.scatter.add.f32 [tilespmem:s14], [sflag:$0x5], $0x80, s7, s20, $0xb8;
	[tilespmem:$0x1D000] =	vst v63  }
0x29d: {  	_ =	swait.ge [sflag:s21], $0x4000  }
0x29e: {  	s8 =	sld [smem:$0x7F8]  }
0x29f: {  	[sflag:s21] =	ssyncset.done $0x0  }
0x2a0: {  	s9 =	sld [smem:$0x7F9];
	[sflag:s21] =	ssyncadd.s32 $0xFFFFC000  }
0x2a1: {  	[tilespmem:s14], [sflag:$0x1] =	stream.indirect.gather [hbm4b:s1+s13], $0x80, s8, s13, $0xb8;
	[tilespmem:$0x1D000] =	vst v63  }
0x2a2: {  	_ = 	snop  }
0x2a3: {  	[tilespmem:s15], [sflag:$0x2] =	stream.indirect.gather [hbm4b:s1+s13], $0x80, s9, s13, $0xb8;
	[tilespmem:$0x1D000] =	vst v63  }
0x2a4: {  	_ =	swait.ge [sflag:s22], $0x2000  }
0x2a5: {  	[sflag:s22] =	ssyncset.done $0x0  }
0x2a6: {  	[sflag:s22] =	ssyncadd.s32 $0xFFFFE000  }
0x2a7: {  	_ =	swait.ge [sflag:s23], $0x2000  }
0x2a8: {  	s7 =	sld [smem:$0x7FA]  }
0x2a9: {  	[sflag:s23] =	ssyncset.done $0x0  }
0x2aa: {  	[sflag:s23] =	ssyncadd.s32 $0xFFFFE000  }
0x2ab: {  	[spmem:s3] =	stream.indirect.scatter.add.f32 [tilespmem:s16], [sflag:$0x6], $0x80, s7, s20, $0xb8;
	[tilespmem:$0x1D000] =	vst v63  }
0x2ac: {  	_ =	swait.ge [sflag:s24], $0x4000  }
0x2ad: {  	s8 =	sld [smem:$0x7FB]  }
0x2ae: {  	[sflag:s24] =	ssyncset.done $0x0  }
0x2af: {  	[sflag:s24] =	ssyncadd.s32 $0xFFFFC000  }
0x2b0: {  	[tilespmem:s16], [sflag:$0x3] =	stream.indirect.gather [hbm4b:s1+s13], $0x80, s8, s13, $0xb8;
	[tilespmem:$0x1D000] =	vst v63  }
0x2b1: {  	_ = 	snop  }
0x2b2: {  	[tilespmem:s17], [sflag:$0x4] =	stream.indirect.gather [hbm4b:s1+s13], $0x80, s25, s13, $0xb8;
	[tilespmem:$0x1D000] =	vst v63  }
0x2b3: {  	_ =	swait.ge [sflag:s18], $0x2000  }
0x2b4: {  	[sflag:s18] =	ssyncset.done $0x0  }
0x2b5: {  	[sflag:s18] =	ssyncadd.s32 $0xFFFFE000  }
0x2b6: {  	_ =	swait.ge [sflag:s19], $0x2000  }
0x2b7: {  	[sflag:s19] =	ssyncset.done $0x0  }
0x2b8: {  	[sflag:s19] =	ssyncadd.s32 $0xFFFFE000  }
0x2b9: {  	[spmem:s3] =	stream.indirect.scatter.add.f32 [tilespmem:s14], [sflag:$0x5], $0x80, s26, s20, $0xb8;
	[tilespmem:$0x1D000] =	vst v63  }
0x2ba: {  	_ =	swait.ge [sflag:s21], $0x4000  }
0x2bb: {  	[sflag:s21] =	ssyncset.done $0x0  }
0x2bc: {  	[sflag:s21] =	ssyncadd.s32 $0xFFFFC000  }
0x2bd: {  	[tilespmem:s14], [sflag:$0x1] =	stream.indirect.gather [hbm4b:s1+s13], $0x80, s28, s13, $0xb8;
	[tilespmem:$0x1D000] =	vst v63  }
0x2be: {  	_ = 	snop  }
0x2bf: {  	[tilespmem:s15], [sflag:$0x2] =	stream.indirect.gather [hbm4b:s1+s13], $0x80, s29, s13, $0xb8;
	[tilespmem:$0x1D000] =	vst v63  }
0x2c0: {  	_ =	swait.ge [sflag:s22], $0x2000  }
0x2c1: {  	[sflag:s22] =	ssyncset.done $0x0  }
0x2c2: {  	[sflag:s22] =	ssyncadd.s32 $0xFFFFE000  }
0x2c3: {  	_ =	swait.ge [sflag:s23], $0x2000  }
0x2c4: {  	[sflag:s23] =	ssyncset.done $0x0  }
0x2c5: {  	[sflag:s23] =	ssyncadd.s32 $0xFFFFE000  }
0x2c6: {  	[spmem:s3] =	stream.indirect.scatter.add.f32 [tilespmem:s16], [sflag:$0x6], $0x80, s30, s20, $0xb8;
	[tilespmem:$0x1D000] =	vst v63  }
0x2c7: {  	_ =	swait.ge [sflag:s24], $0x4000  }
0x2c8: {  	[sflag:s24] =	ssyncset.done $0x0  }
0x2c9: {  	[sflag:s24] =	ssyncadd.s32 $0xFFFFC000  }
0x2ca: {  	[tilespmem:s16], [sflag:$0x3] =	stream.indirect.gather [hbm4b:s1+s13], $0x80, s31, s13, $0xb8;
	[tilespmem:$0x1D000] =	vst v63  }
0x2cb: {  	_ = 	snop  }
0x2cc: {  	[tilespmem:s17], [sflag:$0x4] =	stream.indirect.gather [hbm4b:s1+s13], $0x80, s2, s13, $0xb8;
	[tilespmem:$0x1D000] =	vst v63  }
0x2cd: {  	_ =	swait.ge [sflag:s18], $0x2000  }
0x2ce: {  	[sflag:s18] =	ssyncset.done $0x0  }
0x2cf: {  	[sflag:s18] =	ssyncadd.s32 $0xFFFFE000  }
0x2d0: {  	_ =	swait.ge [sflag:s19], $0x2000  }
0x2d1: {  	[sflag:s19] =	ssyncset.done $0x0  }
0x2d2: {  	[sflag:s19] =	ssyncadd.s32 $0xFFFFE000  }
0x2d3: {  	[spmem:s3] =	stream.indirect.scatter.add.f32 [tilespmem:s14], [sflag:$0x5], $0x80, s0, s20, $0xb8;
	[tilespmem:$0x1D000] =	vst v63  }
0x2d4: {  	_ =	swait.ge [sflag:s22], $0x2000  }
0x2d5: {  	[sflag:s22] =	ssyncset.done $0x0  }
0x2d6: {  	[sflag:s22] =	ssyncadd.s32 $0xFFFFE000  }
0x2d7: {  	_ =	swait.ge [sflag:s23], $0x2000  }
0x2d8: {  	[sflag:s23] =	ssyncset.done $0x0  }
0x2d9: {  	[sflag:s23] =	ssyncadd.s32 $0xFFFFE000  }
0x2da: {  	[spmem:s3] =	stream.indirect.scatter.add.f32 [tilespmem:s16], [sflag:$0x6], $0x80, s5, s20, $0xb8;
	[tilespmem:$0x1D000] =	vst v63  }
0x2db: {  	_ =	swait.ge [sflag:s21], $0x4000  }
0x2dc: {  	[sflag:s21] =	ssyncset.done $0x0  }
0x2dd: {  	[sflag:s21] =	ssyncadd.s32 $0xFFFFC000  }
0x2de: {  	_ =	swait.ge [sflag:s24], $0x4000  }
0x2df: {  	[sflag:s24] =	ssyncset.done $0x0  }
0x2e0: {  	[sflag:s24] =	ssyncadd.s32 $0xFFFFC000  }
0x2e1: {  	[bflag:$0x0] =	sbarrier.arrive $0xFFFF  }
0x2e2: {  	s7 =	sld [smem:$0x7FC]  }
0x2e3: {  	s9 =	sld [smem:$0x7EE]  }
0x2e4: {  	s8 =	sld [smem:$0x7FD];
	_ =	sdelay $0x2  }
0x2e5: {  	[hbm:s9], [sflag:s7] =	dma.local [spmem:s8], $0x2800  }
0x2e6: {  	_ =	swait.ge [sflag:s10], $0x2800  }
0x2e7: {  	s6 =	sld [smem:$0x7EC];
	_ =	sdelay $0x2  }
0x2e8: {  	s9 =	sadd.s32 $0x1, s6;
	s6 =	sld [smem:$0x7EF];
	_ =	sdelay $0x2  }
0x2e9: {  	p0 =	sne.s32 s9, s6  }
.Ltmp1:
0x2ea: {  	_ = 	snop;
	(pc) =	sbr.rel @p0 .LBB2_1-.Ltmp1, $3  }
0x2eb: {  	_ =	sdelay $0x1  }
0x2ec: {  	[sflag:s10] =	ssyncset.done $0x0  }
0x2ed: {  	[sflag:s10] =	ssyncadd.s32 $0xFFFFD800  }
0x2ee: {  	_ =	sfence.sel $0x180000  }
0x2ef: {  	[bflag:$0x0] =	sbarrier.arrive $0xFFFF  }
0x2f0: {  	_ =	strace $0x9000004A  }
0x2f1: {  	s0 =	stileid.u32;
	[bflag:$0x2] =	sbarrier.arrive $0xFFFF  }
0x2f2: {  	p0 =	sne.s32 s0, $0x0;
	s0 =	rddreg [dreg:$0x4]  }
0x2f3: {  	s0 =	sadd.s32 @!p0 $0x100000, s0  }
0x2f4: {  	[sflag:s0] =	ssyncadd.tile.s32 @!p0 $0x1;
	_ =	shalt  }
.Lfunc_end2:
_tile_overlayer_lowered:
.L_overlay_start_2:
0x2f5: {  	(tag) =	ssettag $0x2  }
0x2f6: {  	s0 =	rddreg [dreg:$0x0];
	s2 =	stileid.u32  }
0x2f7: {  	s1 =	rddreg [dreg:$0x1];
	p0 =	sne.s32 s2, $0x0  }
0x2f8: {  	s3 =	rddreg [dreg:$0x2];
	[bflag:$0x3] =	sbarrier.arrive $0xFFFF;
	s2 =	simm.s32 @!p0 $0x1C07  }
0x2f9: {  	[timem:s3], [sflag:s2] =	dma.local @!p0 [hbm:s0], s1  }
0x2fa: {  	s0 =	simm.s32 @!p0 $0x7  }
0x2fb: {  	_ =	swait.ge @!p0 [sflag:s0], s1  }
0x2fc: {  	s1 =	ssub.s32 @!p0 $0x0, s1;
	[sflag:s0] =	ssyncset.done @!p0 $0x0  }
0x2fd: {  	[sflag:s0] =	ssyncadd.s32 @!p0 s1  }
0x2fe: {  	[bflag:$0x3] =	sbarrier.arrive $0xFFFF  }
0x2ff: {  	_ =	shalt  }

// kernel: kernel.18.cloned.1.call-start
scs
__scs_entry_jumppad:
0x0: {  	(pc) =	sbr.rel $0x88, $3  }
0x1: {  	(tag) =	ssettag $0x0;
	lr =	simm.s32 $0x1  }
0x2: {  	[smem:$0x3F9B] =	sst lr;
	_ =	strace $0xD0000000  }
0x3: {  	_ = 	snop  }
0x4: {  	_ = 	snop  }
0x5: {  	_ = 	snop  }
0x6: {  	_ = 	snop  }
0x7: {  	_ = 	snop  }
__scs_overlays_trampoline_lowered:
0x8: {  	[smem:$0x3FAA] =	sst s0  }
0x9: {  	[smem:$0x3FAB] =	sst s1  }
0xa: {  	[smem:$0x3FAC] =	sst s2  }
0xb: {  	[smem:$0x3FAD] =	sst s3  }
0xc: {  	[smem:$0x3FAE] =	sst s4  }
0xd: {  	[smem:$0x3FAF] =	sst s5  }
0xe: {  	[smem:$0x3FB0] =	sst s6  }
0xf: {  	[smem:$0x3FB1] =	sst s7  }
0x10: {  	[smem:$0x3FB2] =	sst s8  }
0x11: {  	[smem:$0x3FB3] =	sst s9;
	s0 =	simm.s32 @!p0 $0x0  }
0x12: {  	s1 =	sld [smem:$0x3F99];
	s0 =	simm.s32 @p0 $0x1  }
0x13: {  	[smem:$0x3FB4] =	sst s0;
	s0 =	simm.s32 @!p1 $0x0  }
0x14: {  	s2 =	sld [smem:$0x3F98];
	s0 =	simm.s32 @p1 $0x1  }
0x15: {  	[smem:$0x3FB5] =	sst s0;
	s0 =	simm.s32 @!p2 $0x0  }
0x16: {  	s3 =	sld [smem:$0x3FDB];
	s0 =	simm.s32 @p2 $0x1  }
0x17: {  	s4 =	simm.s32 $0x1BF5;
	[smem:$0x3FB7] =	sst s0  }
0x18: {  	s0 =	sld [smem:$0x3F9A];
	_ =	swait.ge [sflag:s4], $0x0  }
0x19: {  	s7 =	sld [smem:$0x3F9B]  }
0x1a: {  	s8 =	sadd.s32 $0xFFFFE003, lr  }
0x1b: {  	s9 =	sadd.s32 $0xFFFFFEF7, lr;
	s5 =	simm.s32 $0xFFFFFFFF;
	p2 =	slt.u32 s8, $0xFFFFF086  }
0x1c: {  	p1 =	slt.u32 s9, $0xF7A;
	s5 =	simm.s32 @!p2 $0x0  }
0x1d: {  	s5 =	simm.s32 @p1 $0x1;
	p0 =	seq.s32 s7, s2  }
0x1e: {  	s7 =	smul.u32 @!p0 $0xF7A, s2;
	p2 =	seq.s32 @!p0 s5, $0x0  }
0x1f: {  	s9 =	smul.u32 $0xF7A, s1;
	s8 =	simm.s32 @!p0 $0x1BF5;
	p2 =	por !p2, p0  }
0x20: {  	[sflag:s8] =	ssyncset.s32 @!p0 $0xFFFFF086;
	s6 =	sadd.s32 @!p0 s3, s7;
	s7 =	simm.s32 @!p0 $0x108  }
0x21: {  	s3 =	sadd.s32 s3, s9;
	s6 =	sadd.s32 @!p0 $0x88, s6;
	s7 =	simm.s32 @p2 $0x1082  }
0x22: {  	[simem:s7], [sflag:s8] =	dma.local @!p0 [hbm:s6], $0xF7A  }
0x23: {  	s9 =	sor.u32 $0xD0000000, s2;
	s6 =	simm.s32 $0x108;
	_ =	swait.ge @!p0 [sflag:s8], $0x0  }
0x24: {  	s3 =	sadd.s32 $0x88, s3;
	s6 =	simm.s32 @!p1 $0x1082;
	[sflag:s4] =	ssyncset.s32 $0xFFFFF086  }
0x25: {  	[simem:s6], [sflag:s4] =	dma.local [hbm:s3], $0xF7A  }
0x26: {  	[smem:$0x3F9B] =	sst s1;
	(tag) =	ssettag s2;
	_ =	strace s9  }
0x27: {  	s1 =	sld [smem:$0x3FAB]  }
0x28: {  	s2 =	sld [smem:$0x3FAC]  }
0x29: {  	s4 =	sld [smem:$0x3FAE]  }
0x2a: {  	p0 =	seq.s32 s5, $0x0;
	s5 =	sld [smem:$0x3FAF]  }
0x2b: {  	s6 =	sld [smem:$0x3FB0]  }
0x2c: {  	s7 =	sld [smem:$0x3FB1]  }
0x2d: {  	s3 =	simm.s32 $0x108;
	s8 =	sld [smem:$0x3FB2]  }
0x2e: {  	s3 =	simm.s32 @!p0 $0x1082;
	s9 =	sld [smem:$0x3FB3]  }
0x2f: {  	lr =	sadd.s32 s0, s3;
	s0 =	sld [smem:$0x3FAA]  }
0x30: {  	s3 =	sld [smem:$0x3FAD]  }
0x31: {  	[smem:$0x3FB6] =	sst s10  }
0x32: {  	s10 =	sld [smem:$0x3FB4];
	_ =	sdelay $0x3  }
0x33: {  	p0 =	seq.s32 s10, $0x1;
	s10 =	sld [smem:$0x3FB6];
	_ =	sdelay $0x3  }
0x34: {  	[smem:$0x3FB6] =	sst s10  }
0x35: {  	s10 =	sld [smem:$0x3FB5];
	_ =	sdelay $0x3  }
0x36: {  	p1 =	seq.s32 s10, $0x1;
	s10 =	sld [smem:$0x3FB6];
	_ =	sdelay $0x3  }
0x37: {  	[smem:$0x3FB6] =	sst s10  }
0x38: {  	s10 =	sld [smem:$0x3FB7]  }
0x39: {  	_ = 	snop;
	(pc) =	sbr.ind lr, $3  }
0x3a: {  	_ = 	snop  }
0x3b: {  	_ = 	snop  }
0x3c: {  	p2 =	seq.s32 s10, $0x1;
	s10 =	sld [smem:$0x3FB6]  }
0x3d: {  	_ =	shalt  }
0x3e: {  	_ =	shalt  }
0x3f: {  	_ =	shalt  }
0x40: {  	_ =	shalt  }
0x41: {  	_ =	shalt  }
0x42: {  	_ =	shalt  }
0x43: {  	_ =	shalt  }
0x44: {  	_ =	shalt  }
0x45: {  	_ =	shalt  }
0x46: {  	_ =	shalt  }
0x47: {  	_ =	shalt  }
0x48: {  	_ =	shalt  }
0x49: {  	_ =	shalt  }
0x4a: {  	_ =	shalt  }
0x4b: {  	_ =	shalt  }
0x4c: {  	_ =	shalt  }
0x4d: {  	_ =	shalt  }
0x4e: {  	_ =	shalt  }
0x4f: {  	_ =	shalt  }
0x50: {  	_ =	shalt  }
0x51: {  	_ =	shalt  }
0x52: {  	_ =	shalt  }
0x53: {  	_ =	shalt  }
0x54: {  	_ =	shalt  }
0x55: {  	_ =	shalt  }
0x56: {  	_ =	shalt  }
0x57: {  	_ =	shalt  }
0x58: {  	_ =	shalt  }
0x59: {  	_ =	shalt  }
0x5a: {  	_ =	shalt  }
0x5b: {  	_ =	shalt  }
0x5c: {  	_ =	shalt  }
0x5d: {  	_ =	shalt  }
0x5e: {  	_ =	shalt  }
0x5f: {  	_ =	shalt  }
0x60: {  	_ =	shalt  }
0x61: {  	_ =	shalt  }
0x62: {  	_ =	shalt  }
0x63: {  	_ =	shalt  }
0x64: {  	_ =	shalt  }
0x65: {  	_ =	shalt  }
0x66: {  	_ =	shalt  }
0x67: {  	_ =	shalt  }
0x68: {  	_ =	shalt  }
0x69: {  	_ =	shalt  }
0x6a: {  	_ =	shalt  }
0x6b: {  	_ =	shalt  }
0x6c: {  	_ =	shalt  }
0x6d: {  	_ =	shalt  }
0x6e: {  	_ =	shalt  }
0x6f: {  	_ =	shalt  }
0x70: {  	_ =	shalt  }
0x71: {  	_ =	shalt  }
0x72: {  	_ =	shalt  }
0x73: {  	_ =	shalt  }
0x74: {  	_ =	shalt  }
0x75: {  	_ =	shalt  }
0x76: {  	_ =	shalt  }
0x77: {  	_ =	shalt  }
0x78: {  	_ =	shalt  }
0x79: {  	_ =	shalt  }
0x7a: {  	_ =	shalt  }
0x7b: {  	_ =	shalt  }
0x7c: {  	_ =	shalt  }
0x7d: {  	_ =	shalt  }
0x7e: {  	_ =	shalt  }
0x7f: {  	_ =	shalt  }
0x80: {  	_ =	shalt  }
0x81: {  	_ =	shalt  }
0x82: {  	_ =	shalt  }
0x83: {  	_ =	shalt  }
0x84: {  	_ =	shalt  }
0x85: {  	_ =	shalt  }
0x86: {  	_ =	shalt  }
0x87: {  	_ =	shalt  }
.Lfunc_end0:
.L_simem_size_0:
called_computation.2_lowered:
.L_overlay_start_0:
0x88: {  	s2 =	sld [smem:$0x3FD9]  }
0x89: {  	s3 =	sld [smem:$0x3FFE];
	_ =	sdelay $0x1  }
0x8a: {  	s1 =	srdreg.scid  }
0x8b: {  	s0 =	sand.u32 $0x1, s1  }
0x8c: {  	s15 =	sshll.u32 s0, $0xA;
	s2 =	sadd.s32 s3, s2  }
0x8d: {  	s2 =	sadd.s32 s2, s15  }
0x8e: {  	[smem:$0x3FC2] =	sst s2  }
0x8f: {  	_ = 	snop  }
0x90: {  	s2 =	sld [smem:$0x3FD0];
	_ =	sdelay $0x2  }
0x91: {  	s16 =	simm.s32 $0xB;
	s4 =	simm.s32 $0x10  }
0x92: {  	[smem:s4], [sflag:s16] =	dma.local [hbm:s2], $0x1  }
0x93: {  	_ =	swait.eq [sflag:s16], $0x1  }
0x94: {  	[sflag:s16] =	ssyncset.done $0x0  }
0x95: {  	[sflag:s16] =	ssyncadd.s32 $0xFFFFFFFF  }
0x96: {  	s17 =	sld [smem:$0x10];
	(tm) =	ssettm $0x1  }
0x97: {  	s18 =	sld [smem:$0x3FFB];
	_ =	sdelay $0x3  }
0x98: {  	_ =	strace s18  }
0x99: {  	s2 =	sld [smem:$0x3FFC];
	_ =	sdelay $0x3  }
0x9a: {  	_ =	strace s2  }
0x9b: {  	s2 =	sld [smem:$0x3FFD];
	_ =	sdelay $0x3  }
0x9c: {  	_ =	strace s2  }
0x9d: {  	_ =	strace $0x8FFFFFFF  }
0x9e: {  	s19 =	sld [smem:$0x3FDB];
	_ =	sdelay $0x1  }
0x9f: {  	s20 =	simm.s32 $_scs_section_size  }
0xa0: {  	s5 =	simm.s32 $_size__tile_overlayer_lowered;
	s6 =	simm.s32 $_tile_overlayer_lowered  }
0xa1: {  	s7 =	simm.s32 $0x1BFF;
	s21 =	sshll.u32 s6, $0x1;
	s4 =	sadd.s32 s20, s19  }
0xa2: {  	s22 =	simm.s32 $0x0;
	s5 =	sshll.u32 s5, $0x1;
	s6 =	sadd.s32 s21, s4  }
0xa3: {  	[timem:s22], [sflag:s7] =	dma.local [hbm:s6], s5  }
0xa4: {  	_ =	swait.ge [sflag:s7], s5  }
0xa5: {  	s5 =	ssub.s32 $0x0, s5;
	[sflag:s7] =	ssyncset.done $0x0  }
0xa6: {  	[sflag:s7] =	ssyncadd.s32 s5;
	_ =	sdelay $0x1  }
0xa7: {  	s23 =	simm.s32 $0x1B8B  }
0xa8: {  	_ =	swait.ge [sflag:s23], $0x1  }
0xa9: {  	[sflag:s23] =	ssyncset.done $0x0  }
0xaa: {  	[sflag:s23] =	ssyncadd.s32 $0xFFFFFFFF  }
0xab: {  	s5 =	sld [smem:$0x0]  }
0xac: {  	s6 =	sand.u32 $0xFFFFFFFE, s1  }
0xad: {  	p0 =	sne.s32 s1, s6  }
0xae: {  	s6 =	sshll.u32 @p0 s6, $0xE  }
0xaf: {  	s6 =	sadd.s32 @p0 $0x11B8D, s6;
	s7 =	sshll.u32 @p0 s5, $0x11  }
0xb0: {  	s6 =	sor.u32 @p0 s7, s6  }
0xb1: {  	[sflag:s6] =	ssyncadd.remote.s32 @p0 $0x1;
	_ =	sdelay $0x1  }
0xb2: {  	s6 =	simm.s32 @p0 $0x1B8D  }
0xb3: {  	_ =	swait.eq @p0 [sflag:s6], $0x1  }
0xb4: {  	[sflag:s6] =	ssyncadd.s32 @p0 $0xFFFFFFFF  }
0xb5: {  	s7 =	sshll.u32 @!p0 s1, $0xE  }
0xb6: {  	s7 =	sor.u32 @!p0 $0x4000, s7;
	s6 =	simm.s32 @!p0 $0x1B8D  }
0xb7: {  	s5 =	sshll.u32 @!p0 s5, $0x11;
	s7 =	sadd.s32 @!p0 $0x11B8D, s7;
	_ =	swait.eq @!p0 [sflag:s6], $0x1  }
0xb8: {  	s5 =	sor.u32 @!p0 s5, s7;
	[sflag:s6] =	ssyncadd.s32 @!p0 $0xFFFFFFFF  }
0xb9: {  	s25 =	simm.s32 $0x1B8E;
	s24 =	sld [smem:$0x3FFE];
	[sflag:s5] =	ssyncadd.remote.s32 @!p0 $0x1  }
0xba: {  	s26 =	simm.s32 $execute0_lowered;
	[smem:$0x3FD2] =	sst s25  }
0xbb: {  	s6 =	sshll.u32 s26, $0x1;
	_ =	strace $0x8000004F;
	[dreg:$0x1] =	wrdreg $0xFFFFFFFF  }
0xbc: {  	s28 =	simm.s32 $_size_execute0_lowered;
	s4 =	sadd.s32 s4, s6;
	[dreg:$0x0] =	wrdreg $0x0  }
0xbd: {  	s6 =	sshll.u32 s28, $0x1;
	[dreg:$0x2] =	wrdreg s4  }
0xbe: {  	[dreg:$0x3] =	wrdreg s6  }
0xbf: {  	[dreg:$0x4] =	wrdreg $0xC0  }
0xc0: {  	_ =	task [dreg:s22], $0x5FFFF  }
0xc1: {  	[dreg:$0x1] =	wrdreg $0xFFFFFFFF  }
0xc2: {  	[dreg:$0x0] =	wrdreg $0x60  }
0xc3: {  	[dreg:$0x2] =	wrdreg s17  }
0xc4: {  	[dreg:$0x3] =	wrdreg s24  }
0xc5: {  	[dreg:$0x4] =	wrdreg $0x0  }
0xc6: {  	[dreg:$0x5] =	wrdreg $0x9  }
0xc7: {  	_ =	task.clear_ibuf [dreg:s22], $0x6FFFF;
	_ =	strace $0x9000004F  }
0xc8: {  	s29 =	simm.s32 $0x9;
	_ =	strace $0x80000051  }
0xc9: {  	_ =	swait.ge [sflag:s29], $0x1  }
0xca: {  	[sflag:s29] =	ssyncadd.s32 $0xFFFFFFFF  }
0xcb: {  	_ =	strace $0x90000051  }
0xcc: {  	_ =	sfence  }
0xcd: {  	s30 =	sld [smem:$0x0];
	_ =	sdelay $0x2  }
0xce: {  	s31 =	sshll.u32 s1, $0xD;
	s1 =	sshrl.u32 s1, $0x2  }
0xcf: {  	s4 =	sand.u32 $0x4000, s31;
	s1 =	sadd.s32 s1, s30  }
0xd0: {  	s0 =	sor.u32 s4, s0;
	s1 =	sshll.u32 s1, $0x11  }
0xd1: {  	s0 =	sor.u32 s1, s0  }
0xd2: {  	s0 =	sadd.s32 $0x8F2B, s0  }
0xd3: {  	[sflag:s0] =	ssyncadd.remote.s32 $0x1  }
0xd4: {  	_ =	sfence.sel $0xFFFF  }
0xd5: {  	[dreg:$0x0] =	wrdreg $0xFFFFFFFF;
	(pc) =	sbr.abs _section_cstart, $3  }
0xd6: {  	[dreg:$0x1] =	wrdreg $0xFFFFFFFF  }
0xd7: {  	_ =	task.clear_ibuf [dreg:s22], $0x2FFFF;
	_ =	strace $0x9FFFFFFF  }
0xd8: {  	(tm) =	ssettm $0x7FFFFFFF  }
0xd9: {  	_ =	shalt  }
tec
execute0_lowered:
.L_overlay_start_1:
0x0: {  	(tag) =	ssettag $0x1  }
0x1: {  	s0 =	srdreg.scid;
	s8 =	stileid.u32  }
0x2: {  	s0 =	sand.u32 $0x1, s0;
	s4 =	smul.u32 $0x5000, s8  }
0x3: {  	s2 =	rddreg [dreg:$0x0];
	s1 =	smul.u32 $0x50000, s0  }
0x4: {  	s5 =	rddreg [dreg:$0x1]  }
0x5: {  	s3 =	rddreg [dreg:$0x2];
	s1 =	sadd.s32 s4, s1;
	s4 =	simm.s32 $0x0  }
0x6: {  	s24 =	simm.s32 $0x1C040;
	[smem:$0x7FF] =	sst s4  }
0x7: {  	s25 =	simm.s32 $0x1C080;
	_ =	strace $0x80000050;
	[dreg:$0x6] =	wrdreg s24  }
0x8: {  	s26 =	simm.s32 $0x1C0C0;
	[dreg:$0x7] =	wrdreg s25  }
0x9: {  	s7 =	simm.s32 $0x1C140;
	[dreg:$0x8] =	wrdreg s26  }
0xa: {  	s9 =	simm.s32 $0x1C880;
	[dreg:$0xa] =	wrdreg s7  }
0xb: {  	s11 =	simm.s32 $0x1C180;
	[dreg:$0xb] =	wrdreg s9  }
0xc: {  	s12 =	simm.s32 $0x1C1C0;
	[dreg:$0xc] =	wrdreg s11  }
0xd: {  	s13 =	simm.s32 $0x1C900;
	[dreg:$0xd] =	wrdreg s12  }
0xe: {  	s14 =	simm.s32 $0x1C200;
	[dreg:$0xe] =	wrdreg s13  }
0xf: {  	s15 =	simm.s32 $0x1C240;
	[dreg:$0xf] =	wrdreg s14  }
0x10: {  	s16 =	simm.s32 $0x1C980;
	s17 =	simm.s32 $0x1C280;
	[dreg:$0x10] =	wrdreg s15  }
0x11: {  	s19 =	simm.s32 $0x1C2C0;
	s21 =	simm.s32 $0x1CA00;
	[dreg:$0x11] =	wrdreg s16  }
0x12: {  	s10 =	smul.u32 $0x140000, s0;
	s0 =	ssub.s32 $0x2, s0;
	[dreg:$0x12] =	wrdreg s17  }
0x13: {  	s22 =	simm.s32 $0x1C300;
	s18 =	sshrl.u32 s0, $0x1;
	[dreg:$0x13] =	wrdreg s19  }
0x14: {  	s28 =	simm.s32 $0x1C700;
	s0 =	ssub.s32 s0, s18;
	[dreg:$0x14] =	wrdreg s21  }
0x15: {  	s20 =	smul.u32 $0x50000, s8;
	s0 =	smax.u32 s0, $0x1;
	[dreg:$0x15] =	wrdreg s22  }
0x16: {  	s29 =	simm.s32 $0x1C740;
	s18 =	simm.s32 $0x1C540;
	[smem:$0x7F0] =	sst s0  }
0x17: {  	s23 =	sshrl.u32 s20, $0x2;
	s20 =	simm.s32 $0x1C580;
	[smem:$0x7F3] =	sst s18  }
0x18: {  	s30 =	simm.s32 $0x1CE80;
	s9 =	sadd.s32 $0x3600, s5;
	[smem:$0x7F5] =	sst s20  }
0x19: {  	s31 =	simm.s32 $0x1C780;
	s24 =	simm.s32 $0x1C340;
	[smem:$0x7EE] =	sst s9  }
0x1a: {  	s7 =	smul.u32 $0x14000, s8;
	s25 =	simm.s32 $0x1CA80;
	[dreg:$0x16] =	wrdreg s24  }
0x1b: {  	s26 =	sshll.u32 s8, $0x6;
	s8 =	simm.s32 $0x1C380;
	[dreg:$0x17] =	wrdreg s25  }
0x1c: {  	s1 =	sshrl.u32 s1, $0x3;
	s11 =	simm.s32 $0x1C400;
	[dreg:$0x18] =	wrdreg s8  }
0x1d: {  	s1 =	sadd.s32 s1, s5;
	s12 =	simm.s32 $0x1C440;
	[dreg:$0x1b] =	wrdreg s11  }
0x1e: {  	s13 =	simm.s32 $0x1CB80;
	s14 =	simm.s32 $0x1C480;
	[dreg:$0x1c] =	wrdreg s12  }
0x1f: {  	s15 =	simm.s32 $0x1C4C0;
	s16 =	simm.s32 $0x1CC00;
	[dreg:$0x1d] =	wrdreg s13  }
0x20: {  	s17 =	simm.s32 $0x1C500;
	s19 =	simm.s32 $0x1CC80;
	[dreg:$0x1e] =	wrdreg s14  }
0x21: {  	s18 =	simm.s32 $0x1;
	s21 =	simm.s32 $0x1C5C0;
	[dreg:$0x1f] =	wrdreg s15  }
0x22: {  	s22 =	simm.s32 $0x1CD00;
	s20 =	simm.s32 $0x80;
	[smem:$0x7F1] =	sst s16  }
0x23: {  	s0 =	simm.s32 $0x1CF00;
	s6 =	sadd.s32 $0x5E00, s1;
	[smem:$0x7F2] =	sst s17  }
0x24: {  	s1 =	sadd.s32 $0x7DE00, s1;
	s9 =	simm.s32 $0x1C3C0;
	[smem:$0x7F4] =	sst s19  }
0x25: {  	s11 =	simm.s32 $0x1C000;
	s12 =	simm.s32 $0x1C800;
	[smem:$0x7F6] =	sst s21  }
0x26: {  	s13 =	simm.s32 $0x40;
	s14 =	simm.s32 $0x14000;
	[smem:$0x7F7] =	sst s22  }
0x27: {  	s15 =	simm.s32 $0x16000;
	s16 =	simm.s32 $0x18000;
	[dreg:$0x4] =	wrdreg s6  }
0x28: {  	s17 =	simm.s32 $0x1A000;
	s19 =	simm.s32 $0x2;
	[dreg:$0x5] =	wrdreg s1  }
0x29: {  	s21 =	simm.s32 $0x5;
	s24 =	simm.s32 $0x1C640;
	[dreg:$0x19] =	wrdreg s9  }
0x2a: {  	s22 =	simm.s32 $0x3;
	s25 =	simm.s32 $0x1CD80;
	[smem:$0x7F9] =	sst s24  }
0x2b: {  	s6 =	simm.s32 $0x1C100;
	[smem:$0x7FA] =	sst s25;
	s24 =	simm.s32 $0x6  }
0x2c: {  	[dreg:$0x9] =	wrdreg s6;
	s6 =	sadd.s32 s7, s10;
	s10 =	simm.s32 $0x1CB00  }
0x2d: {  	s7 =	sor.u32 $0x1C07, s26;
	s26 =	simm.s32 $0x1C680;
	[dreg:$0x1a] =	wrdreg s10  }
0x2e: {  	s25 =	simm.s32 $0x1C6C0;
	s1 =	simm.s32 $0x1C7C0;
	[smem:$0x7FB] =	sst s26  }
0x2f: {  	s9 =	simm.s32 $0x0;
	s6 =	sshrl.u32 s6, $0x3;
	[smem:$0x7FC] =	sst s7  }
0x30: {  	s5 =	sadd.s32 s6, s5;
	s6 =	sadd.s32 s23, s3;
	s23 =	simm.s32 $0x1C600  }
0x31: {  	s10 =	simm.s32 $0x7;
	s5 =	sadd.s32 $0x19E00, s5;
	[smem:$0x7F8] =	sst s23  }
0x32: {  	s26 =	simm.s32 $0x1CE00;
	s8 =	sshrl.u32 s6, $0x3;
	[smem:$0x7EF] =	sst s5  }
0x33: {  	s23 =	simm.s32 $0x4;
	s5 =	simm.s32 $0x1CF80;
	[smem:$0x7FD] =	sst s8  }
.LBB2_1:
0x34: {  	s6 =	sld [smem:$0x7EE];
	_ =	sdelay $0x1  }
0x35: {  	[smem:$0x7ED] =	sst s9  }
0x36: {  	[spmem:s8], [sflag:s7] =	dma.local [hbm:s6], $0x2800  }
0x37: {  	_ =	swait.ge [sflag:s10], $0x2800  }
0x38: {  	[sflag:s10] =	ssyncset.done $0x0  }
0x39: {  	[sflag:s10] =	ssyncadd.s32 $0xFFFFD800  }
0x3a: {  	[bflag:$0x0] =	sbarrier.arrive $0xFFFF  }
0x3b: {  	s9 =	rddreg [dreg:$0x5]  }
0x3c: {  	s6 =	sadd.s32 $0x0, s9  }
0x3d: {  	[tilespmem:s11], [sflag:$0x7] =	stream.linear.gather [hbm4b:s6+s4], $0x800, $0x38;
	[tilespmem:$0x1D000] =	vst v63  }
0x3e: {  	_ =	swait.ge [sflag:s10], $0x800  }
0x3f: {  	s7 =	rddreg [dreg:$0x4];
	[sflag:s10] =	ssyncset.done $0x0  }
0x40: {  	[sflag:s10] =	ssyncadd.s32 $0xFFFFF800;
	s6 =	sadd.s32 $0x0, s7  }
0x41: {  	[tilespmem:s12], [sflag:$0x7] =	stream.linear.gather [hbm4b:s6+s4], $0x800, $0x38;
	[tilespmem:$0x1D000] =	vst v63  }
0x42: {  	_ =	swait.ge [sflag:s10], $0x800  }
0x43: {  	[sflag:s10] =	ssyncset.done $0x0  }
0x44: {  	[sflag:s10] =	ssyncadd.s32 $0xFFFFF800  }
0x45: {  	[tilespmem:s14], [sflag:$0x1] =	stream.indirect.gather [hbm4b:s2+s13], $0x80, s11, s13, $0xb8;
	[tilespmem:$0x1D000] =	vst v63  }
0x46: {  	s8 =	rddreg [dreg:$0x6]  }
0x47: {  	[tilespmem:s15], [sflag:$0x2] =	stream.indirect.gather [hbm4b:s2+s13], $0x80, s8, s13, $0xb8;
	[tilespmem:$0x1D000] =	vst v63  }
0x48: {  	s9 =	rddreg [dreg:$0x7]  }
0x49: {  	[tilespmem:s16], [sflag:$0x3] =	stream.indirect.gather [hbm4b:s2+s13], $0x80, s9, s13, $0xb8;
	[tilespmem:$0x1D000] =	vst v63  }
0x4a: {  	s7 =	rddreg [dreg:$0x8]  }
0x4b: {  	[tilespmem:s17], [sflag:$0x4] =	stream.indirect.gather [hbm4b:s2+s13], $0x80, s7, s13, $0xb8;
	[tilespmem:$0x1D000] =	vst v63  }
0x4c: {  	_ =	swait.ge [sflag:s18], $0x2000  }
0x4d: {  	[sflag:s18] =	ssyncset.done $0x0  }
0x4e: {  	[sflag:s18] =	ssyncadd.s32 $0xFFFFE000  }
0x4f: {  	_ =	swait.ge [sflag:s19], $0x2000  }
0x50: {  	[sflag:s19] =	ssyncset.done $0x0  }
0x51: {  	[sflag:s19] =	ssyncadd.s32 $0xFFFFE000  }
0x52: {  	[spmem:s3] =	stream.indirect.scatter.add.f32 [tilespmem:s14], [sflag:$0x5], $0x80, s12, s20, $0xb8;
	[tilespmem:$0x1D000] =	vst v63  }
0x53: {  	_ =	swait.ge [sflag:s21], $0x4000  }
0x54: {  	[sflag:s21] =	ssyncset.done $0x0  }
0x55: {  	s9 =	rddreg [dreg:$0x9];
	[sflag:s21] =	ssyncadd.s32 $0xFFFFC000  }
0x56: {  	[tilespmem:s14], [sflag:$0x1] =	stream.indirect.gather [hbm4b:s2+s13], $0x80, s9, s13, $0xb8;
	[tilespmem:$0x1D000] =	vst v63  }
0x57: {  	s7 =	rddreg [dreg:$0xa]  }
0x58: {  	[tilespmem:s15], [sflag:$0x2] =	stream.indirect.gather [hbm4b:s2+s13], $0x80, s7, s13, $0xb8;
	[tilespmem:$0x1D000] =	vst v63  }
0x59: {  	_ =	swait.ge [sflag:s22], $0x2000  }
0x5a: {  	[sflag:s22] =	ssyncset.done $0x0  }
0x5b: {  	[sflag:s22] =	ssyncadd.s32 $0xFFFFE000  }
0x5c: {  	_ =	swait.ge [sflag:s23], $0x2000  }
0x5d: {  	[sflag:s23] =	ssyncset.done $0x0  }
0x5e: {  	s8 =	rddreg [dreg:$0xb];
	[sflag:s23] =	ssyncadd.s32 $0xFFFFE000  }
0x5f: {  	[spmem:s3] =	stream.indirect.scatter.add.f32 [tilespmem:s16], [sflag:$0x6], $0x80, s8, s20, $0xb8;
	[tilespmem:$0x1D000] =	vst v63  }
0x60: {  	_ =	swait.ge [sflag:s24], $0x4000  }
0x61: {  	[sflag:s24] =	ssyncset.done $0x0  }
0x62: {  	s9 =	rddreg [dreg:$0xc];
	[sflag:s24] =	ssyncadd.s32 $0xFFFFC000  }
0x63: {  	[tilespmem:s16], [sflag:$0x3] =	stream.indirect.gather [hbm4b:s2+s13], $0x80, s9, s13, $0xb8;
	[tilespmem:$0x1D000] =	vst v63  }
0x64: {  	s7 =	rddreg [dreg:$0xd]  }
0x65: {  	[tilespmem:s17], [sflag:$0x4] =	stream.indirect.gather [hbm4b:s2+s13], $0x80, s7, s13, $0xb8;
	[tilespmem:$0x1D000] =	vst v63  }
0x66: {  	_ =	swait.ge [sflag:s18], $0x2000  }
0x67: {  	[sflag:s18] =	ssyncset.done $0x0  }
0x68: {  	[sflag:s18] =	ssyncadd.s32 $0xFFFFE000  }
0x69: {  	_ =	swait.ge [sflag:s19], $0x2000  }
0x6a: {  	[sflag:s19] =	ssyncset.done $0x0  }
0x6b: {  	s8 =	rddreg [dreg:$0xe];
	[sflag:s19] =	ssyncadd.s32 $0xFFFFE000  }
0x6c: {  	[spmem:s3] =	stream.indirect.scatter.add.f32 [tilespmem:s14], [sflag:$0x5], $0x80, s8, s20, $0xb8;
	[tilespmem:$0x1D000] =	vst v63  }
0x6d: {  	_ =	swait.ge [sflag:s21], $0x4000  }
0x6e: {  	[sflag:s21] =	ssyncset.done $0x0  }
0x6f: {  	s9 =	rddreg [dreg:$0xf];
	[sflag:s21] =	ssyncadd.s32 $0xFFFFC000  }
0x70: {  	[tilespmem:s14], [sflag:$0x1] =	stream.indirect.gather [hbm4b:s2+s13], $0x80, s9, s13, $0xb8;
	[tilespmem:$0x1D000] =	vst v63  }
0x71: {  	s7 =	rddreg [dreg:$0x10]  }
0x72: {  	[tilespmem:s15], [sflag:$0x2] =	stream.indirect.gather [hbm4b:s2+s13], $0x80, s7, s13, $0xb8;
	[tilespmem:$0x1D000] =	vst v63  }
0x73: {  	_ =	swait.ge [sflag:s22], $0x2000  }
0x74: {  	[sflag:s22] =	ssyncset.done $0x0  }
0x75: {  	[sflag:s22] =	ssyncadd.s32 $0xFFFFE000  }
0x76: {  	_ =	swait.ge [sflag:s23], $0x2000  }
0x77: {  	[sflag:s23] =	ssyncset.done $0x0  }
0x78: {  	s8 =	rddreg [dreg:$0x11];
	[sflag:s23] =	ssyncadd.s32 $0xFFFFE000  }
0x79: {  	[spmem:s3] =	stream.indirect.scatter.add.f32 [tilespmem:s16], [sflag:$0x6], $0x80, s8, s20, $0xb8;
	[tilespmem:$0x1D000] =	vst v63  }
0x7a: {  	_ =	swait.ge [sflag:s24], $0x4000  }
0x7b: {  	[sflag:s24] =	ssyncset.done $0x0  }
0x7c: {  	s9 =	rddreg [dreg:$0x12];
	[sflag:s24] =	ssyncadd.s32 $0xFFFFC000  }
0x7d: {  	[tilespmem:s16], [sflag:$0x3] =	stream.indirect.gather [hbm4b:s2+s13], $0x80, s9, s13, $0xb8;
	[tilespmem:$0x1D000] =	vst v63  }
0x7e: {  	s7 =	rddreg [dreg:$0x13]  }
0x7f: {  	[tilespmem:s17], [sflag:$0x4] =	stream.indirect.gather [hbm4b:s2+s13], $0x80, s7, s13, $0xb8;
	[tilespmem:$0x1D000] =	vst v63  }
0x80: {  	_ =	swait.ge [sflag:s18], $0x2000  }
0x81: {  	[sflag:s18] =	ssyncset.done $0x0  }
0x82: {  	[sflag:s18] =	ssyncadd.s32 $0xFFFFE000  }
0x83: {  	_ =	swait.ge [sflag:s19], $0x2000  }
0x84: {  	[sflag:s19] =	ssyncset.done $0x0  }
0x85: {  	s8 =	rddreg [dreg:$0x14];
	[sflag:s19] =	ssyncadd.s32 $0xFFFFE000  }
0x86: {  	[spmem:s3] =	stream.indirect.scatter.add.f32 [tilespmem:s14], [sflag:$0x5], $0x80, s8, s20, $0xb8;
	[tilespmem:$0x1D000] =	vst v63  }
0x87: {  	_ =	swait.ge [sflag:s21], $0x4000  }
0x88: {  	[sflag:s21] =	ssyncset.done $0x0  }
0x89: {  	s9 =	rddreg [dreg:$0x15];
	[sflag:s21] =	ssyncadd.s32 $0xFFFFC000  }
0x8a: {  	[tilespmem:s14], [sflag:$0x1] =	stream.indirect.gather [hbm4b:s2+s13], $0x80, s9, s13, $0xb8;
	[tilespmem:$0x1D000] =	vst v63  }
0x8b: {  	s7 =	rddreg [dreg:$0x16]  }
0x8c: {  	[tilespmem:s15], [sflag:$0x2] =	stream.indirect.gather [hbm4b:s2+s13], $0x80, s7, s13, $0xb8;
	[tilespmem:$0x1D000] =	vst v63  }
0x8d: {  	_ =	swait.ge [sflag:s22], $0x2000  }
0x8e: {  	[sflag:s22] =	ssyncset.done $0x0  }
0x8f: {  	[sflag:s22] =	ssyncadd.s32 $0xFFFFE000  }
0x90: {  	_ =	swait.ge [sflag:s23], $0x2000  }
0x91: {  	[sflag:s23] =	ssyncset.done $0x0  }
0x92: {  	s8 =	rddreg [dreg:$0x17];
	[sflag:s23] =	ssyncadd.s32 $0xFFFFE000  }
0x93: {  	[spmem:s3] =	stream.indirect.scatter.add.f32 [tilespmem:s16], [sflag:$0x6], $0x80, s8, s20, $0xb8;
	[tilespmem:$0x1D000] =	vst v63  }
0x94: {  	_ =	swait.ge [sflag:s24], $0x4000  }
0x95: {  	[sflag:s24] =	ssyncset.done $0x0  }
0x96: {  	s9 =	rddreg [dreg:$0x18];
	[sflag:s24] =	ssyncadd.s32 $0xFFFFC000  }
0x97: {  	[tilespmem:s16], [sflag:$0x3] =	stream.indirect.gather [hbm4b:s2+s13], $0x80, s9, s13, $0xb8;
	[tilespmem:$0x1D000] =	vst v63  }
0x98: {  	s7 =	rddreg [dreg:$0x19]  }
0x99: {  	[tilespmem:s17], [sflag:$0x4] =	stream.indirect.gather [hbm4b:s2+s13], $0x80, s7, s13, $0xb8;
	[tilespmem:$0x1D000] =	vst v63  }
0x9a: {  	_ =	swait.ge [sflag:s18], $0x2000  }
0x9b: {  	[sflag:s18] =	ssyncset.done $0x0  }
0x9c: {  	[sflag:s18] =	ssyncadd.s32 $0xFFFFE000  }
0x9d: {  	_ =	swait.ge [sflag:s19], $0x2000  }
0x9e: {  	[sflag:s19] =	ssyncset.done $0x0  }
0x9f: {  	s8 =	rddreg [dreg:$0x1a];
	[sflag:s19] =	ssyncadd.s32 $0xFFFFE000  }
0xa0: {  	[spmem:s3] =	stream.indirect.scatter.add.f32 [tilespmem:s14], [sflag:$0x5], $0x80, s8, s20, $0xb8;
	[tilespmem:$0x1D000] =	vst v63  }
0xa1: {  	_ =	swait.ge [sflag:s21], $0x4000  }
0xa2: {  	[sflag:s21] =	ssyncset.done $0x0  }
0xa3: {  	s9 =	rddreg [dreg:$0x1b];
	[sflag:s21] =	ssyncadd.s32 $0xFFFFC000  }
0xa4: {  	[tilespmem:s14], [sflag:$0x1] =	stream.indirect.gather [hbm4b:s2+s13], $0x80, s9, s13, $0xb8;
	[tilespmem:$0x1D000] =	vst v63  }
0xa5: {  	s7 =	rddreg [dreg:$0x1c]  }
0xa6: {  	[tilespmem:s15], [sflag:$0x2] =	stream.indirect.gather [hbm4b:s2+s13], $0x80, s7, s13, $0xb8;
	[tilespmem:$0x1D000] =	vst v63  }
0xa7: {  	_ =	swait.ge [sflag:s22], $0x2000  }
0xa8: {  	[sflag:s22] =	ssyncset.done $0x0  }
0xa9: {  	[sflag:s22] =	ssyncadd.s32 $0xFFFFE000  }
0xaa: {  	_ =	swait.ge [sflag:s23], $0x2000  }
0xab: {  	[sflag:s23] =	ssyncset.done $0x0  }
0xac: {  	s8 =	rddreg [dreg:$0x1d];
	[sflag:s23] =	ssyncadd.s32 $0xFFFFE000  }
0xad: {  	[spmem:s3] =	stream.indirect.scatter.add.f32 [tilespmem:s16], [sflag:$0x6], $0x80, s8, s20, $0xb8;
	[tilespmem:$0x1D000] =	vst v63  }
0xae: {  	_ =	swait.ge [sflag:s24], $0x4000  }
0xaf: {  	[sflag:s24] =	ssyncset.done $0x0  }
0xb0: {  	s9 =	rddreg [dreg:$0x1e];
	[sflag:s24] =	ssyncadd.s32 $0xFFFFC000  }
0xb1: {  	[tilespmem:s16], [sflag:$0x3] =	stream.indirect.gather [hbm4b:s2+s13], $0x80, s9, s13, $0xb8;
	[tilespmem:$0x1D000] =	vst v63  }
0xb2: {  	s7 =	rddreg [dreg:$0x1f]  }
0xb3: {  	[tilespmem:s17], [sflag:$0x4] =	stream.indirect.gather [hbm4b:s2+s13], $0x80, s7, s13, $0xb8;
	[tilespmem:$0x1D000] =	vst v63  }
0xb4: {  	_ =	swait.ge [sflag:s18], $0x2000  }
0xb5: {  	[sflag:s18] =	ssyncset.done $0x0  }
0xb6: {  	[sflag:s18] =	ssyncadd.s32 $0xFFFFE000  }
0xb7: {  	_ =	swait.ge [sflag:s19], $0x2000  }
0xb8: {  	s8 =	sld [smem:$0x7F1]  }
0xb9: {  	[sflag:s19] =	ssyncset.done $0x0  }
0xba: {  	[sflag:s19] =	ssyncadd.s32 $0xFFFFE000  }
0xbb: {  	[spmem:s3] =	stream.indirect.scatter.add.f32 [tilespmem:s14], [sflag:$0x5], $0x80, s8, s20, $0xb8;
	[tilespmem:$0x1D000] =	vst v63  }
0xbc: {  	_ =	swait.ge [sflag:s21], $0x4000  }
0xbd: {  	s9 =	sld [smem:$0x7F2]  }
0xbe: {  	[sflag:s21] =	ssyncset.done $0x0  }
0xbf: {  	s7 =	sld [smem:$0x7F3];
	[sflag:s21] =	ssyncadd.s32 $0xFFFFC000  }
0xc0: {  	[tilespmem:s14], [sflag:$0x1] =	stream.indirect.gather [hbm4b:s2+s13], $0x80, s9, s13, $0xb8;
	[tilespmem:$0x1D000] =	vst v63  }
0xc1: {  	_ = 	snop  }
0xc2: {  	[tilespmem:s15], [sflag:$0x2] =	stream.indirect.gather [hbm4b:s2+s13], $0x80, s7, s13, $0xb8;
	[tilespmem:$0x1D000] =	vst v63  }
0xc3: {  	_ =	swait.ge [sflag:s22], $0x2000  }
0xc4: {  	[sflag:s22] =	ssyncset.done $0x0  }
0xc5: {  	[sflag:s22] =	ssyncadd.s32 $0xFFFFE000  }
0xc6: {  	_ =	swait.ge [sflag:s23], $0x2000  }
0xc7: {  	s8 =	sld [smem:$0x7F4]  }
0xc8: {  	[sflag:s23] =	ssyncset.done $0x0  }
0xc9: {  	[sflag:s23] =	ssyncadd.s32 $0xFFFFE000  }
0xca: {  	[spmem:s3] =	stream.indirect.scatter.add.f32 [tilespmem:s16], [sflag:$0x6], $0x80, s8, s20, $0xb8;
	[tilespmem:$0x1D000] =	vst v63  }
0xcb: {  	_ =	swait.ge [sflag:s24], $0x4000  }
0xcc: {  	s9 =	sld [smem:$0x7F5]  }
0xcd: {  	[sflag:s24] =	ssyncset.done $0x0  }
0xce: {  	s7 =	sld [smem:$0x7F6];
	[sflag:s24] =	ssyncadd.s32 $0xFFFFC000  }
0xcf: {  	[tilespmem:s16], [sflag:$0x3] =	stream.indirect.gather [hbm4b:s2+s13], $0x80, s9, s13, $0xb8;
	[tilespmem:$0x1D000] =	vst v63  }
0xd0: {  	_ = 	snop  }
0xd1: {  	[tilespmem:s17], [sflag:$0x4] =	stream.indirect.gather [hbm4b:s2+s13], $0x80, s7, s13, $0xb8;
	[tilespmem:$0x1D000] =	vst v63  }
0xd2: {  	_ =	swait.ge [sflag:s18], $0x2000  }
0xd3: {  	[sflag:s18] =	ssyncset.done $0x0  }
0xd4: {  	[sflag:s18] =	ssyncadd.s32 $0xFFFFE000  }
0xd5: {  	_ =	swait.ge [sflag:s19], $0x2000  }
0xd6: {  	s8 =	sld [smem:$0x7F7]  }
0xd7: {  	[sflag:s19] =	ssyncset.done $0x0  }
0xd8: {  	[sflag:s19] =	ssyncadd.s32 $0xFFFFE000  }
0xd9: {  	[spmem:s3] =	stream.indirect.scatter.add.f32 [tilespmem:s14], [sflag:$0x5], $0x80, s8, s20, $0xb8;
	[tilespmem:$0x1D000] =	vst v63  }
0xda: {  	_ =	swait.ge [sflag:s21], $0x4000  }
0xdb: {  	s9 =	sld [smem:$0x7F8]  }
0xdc: {  	[sflag:s21] =	ssyncset.done $0x0  }
0xdd: {  	s7 =	sld [smem:$0x7F9];
	[sflag:s21] =	ssyncadd.s32 $0xFFFFC000  }
0xde: {  	[tilespmem:s14], [sflag:$0x1] =	stream.indirect.gather [hbm4b:s2+s13], $0x80, s9, s13, $0xb8;
	[tilespmem:$0x1D000] =	vst v63  }
0xdf: {  	_ = 	snop  }
0xe0: {  	[tilespmem:s15], [sflag:$0x2] =	stream.indirect.gather [hbm4b:s2+s13], $0x80, s7, s13, $0xb8;
	[tilespmem:$0x1D000] =	vst v63  }
0xe1: {  	_ =	swait.ge [sflag:s22], $0x2000  }
0xe2: {  	[sflag:s22] =	ssyncset.done $0x0  }
0xe3: {  	[sflag:s22] =	ssyncadd.s32 $0xFFFFE000  }
0xe4: {  	_ =	swait.ge [sflag:s23], $0x2000  }
0xe5: {  	s8 =	sld [smem:$0x7FA]  }
0xe6: {  	[sflag:s23] =	ssyncset.done $0x0  }
0xe7: {  	[sflag:s23] =	ssyncadd.s32 $0xFFFFE000  }
0xe8: {  	[spmem:s3] =	stream.indirect.scatter.add.f32 [tilespmem:s16], [sflag:$0x6], $0x80, s8, s20, $0xb8;
	[tilespmem:$0x1D000] =	vst v63  }
0xe9: {  	_ =	swait.ge [sflag:s24], $0x4000  }
0xea: {  	s9 =	sld [smem:$0x7FB]  }
0xeb: {  	[sflag:s24] =	ssyncset.done $0x0  }
0xec: {  	[sflag:s24] =	ssyncadd.s32 $0xFFFFC000  }
0xed: {  	[tilespmem:s16], [sflag:$0x3] =	stream.indirect.gather [hbm4b:s2+s13], $0x80, s9, s13, $0xb8;
	[tilespmem:$0x1D000] =	vst v63  }
0xee: {  	_ = 	snop  }
0xef: {  	[tilespmem:s17], [sflag:$0x4] =	stream.indirect.gather [hbm4b:s2+s13], $0x80, s25, s13, $0xb8;
	[tilespmem:$0x1D000] =	vst v63  }
0xf0: {  	_ =	swait.ge [sflag:s18], $0x2000  }
0xf1: {  	[sflag:s18] =	ssyncset.done $0x0  }
0xf2: {  	[sflag:s18] =	ssyncadd.s32 $0xFFFFE000  }
0xf3: {  	_ =	swait.ge [sflag:s19], $0x2000  }
0xf4: {  	[sflag:s19] =	ssyncset.done $0x0  }
0xf5: {  	[sflag:s19] =	ssyncadd.s32 $0xFFFFE000  }
0xf6: {  	[spmem:s3] =	stream.indirect.scatter.add.f32 [tilespmem:s14], [sflag:$0x5], $0x80, s26, s20, $0xb8;
	[tilespmem:$0x1D000] =	vst v63  }
0xf7: {  	_ =	swait.ge [sflag:s21], $0x4000  }
0xf8: {  	[sflag:s21] =	ssyncset.done $0x0  }
0xf9: {  	[sflag:s21] =	ssyncadd.s32 $0xFFFFC000  }
0xfa: {  	[tilespmem:s14], [sflag:$0x1] =	stream.indirect.gather [hbm4b:s2+s13], $0x80, s28, s13, $0xb8;
	[tilespmem:$0x1D000] =	vst v63  }
0xfb: {  	_ = 	snop  }
0xfc: {  	[tilespmem:s15], [sflag:$0x2] =	stream.indirect.gather [hbm4b:s2+s13], $0x80, s29, s13, $0xb8;
	[tilespmem:$0x1D000] =	vst v63  }
0xfd: {  	_ =	swait.ge [sflag:s22], $0x2000  }
0xfe: {  	[sflag:s22] =	ssyncset.done $0x0  }
0xff: {  	[sflag:s22] =	ssyncadd.s32 $0xFFFFE000  }
0x100: {  	_ =	swait.ge [sflag:s23], $0x2000  }
0x101: {  	[sflag:s23] =	ssyncset.done $0x0  }
0x102: {  	[sflag:s23] =	ssyncadd.s32 $0xFFFFE000  }
0x103: {  	[spmem:s3] =	stream.indirect.scatter.add.f32 [tilespmem:s16], [sflag:$0x6], $0x80, s30, s20, $0xb8;
	[tilespmem:$0x1D000] =	vst v63  }
0x104: {  	_ =	swait.ge [sflag:s24], $0x4000  }
0x105: {  	[sflag:s24] =	ssyncset.done $0x0  }
0x106: {  	[sflag:s24] =	ssyncadd.s32 $0xFFFFC000  }
0x107: {  	[tilespmem:s16], [sflag:$0x3] =	stream.indirect.gather [hbm4b:s2+s13], $0x80, s31, s13, $0xb8;
	[tilespmem:$0x1D000] =	vst v63  }
0x108: {  	_ = 	snop  }
0x109: {  	[tilespmem:s17], [sflag:$0x4] =	stream.indirect.gather [hbm4b:s2+s13], $0x80, s1, s13, $0xb8;
	[tilespmem:$0x1D000] =	vst v63  }
0x10a: {  	_ =	swait.ge [sflag:s18], $0x2000  }
0x10b: {  	[sflag:s18] =	ssyncset.done $0x0  }
0x10c: {  	[sflag:s18] =	ssyncadd.s32 $0xFFFFE000  }
0x10d: {  	_ =	swait.ge [sflag:s19], $0x2000  }
0x10e: {  	[sflag:s19] =	ssyncset.done $0x0  }
0x10f: {  	[sflag:s19] =	ssyncadd.s32 $0xFFFFE000  }
0x110: {  	[spmem:s3] =	stream.indirect.scatter.add.f32 [tilespmem:s14], [sflag:$0x5], $0x80, s0, s20, $0xb8;
	[tilespmem:$0x1D000] =	vst v63  }
0x111: {  	_ =	swait.ge [sflag:s22], $0x2000  }
0x112: {  	[sflag:s22] =	ssyncset.done $0x0  }
0x113: {  	[sflag:s22] =	ssyncadd.s32 $0xFFFFE000  }
0x114: {  	_ =	swait.ge [sflag:s23], $0x2000  }
0x115: {  	[sflag:s23] =	ssyncset.done $0x0  }
0x116: {  	[sflag:s23] =	ssyncadd.s32 $0xFFFFE000  }
0x117: {  	[spmem:s3] =	stream.indirect.scatter.add.f32 [tilespmem:s16], [sflag:$0x6], $0x80, s5, s20, $0xb8;
	[tilespmem:$0x1D000] =	vst v63  }
0x118: {  	_ =	swait.ge [sflag:s21], $0x4000  }
0x119: {  	[sflag:s21] =	ssyncset.done $0x0  }
0x11a: {  	[sflag:s21] =	ssyncadd.s32 $0xFFFFC000  }
0x11b: {  	s6 =	simm.s32 $0x200;
	_ =	swait.ge [sflag:s24], $0x4000  }
0x11c: {  	s8 =	simm.s32 $0x100;
	s9 =	rddreg [dreg:$0x5];
	[sflag:s24] =	ssyncset.done $0x0  }
.LBB2_2:
0x11d: {  	[sflag:s24] =	ssyncadd.s32 $0xFFFFC000;
	s9 =	sadd.s32 s8, s9  }
0x11e: {  	[tilespmem:s11], [sflag:$0x7] =	stream.linear.gather [hbm4b:s9+s4], $0x800, $0x38;
	[tilespmem:$0x1D000] =	vst v63  }
0x11f: {  	_ =	swait.ge [sflag:s10], $0x800  }
0x120: {  	s9 =	rddreg [dreg:$0x4];
	[sflag:s10] =	ssyncset.done $0x0  }
0x121: {  	[sflag:s10] =	ssyncadd.s32 $0xFFFFF800;
	s9 =	sadd.s32 s8, s9  }
0x122: {  	[tilespmem:s12], [sflag:$0x7] =	stream.linear.gather [hbm4b:s9+s4], $0x800, $0x38;
	[tilespmem:$0x1D000] =	vst v63  }
0x123: {  	_ =	swait.ge [sflag:s10], $0x800  }
0x124: {  	[sflag:s10] =	ssyncset.done $0x0  }
0x125: {  	s7 =	smov.u32 s6;
	[sflag:s10] =	ssyncadd.s32 $0xFFFFF800  }
0x126: {  	[tilespmem:s14], [sflag:$0x1] =	stream.indirect.gather [hbm4b:s2+s13], $0x80, s11, s13, $0xb8;
	[tilespmem:$0x1D000] =	vst v63  }
0x127: {  	s8 =	smov.u32 s7;
	s7 =	rddreg [dreg:$0x6]  }
0x128: {  	[tilespmem:s15], [sflag:$0x2] =	stream.indirect.gather [hbm4b:s2+s13], $0x80, s7, s13, $0xb8;
	[tilespmem:$0x1D000] =	vst v63  }
0x129: {  	s9 =	rddreg [dreg:$0x7]  }
0x12a: {  	[tilespmem:s16], [sflag:$0x3] =	stream.indirect.gather [hbm4b:s2+s13], $0x80, s9, s13, $0xb8;
	[tilespmem:$0x1D000] =	vst v63  }
0x12b: {  	s7 =	rddreg [dreg:$0x8]  }
0x12c: {  	[tilespmem:s17], [sflag:$0x4] =	stream.indirect.gather [hbm4b:s2+s13], $0x80, s7, s13, $0xb8;
	[tilespmem:$0x1D000] =	vst v63  }
0x12d: {  	_ =	swait.ge [sflag:s18], $0x2000  }
0x12e: {  	[sflag:s18] =	ssyncset.done $0x0  }
0x12f: {  	[sflag:s18] =	ssyncadd.s32 $0xFFFFE000  }
0x130: {  	_ =	swait.ge [sflag:s19], $0x2000  }
0x131: {  	[sflag:s19] =	ssyncset.done $0x0  }
0x132: {  	[sflag:s19] =	ssyncadd.s32 $0xFFFFE000  }
0x133: {  	[spmem:s3] =	stream.indirect.scatter.add.f32 [tilespmem:s14], [sflag:$0x5], $0x80, s12, s20, $0xb8;
	[tilespmem:$0x1D000] =	vst v63  }
0x134: {  	_ =	swait.ge [sflag:s21], $0x4000  }
0x135: {  	[sflag:s21] =	ssyncset.done $0x0  }
0x136: {  	s7 =	rddreg [dreg:$0x9];
	[sflag:s21] =	ssyncadd.s32 $0xFFFFC000  }
0x137: {  	[tilespmem:s14], [sflag:$0x1] =	stream.indirect.gather [hbm4b:s2+s13], $0x80, s7, s13, $0xb8;
	[tilespmem:$0x1D000] =	vst v63  }
0x138: {  	s9 =	rddreg [dreg:$0xa]  }
0x139: {  	[tilespmem:s15], [sflag:$0x2] =	stream.indirect.gather [hbm4b:s2+s13], $0x80, s9, s13, $0xb8;
	[tilespmem:$0x1D000] =	vst v63  }
0x13a: {  	_ =	swait.ge [sflag:s22], $0x2000  }
0x13b: {  	[sflag:s22] =	ssyncset.done $0x0  }
0x13c: {  	[sflag:s22] =	ssyncadd.s32 $0xFFFFE000  }
0x13d: {  	_ =	swait.ge [sflag:s23], $0x2000  }
0x13e: {  	[sflag:s23] =	ssyncset.done $0x0  }
0x13f: {  	s9 =	rddreg [dreg:$0xb];
	[sflag:s23] =	ssyncadd.s32 $0xFFFFE000  }
0x140: {  	[spmem:s3] =	stream.indirect.scatter.add.f32 [tilespmem:s16], [sflag:$0x6], $0x80, s9, s20, $0xb8;
	[tilespmem:$0x1D000] =	vst v63  }
0x141: {  	_ =	swait.ge [sflag:s24], $0x4000  }
0x142: {  	[sflag:s24] =	ssyncset.done $0x0  }
0x143: {  	s7 =	rddreg [dreg:$0xc];
	[sflag:s24] =	ssyncadd.s32 $0xFFFFC000  }
0x144: {  	[tilespmem:s16], [sflag:$0x3] =	stream.indirect.gather [hbm4b:s2+s13], $0x80, s7, s13, $0xb8;
	[tilespmem:$0x1D000] =	vst v63  }
0x145: {  	s9 =	rddreg [dreg:$0xd]  }
0x146: {  	[tilespmem:s17], [sflag:$0x4] =	stream.indirect.gather [hbm4b:s2+s13], $0x80, s9, s13, $0xb8;
	[tilespmem:$0x1D000] =	vst v63  }
0x147: {  	_ =	swait.ge [sflag:s18], $0x2000  }
0x148: {  	[sflag:s18] =	ssyncset.done $0x0  }
0x149: {  	[sflag:s18] =	ssyncadd.s32 $0xFFFFE000  }
0x14a: {  	_ =	swait.ge [sflag:s19], $0x2000  }
0x14b: {  	[sflag:s19] =	ssyncset.done $0x0  }
0x14c: {  	s9 =	rddreg [dreg:$0xe];
	[sflag:s19] =	ssyncadd.s32 $0xFFFFE000  }
0x14d: {  	[spmem:s3] =	stream.indirect.scatter.add.f32 [tilespmem:s14], [sflag:$0x5], $0x80, s9, s20, $0xb8;
	[tilespmem:$0x1D000] =	vst v63  }
0x14e: {  	_ =	swait.ge [sflag:s21], $0x4000  }
0x14f: {  	[sflag:s21] =	ssyncset.done $0x0  }
0x150: {  	s7 =	rddreg [dreg:$0xf];
	[sflag:s21] =	ssyncadd.s32 $0xFFFFC000  }
0x151: {  	[tilespmem:s14], [sflag:$0x1] =	stream.indirect.gather [hbm4b:s2+s13], $0x80, s7, s13, $0xb8;
	[tilespmem:$0x1D000] =	vst v63  }
0x152: {  	s9 =	rddreg [dreg:$0x10]  }
0x153: {  	[tilespmem:s15], [sflag:$0x2] =	stream.indirect.gather [hbm4b:s2+s13], $0x80, s9, s13, $0xb8;
	[tilespmem:$0x1D000] =	vst v63  }
0x154: {  	_ =	swait.ge [sflag:s22], $0x2000  }
0x155: {  	[sflag:s22] =	ssyncset.done $0x0  }
0x156: {  	[sflag:s22] =	ssyncadd.s32 $0xFFFFE000  }
0x157: {  	_ =	swait.ge [sflag:s23], $0x2000  }
0x158: {  	[sflag:s23] =	ssyncset.done $0x0  }
0x159: {  	s9 =	rddreg [dreg:$0x11];
	[sflag:s23] =	ssyncadd.s32 $0xFFFFE000  }
0x15a: {  	[spmem:s3] =	stream.indirect.scatter.add.f32 [tilespmem:s16], [sflag:$0x6], $0x80, s9, s20, $0xb8;
	[tilespmem:$0x1D000] =	vst v63  }
0x15b: {  	_ =	swait.ge [sflag:s24], $0x4000  }
0x15c: {  	[sflag:s24] =	ssyncset.done $0x0  }
0x15d: {  	s7 =	rddreg [dreg:$0x12];
	[sflag:s24] =	ssyncadd.s32 $0xFFFFC000  }
0x15e: {  	[tilespmem:s16], [sflag:$0x3] =	stream.indirect.gather [hbm4b:s2+s13], $0x80, s7, s13, $0xb8;
	[tilespmem:$0x1D000] =	vst v63  }
0x15f: {  	s9 =	rddreg [dreg:$0x13]  }
0x160: {  	[tilespmem:s17], [sflag:$0x4] =	stream.indirect.gather [hbm4b:s2+s13], $0x80, s9, s13, $0xb8;
	[tilespmem:$0x1D000] =	vst v63  }
0x161: {  	_ =	swait.ge [sflag:s18], $0x2000  }
0x162: {  	[sflag:s18] =	ssyncset.done $0x0  }
0x163: {  	[sflag:s18] =	ssyncadd.s32 $0xFFFFE000  }
0x164: {  	_ =	swait.ge [sflag:s19], $0x2000  }
0x165: {  	[sflag:s19] =	ssyncset.done $0x0  }
0x166: {  	s9 =	rddreg [dreg:$0x14];
	[sflag:s19] =	ssyncadd.s32 $0xFFFFE000  }
0x167: {  	[spmem:s3] =	stream.indirect.scatter.add.f32 [tilespmem:s14], [sflag:$0x5], $0x80, s9, s20, $0xb8;
	[tilespmem:$0x1D000] =	vst v63  }
0x168: {  	_ =	swait.ge [sflag:s21], $0x4000  }
0x169: {  	[sflag:s21] =	ssyncset.done $0x0  }
0x16a: {  	s7 =	rddreg [dreg:$0x15];
	[sflag:s21] =	ssyncadd.s32 $0xFFFFC000  }
0x16b: {  	[tilespmem:s14], [sflag:$0x1] =	stream.indirect.gather [hbm4b:s2+s13], $0x80, s7, s13, $0xb8;
	[tilespmem:$0x1D000] =	vst v63  }
0x16c: {  	s9 =	rddreg [dreg:$0x16]  }
0x16d: {  	[tilespmem:s15], [sflag:$0x2] =	stream.indirect.gather [hbm4b:s2+s13], $0x80, s9, s13, $0xb8;
	[tilespmem:$0x1D000] =	vst v63  }
0x16e: {  	_ =	swait.ge [sflag:s22], $0x2000  }
0x16f: {  	[sflag:s22] =	ssyncset.done $0x0  }
0x170: {  	[sflag:s22] =	ssyncadd.s32 $0xFFFFE000  }
0x171: {  	_ =	swait.ge [sflag:s23], $0x2000  }
0x172: {  	[sflag:s23] =	ssyncset.done $0x0  }
0x173: {  	s9 =	rddreg [dreg:$0x17];
	[sflag:s23] =	ssyncadd.s32 $0xFFFFE000  }
0x174: {  	[spmem:s3] =	stream.indirect.scatter.add.f32 [tilespmem:s16], [sflag:$0x6], $0x80, s9, s20, $0xb8;
	[tilespmem:$0x1D000] =	vst v63  }
0x175: {  	_ =	swait.ge [sflag:s24], $0x4000  }
0x176: {  	[sflag:s24] =	ssyncset.done $0x0  }
0x177: {  	s7 =	rddreg [dreg:$0x18];
	[sflag:s24] =	ssyncadd.s32 $0xFFFFC000  }
0x178: {  	[tilespmem:s16], [sflag:$0x3] =	stream.indirect.gather [hbm4b:s2+s13], $0x80, s7, s13, $0xb8;
	[tilespmem:$0x1D000] =	vst v63  }
0x179: {  	s9 =	rddreg [dreg:$0x19]  }
0x17a: {  	[tilespmem:s17], [sflag:$0x4] =	stream.indirect.gather [hbm4b:s2+s13], $0x80, s9, s13, $0xb8;
	[tilespmem:$0x1D000] =	vst v63  }
0x17b: {  	_ =	swait.ge [sflag:s18], $0x2000  }
0x17c: {  	[sflag:s18] =	ssyncset.done $0x0  }
0x17d: {  	[sflag:s18] =	ssyncadd.s32 $0xFFFFE000  }
0x17e: {  	_ =	swait.ge [sflag:s19], $0x2000  }
0x17f: {  	[sflag:s19] =	ssyncset.done $0x0  }
0x180: {  	s9 =	rddreg [dreg:$0x1a];
	[sflag:s19] =	ssyncadd.s32 $0xFFFFE000  }
0x181: {  	[spmem:s3] =	stream.indirect.scatter.add.f32 [tilespmem:s14], [sflag:$0x5], $0x80, s9, s20, $0xb8;
	[tilespmem:$0x1D000] =	vst v63  }
0x182: {  	_ =	swait.ge [sflag:s21], $0x4000  }
0x183: {  	[sflag:s21] =	ssyncset.done $0x0  }
0x184: {  	s7 =	rddreg [dreg:$0x1b];
	[sflag:s21] =	ssyncadd.s32 $0xFFFFC000  }
0x185: {  	[tilespmem:s14], [sflag:$0x1] =	stream.indirect.gather [hbm4b:s2+s13], $0x80, s7, s13, $0xb8;
	[tilespmem:$0x1D000] =	vst v63  }
0x186: {  	s9 =	rddreg [dreg:$0x1c]  }
0x187: {  	[tilespmem:s15], [sflag:$0x2] =	stream.indirect.gather [hbm4b:s2+s13], $0x80, s9, s13, $0xb8;
	[tilespmem:$0x1D000] =	vst v63  }
0x188: {  	_ =	swait.ge [sflag:s22], $0x2000  }
0x189: {  	[sflag:s22] =	ssyncset.done $0x0  }
0x18a: {  	[sflag:s22] =	ssyncadd.s32 $0xFFFFE000  }
0x18b: {  	_ =	swait.ge [sflag:s23], $0x2000  }
0x18c: {  	[sflag:s23] =	ssyncset.done $0x0  }
0x18d: {  	s9 =	rddreg [dreg:$0x1d];
	[sflag:s23] =	ssyncadd.s32 $0xFFFFE000  }
0x18e: {  	[spmem:s3] =	stream.indirect.scatter.add.f32 [tilespmem:s16], [sflag:$0x6], $0x80, s9, s20, $0xb8;
	[tilespmem:$0x1D000] =	vst v63  }
0x18f: {  	_ =	swait.ge [sflag:s24], $0x4000  }
0x190: {  	[sflag:s24] =	ssyncset.done $0x0  }
0x191: {  	s7 =	rddreg [dreg:$0x1e];
	[sflag:s24] =	ssyncadd.s32 $0xFFFFC000  }
0x192: {  	[tilespmem:s16], [sflag:$0x3] =	stream.indirect.gather [hbm4b:s2+s13], $0x80, s7, s13, $0xb8;
	[tilespmem:$0x1D000] =	vst v63  }
0x193: {  	s9 =	rddreg [dreg:$0x1f]  }
0x194: {  	[tilespmem:s17], [sflag:$0x4] =	stream.indirect.gather [hbm4b:s2+s13], $0x80, s9, s13, $0xb8;
	[tilespmem:$0x1D000] =	vst v63  }
0x195: {  	_ =	swait.ge [sflag:s18], $0x2000  }
0x196: {  	[sflag:s18] =	ssyncset.done $0x0  }
0x197: {  	[sflag:s18] =	ssyncadd.s32 $0xFFFFE000  }
0x198: {  	_ =	swait.ge [sflag:s19], $0x2000  }
0x199: {  	s9 =	sld [smem:$0x7F1]  }
0x19a: {  	[sflag:s19] =	ssyncset.done $0x0  }
0x19b: {  	[sflag:s19] =	ssyncadd.s32 $0xFFFFE000  }
0x19c: {  	[spmem:s3] =	stream.indirect.scatter.add.f32 [tilespmem:s14], [sflag:$0x5], $0x80, s9, s20, $0xb8;
	[tilespmem:$0x1D000] =	vst v63  }
0x19d: {  	_ =	swait.ge [sflag:s21], $0x4000  }
0x19e: {  	s7 =	sld [smem:$0x7F2]  }
0x19f: {  	[sflag:s21] =	ssyncset.done $0x0  }
0x1a0: {  	s9 =	sld [smem:$0x7F3];
	[sflag:s21] =	ssyncadd.s32 $0xFFFFC000  }
0x1a1: {  	[tilespmem:s14], [sflag:$0x1] =	stream.indirect.gather [hbm4b:s2+s13], $0x80, s7, s13, $0xb8;
	[tilespmem:$0x1D000] =	vst v63  }
0x1a2: {  	_ = 	snop  }
0x1a3: {  	[tilespmem:s15], [sflag:$0x2] =	stream.indirect.gather [hbm4b:s2+s13], $0x80, s9, s13, $0xb8;
	[tilespmem:$0x1D000] =	vst v63  }
0x1a4: {  	_ =	swait.ge [sflag:s22], $0x2000  }
0x1a5: {  	[sflag:s22] =	ssyncset.done $0x0  }
0x1a6: {  	[sflag:s22] =	ssyncadd.s32 $0xFFFFE000  }
0x1a7: {  	_ =	swait.ge [sflag:s23], $0x2000  }
0x1a8: {  	s9 =	sld [smem:$0x7F4]  }
0x1a9: {  	[sflag:s23] =	ssyncset.done $0x0  }
0x1aa: {  	[sflag:s23] =	ssyncadd.s32 $0xFFFFE000  }
0x1ab: {  	[spmem:s3] =	stream.indirect.scatter.add.f32 [tilespmem:s16], [sflag:$0x6], $0x80, s9, s20, $0xb8;
	[tilespmem:$0x1D000] =	vst v63  }
0x1ac: {  	_ =	swait.ge [sflag:s24], $0x4000  }
0x1ad: {  	s7 =	sld [smem:$0x7F5]  }
0x1ae: {  	[sflag:s24] =	ssyncset.done $0x0  }
0x1af: {  	s9 =	sld [smem:$0x7F6];
	[sflag:s24] =	ssyncadd.s32 $0xFFFFC000  }
0x1b0: {  	[tilespmem:s16], [sflag:$0x3] =	stream.indirect.gather [hbm4b:s2+s13], $0x80, s7, s13, $0xb8;
	[tilespmem:$0x1D000] =	vst v63  }
0x1b1: {  	_ = 	snop  }
0x1b2: {  	[tilespmem:s17], [sflag:$0x4] =	stream.indirect.gather [hbm4b:s2+s13], $0x80, s9, s13, $0xb8;
	[tilespmem:$0x1D000] =	vst v63  }
0x1b3: {  	_ =	swait.ge [sflag:s18], $0x2000  }
0x1b4: {  	[sflag:s18] =	ssyncset.done $0x0  }
0x1b5: {  	[sflag:s18] =	ssyncadd.s32 $0xFFFFE000  }
0x1b6: {  	_ =	swait.ge [sflag:s19], $0x2000  }
0x1b7: {  	s9 =	sld [smem:$0x7F7]  }
0x1b8: {  	[sflag:s19] =	ssyncset.done $0x0  }
0x1b9: {  	[sflag:s19] =	ssyncadd.s32 $0xFFFFE000  }
0x1ba: {  	[spmem:s3] =	stream.indirect.scatter.add.f32 [tilespmem:s14], [sflag:$0x5], $0x80, s9, s20, $0xb8;
	[tilespmem:$0x1D000] =	vst v63  }
0x1bb: {  	_ =	swait.ge [sflag:s21], $0x4000  }
0x1bc: {  	s7 =	sld [smem:$0x7F8]  }
0x1bd: {  	[sflag:s21] =	ssyncset.done $0x0  }
0x1be: {  	s9 =	sld [smem:$0x7F9];
	[sflag:s21] =	ssyncadd.s32 $0xFFFFC000  }
0x1bf: {  	[tilespmem:s14], [sflag:$0x1] =	stream.indirect.gather [hbm4b:s2+s13], $0x80, s7, s13, $0xb8;
	[tilespmem:$0x1D000] =	vst v63  }
0x1c0: {  	_ = 	snop  }
0x1c1: {  	[tilespmem:s15], [sflag:$0x2] =	stream.indirect.gather [hbm4b:s2+s13], $0x80, s9, s13, $0xb8;
	[tilespmem:$0x1D000] =	vst v63  }
0x1c2: {  	_ =	swait.ge [sflag:s22], $0x2000  }
0x1c3: {  	[sflag:s22] =	ssyncset.done $0x0  }
0x1c4: {  	[sflag:s22] =	ssyncadd.s32 $0xFFFFE000  }
0x1c5: {  	_ =	swait.ge [sflag:s23], $0x2000  }
0x1c6: {  	s9 =	sld [smem:$0x7FA]  }
0x1c7: {  	[sflag:s23] =	ssyncset.done $0x0  }
0x1c8: {  	[sflag:s23] =	ssyncadd.s32 $0xFFFFE000  }
0x1c9: {  	[spmem:s3] =	stream.indirect.scatter.add.f32 [tilespmem:s16], [sflag:$0x6], $0x80, s9, s20, $0xb8;
	[tilespmem:$0x1D000] =	vst v63  }
0x1ca: {  	_ =	swait.ge [sflag:s24], $0x4000  }
0x1cb: {  	s9 =	sld [smem:$0x7FB]  }
0x1cc: {  	[sflag:s24] =	ssyncset.done $0x0  }
0x1cd: {  	[sflag:s24] =	ssyncadd.s32 $0xFFFFC000  }
0x1ce: {  	[tilespmem:s16], [sflag:$0x3] =	stream.indirect.gather [hbm4b:s2+s13], $0x80, s9, s13, $0xb8;
	[tilespmem:$0x1D000] =	vst v63  }
0x1cf: {  	_ = 	snop  }
0x1d0: {  	[tilespmem:s17], [sflag:$0x4] =	stream.indirect.gather [hbm4b:s2+s13], $0x80, s25, s13, $0xb8;
	[tilespmem:$0x1D000] =	vst v63  }
0x1d1: {  	_ =	swait.ge [sflag:s18], $0x2000  }
0x1d2: {  	[sflag:s18] =	ssyncset.done $0x0  }
0x1d3: {  	[sflag:s18] =	ssyncadd.s32 $0xFFFFE000  }
0x1d4: {  	_ =	swait.ge [sflag:s19], $0x2000  }
0x1d5: {  	[sflag:s19] =	ssyncset.done $0x0  }
0x1d6: {  	[sflag:s19] =	ssyncadd.s32 $0xFFFFE000  }
0x1d7: {  	[spmem:s3] =	stream.indirect.scatter.add.f32 [tilespmem:s14], [sflag:$0x5], $0x80, s26, s20, $0xb8;
	[tilespmem:$0x1D000] =	vst v63  }
0x1d8: {  	_ =	swait.ge [sflag:s21], $0x4000  }
0x1d9: {  	[sflag:s21] =	ssyncset.done $0x0  }
0x1da: {  	[sflag:s21] =	ssyncadd.s32 $0xFFFFC000  }
0x1db: {  	[tilespmem:s14], [sflag:$0x1] =	stream.indirect.gather [hbm4b:s2+s13], $0x80, s28, s13, $0xb8;
	[tilespmem:$0x1D000] =	vst v63  }
0x1dc: {  	_ = 	snop  }
0x1dd: {  	[tilespmem:s15], [sflag:$0x2] =	stream.indirect.gather [hbm4b:s2+s13], $0x80, s29, s13, $0xb8;
	[tilespmem:$0x1D000] =	vst v63  }
0x1de: {  	_ =	swait.ge [sflag:s22], $0x2000  }
0x1df: {  	[sflag:s22] =	ssyncset.done $0x0  }
0x1e0: {  	[sflag:s22] =	ssyncadd.s32 $0xFFFFE000  }
0x1e1: {  	_ =	swait.ge [sflag:s23], $0x2000  }
0x1e2: {  	[sflag:s23] =	ssyncset.done $0x0  }
0x1e3: {  	[sflag:s23] =	ssyncadd.s32 $0xFFFFE000  }
0x1e4: {  	[spmem:s3] =	stream.indirect.scatter.add.f32 [tilespmem:s16], [sflag:$0x6], $0x80, s30, s20, $0xb8;
	[tilespmem:$0x1D000] =	vst v63  }
0x1e5: {  	_ =	swait.ge [sflag:s24], $0x4000  }
0x1e6: {  	[sflag:s24] =	ssyncset.done $0x0  }
0x1e7: {  	[sflag:s24] =	ssyncadd.s32 $0xFFFFC000  }
0x1e8: {  	[tilespmem:s16], [sflag:$0x3] =	stream.indirect.gather [hbm4b:s2+s13], $0x80, s31, s13, $0xb8;
	[tilespmem:$0x1D000] =	vst v63  }
0x1e9: {  	_ = 	snop  }
0x1ea: {  	[tilespmem:s17], [sflag:$0x4] =	stream.indirect.gather [hbm4b:s2+s13], $0x80, s1, s13, $0xb8;
	[tilespmem:$0x1D000] =	vst v63  }
0x1eb: {  	_ =	swait.ge [sflag:s18], $0x2000  }
0x1ec: {  	[sflag:s18] =	ssyncset.done $0x0  }
0x1ed: {  	[sflag:s18] =	ssyncadd.s32 $0xFFFFE000  }
0x1ee: {  	_ =	swait.ge [sflag:s19], $0x2000  }
0x1ef: {  	[sflag:s19] =	ssyncset.done $0x0  }
0x1f0: {  	[sflag:s19] =	ssyncadd.s32 $0xFFFFE000  }
0x1f1: {  	[spmem:s3] =	stream.indirect.scatter.add.f32 [tilespmem:s14], [sflag:$0x5], $0x80, s0, s20, $0xb8;
	[tilespmem:$0x1D000] =	vst v63  }
0x1f2: {  	_ =	swait.ge [sflag:s22], $0x2000  }
0x1f3: {  	[sflag:s22] =	ssyncset.done $0x0  }
0x1f4: {  	[sflag:s22] =	ssyncadd.s32 $0xFFFFE000  }
0x1f5: {  	_ =	swait.ge [sflag:s23], $0x2000  }
0x1f6: {  	[sflag:s23] =	ssyncset.done $0x0  }
0x1f7: {  	p0 =	sne.s32 s6, $0x900;
	[sflag:s23] =	ssyncadd.s32 $0xFFFFE000  }
0x1f8: {  	[spmem:s3] =	stream.indirect.scatter.add.f32 [tilespmem:s16], [sflag:$0x6], $0x80, s5, s20, $0xb8;
	[tilespmem:$0x1D000] =	vst v63  }
.Ltmp0:
0x1f9: {  	_ =	swait.ge [sflag:s21], $0x4000;
	(pc) =	sbr.rel @p0 .LBB2_2-.Ltmp0, $4  }
0x1fa: {  	[sflag:s21] =	ssyncset.done $0x0  }
0x1fb: {  	[sflag:s21] =	ssyncadd.s32 $0xFFFFC000  }
0x1fc: {  	_ =	swait.ge [sflag:s24], $0x4000  }
0x1fd: {  	s6 =	sadd.s32 $0x100, s6;
	s9 =	rddreg [dreg:$0x5];
	[sflag:s24] =	ssyncset.done $0x0  }
0x1fe: {  	[sflag:s24] =	ssyncadd.s32 $0xFFFFC000;
	s6 =	sadd.s32 s8, s9  }
0x1ff: {  	[tilespmem:s11], [sflag:$0x7] =	stream.linear.gather [hbm4b:s6+s4], $0x800, $0x38;
	[tilespmem:$0x1D000] =	vst v63  }
0x200: {  	_ =	swait.ge [sflag:s10], $0x800  }
0x201: {  	s7 =	rddreg [dreg:$0x4];
	[sflag:s10] =	ssyncset.done $0x0  }
0x202: {  	[sflag:s10] =	ssyncadd.s32 $0xFFFFF800;
	s6 =	sadd.s32 s8, s7  }
0x203: {  	[tilespmem:s12], [sflag:$0x7] =	stream.linear.gather [hbm4b:s6+s4], $0x800, $0x38;
	[tilespmem:$0x1D000] =	vst v63  }
0x204: {  	_ =	swait.ge [sflag:s10], $0x800  }
0x205: {  	[sflag:s10] =	ssyncset.done $0x0  }
0x206: {  	[sflag:s10] =	ssyncadd.s32 $0xFFFFF800  }
0x207: {  	[tilespmem:s14], [sflag:$0x1] =	stream.indirect.gather [hbm4b:s2+s13], $0x80, s11, s13, $0xb8;
	[tilespmem:$0x1D000] =	vst v63  }
0x208: {  	s8 =	rddreg [dreg:$0x6]  }
0x209: {  	[tilespmem:s15], [sflag:$0x2] =	stream.indirect.gather [hbm4b:s2+s13], $0x80, s8, s13, $0xb8;
	[tilespmem:$0x1D000] =	vst v63  }
0x20a: {  	s7 =	rddreg [dreg:$0x7]  }
0x20b: {  	[tilespmem:s16], [sflag:$0x3] =	stream.indirect.gather [hbm4b:s2+s13], $0x80, s7, s13, $0xb8;
	[tilespmem:$0x1D000] =	vst v63  }
0x20c: {  	s9 =	rddreg [dreg:$0x8]  }
0x20d: {  	[tilespmem:s17], [sflag:$0x4] =	stream.indirect.gather [hbm4b:s2+s13], $0x80, s9, s13, $0xb8;
	[tilespmem:$0x1D000] =	vst v63  }
0x20e: {  	_ =	swait.ge [sflag:s18], $0x2000  }
0x20f: {  	[sflag:s18] =	ssyncset.done $0x0  }
0x210: {  	[sflag:s18] =	ssyncadd.s32 $0xFFFFE000  }
0x211: {  	_ =	swait.ge [sflag:s19], $0x2000  }
0x212: {  	[sflag:s19] =	ssyncset.done $0x0  }
0x213: {  	[sflag:s19] =	ssyncadd.s32 $0xFFFFE000  }
0x214: {  	[spmem:s3] =	stream.indirect.scatter.add.f32 [tilespmem:s14], [sflag:$0x5], $0x80, s12, s20, $0xb8;
	[tilespmem:$0x1D000] =	vst v63  }
0x215: {  	_ =	swait.ge [sflag:s21], $0x4000  }
0x216: {  	[sflag:s21] =	ssyncset.done $0x0  }
0x217: {  	s8 =	rddreg [dreg:$0x9];
	[sflag:s21] =	ssyncadd.s32 $0xFFFFC000  }
0x218: {  	[tilespmem:s14], [sflag:$0x1] =	stream.indirect.gather [hbm4b:s2+s13], $0x80, s8, s13, $0xb8;
	[tilespmem:$0x1D000] =	vst v63  }
0x219: {  	s9 =	rddreg [dreg:$0xa]  }
0x21a: {  	[tilespmem:s15], [sflag:$0x2] =	stream.indirect.gather [hbm4b:s2+s13], $0x80, s9, s13, $0xb8;
	[tilespmem:$0x1D000] =	vst v63  }
0x21b: {  	_ =	swait.ge [sflag:s22], $0x2000  }
0x21c: {  	[sflag:s22] =	ssyncset.done $0x0  }
0x21d: {  	[sflag:s22] =	ssyncadd.s32 $0xFFFFE000  }
0x21e: {  	_ =	swait.ge [sflag:s23], $0x2000  }
0x21f: {  	[sflag:s23] =	ssyncset.done $0x0  }
0x220: {  	s7 =	rddreg [dreg:$0xb];
	[sflag:s23] =	ssyncadd.s32 $0xFFFFE000  }
0x221: {  	[spmem:s3] =	stream.indirect.scatter.add.f32 [tilespmem:s16], [sflag:$0x6], $0x80, s7, s20, $0xb8;
	[tilespmem:$0x1D000] =	vst v63  }
0x222: {  	_ =	swait.ge [sflag:s24], $0x4000  }
0x223: {  	[sflag:s24] =	ssyncset.done $0x0  }
0x224: {  	s8 =	rddreg [dreg:$0xc];
	[sflag:s24] =	ssyncadd.s32 $0xFFFFC000  }
0x225: {  	[tilespmem:s16], [sflag:$0x3] =	stream.indirect.gather [hbm4b:s2+s13], $0x80, s8, s13, $0xb8;
	[tilespmem:$0x1D000] =	vst v63  }
0x226: {  	s9 =	rddreg [dreg:$0xd]  }
0x227: {  	[tilespmem:s17], [sflag:$0x4] =	stream.indirect.gather [hbm4b:s2+s13], $0x80, s9, s13, $0xb8;
	[tilespmem:$0x1D000] =	vst v63  }
0x228: {  	_ =	swait.ge [sflag:s18], $0x2000  }
0x229: {  	[sflag:s18] =	ssyncset.done $0x0  }
0x22a: {  	[sflag:s18] =	ssyncadd.s32 $0xFFFFE000  }
0x22b: {  	_ =	swait.ge [sflag:s19], $0x2000  }
0x22c: {  	[sflag:s19] =	ssyncset.done $0x0  }
0x22d: {  	s7 =	rddreg [dreg:$0xe];
	[sflag:s19] =	ssyncadd.s32 $0xFFFFE000  }
0x22e: {  	[spmem:s3] =	stream.indirect.scatter.add.f32 [tilespmem:s14], [sflag:$0x5], $0x80, s7, s20, $0xb8;
	[tilespmem:$0x1D000] =	vst v63  }
0x22f: {  	_ =	swait.ge [sflag:s21], $0x4000  }
0x230: {  	[sflag:s21] =	ssyncset.done $0x0  }
0x231: {  	s8 =	rddreg [dreg:$0xf];
	[sflag:s21] =	ssyncadd.s32 $0xFFFFC000  }
0x232: {  	[tilespmem:s14], [sflag:$0x1] =	stream.indirect.gather [hbm4b:s2+s13], $0x80, s8, s13, $0xb8;
	[tilespmem:$0x1D000] =	vst v63  }
0x233: {  	s9 =	rddreg [dreg:$0x10]  }
0x234: {  	[tilespmem:s15], [sflag:$0x2] =	stream.indirect.gather [hbm4b:s2+s13], $0x80, s9, s13, $0xb8;
	[tilespmem:$0x1D000] =	vst v63  }
0x235: {  	_ =	swait.ge [sflag:s22], $0x2000  }
0x236: {  	[sflag:s22] =	ssyncset.done $0x0  }
0x237: {  	[sflag:s22] =	ssyncadd.s32 $0xFFFFE000  }
0x238: {  	_ =	swait.ge [sflag:s23], $0x2000  }
0x239: {  	[sflag:s23] =	ssyncset.done $0x0  }
0x23a: {  	s7 =	rddreg [dreg:$0x11];
	[sflag:s23] =	ssyncadd.s32 $0xFFFFE000  }
0x23b: {  	[spmem:s3] =	stream.indirect.scatter.add.f32 [tilespmem:s16], [sflag:$0x6], $0x80, s7, s20, $0xb8;
	[tilespmem:$0x1D000] =	vst v63  }
0x23c: {  	_ =	swait.ge [sflag:s24], $0x4000  }
0x23d: {  	[sflag:s24] =	ssyncset.done $0x0  }
0x23e: {  	s8 =	rddreg [dreg:$0x12];
	[sflag:s24] =	ssyncadd.s32 $0xFFFFC000  }
0x23f: {  	[tilespmem:s16], [sflag:$0x3] =	stream.indirect.gather [hbm4b:s2+s13], $0x80, s8, s13, $0xb8;
	[tilespmem:$0x1D000] =	vst v63  }
0x240: {  	s9 =	rddreg [dreg:$0x13]  }
0x241: {  	[tilespmem:s17], [sflag:$0x4] =	stream.indirect.gather [hbm4b:s2+s13], $0x80, s9, s13, $0xb8;
	[tilespmem:$0x1D000] =	vst v63  }
0x242: {  	_ =	swait.ge [sflag:s18], $0x2000  }
0x243: {  	[sflag:s18] =	ssyncset.done $0x0  }
0x244: {  	[sflag:s18] =	ssyncadd.s32 $0xFFFFE000  }
0x245: {  	_ =	swait.ge [sflag:s19], $0x2000  }
0x246: {  	[sflag:s19] =	ssyncset.done $0x0  }
0x247: {  	s7 =	rddreg [dreg:$0x14];
	[sflag:s19] =	ssyncadd.s32 $0xFFFFE000  }
0x248: {  	[spmem:s3] =	stream.indirect.scatter.add.f32 [tilespmem:s14], [sflag:$0x5], $0x80, s7, s20, $0xb8;
	[tilespmem:$0x1D000] =	vst v63  }
0x249: {  	_ =	swait.ge [sflag:s21], $0x4000  }
0x24a: {  	[sflag:s21] =	ssyncset.done $0x0  }
0x24b: {  	s8 =	rddreg [dreg:$0x15];
	[sflag:s21] =	ssyncadd.s32 $0xFFFFC000  }
0x24c: {  	[tilespmem:s14], [sflag:$0x1] =	stream.indirect.gather [hbm4b:s2+s13], $0x80, s8, s13, $0xb8;
	[tilespmem:$0x1D000] =	vst v63  }
0x24d: {  	s9 =	rddreg [dreg:$0x16]  }
0x24e: {  	[tilespmem:s15], [sflag:$0x2] =	stream.indirect.gather [hbm4b:s2+s13], $0x80, s9, s13, $0xb8;
	[tilespmem:$0x1D000] =	vst v63  }
0x24f: {  	_ =	swait.ge [sflag:s22], $0x2000  }
0x250: {  	[sflag:s22] =	ssyncset.done $0x0  }
0x251: {  	[sflag:s22] =	ssyncadd.s32 $0xFFFFE000  }
0x252: {  	_ =	swait.ge [sflag:s23], $0x2000  }
0x253: {  	[sflag:s23] =	ssyncset.done $0x0  }
0x254: {  	s7 =	rddreg [dreg:$0x17];
	[sflag:s23] =	ssyncadd.s32 $0xFFFFE000  }
0x255: {  	[spmem:s3] =	stream.indirect.scatter.add.f32 [tilespmem:s16], [sflag:$0x6], $0x80, s7, s20, $0xb8;
	[tilespmem:$0x1D000] =	vst v63  }
0x256: {  	_ =	swait.ge [sflag:s24], $0x4000  }
0x257: {  	[sflag:s24] =	ssyncset.done $0x0  }
0x258: {  	s8 =	rddreg [dreg:$0x18];
	[sflag:s24] =	ssyncadd.s32 $0xFFFFC000  }
0x259: {  	[tilespmem:s16], [sflag:$0x3] =	stream.indirect.gather [hbm4b:s2+s13], $0x80, s8, s13, $0xb8;
	[tilespmem:$0x1D000] =	vst v63  }
0x25a: {  	s9 =	rddreg [dreg:$0x19]  }
0x25b: {  	[tilespmem:s17], [sflag:$0x4] =	stream.indirect.gather [hbm4b:s2+s13], $0x80, s9, s13, $0xb8;
	[tilespmem:$0x1D000] =	vst v63  }
0x25c: {  	_ =	swait.ge [sflag:s18], $0x2000  }
0x25d: {  	[sflag:s18] =	ssyncset.done $0x0  }
0x25e: {  	[sflag:s18] =	ssyncadd.s32 $0xFFFFE000  }
0x25f: {  	_ =	swait.ge [sflag:s19], $0x2000  }
0x260: {  	[sflag:s19] =	ssyncset.done $0x0  }
0x261: {  	s7 =	rddreg [dreg:$0x1a];
	[sflag:s19] =	ssyncadd.s32 $0xFFFFE000  }
0x262: {  	[spmem:s3] =	stream.indirect.scatter.add.f32 [tilespmem:s14], [sflag:$0x5], $0x80, s7, s20, $0xb8;
	[tilespmem:$0x1D000] =	vst v63  }
0x263: {  	_ =	swait.ge [sflag:s21], $0x4000  }
0x264: {  	[sflag:s21] =	ssyncset.done $0x0  }
0x265: {  	s8 =	rddreg [dreg:$0x1b];
	[sflag:s21] =	ssyncadd.s32 $0xFFFFC000  }
0x266: {  	[tilespmem:s14], [sflag:$0x1] =	stream.indirect.gather [hbm4b:s2+s13], $0x80, s8, s13, $0xb8;
	[tilespmem:$0x1D000] =	vst v63  }
0x267: {  	s9 =	rddreg [dreg:$0x1c]  }
0x268: {  	[tilespmem:s15], [sflag:$0x2] =	stream.indirect.gather [hbm4b:s2+s13], $0x80, s9, s13, $0xb8;
	[tilespmem:$0x1D000] =	vst v63  }
0x269: {  	_ =	swait.ge [sflag:s22], $0x2000  }
0x26a: {  	[sflag:s22] =	ssyncset.done $0x0  }
0x26b: {  	[sflag:s22] =	ssyncadd.s32 $0xFFFFE000  }
0x26c: {  	_ =	swait.ge [sflag:s23], $0x2000  }
0x26d: {  	[sflag:s23] =	ssyncset.done $0x0  }
0x26e: {  	s7 =	rddreg [dreg:$0x1d];
	[sflag:s23] =	ssyncadd.s32 $0xFFFFE000  }
0x26f: {  	[spmem:s3] =	stream.indirect.scatter.add.f32 [tilespmem:s16], [sflag:$0x6], $0x80, s7, s20, $0xb8;
	[tilespmem:$0x1D000] =	vst v63  }
0x270: {  	_ =	swait.ge [sflag:s24], $0x4000  }
0x271: {  	[sflag:s24] =	ssyncset.done $0x0  }
0x272: {  	s8 =	rddreg [dreg:$0x1e];
	[sflag:s24] =	ssyncadd.s32 $0xFFFFC000  }
0x273: {  	[tilespmem:s16], [sflag:$0x3] =	stream.indirect.gather [hbm4b:s2+s13], $0x80, s8, s13, $0xb8;
	[tilespmem:$0x1D000] =	vst v63  }
0x274: {  	s9 =	rddreg [dreg:$0x1f]  }
0x275: {  	[tilespmem:s17], [sflag:$0x4] =	stream.indirect.gather [hbm4b:s2+s13], $0x80, s9, s13, $0xb8;
	[tilespmem:$0x1D000] =	vst v63  }
0x276: {  	_ =	swait.ge [sflag:s18], $0x2000  }
0x277: {  	[sflag:s18] =	ssyncset.done $0x0  }
0x278: {  	[sflag:s18] =	ssyncadd.s32 $0xFFFFE000  }
0x279: {  	_ =	swait.ge [sflag:s19], $0x2000  }
0x27a: {  	s7 =	sld [smem:$0x7F1]  }
0x27b: {  	[sflag:s19] =	ssyncset.done $0x0  }
0x27c: {  	[sflag:s19] =	ssyncadd.s32 $0xFFFFE000  }
0x27d: {  	[spmem:s3] =	stream.indirect.scatter.add.f32 [tilespmem:s14], [sflag:$0x5], $0x80, s7, s20, $0xb8;
	[tilespmem:$0x1D000] =	vst v63  }
0x27e: {  	_ =	swait.ge [sflag:s21], $0x4000  }
0x27f: {  	s8 =	sld [smem:$0x7F2]  }
0x280: {  	[sflag:s21] =	ssyncset.done $0x0  }
0x281: {  	s9 =	sld [smem:$0x7F3];
	[sflag:s21] =	ssyncadd.s32 $0xFFFFC000  }
0x282: {  	[tilespmem:s14], [sflag:$0x1] =	stream.indirect.gather [hbm4b:s2+s13], $0x80, s8, s13, $0xb8;
	[tilespmem:$0x1D000] =	vst v63  }
0x283: {  	_ = 	snop  }
0x284: {  	[tilespmem:s15], [sflag:$0x2] =	stream.indirect.gather [hbm4b:s2+s13], $0x80, s9, s13, $0xb8;
	[tilespmem:$0x1D000] =	vst v63  }
0x285: {  	_ =	swait.ge [sflag:s22], $0x2000  }
0x286: {  	[sflag:s22] =	ssyncset.done $0x0  }
0x287: {  	[sflag:s22] =	ssyncadd.s32 $0xFFFFE000  }
0x288: {  	_ =	swait.ge [sflag:s23], $0x2000  }
0x289: {  	s7 =	sld [smem:$0x7F4]  }
0x28a: {  	[sflag:s23] =	ssyncset.done $0x0  }
0x28b: {  	[sflag:s23] =	ssyncadd.s32 $0xFFFFE000  }
0x28c: {  	[spmem:s3] =	stream.indirect.scatter.add.f32 [tilespmem:s16], [sflag:$0x6], $0x80, s7, s20, $0xb8;
	[tilespmem:$0x1D000] =	vst v63  }
0x28d: {  	_ =	swait.ge [sflag:s24], $0x4000  }
0x28e: {  	s8 =	sld [smem:$0x7F5]  }
0x28f: {  	[sflag:s24] =	ssyncset.done $0x0  }
0x290: {  	s9 =	sld [smem:$0x7F6];
	[sflag:s24] =	ssyncadd.s32 $0xFFFFC000  }
0x291: {  	[tilespmem:s16], [sflag:$0x3] =	stream.indirect.gather [hbm4b:s2+s13], $0x80, s8, s13, $0xb8;
	[tilespmem:$0x1D000] =	vst v63  }
0x292: {  	_ = 	snop  }
0x293: {  	[tilespmem:s17], [sflag:$0x4] =	stream.indirect.gather [hbm4b:s2+s13], $0x80, s9, s13, $0xb8;
	[tilespmem:$0x1D000] =	vst v63  }
0x294: {  	_ =	swait.ge [sflag:s18], $0x2000  }
0x295: {  	[sflag:s18] =	ssyncset.done $0x0  }
0x296: {  	[sflag:s18] =	ssyncadd.s32 $0xFFFFE000  }
0x297: {  	_ =	swait.ge [sflag:s19], $0x2000  }
0x298: {  	s7 =	sld [smem:$0x7F7]  }
0x299: {  	[sflag:s19] =	ssyncset.done $0x0  }
0x29a: {  	[sflag:s19] =	ssyncadd.s32 $0xFFFFE000  }
0x29b: {  	[spmem:s3] =	stream.indirect.scatter.add.f32 [tilespmem:s14], [sflag:$0x5], $0x80, s7, s20, $0xb8;
	[tilespmem:$0x1D000] =	vst v63  }
0x29c: {  	_ =	swait.ge [sflag:s21], $0x4000  }
0x29d: {  	s8 =	sld [smem:$0x7F8]  }
0x29e: {  	[sflag:s21] =	ssyncset.done $0x0  }
0x29f: {  	s9 =	sld [smem:$0x7F9];
	[sflag:s21] =	ssyncadd.s32 $0xFFFFC000  }
0x2a0: {  	[tilespmem:s14], [sflag:$0x1] =	stream.indirect.gather [hbm4b:s2+s13], $0x80, s8, s13, $0xb8;
	[tilespmem:$0x1D000] =	vst v63  }
0x2a1: {  	_ = 	snop  }
0x2a2: {  	[tilespmem:s15], [sflag:$0x2] =	stream.indirect.gather [hbm4b:s2+s13], $0x80, s9, s13, $0xb8;
	[tilespmem:$0x1D000] =	vst v63  }
0x2a3: {  	_ =	swait.ge [sflag:s22], $0x2000  }
0x2a4: {  	[sflag:s22] =	ssyncset.done $0x0  }
0x2a5: {  	[sflag:s22] =	ssyncadd.s32 $0xFFFFE000  }
0x2a6: {  	_ =	swait.ge [sflag:s23], $0x2000  }
0x2a7: {  	s7 =	sld [smem:$0x7FA]  }
0x2a8: {  	[sflag:s23] =	ssyncset.done $0x0  }
0x2a9: {  	[sflag:s23] =	ssyncadd.s32 $0xFFFFE000  }
0x2aa: {  	[spmem:s3] =	stream.indirect.scatter.add.f32 [tilespmem:s16], [sflag:$0x6], $0x80, s7, s20, $0xb8;
	[tilespmem:$0x1D000] =	vst v63  }
0x2ab: {  	_ =	swait.ge [sflag:s24], $0x4000  }
0x2ac: {  	s8 =	sld [smem:$0x7FB]  }
0x2ad: {  	[sflag:s24] =	ssyncset.done $0x0  }
0x2ae: {  	[sflag:s24] =	ssyncadd.s32 $0xFFFFC000  }
0x2af: {  	[tilespmem:s16], [sflag:$0x3] =	stream.indirect.gather [hbm4b:s2+s13], $0x80, s8, s13, $0xb8;
	[tilespmem:$0x1D000] =	vst v63  }
0x2b0: {  	_ = 	snop  }
0x2b1: {  	[tilespmem:s17], [sflag:$0x4] =	stream.indirect.gather [hbm4b:s2+s13], $0x80, s25, s13, $0xb8;
	[tilespmem:$0x1D000] =	vst v63  }
0x2b2: {  	_ =	swait.ge [sflag:s18], $0x2000  }
0x2b3: {  	[sflag:s18] =	ssyncset.done $0x0  }
0x2b4: {  	[sflag:s18] =	ssyncadd.s32 $0xFFFFE000  }
0x2b5: {  	_ =	swait.ge [sflag:s19], $0x2000  }
0x2b6: {  	[sflag:s19] =	ssyncset.done $0x0  }
0x2b7: {  	[sflag:s19] =	ssyncadd.s32 $0xFFFFE000  }
0x2b8: {  	[spmem:s3] =	stream.indirect.scatter.add.f32 [tilespmem:s14], [sflag:$0x5], $0x80, s26, s20, $0xb8;
	[tilespmem:$0x1D000] =	vst v63  }
0x2b9: {  	_ =	swait.ge [sflag:s21], $0x4000  }
0x2ba: {  	[sflag:s21] =	ssyncset.done $0x0  }
0x2bb: {  	[sflag:s21] =	ssyncadd.s32 $0xFFFFC000  }
0x2bc: {  	[tilespmem:s14], [sflag:$0x1] =	stream.indirect.gather [hbm4b:s2+s13], $0x80, s28, s13, $0xb8;
	[tilespmem:$0x1D000] =	vst v63  }
0x2bd: {  	_ = 	snop  }
0x2be: {  	[tilespmem:s15], [sflag:$0x2] =	stream.indirect.gather [hbm4b:s2+s13], $0x80, s29, s13, $0xb8;
	[tilespmem:$0x1D000] =	vst v63  }
0x2bf: {  	_ =	swait.ge [sflag:s22], $0x2000  }
0x2c0: {  	[sflag:s22] =	ssyncset.done $0x0  }
0x2c1: {  	[sflag:s22] =	ssyncadd.s32 $0xFFFFE000  }
0x2c2: {  	_ =	swait.ge [sflag:s23], $0x2000  }
0x2c3: {  	[sflag:s23] =	ssyncset.done $0x0  }
0x2c4: {  	[sflag:s23] =	ssyncadd.s32 $0xFFFFE000  }
0x2c5: {  	[spmem:s3] =	stream.indirect.scatter.add.f32 [tilespmem:s16], [sflag:$0x6], $0x80, s30, s20, $0xb8;
	[tilespmem:$0x1D000] =	vst v63  }
0x2c6: {  	_ =	swait.ge [sflag:s24], $0x4000  }
0x2c7: {  	[sflag:s24] =	ssyncset.done $0x0  }
0x2c8: {  	[sflag:s24] =	ssyncadd.s32 $0xFFFFC000  }
0x2c9: {  	[tilespmem:s16], [sflag:$0x3] =	stream.indirect.gather [hbm4b:s2+s13], $0x80, s31, s13, $0xb8;
	[tilespmem:$0x1D000] =	vst v63  }
0x2ca: {  	_ = 	snop  }
0x2cb: {  	[tilespmem:s17], [sflag:$0x4] =	stream.indirect.gather [hbm4b:s2+s13], $0x80, s1, s13, $0xb8;
	[tilespmem:$0x1D000] =	vst v63  }
0x2cc: {  	_ =	swait.ge [sflag:s18], $0x2000  }
0x2cd: {  	[sflag:s18] =	ssyncset.done $0x0  }
0x2ce: {  	[sflag:s18] =	ssyncadd.s32 $0xFFFFE000  }
0x2cf: {  	_ =	swait.ge [sflag:s19], $0x2000  }
0x2d0: {  	[sflag:s19] =	ssyncset.done $0x0  }
0x2d1: {  	[sflag:s19] =	ssyncadd.s32 $0xFFFFE000  }
0x2d2: {  	[spmem:s3] =	stream.indirect.scatter.add.f32 [tilespmem:s14], [sflag:$0x5], $0x80, s0, s20, $0xb8;
	[tilespmem:$0x1D000] =	vst v63  }
0x2d3: {  	_ =	swait.ge [sflag:s22], $0x2000  }
0x2d4: {  	[sflag:s22] =	ssyncset.done $0x0  }
0x2d5: {  	[sflag:s22] =	ssyncadd.s32 $0xFFFFE000  }
0x2d6: {  	_ =	swait.ge [sflag:s23], $0x2000  }
0x2d7: {  	[sflag:s23] =	ssyncset.done $0x0  }
0x2d8: {  	[sflag:s23] =	ssyncadd.s32 $0xFFFFE000  }
0x2d9: {  	[spmem:s3] =	stream.indirect.scatter.add.f32 [tilespmem:s16], [sflag:$0x6], $0x80, s5, s20, $0xb8;
	[tilespmem:$0x1D000] =	vst v63  }
0x2da: {  	_ =	swait.ge [sflag:s21], $0x4000  }
0x2db: {  	[sflag:s21] =	ssyncset.done $0x0  }
0x2dc: {  	[sflag:s21] =	ssyncadd.s32 $0xFFFFC000  }
0x2dd: {  	_ =	swait.ge [sflag:s24], $0x4000  }
0x2de: {  	[sflag:s24] =	ssyncset.done $0x0  }
0x2df: {  	[sflag:s24] =	ssyncadd.s32 $0xFFFFC000  }
0x2e0: {  	[bflag:$0x0] =	sbarrier.arrive $0xFFFF  }
0x2e1: {  	s7 =	sld [smem:$0x7FC]  }
0x2e2: {  	s9 =	sld [smem:$0x7EF]  }
0x2e3: {  	s8 =	sld [smem:$0x7FD];
	_ =	sdelay $0x2  }
0x2e4: {  	[hbm:s9], [sflag:s7] =	dma.local [spmem:s8], $0x2800  }
0x2e5: {  	_ =	swait.ge [sflag:s10], $0x2800  }
0x2e6: {  	s6 =	sld [smem:$0x7ED];
	_ =	sdelay $0x2  }
0x2e7: {  	s9 =	sadd.s32 $0x1, s6;
	s6 =	sld [smem:$0x7F0];
	_ =	sdelay $0x2  }
0x2e8: {  	p0 =	sne.s32 s9, s6  }
.Ltmp1:
0x2e9: {  	_ = 	snop;
	(pc) =	sbr.rel @p0 .LBB2_1-.Ltmp1, $3  }
0x2ea: {  	_ =	sdelay $0x1  }
0x2eb: {  	[sflag:s10] =	ssyncset.done $0x0  }
0x2ec: {  	[sflag:s10] =	ssyncadd.s32 $0xFFFFD800  }
0x2ed: {  	_ =	sfence.sel $0x180000  }
0x2ee: {  	[bflag:$0x0] =	sbarrier.arrive $0xFFFF  }
0x2ef: {  	_ =	strace $0x90000050  }
0x2f0: {  	s0 =	stileid.u32;
	[bflag:$0x2] =	sbarrier.arrive $0xFFFF  }
0x2f1: {  	p0 =	sne.s32 s0, $0x0;
	s0 =	rddreg [dreg:$0x3]  }
0x2f2: {  	s0 =	sadd.s32 @!p0 $0x100000, s0  }
0x2f3: {  	[sflag:s0] =	ssyncadd.tile.s32 @!p0 $0x1;
	_ =	shalt  }
.Lfunc_end2:
_tile_overlayer_lowered:
.L_overlay_start_2:
0x2f4: {  	(tag) =	ssettag $0x2  }
0x2f5: {  	s0 =	rddreg [dreg:$0x0];
	s2 =	stileid.u32  }
0x2f6: {  	s1 =	rddreg [dreg:$0x1];
	p0 =	sne.s32 s2, $0x0  }
0x2f7: {  	s3 =	rddreg [dreg:$0x2];
	[bflag:$0x3] =	sbarrier.arrive $0xFFFF;
	s2 =	simm.s32 @!p0 $0x1C07  }
0x2f8: {  	[timem:s3], [sflag:s2] =	dma.local @!p0 [hbm:s0], s1  }
0x2f9: {  	s0 =	simm.s32 @!p0 $0x7  }
0x2fa: {  	_ =	swait.ge @!p0 [sflag:s0], s1  }
0x2fb: {  	s1 =	ssub.s32 @!p0 $0x0, s1;
	[sflag:s0] =	ssyncset.done @!p0 $0x0  }
0x2fc: {  	[sflag:s0] =	ssyncadd.s32 @!p0 s1  }
0x2fd: {  	[bflag:$0x3] =	sbarrier.arrive $0xFFFF  }
0x2fe: {  	_ =	shalt  }

// kernel: kernel.21.cloned.1.call-start
scs
__scs_entry_jumppad:
0x0: {  	(pc) =	sbr.rel $0x88, $3  }
0x1: {  	(tag) =	ssettag $0x0;
	lr =	simm.s32 $0x1  }
0x2: {  	[smem:$0x3F9B] =	sst lr;
	_ =	strace $0xD0000000  }
0x3: {  	_ = 	snop  }
0x4: {  	_ = 	snop  }
0x5: {  	_ = 	snop  }
0x6: {  	_ = 	snop  }
0x7: {  	_ = 	snop  }
__scs_overlays_trampoline_lowered:
0x8: {  	[smem:$0x3FAA] =	sst s0  }
0x9: {  	[smem:$0x3FAB] =	sst s1  }
0xa: {  	[smem:$0x3FAC] =	sst s2  }
0xb: {  	[smem:$0x3FAD] =	sst s3  }
0xc: {  	[smem:$0x3FAE] =	sst s4  }
0xd: {  	[smem:$0x3FAF] =	sst s5  }
0xe: {  	[smem:$0x3FB0] =	sst s6  }
0xf: {  	[smem:$0x3FB1] =	sst s7  }
0x10: {  	[smem:$0x3FB2] =	sst s8  }
0x11: {  	[smem:$0x3FB3] =	sst s9;
	s0 =	simm.s32 @!p0 $0x0  }
0x12: {  	s1 =	sld [smem:$0x3F99];
	s0 =	simm.s32 @p0 $0x1  }
0x13: {  	[smem:$0x3FB4] =	sst s0;
	s0 =	simm.s32 @!p1 $0x0  }
0x14: {  	s2 =	sld [smem:$0x3F98];
	s0 =	simm.s32 @p1 $0x1  }
0x15: {  	[smem:$0x3FB5] =	sst s0;
	s0 =	simm.s32 @!p2 $0x0  }
0x16: {  	s3 =	sld [smem:$0x3FDB];
	s0 =	simm.s32 @p2 $0x1  }
0x17: {  	s4 =	simm.s32 $0x1BF5;
	[smem:$0x3FB7] =	sst s0  }
0x18: {  	s0 =	sld [smem:$0x3F9A];
	_ =	swait.ge [sflag:s4], $0x0  }
0x19: {  	s7 =	sld [smem:$0x3F9B]  }
0x1a: {  	s8 =	sadd.s32 $0xFFFFE003, lr  }
0x1b: {  	s9 =	sadd.s32 $0xFFFFFEF7, lr;
	s5 =	simm.s32 $0xFFFFFFFF;
	p2 =	slt.u32 s8, $0xFFFFF086  }
0x1c: {  	p1 =	slt.u32 s9, $0xF7A;
	s5 =	simm.s32 @!p2 $0x0  }
0x1d: {  	s5 =	simm.s32 @p1 $0x1;
	p0 =	seq.s32 s7, s2  }
0x1e: {  	s7 =	smul.u32 @!p0 $0xF7A, s2;
	p2 =	seq.s32 @!p0 s5, $0x0  }
0x1f: {  	s9 =	smul.u32 $0xF7A, s1;
	s8 =	simm.s32 @!p0 $0x1BF5;
	p2 =	por !p2, p0  }
0x20: {  	[sflag:s8] =	ssyncset.s32 @!p0 $0xFFFFF086;
	s6 =	sadd.s32 @!p0 s3, s7;
	s7 =	simm.s32 @!p0 $0x108  }
0x21: {  	s3 =	sadd.s32 s3, s9;
	s6 =	sadd.s32 @!p0 $0x88, s6;
	s7 =	simm.s32 @p2 $0x1082  }
0x22: {  	[simem:s7], [sflag:s8] =	dma.local @!p0 [hbm:s6], $0xF7A  }
0x23: {  	s9 =	sor.u32 $0xD0000000, s2;
	s6 =	simm.s32 $0x108;
	_ =	swait.ge @!p0 [sflag:s8], $0x0  }
0x24: {  	s3 =	sadd.s32 $0x88, s3;
	s6 =	simm.s32 @!p1 $0x1082;
	[sflag:s4] =	ssyncset.s32 $0xFFFFF086  }
0x25: {  	[simem:s6], [sflag:s4] =	dma.local [hbm:s3], $0xF7A  }
0x26: {  	[smem:$0x3F9B] =	sst s1;
	(tag) =	ssettag s2;
	_ =	strace s9  }
0x27: {  	s1 =	sld [smem:$0x3FAB]  }
0x28: {  	s2 =	sld [smem:$0x3FAC]  }
0x29: {  	s4 =	sld [smem:$0x3FAE]  }
0x2a: {  	p0 =	seq.s32 s5, $0x0;
	s5 =	sld [smem:$0x3FAF]  }
0x2b: {  	s6 =	sld [smem:$0x3FB0]  }
0x2c: {  	s7 =	sld [smem:$0x3FB1]  }
0x2d: {  	s3 =	simm.s32 $0x108;
	s8 =	sld [smem:$0x3FB2]  }
0x2e: {  	s3 =	simm.s32 @!p0 $0x1082;
	s9 =	sld [smem:$0x3FB3]  }
0x2f: {  	lr =	sadd.s32 s0, s3;
	s0 =	sld [smem:$0x3FAA]  }
0x30: {  	s3 =	sld [smem:$0x3FAD]  }
0x31: {  	[smem:$0x3FB6] =	sst s10  }
0x32: {  	s10 =	sld [smem:$0x3FB4];
	_ =	sdelay $0x3  }
0x33: {  	p0 =	seq.s32 s10, $0x1;
	s10 =	sld [smem:$0x3FB6];
	_ =	sdelay $0x3  }
0x34: {  	[smem:$0x3FB6] =	sst s10  }
0x35: {  	s10 =	sld [smem:$0x3FB5];
	_ =	sdelay $0x3  }
0x36: {  	p1 =	seq.s32 s10, $0x1;
	s10 =	sld [smem:$0x3FB6];
	_ =	sdelay $0x3  }
0x37: {  	[smem:$0x3FB6] =	sst s10  }
0x38: {  	s10 =	sld [smem:$0x3FB7]  }
0x39: {  	_ = 	snop;
	(pc) =	sbr.ind lr, $3  }
0x3a: {  	_ = 	snop  }
0x3b: {  	_ = 	snop  }
0x3c: {  	p2 =	seq.s32 s10, $0x1;
	s10 =	sld [smem:$0x3FB6]  }
0x3d: {  	_ =	shalt  }
0x3e: {  	_ =	shalt  }
0x3f: {  	_ =	shalt  }
0x40: {  	_ =	shalt  }
0x41: {  	_ =	shalt  }
0x42: {  	_ =	shalt  }
0x43: {  	_ =	shalt  }
0x44: {  	_ =	shalt  }
0x45: {  	_ =	shalt  }
0x46: {  	_ =	shalt  }
0x47: {  	_ =	shalt  }
0x48: {  	_ =	shalt  }
0x49: {  	_ =	shalt  }
0x4a: {  	_ =	shalt  }
0x4b: {  	_ =	shalt  }
0x4c: {  	_ =	shalt  }
0x4d: {  	_ =	shalt  }
0x4e: {  	_ =	shalt  }
0x4f: {  	_ =	shalt  }
0x50: {  	_ =	shalt  }
0x51: {  	_ =	shalt  }
0x52: {  	_ =	shalt  }
0x53: {  	_ =	shalt  }
0x54: {  	_ =	shalt  }
0x55: {  	_ =	shalt  }
0x56: {  	_ =	shalt  }
0x57: {  	_ =	shalt  }
0x58: {  	_ =	shalt  }
0x59: {  	_ =	shalt  }
0x5a: {  	_ =	shalt  }
0x5b: {  	_ =	shalt  }
0x5c: {  	_ =	shalt  }
0x5d: {  	_ =	shalt  }
0x5e: {  	_ =	shalt  }
0x5f: {  	_ =	shalt  }
0x60: {  	_ =	shalt  }
0x61: {  	_ =	shalt  }
0x62: {  	_ =	shalt  }
0x63: {  	_ =	shalt  }
0x64: {  	_ =	shalt  }
0x65: {  	_ =	shalt  }
0x66: {  	_ =	shalt  }
0x67: {  	_ =	shalt  }
0x68: {  	_ =	shalt  }
0x69: {  	_ =	shalt  }
0x6a: {  	_ =	shalt  }
0x6b: {  	_ =	shalt  }
0x6c: {  	_ =	shalt  }
0x6d: {  	_ =	shalt  }
0x6e: {  	_ =	shalt  }
0x6f: {  	_ =	shalt  }
0x70: {  	_ =	shalt  }
0x71: {  	_ =	shalt  }
0x72: {  	_ =	shalt  }
0x73: {  	_ =	shalt  }
0x74: {  	_ =	shalt  }
0x75: {  	_ =	shalt  }
0x76: {  	_ =	shalt  }
0x77: {  	_ =	shalt  }
0x78: {  	_ =	shalt  }
0x79: {  	_ =	shalt  }
0x7a: {  	_ =	shalt  }
0x7b: {  	_ =	shalt  }
0x7c: {  	_ =	shalt  }
0x7d: {  	_ =	shalt  }
0x7e: {  	_ =	shalt  }
0x7f: {  	_ =	shalt  }
0x80: {  	_ =	shalt  }
0x81: {  	_ =	shalt  }
0x82: {  	_ =	shalt  }
0x83: {  	_ =	shalt  }
0x84: {  	_ =	shalt  }
0x85: {  	_ =	shalt  }
0x86: {  	_ =	shalt  }
0x87: {  	_ =	shalt  }
.Lfunc_end0:
.L_simem_size_0:
called_computation.3_lowered:
.L_overlay_start_0:
0x88: {  	s2 =	sld [smem:$0x3FD9]  }
0x89: {  	s3 =	sld [smem:$0x3FFE];
	_ =	sdelay $0x1  }
0x8a: {  	s1 =	srdreg.scid  }
0x8b: {  	s0 =	sand.u32 $0x1, s1  }
0x8c: {  	s14 =	sshll.u32 s0, $0xA;
	s2 =	sadd.s32 s3, s2  }
0x8d: {  	s2 =	sadd.s32 s2, s14  }
0x8e: {  	[smem:$0x3FC2] =	sst s2  }
0x8f: {  	_ = 	snop  }
0x90: {  	s2 =	sld [smem:$0x3FD0];
	_ =	sdelay $0x2  }
0x91: {  	s15 =	simm.s32 $0xB;
	s4 =	simm.s32 $0x10  }
0x92: {  	[smem:s4], [sflag:s15] =	dma.local [hbm:s2], $0x1  }
0x93: {  	_ =	swait.eq [sflag:s15], $0x1  }
0x94: {  	[sflag:s15] =	ssyncset.done $0x0  }
0x95: {  	[sflag:s15] =	ssyncadd.s32 $0xFFFFFFFF  }
0x96: {  	s16 =	sld [smem:$0x11];
	(tm) =	ssettm $0x1  }
0x97: {  	s17 =	sld [smem:$0x3FFB];
	_ =	sdelay $0x3  }
0x98: {  	_ =	strace s17  }
0x99: {  	s3 =	sld [smem:$0x3FFC];
	_ =	sdelay $0x3  }
0x9a: {  	_ =	strace s3  }
0x9b: {  	s3 =	sld [smem:$0x3FFD];
	_ =	sdelay $0x3  }
0x9c: {  	_ =	strace s3  }
0x9d: {  	_ =	strace $0x8FFFFFFF  }
0x9e: {  	s18 =	sld [smem:$0x3FDB];
	_ =	sdelay $0x1  }
0x9f: {  	s19 =	simm.s32 $_scs_section_size  }
0xa0: {  	s5 =	simm.s32 $_size__tile_overlayer_lowered;
	s6 =	simm.s32 $_tile_overlayer_lowered  }
0xa1: {  	s22 =	simm.s32 $0x1BFF;
	s21 =	sshll.u32 s6, $0x1;
	s3 =	sadd.s32 s19, s18  }
0xa2: {  	s7 =	simm.s32 $0x0;
	s20 =	sshll.u32 s5, $0x1;
	s5 =	sadd.s32 s21, s3  }
0xa3: {  	[timem:s7], [sflag:s22] =	dma.local [hbm:s5], s20  }
0xa4: {  	_ =	swait.ge [sflag:s22], s20  }
0xa5: {  	s4 =	ssub.s32 $0x0, s20;
	[sflag:s22] =	ssyncset.done $0x0  }
0xa6: {  	[sflag:s22] =	ssyncadd.s32 s4;
	_ =	sdelay $0x1  }
0xa7: {  	s23 =	simm.s32 $0x1B8B  }
0xa8: {  	_ =	swait.ge [sflag:s23], $0x1  }
0xa9: {  	[sflag:s23] =	ssyncset.done $0x0  }
0xaa: {  	s25 =	simm.s32 $0x1B8E;
	s24 =	sld [smem:$0x3FFE];
	[sflag:s23] =	ssyncadd.s32 $0xFFFFFFFF  }
0xab: {  	s26 =	simm.s32 $execute0_lowered;
	[smem:$0x3FD2] =	sst s25  }
0xac: {  	s5 =	sshll.u32 s26, $0x1;
	_ =	strace $0x8000004C;
	[dreg:$0x1] =	wrdreg $0xFFFFFFFF  }
0xad: {  	s28 =	simm.s32 $_size_execute0_lowered;
	s3 =	sadd.s32 s3, s5;
	[dreg:$0x0] =	wrdreg $0x0  }
0xae: {  	s5 =	sshll.u32 s28, $0x1;
	[dreg:$0x2] =	wrdreg s3  }
0xaf: {  	[dreg:$0x3] =	wrdreg s5  }
0xb0: {  	[dreg:$0x4] =	wrdreg $0xC0  }
0xb1: {  	_ =	task [dreg:s7], $0x5FFFF  }
0xb2: {  	[dreg:$0x1] =	wrdreg $0xFFFFFFFF  }
0xb3: {  	[dreg:$0x0] =	wrdreg $0x60  }
0xb4: {  	[dreg:$0x2] =	wrdreg s16  }
0xb5: {  	[dreg:$0x3] =	wrdreg s24  }
0xb6: {  	[dreg:$0x4] =	wrdreg $0x0  }
0xb7: {  	[dreg:$0x5] =	wrdreg $0xA  }
0xb8: {  	_ =	task.clear_ibuf [dreg:s7], $0x6FFFF;
	_ =	strace $0x9000004C  }
0xb9: {  	s29 =	simm.s32 $0xA;
	_ =	strace $0x8000004E  }
0xba: {  	_ =	swait.ge [sflag:s29], $0x1  }
0xbb: {  	[sflag:s29] =	ssyncadd.s32 $0xFFFFFFFF  }
0xbc: {  	_ =	strace $0x9000004E  }
0xbd: {  	_ =	sfence  }
0xbe: {  	s30 =	sld [smem:$0x0];
	_ =	sdelay $0x2  }
0xbf: {  	s31 =	sshll.u32 s1, $0xD;
	s1 =	sshrl.u32 s1, $0x2  }
0xc0: {  	s3 =	sand.u32 $0x4000, s31;
	s1 =	sadd.s32 s1, s30  }
0xc1: {  	s0 =	sor.u32 s3, s0;
	s1 =	sshll.u32 s1, $0x11  }
0xc2: {  	s0 =	sor.u32 s1, s0  }
0xc3: {  	s0 =	sadd.s32 $0x8F2B, s0  }
0xc4: {  	[sflag:s0] =	ssyncadd.remote.s32 $0x1  }
0xc5: {  	_ =	sfence.sel $0xFFFF  }
0xc6: {  	[dreg:$0x0] =	wrdreg $0xFFFFFFFF;
	(pc) =	sbr.abs _section_cstart, $3  }
0xc7: {  	[dreg:$0x1] =	wrdreg $0xFFFFFFFF  }
0xc8: {  	_ =	task.clear_ibuf [dreg:s7], $0x2FFFF;
	_ =	strace $0x9FFFFFFF  }
0xc9: {  	(tm) =	ssettm $0x7FFFFFFF  }
tec
execute0_lowered:
.L_overlay_start_1:
0x0: {  	(tag) =	ssettag $0x1  }
0x1: {  	s0 =	srdreg.scid;
	s8 =	stileid.u32  }
0x2: {  	s0 =	sand.u32 $0x1, s0;
	s4 =	smul.u32 $0x5000, s8  }
0x3: {  	s2 =	rddreg [dreg:$0x0];
	s1 =	smul.u32 $0x50000, s0  }
0x4: {  	s5 =	rddreg [dreg:$0x1]  }
0x5: {  	s3 =	rddreg [dreg:$0x2];
	s1 =	sadd.s32 s4, s1;
	s4 =	simm.s32 $0x0  }
0x6: {  	s24 =	simm.s32 $0x1C040;
	[smem:$0x7FF] =	sst s4  }
0x7: {  	s25 =	simm.s32 $0x1C080;
	_ =	strace $0x8000004D;
	[dreg:$0x6] =	wrdreg s24  }
0x8: {  	s26 =	simm.s32 $0x1C0C0;
	[dreg:$0x7] =	wrdreg s25  }
0x9: {  	s7 =	simm.s32 $0x1C140;
	[dreg:$0x8] =	wrdreg s26  }
0xa: {  	s9 =	simm.s32 $0x1C880;
	[dreg:$0xa] =	wrdreg s7  }
0xb: {  	s11 =	simm.s32 $0x1C180;
	[dreg:$0xb] =	wrdreg s9  }
0xc: {  	s12 =	simm.s32 $0x1C1C0;
	[dreg:$0xc] =	wrdreg s11  }
0xd: {  	s13 =	simm.s32 $0x1C900;
	[dreg:$0xd] =	wrdreg s12  }
0xe: {  	s14 =	simm.s32 $0x1C200;
	[dreg:$0xe] =	wrdreg s13  }
0xf: {  	s15 =	simm.s32 $0x1C240;
	[dreg:$0xf] =	wrdreg s14  }
0x10: {  	s16 =	simm.s32 $0x1C980;
	s17 =	simm.s32 $0x1C280;
	[dreg:$0x10] =	wrdreg s15  }
0x11: {  	s19 =	simm.s32 $0x1C2C0;
	s21 =	simm.s32 $0x1CA00;
	[dreg:$0x11] =	wrdreg s16  }
0x12: {  	s10 =	smul.u32 $0x140000, s0;
	s0 =	ssub.s32 $0x2, s0;
	[dreg:$0x12] =	wrdreg s17  }
0x13: {  	s22 =	simm.s32 $0x1C300;
	s18 =	sshrl.u32 s0, $0x1;
	[dreg:$0x13] =	wrdreg s19  }
0x14: {  	s28 =	simm.s32 $0x1C700;
	s0 =	ssub.s32 s0, s18;
	[dreg:$0x14] =	wrdreg s21  }
0x15: {  	s20 =	smul.u32 $0x50000, s8;
	s0 =	smax.u32 s0, $0x1;
	[dreg:$0x15] =	wrdreg s22  }
0x16: {  	s29 =	simm.s32 $0x1C740;
	s18 =	simm.s32 $0x1C540;
	[smem:$0x7F0] =	sst s0  }
0x17: {  	s23 =	sshrl.u32 s20, $0x2;
	s20 =	simm.s32 $0x1C580;
	[smem:$0x7F3] =	sst s18  }
0x18: {  	s30 =	simm.s32 $0x1CE80;
	s9 =	sadd.s32 $0x3600, s5;
	[smem:$0x7F5] =	sst s20  }
0x19: {  	s31 =	simm.s32 $0x1C780;
	s24 =	simm.s32 $0x1C340;
	[smem:$0x7EE] =	sst s9  }
0x1a: {  	s7 =	smul.u32 $0x14000, s8;
	s25 =	simm.s32 $0x1CA80;
	[dreg:$0x16] =	wrdreg s24  }
0x1b: {  	s26 =	sshll.u32 s8, $0x6;
	s8 =	simm.s32 $0x1C380;
	[dreg:$0x17] =	wrdreg s25  }
0x1c: {  	s1 =	sshrl.u32 s1, $0x3;
	s11 =	simm.s32 $0x1C400;
	[dreg:$0x18] =	wrdreg s8  }
0x1d: {  	s1 =	sadd.s32 s1, s5;
	s12 =	simm.s32 $0x1C440;
	[dreg:$0x1b] =	wrdreg s11  }
0x1e: {  	s13 =	simm.s32 $0x1CB80;
	s14 =	simm.s32 $0x1C480;
	[dreg:$0x1c] =	wrdreg s12  }
0x1f: {  	s15 =	simm.s32 $0x1C4C0;
	s16 =	simm.s32 $0x1CC00;
	[dreg:$0x1d] =	wrdreg s13  }
0x20: {  	s17 =	simm.s32 $0x1C500;
	s19 =	simm.s32 $0x1CC80;
	[dreg:$0x1e] =	wrdreg s14  }
0x21: {  	s18 =	simm.s32 $0x1;
	s21 =	simm.s32 $0x1C5C0;
	[dreg:$0x1f] =	wrdreg s15  }
0x22: {  	s22 =	simm.s32 $0x1CD00;
	s20 =	simm.s32 $0x80;
	[smem:$0x7F1] =	sst s16  }
0x23: {  	s0 =	simm.s32 $0x1CF00;
	s6 =	sadd.s32 $0xE1E00, s1;
	[smem:$0x7F2] =	sst s17  }
0x24: {  	s1 =	sadd.s32 $0x69E00, s1;
	s9 =	simm.s32 $0x1C3C0;
	[smem:$0x7F4] =	sst s19  }
0x25: {  	s11 =	simm.s32 $0x1C000;
	s12 =	simm.s32 $0x1C800;
	[smem:$0x7F6] =	sst s21  }
0x26: {  	s13 =	simm.s32 $0x40;
	s14 =	simm.s32 $0x14000;
	[smem:$0x7F7] =	sst s22  }
0x27: {  	s15 =	simm.s32 $0x16000;
	s16 =	simm.s32 $0x18000;
	[dreg:$0x4] =	wrdreg s6  }
0x28: {  	s17 =	simm.s32 $0x1A000;
	s19 =	simm.s32 $0x2;
	[dreg:$0x5] =	wrdreg s1  }
0x29: {  	s21 =	simm.s32 $0x5;
	s24 =	simm.s32 $0x1C640;
	[dreg:$0x19] =	wrdreg s9  }
0x2a: {  	s22 =	simm.s32 $0x3;
	s25 =	simm.s32 $0x1CD80;
	[smem:$0x7F9] =	sst s24  }
0x2b: {  	s6 =	simm.s32 $0x1C100;
	[smem:$0x7FA] =	sst s25;
	s24 =	simm.s32 $0x6  }
0x2c: {  	[dreg:$0x9] =	wrdreg s6;
	s6 =	sadd.s32 s7, s10;
	s10 =	simm.s32 $0x1CB00  }
0x2d: {  	s7 =	sor.u32 $0x1C07, s26;
	s26 =	simm.s32 $0x1C680;
	[dreg:$0x1a] =	wrdreg s10  }
0x2e: {  	s25 =	simm.s32 $0x1C6C0;
	s1 =	simm.s32 $0x1C7C0;
	[smem:$0x7FB] =	sst s26  }
0x2f: {  	s9 =	simm.s32 $0x0;
	s6 =	sshrl.u32 s6, $0x3;
	[smem:$0x7FC] =	sst s7  }
0x30: {  	s5 =	sadd.s32 s6, s5;
	s6 =	sadd.s32 s23, s3;
	s23 =	simm.s32 $0x1C600  }
0x31: {  	s10 =	simm.s32 $0x7;
	s5 =	sadd.s32 $0x91E00, s5;
	[smem:$0x7F8] =	sst s23  }
0x32: {  	s26 =	simm.s32 $0x1CE00;
	s8 =	sshrl.u32 s6, $0x3;
	[smem:$0x7EF] =	sst s5  }
0x33: {  	s23 =	simm.s32 $0x4;
	s5 =	simm.s32 $0x1CF80;
	[smem:$0x7FD] =	sst s8  }
.LBB2_1:
0x34: {  	s6 =	sld [smem:$0x7EE];
	_ =	sdelay $0x1  }
0x35: {  	[smem:$0x7ED] =	sst s9  }
0x36: {  	[spmem:s8], [sflag:s7] =	dma.local [hbm:s6], $0x2800  }
0x37: {  	_ =	swait.ge [sflag:s10], $0x2800  }
0x38: {  	[sflag:s10] =	ssyncset.done $0x0  }
0x39: {  	[sflag:s10] =	ssyncadd.s32 $0xFFFFD800  }
0x3a: {  	[bflag:$0x0] =	sbarrier.arrive $0xFFFF  }
0x3b: {  	s9 =	rddreg [dreg:$0x5]  }
0x3c: {  	s6 =	sadd.s32 $0x0, s9  }
0x3d: {  	[tilespmem:s11], [sflag:$0x7] =	stream.linear.gather [hbm4b:s6+s4], $0x800, $0x38;
	[tilespmem:$0x1D000] =	vst v63  }
0x3e: {  	_ =	swait.ge [sflag:s10], $0x800  }
0x3f: {  	s7 =	rddreg [dreg:$0x4];
	[sflag:s10] =	ssyncset.done $0x0  }
0x40: {  	[sflag:s10] =	ssyncadd.s32 $0xFFFFF800;
	s6 =	sadd.s32 $0x0, s7  }
0x41: {  	[tilespmem:s12], [sflag:$0x7] =	stream.linear.gather [hbm4b:s6+s4], $0x800, $0x38;
	[tilespmem:$0x1D000] =	vst v63  }
0x42: {  	_ =	swait.ge [sflag:s10], $0x800  }
0x43: {  	[sflag:s10] =	ssyncset.done $0x0  }
0x44: {  	[sflag:s10] =	ssyncadd.s32 $0xFFFFF800  }
0x45: {  	[tilespmem:s14], [sflag:$0x1] =	stream.indirect.gather [hbm4b:s2+s13], $0x80, s11, s13, $0xb8;
	[tilespmem:$0x1D000] =	vst v63  }
0x46: {  	s8 =	rddreg [dreg:$0x6]  }
0x47: {  	[tilespmem:s15], [sflag:$0x2] =	stream.indirect.gather [hbm4b:s2+s13], $0x80, s8, s13, $0xb8;
	[tilespmem:$0x1D000] =	vst v63  }
0x48: {  	s9 =	rddreg [dreg:$0x7]  }
0x49: {  	[tilespmem:s16], [sflag:$0x3] =	stream.indirect.gather [hbm4b:s2+s13], $0x80, s9, s13, $0xb8;
	[tilespmem:$0x1D000] =	vst v63  }
0x4a: {  	s7 =	rddreg [dreg:$0x8]  }
0x4b: {  	[tilespmem:s17], [sflag:$0x4] =	stream.indirect.gather [hbm4b:s2+s13], $0x80, s7, s13, $0xb8;
	[tilespmem:$0x1D000] =	vst v63  }
0x4c: {  	_ =	swait.ge [sflag:s18], $0x2000  }
0x4d: {  	[sflag:s18] =	ssyncset.done $0x0  }
0x4e: {  	[sflag:s18] =	ssyncadd.s32 $0xFFFFE000  }
0x4f: {  	_ =	swait.ge [sflag:s19], $0x2000  }
0x50: {  	[sflag:s19] =	ssyncset.done $0x0  }
0x51: {  	[sflag:s19] =	ssyncadd.s32 $0xFFFFE000  }
0x52: {  	[spmem:s3] =	stream.indirect.scatter.add.f32 [tilespmem:s14], [sflag:$0x5], $0x80, s12, s20, $0xb8;
	[tilespmem:$0x1D000] =	vst v63  }
0x53: {  	_ =	swait.ge [sflag:s21], $0x4000  }
0x54: {  	[sflag:s21] =	ssyncset.done $0x0  }
0x55: {  	s9 =	rddreg [dreg:$0x9];
	[sflag:s21] =	ssyncadd.s32 $0xFFFFC000  }
0x56: {  	[tilespmem:s14], [sflag:$0x1] =	stream.indirect.gather [hbm4b:s2+s13], $0x80, s9, s13, $0xb8;
	[tilespmem:$0x1D000] =	vst v63  }
0x57: {  	s7 =	rddreg [dreg:$0xa]  }
0x58: {  	[tilespmem:s15], [sflag:$0x2] =	stream.indirect.gather [hbm4b:s2+s13], $0x80, s7, s13, $0xb8;
	[tilespmem:$0x1D000] =	vst v63  }
0x59: {  	_ =	swait.ge [sflag:s22], $0x2000  }
0x5a: {  	[sflag:s22] =	ssyncset.done $0x0  }
0x5b: {  	[sflag:s22] =	ssyncadd.s32 $0xFFFFE000  }
0x5c: {  	_ =	swait.ge [sflag:s23], $0x2000  }
0x5d: {  	[sflag:s23] =	ssyncset.done $0x0  }
0x5e: {  	s8 =	rddreg [dreg:$0xb];
	[sflag:s23] =	ssyncadd.s32 $0xFFFFE000  }
0x5f: {  	[spmem:s3] =	stream.indirect.scatter.add.f32 [tilespmem:s16], [sflag:$0x6], $0x80, s8, s20, $0xb8;
	[tilespmem:$0x1D000] =	vst v63  }
0x60: {  	_ =	swait.ge [sflag:s24], $0x4000  }
0x61: {  	[sflag:s24] =	ssyncset.done $0x0  }
0x62: {  	s9 =	rddreg [dreg:$0xc];
	[sflag:s24] =	ssyncadd.s32 $0xFFFFC000  }
0x63: {  	[tilespmem:s16], [sflag:$0x3] =	stream.indirect.gather [hbm4b:s2+s13], $0x80, s9, s13, $0xb8;
	[tilespmem:$0x1D000] =	vst v63  }
0x64: {  	s7 =	rddreg [dreg:$0xd]  }
0x65: {  	[tilespmem:s17], [sflag:$0x4] =	stream.indirect.gather [hbm4b:s2+s13], $0x80, s7, s13, $0xb8;
	[tilespmem:$0x1D000] =	vst v63  }
0x66: {  	_ =	swait.ge [sflag:s18], $0x2000  }
0x67: {  	[sflag:s18] =	ssyncset.done $0x0  }
0x68: {  	[sflag:s18] =	ssyncadd.s32 $0xFFFFE000  }
0x69: {  	_ =	swait.ge [sflag:s19], $0x2000  }
0x6a: {  	[sflag:s19] =	ssyncset.done $0x0  }
0x6b: {  	s8 =	rddreg [dreg:$0xe];
	[sflag:s19] =	ssyncadd.s32 $0xFFFFE000  }
0x6c: {  	[spmem:s3] =	stream.indirect.scatter.add.f32 [tilespmem:s14], [sflag:$0x5], $0x80, s8, s20, $0xb8;
	[tilespmem:$0x1D000] =	vst v63  }
0x6d: {  	_ =	swait.ge [sflag:s21], $0x4000  }
0x6e: {  	[sflag:s21] =	ssyncset.done $0x0  }
0x6f: {  	s9 =	rddreg [dreg:$0xf];
	[sflag:s21] =	ssyncadd.s32 $0xFFFFC000  }
0x70: {  	[tilespmem:s14], [sflag:$0x1] =	stream.indirect.gather [hbm4b:s2+s13], $0x80, s9, s13, $0xb8;
	[tilespmem:$0x1D000] =	vst v63  }
0x71: {  	s7 =	rddreg [dreg:$0x10]  }
0x72: {  	[tilespmem:s15], [sflag:$0x2] =	stream.indirect.gather [hbm4b:s2+s13], $0x80, s7, s13, $0xb8;
	[tilespmem:$0x1D000] =	vst v63  }
0x73: {  	_ =	swait.ge [sflag:s22], $0x2000  }
0x74: {  	[sflag:s22] =	ssyncset.done $0x0  }
0x75: {  	[sflag:s22] =	ssyncadd.s32 $0xFFFFE000  }
0x76: {  	_ =	swait.ge [sflag:s23], $0x2000  }
0x77: {  	[sflag:s23] =	ssyncset.done $0x0  }
0x78: {  	s8 =	rddreg [dreg:$0x11];
	[sflag:s23] =	ssyncadd.s32 $0xFFFFE000  }
0x79: {  	[spmem:s3] =	stream.indirect.scatter.add.f32 [tilespmem:s16], [sflag:$0x6], $0x80, s8, s20, $0xb8;
	[tilespmem:$0x1D000] =	vst v63  }
0x7a: {  	_ =	swait.ge [sflag:s24], $0x4000  }
0x7b: {  	[sflag:s24] =	ssyncset.done $0x0  }
0x7c: {  	s9 =	rddreg [dreg:$0x12];
	[sflag:s24] =	ssyncadd.s32 $0xFFFFC000  }
0x7d: {  	[tilespmem:s16], [sflag:$0x3] =	stream.indirect.gather [hbm4b:s2+s13], $0x80, s9, s13, $0xb8;
	[tilespmem:$0x1D000] =	vst v63  }
0x7e: {  	s7 =	rddreg [dreg:$0x13]  }
0x7f: {  	[tilespmem:s17], [sflag:$0x4] =	stream.indirect.gather [hbm4b:s2+s13], $0x80, s7, s13, $0xb8;
	[tilespmem:$0x1D000] =	vst v63  }
0x80: {  	_ =	swait.ge [sflag:s18], $0x2000  }
0x81: {  	[sflag:s18] =	ssyncset.done $0x0  }
0x82: {  	[sflag:s18] =	ssyncadd.s32 $0xFFFFE000  }
0x83: {  	_ =	swait.ge [sflag:s19], $0x2000  }
0x84: {  	[sflag:s19] =	ssyncset.done $0x0  }
0x85: {  	s8 =	rddreg [dreg:$0x14];
	[sflag:s19] =	ssyncadd.s32 $0xFFFFE000  }
0x86: {  	[spmem:s3] =	stream.indirect.scatter.add.f32 [tilespmem:s14], [sflag:$0x5], $0x80, s8, s20, $0xb8;
	[tilespmem:$0x1D000] =	vst v63  }
0x87: {  	_ =	swait.ge [sflag:s21], $0x4000  }
0x88: {  	[sflag:s21] =	ssyncset.done $0x0  }
0x89: {  	s9 =	rddreg [dreg:$0x15];
	[sflag:s21] =	ssyncadd.s32 $0xFFFFC000  }
0x8a: {  	[tilespmem:s14], [sflag:$0x1] =	stream.indirect.gather [hbm4b:s2+s13], $0x80, s9, s13, $0xb8;
	[tilespmem:$0x1D000] =	vst v63  }
0x8b: {  	s7 =	rddreg [dreg:$0x16]  }
0x8c: {  	[tilespmem:s15], [sflag:$0x2] =	stream.indirect.gather [hbm4b:s2+s13], $0x80, s7, s13, $0xb8;
	[tilespmem:$0x1D000] =	vst v63  }
0x8d: {  	_ =	swait.ge [sflag:s22], $0x2000  }
0x8e: {  	[sflag:s22] =	ssyncset.done $0x0  }
0x8f: {  	[sflag:s22] =	ssyncadd.s32 $0xFFFFE000  }
0x90: {  	_ =	swait.ge [sflag:s23], $0x2000  }
0x91: {  	[sflag:s23] =	ssyncset.done $0x0  }
0x92: {  	s8 =	rddreg [dreg:$0x17];
	[sflag:s23] =	ssyncadd.s32 $0xFFFFE000  }
0x93: {  	[spmem:s3] =	stream.indirect.scatter.add.f32 [tilespmem:s16], [sflag:$0x6], $0x80, s8, s20, $0xb8;
	[tilespmem:$0x1D000] =	vst v63  }
0x94: {  	_ =	swait.ge [sflag:s24], $0x4000  }
0x95: {  	[sflag:s24] =	ssyncset.done $0x0  }
0x96: {  	s9 =	rddreg [dreg:$0x18];
	[sflag:s24] =	ssyncadd.s32 $0xFFFFC000  }
0x97: {  	[tilespmem:s16], [sflag:$0x3] =	stream.indirect.gather [hbm4b:s2+s13], $0x80, s9, s13, $0xb8;
	[tilespmem:$0x1D000] =	vst v63  }
0x98: {  	s7 =	rddreg [dreg:$0x19]  }
0x99: {  	[tilespmem:s17], [sflag:$0x4] =	stream.indirect.gather [hbm4b:s2+s13], $0x80, s7, s13, $0xb8;
	[tilespmem:$0x1D000] =	vst v63  }
0x9a: {  	_ =	swait.ge [sflag:s18], $0x2000  }
0x9b: {  	[sflag:s18] =	ssyncset.done $0x0  }
0x9c: {  	[sflag:s18] =	ssyncadd.s32 $0xFFFFE000  }
0x9d: {  	_ =	swait.ge [sflag:s19], $0x2000  }
0x9e: {  	[sflag:s19] =	ssyncset.done $0x0  }
0x9f: {  	s8 =	rddreg [dreg:$0x1a];
	[sflag:s19] =	ssyncadd.s32 $0xFFFFE000  }
0xa0: {  	[spmem:s3] =	stream.indirect.scatter.add.f32 [tilespmem:s14], [sflag:$0x5], $0x80, s8, s20, $0xb8;
	[tilespmem:$0x1D000] =	vst v63  }
0xa1: {  	_ =	swait.ge [sflag:s21], $0x4000  }
0xa2: {  	[sflag:s21] =	ssyncset.done $0x0  }
0xa3: {  	s9 =	rddreg [dreg:$0x1b];
	[sflag:s21] =	ssyncadd.s32 $0xFFFFC000  }
0xa4: {  	[tilespmem:s14], [sflag:$0x1] =	stream.indirect.gather [hbm4b:s2+s13], $0x80, s9, s13, $0xb8;
	[tilespmem:$0x1D000] =	vst v63  }
0xa5: {  	s7 =	rddreg [dreg:$0x1c]  }
0xa6: {  	[tilespmem:s15], [sflag:$0x2] =	stream.indirect.gather [hbm4b:s2+s13], $0x80, s7, s13, $0xb8;
	[tilespmem:$0x1D000] =	vst v63  }
0xa7: {  	_ =	swait.ge [sflag:s22], $0x2000  }
0xa8: {  	[sflag:s22] =	ssyncset.done $0x0  }
0xa9: {  	[sflag:s22] =	ssyncadd.s32 $0xFFFFE000  }
0xaa: {  	_ =	swait.ge [sflag:s23], $0x2000  }
0xab: {  	[sflag:s23] =	ssyncset.done $0x0  }
0xac: {  	s8 =	rddreg [dreg:$0x1d];
	[sflag:s23] =	ssyncadd.s32 $0xFFFFE000  }
0xad: {  	[spmem:s3] =	stream.indirect.scatter.add.f32 [tilespmem:s16], [sflag:$0x6], $0x80, s8, s20, $0xb8;
	[tilespmem:$0x1D000] =	vst v63  }
0xae: {  	_ =	swait.ge [sflag:s24], $0x4000  }
0xaf: {  	[sflag:s24] =	ssyncset.done $0x0  }
0xb0: {  	s9 =	rddreg [dreg:$0x1e];
	[sflag:s24] =	ssyncadd.s32 $0xFFFFC000  }
0xb1: {  	[tilespmem:s16], [sflag:$0x3] =	stream.indirect.gather [hbm4b:s2+s13], $0x80, s9, s13, $0xb8;
	[tilespmem:$0x1D000] =	vst v63  }
0xb2: {  	s7 =	rddreg [dreg:$0x1f]  }
0xb3: {  	[tilespmem:s17], [sflag:$0x4] =	stream.indirect.gather [hbm4b:s2+s13], $0x80, s7, s13, $0xb8;
	[tilespmem:$0x1D000] =	vst v63  }
0xb4: {  	_ =	swait.ge [sflag:s18], $0x2000  }
0xb5: {  	[sflag:s18] =	ssyncset.done $0x0  }
0xb6: {  	[sflag:s18] =	ssyncadd.s32 $0xFFFFE000  }
0xb7: {  	_ =	swait.ge [sflag:s19], $0x2000  }
0xb8: {  	s8 =	sld [smem:$0x7F1]  }
0xb9: {  	[sflag:s19] =	ssyncset.done $0x0  }
0xba: {  	[sflag:s19] =	ssyncadd.s32 $0xFFFFE000  }
0xbb: {  	[spmem:s3] =	stream.indirect.scatter.add.f32 [tilespmem:s14], [sflag:$0x5], $0x80, s8, s20, $0xb8;
	[tilespmem:$0x1D000] =	vst v63  }
0xbc: {  	_ =	swait.ge [sflag:s21], $0x4000  }
0xbd: {  	s9 =	sld [smem:$0x7F2]  }
0xbe: {  	[sflag:s21] =	ssyncset.done $0x0  }
0xbf: {  	s7 =	sld [smem:$0x7F3];
	[sflag:s21] =	ssyncadd.s32 $0xFFFFC000  }
0xc0: {  	[tilespmem:s14], [sflag:$0x1] =	stream.indirect.gather [hbm4b:s2+s13], $0x80, s9, s13, $0xb8;
	[tilespmem:$0x1D000] =	vst v63  }
0xc1: {  	_ = 	snop  }
0xc2: {  	[tilespmem:s15], [sflag:$0x2] =	stream.indirect.gather [hbm4b:s2+s13], $0x80, s7, s13, $0xb8;
	[tilespmem:$0x1D000] =	vst v63  }
0xc3: {  	_ =	swait.ge [sflag:s22], $0x2000  }
0xc4: {  	[sflag:s22] =	ssyncset.done $0x0  }
0xc5: {  	[sflag:s22] =	ssyncadd.s32 $0xFFFFE000  }
0xc6: {  	_ =	swait.ge [sflag:s23], $0x2000  }
0xc7: {  	s8 =	sld [smem:$0x7F4]  }
0xc8: {  	[sflag:s23] =	ssyncset.done $0x0  }
0xc9: {  	[sflag:s23] =	ssyncadd.s32 $0xFFFFE000  }
0xca: {  	[spmem:s3] =	stream.indirect.scatter.add.f32 [tilespmem:s16], [sflag:$0x6], $0x80, s8, s20, $0xb8;
	[tilespmem:$0x1D000] =	vst v63  }
0xcb: {  	_ =	swait.ge [sflag:s24], $0x4000  }
0xcc: {  	s9 =	sld [smem:$0x7F5]  }
0xcd: {  	[sflag:s24] =	ssyncset.done $0x0  }
0xce: {  	s7 =	sld [smem:$0x7F6];
	[sflag:s24] =	ssyncadd.s32 $0xFFFFC000  }
0xcf: {  	[tilespmem:s16], [sflag:$0x3] =	stream.indirect.gather [hbm4b:s2+s13], $0x80, s9, s13, $0xb8;
	[tilespmem:$0x1D000] =	vst v63  }
0xd0: {  	_ = 	snop  }
0xd1: {  	[tilespmem:s17], [sflag:$0x4] =	stream.indirect.gather [hbm4b:s2+s13], $0x80, s7, s13, $0xb8;
	[tilespmem:$0x1D000] =	vst v63  }
0xd2: {  	_ =	swait.ge [sflag:s18], $0x2000  }
0xd3: {  	[sflag:s18] =	ssyncset.done $0x0  }
0xd4: {  	[sflag:s18] =	ssyncadd.s32 $0xFFFFE000  }
0xd5: {  	_ =	swait.ge [sflag:s19], $0x2000  }
0xd6: {  	s8 =	sld [smem:$0x7F7]  }
0xd7: {  	[sflag:s19] =	ssyncset.done $0x0  }
0xd8: {  	[sflag:s19] =	ssyncadd.s32 $0xFFFFE000  }
0xd9: {  	[spmem:s3] =	stream.indirect.scatter.add.f32 [tilespmem:s14], [sflag:$0x5], $0x80, s8, s20, $0xb8;
	[tilespmem:$0x1D000] =	vst v63  }
0xda: {  	_ =	swait.ge [sflag:s21], $0x4000  }
0xdb: {  	s9 =	sld [smem:$0x7F8]  }
0xdc: {  	[sflag:s21] =	ssyncset.done $0x0  }
0xdd: {  	s7 =	sld [smem:$0x7F9];
	[sflag:s21] =	ssyncadd.s32 $0xFFFFC000  }
0xde: {  	[tilespmem:s14], [sflag:$0x1] =	stream.indirect.gather [hbm4b:s2+s13], $0x80, s9, s13, $0xb8;
	[tilespmem:$0x1D000] =	vst v63  }
0xdf: {  	_ = 	snop  }
0xe0: {  	[tilespmem:s15], [sflag:$0x2] =	stream.indirect.gather [hbm4b:s2+s13], $0x80, s7, s13, $0xb8;
	[tilespmem:$0x1D000] =	vst v63  }
0xe1: {  	_ =	swait.ge [sflag:s22], $0x2000  }
0xe2: {  	[sflag:s22] =	ssyncset.done $0x0  }
0xe3: {  	[sflag:s22] =	ssyncadd.s32 $0xFFFFE000  }
0xe4: {  	_ =	swait.ge [sflag:s23], $0x2000  }
0xe5: {  	s8 =	sld [smem:$0x7FA]  }
0xe6: {  	[sflag:s23] =	ssyncset.done $0x0  }
0xe7: {  	[sflag:s23] =	ssyncadd.s32 $0xFFFFE000  }
0xe8: {  	[spmem:s3] =	stream.indirect.scatter.add.f32 [tilespmem:s16], [sflag:$0x6], $0x80, s8, s20, $0xb8;
	[tilespmem:$0x1D000] =	vst v63  }
0xe9: {  	_ =	swait.ge [sflag:s24], $0x4000  }
0xea: {  	s9 =	sld [smem:$0x7FB]  }
0xeb: {  	[sflag:s24] =	ssyncset.done $0x0  }
0xec: {  	[sflag:s24] =	ssyncadd.s32 $0xFFFFC000  }
0xed: {  	[tilespmem:s16], [sflag:$0x3] =	stream.indirect.gather [hbm4b:s2+s13], $0x80, s9, s13, $0xb8;
	[tilespmem:$0x1D000] =	vst v63  }
0xee: {  	_ = 	snop  }
0xef: {  	[tilespmem:s17], [sflag:$0x4] =	stream.indirect.gather [hbm4b:s2+s13], $0x80, s25, s13, $0xb8;
	[tilespmem:$0x1D000] =	vst v63  }
0xf0: {  	_ =	swait.ge [sflag:s18], $0x2000  }
0xf1: {  	[sflag:s18] =	ssyncset.done $0x0  }
0xf2: {  	[sflag:s18] =	ssyncadd.s32 $0xFFFFE000  }
0xf3: {  	_ =	swait.ge [sflag:s19], $0x2000  }
0xf4: {  	[sflag:s19] =	ssyncset.done $0x0  }
0xf5: {  	[sflag:s19] =	ssyncadd.s32 $0xFFFFE000  }
0xf6: {  	[spmem:s3] =	stream.indirect.scatter.add.f32 [tilespmem:s14], [sflag:$0x5], $0x80, s26, s20, $0xb8;
	[tilespmem:$0x1D000] =	vst v63  }
0xf7: {  	_ =	swait.ge [sflag:s21], $0x4000  }
0xf8: {  	[sflag:s21] =	ssyncset.done $0x0  }
0xf9: {  	[sflag:s21] =	ssyncadd.s32 $0xFFFFC000  }
0xfa: {  	[tilespmem:s14], [sflag:$0x1] =	stream.indirect.gather [hbm4b:s2+s13], $0x80, s28, s13, $0xb8;
	[tilespmem:$0x1D000] =	vst v63  }
0xfb: {  	_ = 	snop  }
0xfc: {  	[tilespmem:s15], [sflag:$0x2] =	stream.indirect.gather [hbm4b:s2+s13], $0x80, s29, s13, $0xb8;
	[tilespmem:$0x1D000] =	vst v63  }
0xfd: {  	_ =	swait.ge [sflag:s22], $0x2000  }
0xfe: {  	[sflag:s22] =	ssyncset.done $0x0  }
0xff: {  	[sflag:s22] =	ssyncadd.s32 $0xFFFFE000  }
0x100: {  	_ =	swait.ge [sflag:s23], $0x2000  }
0x101: {  	[sflag:s23] =	ssyncset.done $0x0  }
0x102: {  	[sflag:s23] =	ssyncadd.s32 $0xFFFFE000  }
0x103: {  	[spmem:s3] =	stream.indirect.scatter.add.f32 [tilespmem:s16], [sflag:$0x6], $0x80, s30, s20, $0xb8;
	[tilespmem:$0x1D000] =	vst v63  }
0x104: {  	_ =	swait.ge [sflag:s24], $0x4000  }
0x105: {  	[sflag:s24] =	ssyncset.done $0x0  }
0x106: {  	[sflag:s24] =	ssyncadd.s32 $0xFFFFC000  }
0x107: {  	[tilespmem:s16], [sflag:$0x3] =	stream.indirect.gather [hbm4b:s2+s13], $0x80, s31, s13, $0xb8;
	[tilespmem:$0x1D000] =	vst v63  }
0x108: {  	_ = 	snop  }
0x109: {  	[tilespmem:s17], [sflag:$0x4] =	stream.indirect.gather [hbm4b:s2+s13], $0x80, s1, s13, $0xb8;
	[tilespmem:$0x1D000] =	vst v63  }
0x10a: {  	_ =	swait.ge [sflag:s18], $0x2000  }
0x10b: {  	[sflag:s18] =	ssyncset.done $0x0  }
0x10c: {  	[sflag:s18] =	ssyncadd.s32 $0xFFFFE000  }
0x10d: {  	_ =	swait.ge [sflag:s19], $0x2000  }
0x10e: {  	[sflag:s19] =	ssyncset.done $0x0  }
0x10f: {  	[sflag:s19] =	ssyncadd.s32 $0xFFFFE000  }
0x110: {  	[spmem:s3] =	stream.indirect.scatter.add.f32 [tilespmem:s14], [sflag:$0x5], $0x80, s0, s20, $0xb8;
	[tilespmem:$0x1D000] =	vst v63  }
0x111: {  	_ =	swait.ge [sflag:s22], $0x2000  }
0x112: {  	[sflag:s22] =	ssyncset.done $0x0  }
0x113: {  	[sflag:s22] =	ssyncadd.s32 $0xFFFFE000  }
0x114: {  	_ =	swait.ge [sflag:s23], $0x2000  }
0x115: {  	[sflag:s23] =	ssyncset.done $0x0  }
0x116: {  	[sflag:s23] =	ssyncadd.s32 $0xFFFFE000  }
0x117: {  	[spmem:s3] =	stream.indirect.scatter.add.f32 [tilespmem:s16], [sflag:$0x6], $0x80, s5, s20, $0xb8;
	[tilespmem:$0x1D000] =	vst v63  }
0x118: {  	_ =	swait.ge [sflag:s21], $0x4000  }
0x119: {  	[sflag:s21] =	ssyncset.done $0x0  }
0x11a: {  	[sflag:s21] =	ssyncadd.s32 $0xFFFFC000  }
0x11b: {  	s6 =	simm.s32 $0x200;
	_ =	swait.ge [sflag:s24], $0x4000  }
0x11c: {  	s8 =	simm.s32 $0x100;
	s9 =	rddreg [dreg:$0x5];
	[sflag:s24] =	ssyncset.done $0x0  }
.LBB2_2:
0x11d: {  	[sflag:s24] =	ssyncadd.s32 $0xFFFFC000;
	s9 =	sadd.s32 s8, s9  }
0x11e: {  	[tilespmem:s11], [sflag:$0x7] =	stream.linear.gather [hbm4b:s9+s4], $0x800, $0x38;
	[tilespmem:$0x1D000] =	vst v63  }
0x11f: {  	_ =	swait.ge [sflag:s10], $0x800  }
0x120: {  	s9 =	rddreg [dreg:$0x4];
	[sflag:s10] =	ssyncset.done $0x0  }
0x121: {  	[sflag:s10] =	ssyncadd.s32 $0xFFFFF800;
	s9 =	sadd.s32 s8, s9  }
0x122: {  	[tilespmem:s12], [sflag:$0x7] =	stream.linear.gather [hbm4b:s9+s4], $0x800, $0x38;
	[tilespmem:$0x1D000] =	vst v63  }
0x123: {  	_ =	swait.ge [sflag:s10], $0x800  }
0x124: {  	[sflag:s10] =	ssyncset.done $0x0  }
0x125: {  	s7 =	smov.u32 s6;
	[sflag:s10] =	ssyncadd.s32 $0xFFFFF800  }
0x126: {  	[tilespmem:s14], [sflag:$0x1] =	stream.indirect.gather [hbm4b:s2+s13], $0x80, s11, s13, $0xb8;
	[tilespmem:$0x1D000] =	vst v63  }
0x127: {  	s8 =	smov.u32 s7;
	s7 =	rddreg [dreg:$0x6]  }
0x128: {  	[tilespmem:s15], [sflag:$0x2] =	stream.indirect.gather [hbm4b:s2+s13], $0x80, s7, s13, $0xb8;
	[tilespmem:$0x1D000] =	vst v63  }
0x129: {  	s9 =	rddreg [dreg:$0x7]  }
0x12a: {  	[tilespmem:s16], [sflag:$0x3] =	stream.indirect.gather [hbm4b:s2+s13], $0x80, s9, s13, $0xb8;
	[tilespmem:$0x1D000] =	vst v63  }
0x12b: {  	s7 =	rddreg [dreg:$0x8]  }
0x12c: {  	[tilespmem:s17], [sflag:$0x4] =	stream.indirect.gather [hbm4b:s2+s13], $0x80, s7, s13, $0xb8;
	[tilespmem:$0x1D000] =	vst v63  }
0x12d: {  	_ =	swait.ge [sflag:s18], $0x2000  }
0x12e: {  	[sflag:s18] =	ssyncset.done $0x0  }
0x12f: {  	[sflag:s18] =	ssyncadd.s32 $0xFFFFE000  }
0x130: {  	_ =	swait.ge [sflag:s19], $0x2000  }
0x131: {  	[sflag:s19] =	ssyncset.done $0x0  }
0x132: {  	[sflag:s19] =	ssyncadd.s32 $0xFFFFE000  }
0x133: {  	[spmem:s3] =	stream.indirect.scatter.add.f32 [tilespmem:s14], [sflag:$0x5], $0x80, s12, s20, $0xb8;
	[tilespmem:$0x1D000] =	vst v63  }
0x134: {  	_ =	swait.ge [sflag:s21], $0x4000  }
0x135: {  	[sflag:s21] =	ssyncset.done $0x0  }
0x136: {  	s7 =	rddreg [dreg:$0x9];
	[sflag:s21] =	ssyncadd.s32 $0xFFFFC000  }
0x137: {  	[tilespmem:s14], [sflag:$0x1] =	stream.indirect.gather [hbm4b:s2+s13], $0x80, s7, s13, $0xb8;
	[tilespmem:$0x1D000] =	vst v63  }
0x138: {  	s9 =	rddreg [dreg:$0xa]  }
0x139: {  	[tilespmem:s15], [sflag:$0x2] =	stream.indirect.gather [hbm4b:s2+s13], $0x80, s9, s13, $0xb8;
	[tilespmem:$0x1D000] =	vst v63  }
0x13a: {  	_ =	swait.ge [sflag:s22], $0x2000  }
0x13b: {  	[sflag:s22] =	ssyncset.done $0x0  }
0x13c: {  	[sflag:s22] =	ssyncadd.s32 $0xFFFFE000  }
0x13d: {  	_ =	swait.ge [sflag:s23], $0x2000  }
0x13e: {  	[sflag:s23] =	ssyncset.done $0x0  }
0x13f: {  	s9 =	rddreg [dreg:$0xb];
	[sflag:s23] =	ssyncadd.s32 $0xFFFFE000  }
0x140: {  	[spmem:s3] =	stream.indirect.scatter.add.f32 [tilespmem:s16], [sflag:$0x6], $0x80, s9, s20, $0xb8;
	[tilespmem:$0x1D000] =	vst v63  }
0x141: {  	_ =	swait.ge [sflag:s24], $0x4000  }
0x142: {  	[sflag:s24] =	ssyncset.done $0x0  }
0x143: {  	s7 =	rddreg [dreg:$0xc];
	[sflag:s24] =	ssyncadd.s32 $0xFFFFC000  }
0x144: {  	[tilespmem:s16], [sflag:$0x3] =	stream.indirect.gather [hbm4b:s2+s13], $0x80, s7, s13, $0xb8;
	[tilespmem:$0x1D000] =	vst v63  }
0x145: {  	s9 =	rddreg [dreg:$0xd]  }
0x146: {  	[tilespmem:s17], [sflag:$0x4] =	stream.indirect.gather [hbm4b:s2+s13], $0x80, s9, s13, $0xb8;
	[tilespmem:$0x1D000] =	vst v63  }
0x147: {  	_ =	swait.ge [sflag:s18], $0x2000  }
0x148: {  	[sflag:s18] =	ssyncset.done $0x0  }
0x149: {  	[sflag:s18] =	ssyncadd.s32 $0xFFFFE000  }
0x14a: {  	_ =	swait.ge [sflag:s19], $0x2000  }
0x14b: {  	[sflag:s19] =	ssyncset.done $0x0  }
0x14c: {  	s9 =	rddreg [dreg:$0xe];
	[sflag:s19] =	ssyncadd.s32 $0xFFFFE000  }
0x14d: {  	[spmem:s3] =	stream.indirect.scatter.add.f32 [tilespmem:s14], [sflag:$0x5], $0x80, s9, s20, $0xb8;
	[tilespmem:$0x1D000] =	vst v63  }
0x14e: {  	_ =	swait.ge [sflag:s21], $0x4000  }
0x14f: {  	[sflag:s21] =	ssyncset.done $0x0  }
0x150: {  	s7 =	rddreg [dreg:$0xf];
	[sflag:s21] =	ssyncadd.s32 $0xFFFFC000  }
0x151: {  	[tilespmem:s14], [sflag:$0x1] =	stream.indirect.gather [hbm4b:s2+s13], $0x80, s7, s13, $0xb8;
	[tilespmem:$0x1D000] =	vst v63  }
0x152: {  	s9 =	rddreg [dreg:$0x10]  }
0x153: {  	[tilespmem:s15], [sflag:$0x2] =	stream.indirect.gather [hbm4b:s2+s13], $0x80, s9, s13, $0xb8;
	[tilespmem:$0x1D000] =	vst v63  }
0x154: {  	_ =	swait.ge [sflag:s22], $0x2000  }
0x155: {  	[sflag:s22] =	ssyncset.done $0x0  }
0x156: {  	[sflag:s22] =	ssyncadd.s32 $0xFFFFE000  }
0x157: {  	_ =	swait.ge [sflag:s23], $0x2000  }
0x158: {  	[sflag:s23] =	ssyncset.done $0x0  }
0x159: {  	s9 =	rddreg [dreg:$0x11];
	[sflag:s23] =	ssyncadd.s32 $0xFFFFE000  }
0x15a: {  	[spmem:s3] =	stream.indirect.scatter.add.f32 [tilespmem:s16], [sflag:$0x6], $0x80, s9, s20, $0xb8;
	[tilespmem:$0x1D000] =	vst v63  }
0x15b: {  	_ =	swait.ge [sflag:s24], $0x4000  }
0x15c: {  	[sflag:s24] =	ssyncset.done $0x0  }
0x15d: {  	s7 =	rddreg [dreg:$0x12];
	[sflag:s24] =	ssyncadd.s32 $0xFFFFC000  }
0x15e: {  	[tilespmem:s16], [sflag:$0x3] =	stream.indirect.gather [hbm4b:s2+s13], $0x80, s7, s13, $0xb8;
	[tilespmem:$0x1D000] =	vst v63  }
0x15f: {  	s9 =	rddreg [dreg:$0x13]  }
0x160: {  	[tilespmem:s17], [sflag:$0x4] =	stream.indirect.gather [hbm4b:s2+s13], $0x80, s9, s13, $0xb8;
	[tilespmem:$0x1D000] =	vst v63  }
0x161: {  	_ =	swait.ge [sflag:s18], $0x2000  }
0x162: {  	[sflag:s18] =	ssyncset.done $0x0  }
0x163: {  	[sflag:s18] =	ssyncadd.s32 $0xFFFFE000  }
0x164: {  	_ =	swait.ge [sflag:s19], $0x2000  }
0x165: {  	[sflag:s19] =	ssyncset.done $0x0  }
0x166: {  	s9 =	rddreg [dreg:$0x14];
	[sflag:s19] =	ssyncadd.s32 $0xFFFFE000  }
0x167: {  	[spmem:s3] =	stream.indirect.scatter.add.f32 [tilespmem:s14], [sflag:$0x5], $0x80, s9, s20, $0xb8;
	[tilespmem:$0x1D000] =	vst v63  }
0x168: {  	_ =	swait.ge [sflag:s21], $0x4000  }
0x169: {  	[sflag:s21] =	ssyncset.done $0x0  }
0x16a: {  	s7 =	rddreg [dreg:$0x15];
	[sflag:s21] =	ssyncadd.s32 $0xFFFFC000  }
0x16b: {  	[tilespmem:s14], [sflag:$0x1] =	stream.indirect.gather [hbm4b:s2+s13], $0x80, s7, s13, $0xb8;
	[tilespmem:$0x1D000] =	vst v63  }
0x16c: {  	s9 =	rddreg [dreg:$0x16]  }
0x16d: {  	[tilespmem:s15], [sflag:$0x2] =	stream.indirect.gather [hbm4b:s2+s13], $0x80, s9, s13, $0xb8;
	[tilespmem:$0x1D000] =	vst v63  }
0x16e: {  	_ =	swait.ge [sflag:s22], $0x2000  }
0x16f: {  	[sflag:s22] =	ssyncset.done $0x0  }
0x170: {  	[sflag:s22] =	ssyncadd.s32 $0xFFFFE000  }
0x171: {  	_ =	swait.ge [sflag:s23], $0x2000  }
0x172: {  	[sflag:s23] =	ssyncset.done $0x0  }
0x173: {  	s9 =	rddreg [dreg:$0x17];
	[sflag:s23] =	ssyncadd.s32 $0xFFFFE000  }
0x174: {  	[spmem:s3] =	stream.indirect.scatter.add.f32 [tilespmem:s16], [sflag:$0x6], $0x80, s9, s20, $0xb8;
	[tilespmem:$0x1D000] =	vst v63  }
0x175: {  	_ =	swait.ge [sflag:s24], $0x4000  }
0x176: {  	[sflag:s24] =	ssyncset.done $0x0  }
0x177: {  	s7 =	rddreg [dreg:$0x18];
	[sflag:s24] =	ssyncadd.s32 $0xFFFFC000  }
0x178: {  	[tilespmem:s16], [sflag:$0x3] =	stream.indirect.gather [hbm4b:s2+s13], $0x80, s7, s13, $0xb8;
	[tilespmem:$0x1D000] =	vst v63  }
0x179: {  	s9 =	rddreg [dreg:$0x19]  }
0x17a: {  	[tilespmem:s17], [sflag:$0x4] =	stream.indirect.gather [hbm4b:s2+s13], $0x80, s9, s13, $0xb8;
	[tilespmem:$0x1D000] =	vst v63  }
0x17b: {  	_ =	swait.ge [sflag:s18], $0x2000  }
0x17c: {  	[sflag:s18] =	ssyncset.done $0x0  }
0x17d: {  	[sflag:s18] =	ssyncadd.s32 $0xFFFFE000  }
0x17e: {  	_ =	swait.ge [sflag:s19], $0x2000  }
0x17f: {  	[sflag:s19] =	ssyncset.done $0x0  }
0x180: {  	s9 =	rddreg [dreg:$0x1a];
	[sflag:s19] =	ssyncadd.s32 $0xFFFFE000  }
0x181: {  	[spmem:s3] =	stream.indirect.scatter.add.f32 [tilespmem:s14], [sflag:$0x5], $0x80, s9, s20, $0xb8;
	[tilespmem:$0x1D000] =	vst v63  }
0x182: {  	_ =	swait.ge [sflag:s21], $0x4000  }
0x183: {  	[sflag:s21] =	ssyncset.done $0x0  }
0x184: {  	s7 =	rddreg [dreg:$0x1b];
	[sflag:s21] =	ssyncadd.s32 $0xFFFFC000  }
0x185: {  	[tilespmem:s14], [sflag:$0x1] =	stream.indirect.gather [hbm4b:s2+s13], $0x80, s7, s13, $0xb8;
	[tilespmem:$0x1D000] =	vst v63  }
0x186: {  	s9 =	rddreg [dreg:$0x1c]  }
0x187: {  	[tilespmem:s15], [sflag:$0x2] =	stream.indirect.gather [hbm4b:s2+s13], $0x80, s9, s13, $0xb8;
	[tilespmem:$0x1D000] =	vst v63  }
0x188: {  	_ =	swait.ge [sflag:s22], $0x2000  }
0x189: {  	[sflag:s22] =	ssyncset.done $0x0  }
0x18a: {  	[sflag:s22] =	ssyncadd.s32 $0xFFFFE000  }
0x18b: {  	_ =	swait.ge [sflag:s23], $0x2000  }
0x18c: {  	[sflag:s23] =	ssyncset.done $0x0  }
0x18d: {  	s9 =	rddreg [dreg:$0x1d];
	[sflag:s23] =	ssyncadd.s32 $0xFFFFE000  }
0x18e: {  	[spmem:s3] =	stream.indirect.scatter.add.f32 [tilespmem:s16], [sflag:$0x6], $0x80, s9, s20, $0xb8;
	[tilespmem:$0x1D000] =	vst v63  }
0x18f: {  	_ =	swait.ge [sflag:s24], $0x4000  }
0x190: {  	[sflag:s24] =	ssyncset.done $0x0  }
0x191: {  	s7 =	rddreg [dreg:$0x1e];
	[sflag:s24] =	ssyncadd.s32 $0xFFFFC000  }
0x192: {  	[tilespmem:s16], [sflag:$0x3] =	stream.indirect.gather [hbm4b:s2+s13], $0x80, s7, s13, $0xb8;
	[tilespmem:$0x1D000] =	vst v63  }
0x193: {  	s9 =	rddreg [dreg:$0x1f]  }
0x194: {  	[tilespmem:s17], [sflag:$0x4] =	stream.indirect.gather [hbm4b:s2+s13], $0x80, s9, s13, $0xb8;
	[tilespmem:$0x1D000] =	vst v63  }
0x195: {  	_ =	swait.ge [sflag:s18], $0x2000  }
0x196: {  	[sflag:s18] =	ssyncset.done $0x0  }
0x197: {  	[sflag:s18] =	ssyncadd.s32 $0xFFFFE000  }
0x198: {  	_ =	swait.ge [sflag:s19], $0x2000  }
0x199: {  	s9 =	sld [smem:$0x7F1]  }
0x19a: {  	[sflag:s19] =	ssyncset.done $0x0  }
0x19b: {  	[sflag:s19] =	ssyncadd.s32 $0xFFFFE000  }
0x19c: {  	[spmem:s3] =	stream.indirect.scatter.add.f32 [tilespmem:s14], [sflag:$0x5], $0x80, s9, s20, $0xb8;
	[tilespmem:$0x1D000] =	vst v63  }
0x19d: {  	_ =	swait.ge [sflag:s21], $0x4000  }
0x19e: {  	s7 =	sld [smem:$0x7F2]  }
0x19f: {  	[sflag:s21] =	ssyncset.done $0x0  }
0x1a0: {  	s9 =	sld [smem:$0x7F3];
	[sflag:s21] =	ssyncadd.s32 $0xFFFFC000  }
0x1a1: {  	[tilespmem:s14], [sflag:$0x1] =	stream.indirect.gather [hbm4b:s2+s13], $0x80, s7, s13, $0xb8;
	[tilespmem:$0x1D000] =	vst v63  }
0x1a2: {  	_ = 	snop  }
0x1a3: {  	[tilespmem:s15], [sflag:$0x2] =	stream.indirect.gather [hbm4b:s2+s13], $0x80, s9, s13, $0xb8;
	[tilespmem:$0x1D000] =	vst v63  }
0x1a4: {  	_ =	swait.ge [sflag:s22], $0x2000  }
0x1a5: {  	[sflag:s22] =	ssyncset.done $0x0  }
0x1a6: {  	[sflag:s22] =	ssyncadd.s32 $0xFFFFE000  }
0x1a7: {  	_ =	swait.ge [sflag:s23], $0x2000  }
0x1a8: {  	s9 =	sld [smem:$0x7F4]  }
0x1a9: {  	[sflag:s23] =	ssyncset.done $0x0  }
0x1aa: {  	[sflag:s23] =	ssyncadd.s32 $0xFFFFE000  }
0x1ab: {  	[spmem:s3] =	stream.indirect.scatter.add.f32 [tilespmem:s16], [sflag:$0x6], $0x80, s9, s20, $0xb8;
	[tilespmem:$0x1D000] =	vst v63  }
0x1ac: {  	_ =	swait.ge [sflag:s24], $0x4000  }
0x1ad: {  	s7 =	sld [smem:$0x7F5]  }
0x1ae: {  	[sflag:s24] =	ssyncset.done $0x0  }
0x1af: {  	s9 =	sld [smem:$0x7F6];
	[sflag:s24] =	ssyncadd.s32 $0xFFFFC000  }
0x1b0: {  	[tilespmem:s16], [sflag:$0x3] =	stream.indirect.gather [hbm4b:s2+s13], $0x80, s7, s13, $0xb8;
	[tilespmem:$0x1D000] =	vst v63  }
0x1b1: {  	_ = 	snop  }
0x1b2: {  	[tilespmem:s17], [sflag:$0x4] =	stream.indirect.gather [hbm4b:s2+s13], $0x80, s9, s13, $0xb8;
	[tilespmem:$0x1D000] =	vst v63  }
0x1b3: {  	_ =	swait.ge [sflag:s18], $0x2000  }
0x1b4: {  	[sflag:s18] =	ssyncset.done $0x0  }
0x1b5: {  	[sflag:s18] =	ssyncadd.s32 $0xFFFFE000  }
0x1b6: {  	_ =	swait.ge [sflag:s19], $0x2000  }
0x1b7: {  	s9 =	sld [smem:$0x7F7]  }
0x1b8: {  	[sflag:s19] =	ssyncset.done $0x0  }
0x1b9: {  	[sflag:s19] =	ssyncadd.s32 $0xFFFFE000  }
0x1ba: {  	[spmem:s3] =	stream.indirect.scatter.add.f32 [tilespmem:s14], [sflag:$0x5], $0x80, s9, s20, $0xb8;
	[tilespmem:$0x1D000] =	vst v63  }
0x1bb: {  	_ =	swait.ge [sflag:s21], $0x4000  }
0x1bc: {  	s7 =	sld [smem:$0x7F8]  }
0x1bd: {  	[sflag:s21] =	ssyncset.done $0x0  }
0x1be: {  	s9 =	sld [smem:$0x7F9];
	[sflag:s21] =	ssyncadd.s32 $0xFFFFC000  }
0x1bf: {  	[tilespmem:s14], [sflag:$0x1] =	stream.indirect.gather [hbm4b:s2+s13], $0x80, s7, s13, $0xb8;
	[tilespmem:$0x1D000] =	vst v63  }
0x1c0: {  	_ = 	snop  }
0x1c1: {  	[tilespmem:s15], [sflag:$0x2] =	stream.indirect.gather [hbm4b:s2+s13], $0x80, s9, s13, $0xb8;
	[tilespmem:$0x1D000] =	vst v63  }
0x1c2: {  	_ =	swait.ge [sflag:s22], $0x2000  }
0x1c3: {  	[sflag:s22] =	ssyncset.done $0x0  }
0x1c4: {  	[sflag:s22] =	ssyncadd.s32 $0xFFFFE000  }
0x1c5: {  	_ =	swait.ge [sflag:s23], $0x2000  }
0x1c6: {  	s9 =	sld [smem:$0x7FA]  }
0x1c7: {  	[sflag:s23] =	ssyncset.done $0x0  }
0x1c8: {  	[sflag:s23] =	ssyncadd.s32 $0xFFFFE000  }
0x1c9: {  	[spmem:s3] =	stream.indirect.scatter.add.f32 [tilespmem:s16], [sflag:$0x6], $0x80, s9, s20, $0xb8;
	[tilespmem:$0x1D000] =	vst v63  }
0x1ca: {  	_ =	swait.ge [sflag:s24], $0x4000  }
0x1cb: {  	s9 =	sld [smem:$0x7FB]  }
0x1cc: {  	[sflag:s24] =	ssyncset.done $0x0  }
0x1cd: {  	[sflag:s24] =	ssyncadd.s32 $0xFFFFC000  }
0x1ce: {  	[tilespmem:s16], [sflag:$0x3] =	stream.indirect.gather [hbm4b:s2+s13], $0x80, s9, s13, $0xb8;
	[tilespmem:$0x1D000] =	vst v63  }
0x1cf: {  	_ = 	snop  }
0x1d0: {  	[tilespmem:s17], [sflag:$0x4] =	stream.indirect.gather [hbm4b:s2+s13], $0x80, s25, s13, $0xb8;
	[tilespmem:$0x1D000] =	vst v63  }
0x1d1: {  	_ =	swait.ge [sflag:s18], $0x2000  }
0x1d2: {  	[sflag:s18] =	ssyncset.done $0x0  }
0x1d3: {  	[sflag:s18] =	ssyncadd.s32 $0xFFFFE000  }
0x1d4: {  	_ =	swait.ge [sflag:s19], $0x2000  }
0x1d5: {  	[sflag:s19] =	ssyncset.done $0x0  }
0x1d6: {  	[sflag:s19] =	ssyncadd.s32 $0xFFFFE000  }
0x1d7: {  	[spmem:s3] =	stream.indirect.scatter.add.f32 [tilespmem:s14], [sflag:$0x5], $0x80, s26, s20, $0xb8;
	[tilespmem:$0x1D000] =	vst v63  }
0x1d8: {  	_ =	swait.ge [sflag:s21], $0x4000  }
0x1d9: {  	[sflag:s21] =	ssyncset.done $0x0  }
0x1da: {  	[sflag:s21] =	ssyncadd.s32 $0xFFFFC000  }
0x1db: {  	[tilespmem:s14], [sflag:$0x1] =	stream.indirect.gather [hbm4b:s2+s13], $0x80, s28, s13, $0xb8;
	[tilespmem:$0x1D000] =	vst v63  }
0x1dc: {  	_ = 	snop  }
0x1dd: {  	[tilespmem:s15], [sflag:$0x2] =	stream.indirect.gather [hbm4b:s2+s13], $0x80, s29, s13, $0xb8;
	[tilespmem:$0x1D000] =	vst v63  }
0x1de: {  	_ =	swait.ge [sflag:s22], $0x2000  }
0x1df: {  	[sflag:s22] =	ssyncset.done $0x0  }
0x1e0: {  	[sflag:s22] =	ssyncadd.s32 $0xFFFFE000  }
0x1e1: {  	_ =	swait.ge [sflag:s23], $0x2000  }
0x1e2: {  	[sflag:s23] =	ssyncset.done $0x0  }
0x1e3: {  	[sflag:s23] =	ssyncadd.s32 $0xFFFFE000  }
0x1e4: {  	[spmem:s3] =	stream.indirect.scatter.add.f32 [tilespmem:s16], [sflag:$0x6], $0x80, s30, s20, $0xb8;
	[tilespmem:$0x1D000] =	vst v63  }
0x1e5: {  	_ =	swait.ge [sflag:s24], $0x4000  }
0x1e6: {  	[sflag:s24] =	ssyncset.done $0x0  }
0x1e7: {  	[sflag:s24] =	ssyncadd.s32 $0xFFFFC000  }
0x1e8: {  	[tilespmem:s16], [sflag:$0x3] =	stream.indirect.gather [hbm4b:s2+s13], $0x80, s31, s13, $0xb8;
	[tilespmem:$0x1D000] =	vst v63  }
0x1e9: {  	_ = 	snop  }
0x1ea: {  	[tilespmem:s17], [sflag:$0x4] =	stream.indirect.gather [hbm4b:s2+s13], $0x80, s1, s13, $0xb8;
	[tilespmem:$0x1D000] =	vst v63  }
0x1eb: {  	_ =	swait.ge [sflag:s18], $0x2000  }
0x1ec: {  	[sflag:s18] =	ssyncset.done $0x0  }
0x1ed: {  	[sflag:s18] =	ssyncadd.s32 $0xFFFFE000  }
0x1ee: {  	_ =	swait.ge [sflag:s19], $0x2000  }
0x1ef: {  	[sflag:s19] =	ssyncset.done $0x0  }
0x1f0: {  	[sflag:s19] =	ssyncadd.s32 $0xFFFFE000  }
0x1f1: {  	[spmem:s3] =	stream.indirect.scatter.add.f32 [tilespmem:s14], [sflag:$0x5], $0x80, s0, s20, $0xb8;
	[tilespmem:$0x1D000] =	vst v63  }
0x1f2: {  	_ =	swait.ge [sflag:s22], $0x2000  }
0x1f3: {  	[sflag:s22] =	ssyncset.done $0x0  }
0x1f4: {  	[sflag:s22] =	ssyncadd.s32 $0xFFFFE000  }
0x1f5: {  	_ =	swait.ge [sflag:s23], $0x2000  }
0x1f6: {  	[sflag:s23] =	ssyncset.done $0x0  }
0x1f7: {  	p0 =	sne.s32 s6, $0x900;
	[sflag:s23] =	ssyncadd.s32 $0xFFFFE000  }
0x1f8: {  	[spmem:s3] =	stream.indirect.scatter.add.f32 [tilespmem:s16], [sflag:$0x6], $0x80, s5, s20, $0xb8;
	[tilespmem:$0x1D000] =	vst v63  }
.Ltmp0:
0x1f9: {  	_ =	swait.ge [sflag:s21], $0x4000;
	(pc) =	sbr.rel @p0 .LBB2_2-.Ltmp0, $4  }
0x1fa: {  	[sflag:s21] =	ssyncset.done $0x0  }
0x1fb: {  	[sflag:s21] =	ssyncadd.s32 $0xFFFFC000  }
0x1fc: {  	_ =	swait.ge [sflag:s24], $0x4000  }
0x1fd: {  	s6 =	sadd.s32 $0x100, s6;
	s9 =	rddreg [dreg:$0x5];
	[sflag:s24] =	ssyncset.done $0x0  }
0x1fe: {  	[sflag:s24] =	ssyncadd.s32 $0xFFFFC000;
	s6 =	sadd.s32 s8, s9  }
0x1ff: {  	[tilespmem:s11], [sflag:$0x7] =	stream.linear.gather [hbm4b:s6+s4], $0x800, $0x38;
	[tilespmem:$0x1D000] =	vst v63  }
0x200: {  	_ =	swait.ge [sflag:s10], $0x800  }
0x201: {  	s7 =	rddreg [dreg:$0x4];
	[sflag:s10] =	ssyncset.done $0x0  }
0x202: {  	[sflag:s10] =	ssyncadd.s32 $0xFFFFF800;
	s6 =	sadd.s32 s8, s7  }
0x203: {  	[tilespmem:s12], [sflag:$0x7] =	stream.linear.gather [hbm4b:s6+s4], $0x800, $0x38;
	[tilespmem:$0x1D000] =	vst v63  }
0x204: {  	_ =	swait.ge [sflag:s10], $0x800  }
0x205: {  	[sflag:s10] =	ssyncset.done $0x0  }
0x206: {  	[sflag:s10] =	ssyncadd.s32 $0xFFFFF800  }
0x207: {  	[tilespmem:s14], [sflag:$0x1] =	stream.indirect.gather [hbm4b:s2+s13], $0x80, s11, s13, $0xb8;
	[tilespmem:$0x1D000] =	vst v63  }
0x208: {  	s8 =	rddreg [dreg:$0x6]  }
0x209: {  	[tilespmem:s15], [sflag:$0x2] =	stream.indirect.gather [hbm4b:s2+s13], $0x80, s8, s13, $0xb8;
	[tilespmem:$0x1D000] =	vst v63  }
0x20a: {  	s7 =	rddreg [dreg:$0x7]  }
0x20b: {  	[tilespmem:s16], [sflag:$0x3] =	stream.indirect.gather [hbm4b:s2+s13], $0x80, s7, s13, $0xb8;
	[tilespmem:$0x1D000] =	vst v63  }
0x20c: {  	s9 =	rddreg [dreg:$0x8]  }
0x20d: {  	[tilespmem:s17], [sflag:$0x4] =	stream.indirect.gather [hbm4b:s2+s13], $0x80, s9, s13, $0xb8;
	[tilespmem:$0x1D000] =	vst v63  }
0x20e: {  	_ =	swait.ge [sflag:s18], $0x2000  }
0x20f: {  	[sflag:s18] =	ssyncset.done $0x0  }
0x210: {  	[sflag:s18] =	ssyncadd.s32 $0xFFFFE000  }
0x211: {  	_ =	swait.ge [sflag:s19], $0x2000  }
0x212: {  	[sflag:s19] =	ssyncset.done $0x0  }
0x213: {  	[sflag:s19] =	ssyncadd.s32 $0xFFFFE000  }
0x214: {  	[spmem:s3] =	stream.indirect.scatter.add.f32 [tilespmem:s14], [sflag:$0x5], $0x80, s12, s20, $0xb8;
	[tilespmem:$0x1D000] =	vst v63  }
0x215: {  	_ =	swait.ge [sflag:s21], $0x4000  }
0x216: {  	[sflag:s21] =	ssyncset.done $0x0  }
0x217: {  	s8 =	rddreg [dreg:$0x9];
	[sflag:s21] =	ssyncadd.s32 $0xFFFFC000  }
0x218: {  	[tilespmem:s14], [sflag:$0x1] =	stream.indirect.gather [hbm4b:s2+s13], $0x80, s8, s13, $0xb8;
	[tilespmem:$0x1D000] =	vst v63  }
0x219: {  	s9 =	rddreg [dreg:$0xa]  }
0x21a: {  	[tilespmem:s15], [sflag:$0x2] =	stream.indirect.gather [hbm4b:s2+s13], $0x80, s9, s13, $0xb8;
	[tilespmem:$0x1D000] =	vst v63  }
0x21b: {  	_ =	swait.ge [sflag:s22], $0x2000  }
0x21c: {  	[sflag:s22] =	ssyncset.done $0x0  }
0x21d: {  	[sflag:s22] =	ssyncadd.s32 $0xFFFFE000  }
0x21e: {  	_ =	swait.ge [sflag:s23], $0x2000  }
0x21f: {  	[sflag:s23] =	ssyncset.done $0x0  }
0x220: {  	s7 =	rddreg [dreg:$0xb];
	[sflag:s23] =	ssyncadd.s32 $0xFFFFE000  }
0x221: {  	[spmem:s3] =	stream.indirect.scatter.add.f32 [tilespmem:s16], [sflag:$0x6], $0x80, s7, s20, $0xb8;
	[tilespmem:$0x1D000] =	vst v63  }
0x222: {  	_ =	swait.ge [sflag:s24], $0x4000  }
0x223: {  	[sflag:s24] =	ssyncset.done $0x0  }
0x224: {  	s8 =	rddreg [dreg:$0xc];
	[sflag:s24] =	ssyncadd.s32 $0xFFFFC000  }
0x225: {  	[tilespmem:s16], [sflag:$0x3] =	stream.indirect.gather [hbm4b:s2+s13], $0x80, s8, s13, $0xb8;
	[tilespmem:$0x1D000] =	vst v63  }
0x226: {  	s9 =	rddreg [dreg:$0xd]  }
0x227: {  	[tilespmem:s17], [sflag:$0x4] =	stream.indirect.gather [hbm4b:s2+s13], $0x80, s9, s13, $0xb8;
	[tilespmem:$0x1D000] =	vst v63  }
0x228: {  	_ =	swait.ge [sflag:s18], $0x2000  }
0x229: {  	[sflag:s18] =	ssyncset.done $0x0  }
0x22a: {  	[sflag:s18] =	ssyncadd.s32 $0xFFFFE000  }
0x22b: {  	_ =	swait.ge [sflag:s19], $0x2000  }
0x22c: {  	[sflag:s19] =	ssyncset.done $0x0  }
0x22d: {  	s7 =	rddreg [dreg:$0xe];
	[sflag:s19] =	ssyncadd.s32 $0xFFFFE000  }
0x22e: {  	[spmem:s3] =	stream.indirect.scatter.add.f32 [tilespmem:s14], [sflag:$0x5], $0x80, s7, s20, $0xb8;
	[tilespmem:$0x1D000] =	vst v63  }
0x22f: {  	_ =	swait.ge [sflag:s21], $0x4000  }
0x230: {  	[sflag:s21] =	ssyncset.done $0x0  }
0x231: {  	s8 =	rddreg [dreg:$0xf];
	[sflag:s21] =	ssyncadd.s32 $0xFFFFC000  }
0x232: {  	[tilespmem:s14], [sflag:$0x1] =	stream.indirect.gather [hbm4b:s2+s13], $0x80, s8, s13, $0xb8;
	[tilespmem:$0x1D000] =	vst v63  }
0x233: {  	s9 =	rddreg [dreg:$0x10]  }
0x234: {  	[tilespmem:s15], [sflag:$0x2] =	stream.indirect.gather [hbm4b:s2+s13], $0x80, s9, s13, $0xb8;
	[tilespmem:$0x1D000] =	vst v63  }
0x235: {  	_ =	swait.ge [sflag:s22], $0x2000  }
0x236: {  	[sflag:s22] =	ssyncset.done $0x0  }
0x237: {  	[sflag:s22] =	ssyncadd.s32 $0xFFFFE000  }
0x238: {  	_ =	swait.ge [sflag:s23], $0x2000  }
0x239: {  	[sflag:s23] =	ssyncset.done $0x0  }
0x23a: {  	s7 =	rddreg [dreg:$0x11];
	[sflag:s23] =	ssyncadd.s32 $0xFFFFE000  }
0x23b: {  	[spmem:s3] =	stream.indirect.scatter.add.f32 [tilespmem:s16], [sflag:$0x6], $0x80, s7, s20, $0xb8;
	[tilespmem:$0x1D000] =	vst v63  }
0x23c: {  	_ =	swait.ge [sflag:s24], $0x4000  }
0x23d: {  	[sflag:s24] =	ssyncset.done $0x0  }
0x23e: {  	s8 =	rddreg [dreg:$0x12];
	[sflag:s24] =	ssyncadd.s32 $0xFFFFC000  }
0x23f: {  	[tilespmem:s16], [sflag:$0x3] =	stream.indirect.gather [hbm4b:s2+s13], $0x80, s8, s13, $0xb8;
	[tilespmem:$0x1D000] =	vst v63  }
0x240: {  	s9 =	rddreg [dreg:$0x13]  }
0x241: {  	[tilespmem:s17], [sflag:$0x4] =	stream.indirect.gather [hbm4b:s2+s13], $0x80, s9, s13, $0xb8;
	[tilespmem:$0x1D000] =	vst v63  }
0x242: {  	_ =	swait.ge [sflag:s18], $0x2000  }
0x243: {  	[sflag:s18] =	ssyncset.done $0x0  }
0x244: {  	[sflag:s18] =	ssyncadd.s32 $0xFFFFE000  }
0x245: {  	_ =	swait.ge [sflag:s19], $0x2000  }
0x246: {  	[sflag:s19] =	ssyncset.done $0x0  }
0x247: {  	s7 =	rddreg [dreg:$0x14];
	[sflag:s19] =	ssyncadd.s32 $0xFFFFE000  }
0x248: {  	[spmem:s3] =	stream.indirect.scatter.add.f32 [tilespmem:s14], [sflag:$0x5], $0x80, s7, s20, $0xb8;
	[tilespmem:$0x1D000] =	vst v63  }
0x249: {  	_ =	swait.ge [sflag:s21], $0x4000  }
0x24a: {  	[sflag:s21] =	ssyncset.done $0x0  }
0x24b: {  	s8 =	rddreg [dreg:$0x15];
	[sflag:s21] =	ssyncadd.s32 $0xFFFFC000  }
0x24c: {  	[tilespmem:s14], [sflag:$0x1] =	stream.indirect.gather [hbm4b:s2+s13], $0x80, s8, s13, $0xb8;
	[tilespmem:$0x1D000] =	vst v63  }
0x24d: {  	s9 =	rddreg [dreg:$0x16]  }
0x24e: {  	[tilespmem:s15], [sflag:$0x2] =	stream.indirect.gather [hbm4b:s2+s13], $0x80, s9, s13, $0xb8;
	[tilespmem:$0x1D000] =	vst v63  }
0x24f: {  	_ =	swait.ge [sflag:s22], $0x2000  }
0x250: {  	[sflag:s22] =	ssyncset.done $0x0  }
0x251: {  	[sflag:s22] =	ssyncadd.s32 $0xFFFFE000  }
0x252: {  	_ =	swait.ge [sflag:s23], $0x2000  }
0x253: {  	[sflag:s23] =	ssyncset.done $0x0  }
0x254: {  	s7 =	rddreg [dreg:$0x17];
	[sflag:s23] =	ssyncadd.s32 $0xFFFFE000  }
0x255: {  	[spmem:s3] =	stream.indirect.scatter.add.f32 [tilespmem:s16], [sflag:$0x6], $0x80, s7, s20, $0xb8;
	[tilespmem:$0x1D000] =	vst v63  }
0x256: {  	_ =	swait.ge [sflag:s24], $0x4000  }
0x257: {  	[sflag:s24] =	ssyncset.done $0x0  }
0x258: {  	s8 =	rddreg [dreg:$0x18];
	[sflag:s24] =	ssyncadd.s32 $0xFFFFC000  }
0x259: {  	[tilespmem:s16], [sflag:$0x3] =	stream.indirect.gather [hbm4b:s2+s13], $0x80, s8, s13, $0xb8;
	[tilespmem:$0x1D000] =	vst v63  }
0x25a: {  	s9 =	rddreg [dreg:$0x19]  }
0x25b: {  	[tilespmem:s17], [sflag:$0x4] =	stream.indirect.gather [hbm4b:s2+s13], $0x80, s9, s13, $0xb8;
	[tilespmem:$0x1D000] =	vst v63  }
0x25c: {  	_ =	swait.ge [sflag:s18], $0x2000  }
0x25d: {  	[sflag:s18] =	ssyncset.done $0x0  }
0x25e: {  	[sflag:s18] =	ssyncadd.s32 $0xFFFFE000  }
0x25f: {  	_ =	swait.ge [sflag:s19], $0x2000  }
0x260: {  	[sflag:s19] =	ssyncset.done $0x0  }
0x261: {  	s7 =	rddreg [dreg:$0x1a];
	[sflag:s19] =	ssyncadd.s32 $0xFFFFE000  }
0x262: {  	[spmem:s3] =	stream.indirect.scatter.add.f32 [tilespmem:s14], [sflag:$0x5], $0x80, s7, s20, $0xb8;
	[tilespmem:$0x1D000] =	vst v63  }
0x263: {  	_ =	swait.ge [sflag:s21], $0x4000  }
0x264: {  	[sflag:s21] =	ssyncset.done $0x0  }
0x265: {  	s8 =	rddreg [dreg:$0x1b];
	[sflag:s21] =	ssyncadd.s32 $0xFFFFC000  }
0x266: {  	[tilespmem:s14], [sflag:$0x1] =	stream.indirect.gather [hbm4b:s2+s13], $0x80, s8, s13, $0xb8;
	[tilespmem:$0x1D000] =	vst v63  }
0x267: {  	s9 =	rddreg [dreg:$0x1c]  }
0x268: {  	[tilespmem:s15], [sflag:$0x2] =	stream.indirect.gather [hbm4b:s2+s13], $0x80, s9, s13, $0xb8;
	[tilespmem:$0x1D000] =	vst v63  }
0x269: {  	_ =	swait.ge [sflag:s22], $0x2000  }
0x26a: {  	[sflag:s22] =	ssyncset.done $0x0  }
0x26b: {  	[sflag:s22] =	ssyncadd.s32 $0xFFFFE000  }
0x26c: {  	_ =	swait.ge [sflag:s23], $0x2000  }
0x26d: {  	[sflag:s23] =	ssyncset.done $0x0  }
0x26e: {  	s7 =	rddreg [dreg:$0x1d];
	[sflag:s23] =	ssyncadd.s32 $0xFFFFE000  }
0x26f: {  	[spmem:s3] =	stream.indirect.scatter.add.f32 [tilespmem:s16], [sflag:$0x6], $0x80, s7, s20, $0xb8;
	[tilespmem:$0x1D000] =	vst v63  }
0x270: {  	_ =	swait.ge [sflag:s24], $0x4000  }
0x271: {  	[sflag:s24] =	ssyncset.done $0x0  }
0x272: {  	s8 =	rddreg [dreg:$0x1e];
	[sflag:s24] =	ssyncadd.s32 $0xFFFFC000  }
0x273: {  	[tilespmem:s16], [sflag:$0x3] =	stream.indirect.gather [hbm4b:s2+s13], $0x80, s8, s13, $0xb8;
	[tilespmem:$0x1D000] =	vst v63  }
0x274: {  	s9 =	rddreg [dreg:$0x1f]  }
0x275: {  	[tilespmem:s17], [sflag:$0x4] =	stream.indirect.gather [hbm4b:s2+s13], $0x80, s9, s13, $0xb8;
	[tilespmem:$0x1D000] =	vst v63  }
0x276: {  	_ =	swait.ge [sflag:s18], $0x2000  }
0x277: {  	[sflag:s18] =	ssyncset.done $0x0  }
0x278: {  	[sflag:s18] =	ssyncadd.s32 $0xFFFFE000  }
0x279: {  	_ =	swait.ge [sflag:s19], $0x2000  }
0x27a: {  	s7 =	sld [smem:$0x7F1]  }
0x27b: {  	[sflag:s19] =	ssyncset.done $0x0  }
0x27c: {  	[sflag:s19] =	ssyncadd.s32 $0xFFFFE000  }
0x27d: {  	[spmem:s3] =	stream.indirect.scatter.add.f32 [tilespmem:s14], [sflag:$0x5], $0x80, s7, s20, $0xb8;
	[tilespmem:$0x1D000] =	vst v63  }
0x27e: {  	_ =	swait.ge [sflag:s21], $0x4000  }
0x27f: {  	s8 =	sld [smem:$0x7F2]  }
0x280: {  	[sflag:s21] =	ssyncset.done $0x0  }
0x281: {  	s9 =	sld [smem:$0x7F3];
	[sflag:s21] =	ssyncadd.s32 $0xFFFFC000  }
0x282: {  	[tilespmem:s14], [sflag:$0x1] =	stream.indirect.gather [hbm4b:s2+s13], $0x80, s8, s13, $0xb8;
	[tilespmem:$0x1D000] =	vst v63  }
0x283: {  	_ = 	snop  }
0x284: {  	[tilespmem:s15], [sflag:$0x2] =	stream.indirect.gather [hbm4b:s2+s13], $0x80, s9, s13, $0xb8;
	[tilespmem:$0x1D000] =	vst v63  }
0x285: {  	_ =	swait.ge [sflag:s22], $0x2000  }
0x286: {  	[sflag:s22] =	ssyncset.done $0x0  }
0x287: {  	[sflag:s22] =	ssyncadd.s32 $0xFFFFE000  }
0x288: {  	_ =	swait.ge [sflag:s23], $0x2000  }
0x289: {  	s7 =	sld [smem:$0x7F4]  }
0x28a: {  	[sflag:s23] =	ssyncset.done $0x0  }
0x28b: {  	[sflag:s23] =	ssyncadd.s32 $0xFFFFE000  }
0x28c: {  	[spmem:s3] =	stream.indirect.scatter.add.f32 [tilespmem:s16], [sflag:$0x6], $0x80, s7, s20, $0xb8;
	[tilespmem:$0x1D000] =	vst v63  }
0x28d: {  	_ =	swait.ge [sflag:s24], $0x4000  }
0x28e: {  	s8 =	sld [smem:$0x7F5]  }
0x28f: {  	[sflag:s24] =	ssyncset.done $0x0  }
0x290: {  	s9 =	sld [smem:$0x7F6];
	[sflag:s24] =	ssyncadd.s32 $0xFFFFC000  }
0x291: {  	[tilespmem:s16], [sflag:$0x3] =	stream.indirect.gather [hbm4b:s2+s13], $0x80, s8, s13, $0xb8;
	[tilespmem:$0x1D000] =	vst v63  }
0x292: {  	_ = 	snop  }
0x293: {  	[tilespmem:s17], [sflag:$0x4] =	stream.indirect.gather [hbm4b:s2+s13], $0x80, s9, s13, $0xb8;
	[tilespmem:$0x1D000] =	vst v63  }
0x294: {  	_ =	swait.ge [sflag:s18], $0x2000  }
0x295: {  	[sflag:s18] =	ssyncset.done $0x0  }
0x296: {  	[sflag:s18] =	ssyncadd.s32 $0xFFFFE000  }
0x297: {  	_ =	swait.ge [sflag:s19], $0x2000  }
0x298: {  	s7 =	sld [smem:$0x7F7]  }
0x299: {  	[sflag:s19] =	ssyncset.done $0x0  }
0x29a: {  	[sflag:s19] =	ssyncadd.s32 $0xFFFFE000  }
0x29b: {  	[spmem:s3] =	stream.indirect.scatter.add.f32 [tilespmem:s14], [sflag:$0x5], $0x80, s7, s20, $0xb8;
	[tilespmem:$0x1D000] =	vst v63  }
0x29c: {  	_ =	swait.ge [sflag:s21], $0x4000  }
0x29d: {  	s8 =	sld [smem:$0x7F8]  }
0x29e: {  	[sflag:s21] =	ssyncset.done $0x0  }
0x29f: {  	s9 =	sld [smem:$0x7F9];
	[sflag:s21] =	ssyncadd.s32 $0xFFFFC000  }
0x2a0: {  	[tilespmem:s14], [sflag:$0x1] =	stream.indirect.gather [hbm4b:s2+s13], $0x80, s8, s13, $0xb8;
	[tilespmem:$0x1D000] =	vst v63  }
0x2a1: {  	_ = 	snop  }
0x2a2: {  	[tilespmem:s15], [sflag:$0x2] =	stream.indirect.gather [hbm4b:s2+s13], $0x80, s9, s13, $0xb8;
	[tilespmem:$0x1D000] =	vst v63  }
0x2a3: {  	_ =	swait.ge [sflag:s22], $0x2000  }
0x2a4: {  	[sflag:s22] =	ssyncset.done $0x0  }
0x2a5: {  	[sflag:s22] =	ssyncadd.s32 $0xFFFFE000  }
0x2a6: {  	_ =	swait.ge [sflag:s23], $0x2000  }
0x2a7: {  	s7 =	sld [smem:$0x7FA]  }
0x2a8: {  	[sflag:s23] =	ssyncset.done $0x0  }
0x2a9: {  	[sflag:s23] =	ssyncadd.s32 $0xFFFFE000  }
0x2aa: {  	[spmem:s3] =	stream.indirect.scatter.add.f32 [tilespmem:s16], [sflag:$0x6], $0x80, s7, s20, $0xb8;
	[tilespmem:$0x1D000] =	vst v63  }
0x2ab: {  	_ =	swait.ge [sflag:s24], $0x4000  }
0x2ac: {  	s8 =	sld [smem:$0x7FB]  }
0x2ad: {  	[sflag:s24] =	ssyncset.done $0x0  }
0x2ae: {  	[sflag:s24] =	ssyncadd.s32 $0xFFFFC000  }
0x2af: {  	[tilespmem:s16], [sflag:$0x3] =	stream.indirect.gather [hbm4b:s2+s13], $0x80, s8, s13, $0xb8;
	[tilespmem:$0x1D000] =	vst v63  }
0x2b0: {  	_ = 	snop  }
0x2b1: {  	[tilespmem:s17], [sflag:$0x4] =	stream.indirect.gather [hbm4b:s2+s13], $0x80, s25, s13, $0xb8;
	[tilespmem:$0x1D000] =	vst v63  }
0x2b2: {  	_ =	swait.ge [sflag:s18], $0x2000  }
0x2b3: {  	[sflag:s18] =	ssyncset.done $0x0  }
0x2b4: {  	[sflag:s18] =	ssyncadd.s32 $0xFFFFE000  }
0x2b5: {  	_ =	swait.ge [sflag:s19], $0x2000  }
0x2b6: {  	[sflag:s19] =	ssyncset.done $0x0  }
0x2b7: {  	[sflag:s19] =	ssyncadd.s32 $0xFFFFE000  }
0x2b8: {  	[spmem:s3] =	stream.indirect.scatter.add.f32 [tilespmem:s14], [sflag:$0x5], $0x80, s26, s20, $0xb8;
	[tilespmem:$0x1D000] =	vst v63  }
0x2b9: {  	_ =	swait.ge [sflag:s21], $0x4000  }
0x2ba: {  	[sflag:s21] =	ssyncset.done $0x0  }
0x2bb: {  	[sflag:s21] =	ssyncadd.s32 $0xFFFFC000  }
0x2bc: {  	[tilespmem:s14], [sflag:$0x1] =	stream.indirect.gather [hbm4b:s2+s13], $0x80, s28, s13, $0xb8;
	[tilespmem:$0x1D000] =	vst v63  }
0x2bd: {  	_ = 	snop  }
0x2be: {  	[tilespmem:s15], [sflag:$0x2] =	stream.indirect.gather [hbm4b:s2+s13], $0x80, s29, s13, $0xb8;
	[tilespmem:$0x1D000] =	vst v63  }
0x2bf: {  	_ =	swait.ge [sflag:s22], $0x2000  }
0x2c0: {  	[sflag:s22] =	ssyncset.done $0x0  }
0x2c1: {  	[sflag:s22] =	ssyncadd.s32 $0xFFFFE000  }
0x2c2: {  	_ =	swait.ge [sflag:s23], $0x2000  }
0x2c3: {  	[sflag:s23] =	ssyncset.done $0x0  }
0x2c4: {  	[sflag:s23] =	ssyncadd.s32 $0xFFFFE000  }
0x2c5: {  	[spmem:s3] =	stream.indirect.scatter.add.f32 [tilespmem:s16], [sflag:$0x6], $0x80, s30, s20, $0xb8;
	[tilespmem:$0x1D000] =	vst v63  }
0x2c6: {  	_ =	swait.ge [sflag:s24], $0x4000  }
0x2c7: {  	[sflag:s24] =	ssyncset.done $0x0  }
0x2c8: {  	[sflag:s24] =	ssyncadd.s32 $0xFFFFC000  }
0x2c9: {  	[tilespmem:s16], [sflag:$0x3] =	stream.indirect.gather [hbm4b:s2+s13], $0x80, s31, s13, $0xb8;
	[tilespmem:$0x1D000] =	vst v63  }
0x2ca: {  	_ = 	snop  }
0x2cb: {  	[tilespmem:s17], [sflag:$0x4] =	stream.indirect.gather [hbm4b:s2+s13], $0x80, s1, s13, $0xb8;
	[tilespmem:$0x1D000] =	vst v63  }
0x2cc: {  	_ =	swait.ge [sflag:s18], $0x2000  }
0x2cd: {  	[sflag:s18] =	ssyncset.done $0x0  }
0x2ce: {  	[sflag:s18] =	ssyncadd.s32 $0xFFFFE000  }
0x2cf: {  	_ =	swait.ge [sflag:s19], $0x2000  }
0x2d0: {  	[sflag:s19] =	ssyncset.done $0x0  }
0x2d1: {  	[sflag:s19] =	ssyncadd.s32 $0xFFFFE000  }
0x2d2: {  	[spmem:s3] =	stream.indirect.scatter.add.f32 [tilespmem:s14], [sflag:$0x5], $0x80, s0, s20, $0xb8;
	[tilespmem:$0x1D000] =	vst v63  }
0x2d3: {  	_ =	swait.ge [sflag:s22], $0x2000  }
0x2d4: {  	[sflag:s22] =	ssyncset.done $0x0  }
0x2d5: {  	[sflag:s22] =	ssyncadd.s32 $0xFFFFE000  }
0x2d6: {  	_ =	swait.ge [sflag:s23], $0x2000  }
0x2d7: {  	[sflag:s23] =	ssyncset.done $0x0  }
0x2d8: {  	[sflag:s23] =	ssyncadd.s32 $0xFFFFE000  }
0x2d9: {  	[spmem:s3] =	stream.indirect.scatter.add.f32 [tilespmem:s16], [sflag:$0x6], $0x80, s5, s20, $0xb8;
	[tilespmem:$0x1D000] =	vst v63  }
0x2da: {  	_ =	swait.ge [sflag:s21], $0x4000  }
0x2db: {  	[sflag:s21] =	ssyncset.done $0x0  }
0x2dc: {  	[sflag:s21] =	ssyncadd.s32 $0xFFFFC000  }
0x2dd: {  	_ =	swait.ge [sflag:s24], $0x4000  }
0x2de: {  	[sflag:s24] =	ssyncset.done $0x0  }
0x2df: {  	[sflag:s24] =	ssyncadd.s32 $0xFFFFC000  }
0x2e0: {  	[bflag:$0x0] =	sbarrier.arrive $0xFFFF  }
0x2e1: {  	s7 =	sld [smem:$0x7FC]  }
0x2e2: {  	s9 =	sld [smem:$0x7EF]  }
0x2e3: {  	s8 =	sld [smem:$0x7FD];
	_ =	sdelay $0x2  }
0x2e4: {  	[hbm:s9], [sflag:s7] =	dma.local [spmem:s8], $0x2800  }
0x2e5: {  	_ =	swait.ge [sflag:s10], $0x2800  }
0x2e6: {  	s6 =	sld [smem:$0x7ED];
	_ =	sdelay $0x2  }
0x2e7: {  	s9 =	sadd.s32 $0x1, s6;
	s6 =	sld [smem:$0x7F0];
	_ =	sdelay $0x2  }
0x2e8: {  	p0 =	sne.s32 s9, s6  }
.Ltmp1:
0x2e9: {  	_ = 	snop;
	(pc) =	sbr.rel @p0 .LBB2_1-.Ltmp1, $3  }
0x2ea: {  	_ =	sdelay $0x1  }
0x2eb: {  	[sflag:s10] =	ssyncset.done $0x0  }
0x2ec: {  	[sflag:s10] =	ssyncadd.s32 $0xFFFFD800  }
0x2ed: {  	_ =	sfence.sel $0x180000  }
0x2ee: {  	[bflag:$0x0] =	sbarrier.arrive $0xFFFF  }
0x2ef: {  	_ =	strace $0x9000004D  }
0x2f0: {  	s0 =	stileid.u32;
	[bflag:$0x2] =	sbarrier.arrive $0xFFFF  }
0x2f1: {  	p0 =	sne.s32 s0, $0x0;
	s0 =	rddreg [dreg:$0x3]  }
0x2f2: {  	s0 =	sadd.s32 @!p0 $0x100000, s0  }
0x2f3: {  	[sflag:s0] =	ssyncadd.tile.s32 @!p0 $0x1;
	_ =	shalt  }
.Lfunc_end2:
_tile_overlayer_lowered:
.L_overlay_start_2:
0x2f4: {  	(tag) =	ssettag $0x2  }
0x2f5: {  	s0 =	rddreg [dreg:$0x0];
	s2 =	stileid.u32  }
0x2f6: {  	s1 =	rddreg [dreg:$0x1];
	p0 =	sne.s32 s2, $0x0  }
0x2f7: {  	s3 =	rddreg [dreg:$0x2];
	[bflag:$0x3] =	sbarrier.arrive $0xFFFF;
	s2 =	simm.s32 @!p0 $0x1C07  }
0x2f8: {  	[timem:s3], [sflag:s2] =	dma.local @!p0 [hbm:s0], s1  }
0x2f9: {  	s0 =	simm.s32 @!p0 $0x7  }
0x2fa: {  	_ =	swait.ge @!p0 [sflag:s0], s1  }
0x2fb: {  	s1 =	ssub.s32 @!p0 $0x0, s1;
	[sflag:s0] =	ssyncset.done @!p0 $0x0  }
0x2fc: {  	[sflag:s0] =	ssyncadd.s32 @!p0 s1  }
0x2fd: {  	[bflag:$0x3] =	sbarrier.arrive $0xFFFF  }
0x2fe: {  	_ =	shalt  }

</sc_bundles>
